<compile_context>
chip_gen: v7x
topology: tpu7x:2x2x1
jax: 0.10.2.dev20260603
libtpu: 0.0.44.dev20260713+nightly
codegen_flags: <defaults>
</compile_context>

<pallas_src>
import functools

import jax
import jax.numpy as jnp
from jax import lax
from jax.experimental import pallas as pl
from jax.experimental.pallas import tpu as pltpu
from jax.experimental.pallas import tpu_sc as plsc

N_NODES = 100000
BATCH = 10000
DEG = 32
D = 128
G = 4
IDX_PER_G = G * DEG
NGROUPS = BATCH // G
NBUF = 4


@functools.lru_cache(maxsize=1)
def _build():
    info = plsc.get_sparse_core_info()
    NC, NS, L = info.num_cores, info.num_subcores, info.num_lanes
    NW = NC * NS
    NV = D // L
    KLO = NGROUPS // NW
    NHI = NGROUPS - KLO * NW
    K = KLO + 1
    K_PAD = -(-K // NBUF) * NBUF

    mesh = plsc.VectorSubcoreMesh(core_axis_name="c", subcore_axis_name="s")

    scratch = [pltpu.VMEM((K * IDX_PER_G,), jnp.int32)]
    for _ in range(NBUF):
        scratch += [
            pltpu.VMEM((IDX_PER_G, D), jnp.float32),
            pltpu.VMEM((G, D), jnp.float32),
            pltpu.SemaphoreType.DMA,
            pltpu.SemaphoreType.DMA,
        ]
    scratch.append(pltpu.VMEM((D,), jnp.float32))

    @functools.partial(
        pl.kernel,
        mesh=mesh,
        out_type=jax.ShapeDtypeStruct((BATCH, D), jnp.float32),
        scratch_types=scratch,
        compiler_params=pltpu.CompilerParams(needs_layout_passes=False),
    )
    def agg(table_hbm, neigh_hbm, out_hbm, idx_all, *refs):
        bufs = [refs[4 * b:4 * b + 4] for b in range(NBUF)]
        row0_v = refs[4 * NBUF]
        wid = lax.axis_index("s") * NC + lax.axis_index("c")
        kw = jnp.where(wid < NHI, KLO + 1, KLO)
        g0 = wid * KLO + jnp.minimum(wid, NHI)
        gs = jnp.minimum(g0, NGROUPS - K)
        ofs = (g0 - gs) * IDX_PER_G

        pltpu.sync_copy(table_hbm.at[0], row0_v)
        pltpu.sync_copy(
            neigh_hbm.at[pl.ds(gs * IDX_PER_G, K * IDX_PER_G)], idx_all)

        def start_fetch(j, rows_v, sem):
            @pl.when(j < kw)
            def _():
                pltpu.async_copy(
                    table_hbm.at[
                        idx_all.at[pl.ds(ofs + j * IDX_PER_G, IDX_PER_G)]],
                    rows_v, sem)

        for b in range(NBUF):
            start_fetch(b, bufs[b][0], bufs[b][2])

        def step(i, carry):
            for b in range(NBUF):
                rows_v, out_v, sem, sem_o = bufs[b]
                j = i * NBUF + b

                @pl.when(j < kw)
                def _(rows_v=rows_v, out_v=out_v, sem=sem, sem_o=sem_o, j=j):
                    pltpu.make_async_copy(
                        table_hbm.at[idx_all.at[pl.ds(ofs + j * IDX_PER_G,
                                                      IDX_PER_G)]],
                        rows_v, sem).wait()

                    @pl.when(j >= NBUF)
                    def _():
                        pltpu.make_async_copy(
                            out_v, out_hbm.at[pl.ds(0, G)], sem_o).wait()

                    for r in range(G):
                        i0 = idx_all[pl.ds(ofs + j * IDX_PER_G + r * DEG, L)]
                        i1 = idx_all[pl.ds(ofs + j * IDX_PER_G + r * DEG + L,
                                           L)]
                        nz_s = jnp.sum(jnp.where(i0 == 0, 1.0, 0.0)
                                       + jnp.where(i1 == 0, 1.0, 0.0))
                        nzf = jnp.full((L,), nz_s, dtype=jnp.float32)

                        def body(n, acc):
                            row = r * DEG + n
                            return tuple(
                                acc[v] + rows_v[row, pl.ds(v * L, L)]
                                for v in range(NV))

                        acc = lax.fori_loop(
                            0, DEG, body,
                            tuple(jnp.zeros((L,), jnp.float32)
                                  for _ in range(NV)))
                        cnt = jnp.float32(DEG) - nzf
                        cnt = jnp.where(cnt == 0.0, 1.0, cnt)
                        scale = 1.0 / cnt
                        for v in range(NV):
                            out_v[r, pl.ds(v * L, L)] = (
                                acc[v] - nzf * row0_v[pl.ds(v * L, L)]) * scale

                    pltpu.async_copy(
                        out_v, out_hbm.at[pl.ds((g0 + j) * G, G)], sem_o)
                    start_fetch(j + NBUF, rows_v, sem)

            return carry

        lax.fori_loop(0, K_PAD // NBUF, step, 0)

        for b in range(NBUF):
            pltpu.make_async_copy(
                bufs[b][1], out_hbm.at[pl.ds(0, G)], bufs[b][3]).wait()

    return agg


def kernel(feature_table, nodes, neigh_index, feature_dim):
    del nodes, feature_dim
    neigh_flat = neigh_index.reshape(-1).astype(jnp.int32)
    return _build()(feature_table, neigh_flat)

# --- scband reference (transcript-rebuilt; emitter-appended) ---
"""Pipeline reference for scband-mean-aggregator-89275190215130 (READ-ONLY COPY).

The authoritative reference and input builder live on the scoring server;
editing this copy changes nothing except your own understanding.
"""

import jax, jax.numpy as jnp
import numpy as np

N_NODES = 100000
BATCH = 10000
DEG = 32
D_FEAT = 128

def setup_inputs(seed: int = 0) -> dict:
    key = jax.random.key(seed)
    k1, k2, k3 = jax.random.split(key, 3)
    feature_table = jax.random.normal(k1, (N_NODES, D_FEAT), dtype=jnp.float32)
    nodes = jax.random.randint(k2, (BATCH,), 0, N_NODES, dtype=jnp.int64 if jax.config.jax_enable_x64 else jnp.int32)
    neigh_index = jax.random.randint(k3, (BATCH, DEG), 0, N_NODES, dtype=jnp.int64 if jax.config.jax_enable_x64 else jnp.int32)
    return {"feature_table": feature_table, "nodes": nodes, "neigh_index": neigh_index, "feature_dim": D_FEAT}

def reference(feature_table, nodes, neigh_index, feature_dim):
    # MeanAggregator (gcn=False): mean of sampled neighbors' embeddings.
    # Faithful to the original quirk: node id 0 is deleted from the unique-node
    # columns BEFORE the row-normalization, so neighbors with id 0 contribute to
    # neither the numerator nor the denominator.
    valid = (neigh_index != 0).astype(jnp.float32)            # [B, deg]
    feats = jnp.take(feature_table, neigh_index, axis=0)       # gather [B, deg, d]
    num = jnp.sum(feats * valid[..., None], axis=1)            # [B, d]
    cnt = jnp.sum(valid, axis=1, keepdims=True)                # [B, 1]
    cnt = jnp.where(cnt == 0, 1.0, cnt)                        # num_neigh[num_neigh==0]=1
    to_feats = num / cnt
    return to_feats

if __name__ == "__main__":
    import jax
    _d = setup_inputs()
    print(jax.jit(kernel)(*tuple(_d.values())))

</pallas_src>

<mosaic_0001>
#map = affine_map<(d0, d1) -> (0, 0)>
#map1 = affine_map<(d0, d1) -> (0)>
module attributes {stable_mosaic.version = 14 : i64} {
  func.func @agg(%arg0: i32, %arg1: i32, %arg2: memref<100000x128xf32, #tpu.memory_space<hbm>>, %arg3: memref<320000xi32, #tpu.memory_space<hbm>>, %arg4: memref<10000x128xf32, #tpu.memory_space<hbm>>, %arg5: memref<10112xi32, #tpu.memory_space<vmem>>, %arg6: memref<128x128xf32, #tpu.memory_space<vmem>>, %arg7: memref<4x128xf32, #tpu.memory_space<vmem>>, %arg8: memref<!tpu.dma_semaphore, #tpu.memory_space<semaphore_mem>>, %arg9: memref<!tpu.dma_semaphore, #tpu.memory_space<semaphore_mem>>, %arg10: memref<128x128xf32, #tpu.memory_space<vmem>>, %arg11: memref<4x128xf32, #tpu.memory_space<vmem>>, %arg12: memref<!tpu.dma_semaphore, #tpu.memory_space<semaphore_mem>>, %arg13: memref<!tpu.dma_semaphore, #tpu.memory_space<semaphore_mem>>, %arg14: memref<128x128xf32, #tpu.memory_space<vmem>>, %arg15: memref<4x128xf32, #tpu.memory_space<vmem>>, %arg16: memref<!tpu.dma_semaphore, #tpu.memory_space<semaphore_mem>>, %arg17: memref<!tpu.dma_semaphore, #tpu.memory_space<semaphore_mem>>, %arg18: memref<128x128xf32, #tpu.memory_space<vmem>>, %arg19: memref<4x128xf32, #tpu.memory_space<vmem>>, %arg20: memref<!tpu.dma_semaphore, #tpu.memory_space<semaphore_mem>>, %arg21: memref<!tpu.dma_semaphore, #tpu.memory_space<semaphore_mem>>, %arg22: memref<128xf32, #tpu.memory_space<vmem>>) attributes {dimension_semantics = [#tpu.dimension_semantics<core_parallel>, #tpu.dimension_semantics<subcore_parallel>], iteration_bounds = array<i64: 2, 16>, scalar_prefetch = 0 : i64, scratch_operands = 18 : i64, tpu.core_type = #tpu.core_type<sc_vector_subcore>, window_params = [{transform_indices = #map}, {transform_indices = #map1}, {transform_indices = #map}]} {
    %mul3A = arith.constant 2 : i32
    %mul3A_0 = arith.muli %arg1, %mul3A : i32
    %add3A = arith.addi %mul3A_0, %arg0 : i32
    %lt3A = arith.constant 4 : i32
    %lt3A_1 = arith.cmpi slt, %add3A, %lt3A : i32
    %jit3A = arith.constant 79 : i32
    %jit3A_2 = arith.constant 78 : i32
    %select_n3A = arith.select %lt3A_1, %jit3A, %jit3A_2 : i32
    %mul3A_3 = arith.constant 78 : i32
    %mul3A_4 = arith.muli %add3A, %mul3A_3 : i32
    %min3A = arith.constant 4 : i32
    %min3A_5 = arith.minsi %add3A, %min3A : i32
    %add3A_6 = arith.addi %mul3A_4, %min3A_5 : i32
    %min3A_7 = arith.constant 2421 : i32
    %min3A_8 = arith.minsi %add3A_6, %min3A_7 : i32
    %sub3A = arith.subi %add3A_6, %min3A_8 : i32
    %mul3A_9 = arith.constant 128 : i32
    %mul3A_10 = arith.muli %sub3A, %mul3A_9 : i32
    %run_scoped3A = arith.constant 0 : i32
    "tpu.region"() ({
      %run_scoped3A_58 = tpu.sem_alloc : memref<!tpu.dma_semaphore, #tpu.memory_space<semaphore_mem>>
      %dma_start3A = arith.constant 0 : i32
      %dma_start3A_59 = tpu.memref_slice %arg2[%run_scoped3A, %dma_start3A] : memref<100000x128xf32, #tpu.memory_space<hbm>> -> memref<1x128xf32, #tpu.memory_space<hbm>>
      %dma_start3A_60 = tpu.memref_squeeze %dma_start3A_59 : memref<1x128xf32, #tpu.memory_space<hbm>> -> memref<128xf32, #tpu.memory_space<hbm>>
      %dma_start3A_61 = arith.constant 0 : i32
      %dma_start3A_62 = tpu.memref_slice %arg2[%run_scoped3A, %dma_start3A_61] : memref<100000x128xf32, #tpu.memory_space<hbm>> -> memref<1x128xf32, #tpu.memory_space<hbm>>
      %dma_start3A_63 = tpu.memref_squeeze %dma_start3A_62 : memref<1x128xf32, #tpu.memory_space<hbm>> -> memref<128xf32, #tpu.memory_space<hbm>>
      tpu.enqueue_dma source(%dma_start3A_63 : memref<128xf32, #tpu.memory_space<hbm>>) target(%arg22 : memref<128xf32, #tpu.memory_space<vmem>>) target_semaphore(%run_scoped3A_58 : memref<!tpu.dma_semaphore, #tpu.memory_space<semaphore_mem>>)
      %dma_wait3A_64 = arith.constant 0 : i32
      %dma_wait3A_65 = tpu.memref_slice %arg2[%run_scoped3A, %dma_wait3A_64] : memref<100000x128xf32, #tpu.memory_space<hbm>> -> memref<1x128xf32, #tpu.memory_space<hbm>>
      %dma_wait3A_66 = tpu.memref_squeeze %dma_wait3A_65 : memref<1x128xf32, #tpu.memory_space<hbm>> -> memref<128xf32, #tpu.memory_space<hbm>>
      %dma_wait3A_67 = arith.constant 0 : i32
      %dma_wait3A_68 = tpu.memref_slice %arg2[%run_scoped3A, %dma_wait3A_67] : memref<100000x128xf32, #tpu.memory_space<hbm>> -> memref<1x128xf32, #tpu.memory_space<hbm>>
      %dma_wait3A_69 = tpu.memref_squeeze %dma_wait3A_68 : memref<1x128xf32, #tpu.memory_space<hbm>> -> memref<128xf32, #tpu.memory_space<hbm>>
      tpu.wait_dma2 semaphore(%run_scoped3A_58 : memref<!tpu.dma_semaphore, #tpu.memory_space<semaphore_mem>>) src(%dma_wait3A_69 : memref<128xf32, #tpu.memory_space<hbm>>) dst(%arg22 : memref<128xf32, #tpu.memory_space<vmem>>)
      tpu.yield
    }) : () -> ()
    %mul3A_11 = arith.constant 128 : i32
    %mul3A_12 = arith.muli %min3A_8, %mul3A_11 : i32
    "tpu.region"() ({
      %run_scoped3A_58 = tpu.sem_alloc : memref<!tpu.dma_semaphore, #tpu.memory_space<semaphore_mem>>
      %dma_start3A = tpu.memref_slice %arg3[%mul3A_12] : memref<320000xi32, #tpu.memory_space<hbm>> -> memref<10112xi32, #tpu.memory_space<hbm>>
      %dma_start3A_59 = tpu.memref_slice %arg3[%mul3A_12] : memref<320000xi32, #tpu.memory_space<hbm>> -> memref<10112xi32, #tpu.memory_space<hbm>>
      tpu.enqueue_dma source(%dma_start3A_59 : memref<10112xi32, #tpu.memory_space<hbm>>) target(%arg5 : memref<10112xi32, #tpu.memory_space<vmem>>) target_semaphore(%run_scoped3A_58 : memref<!tpu.dma_semaphore, #tpu.memory_space<semaphore_mem>>)
      %dma_wait3A_60 = tpu.memref_slice %arg3[%mul3A_12] : memref<320000xi32, #tpu.memory_space<hbm>> -> memref<10112xi32, #tpu.memory_space<hbm>>
      %dma_wait3A_61 = tpu.memref_slice %arg3[%mul3A_12] : memref<320000xi32, #tpu.memory_space<hbm>> -> memref<10112xi32, #tpu.memory_space<hbm>>
      tpu.wait_dma2 semaphore(%run_scoped3A_58 : memref<!tpu.dma_semaphore, #tpu.memory_space<semaphore_mem>>) src(%dma_wait3A_61 : memref<10112xi32, #tpu.memory_space<hbm>>) dst(%arg5 : memref<10112xi32, #tpu.memory_space<vmem>>)
      tpu.yield
    }) : () -> ()
    %gt3A = arith.constant 0 : i32
    %gt3A_13 = arith.cmpi sgt, %select_n3A, %gt3A : i32
    %convert_element_type3A = arith.extui %gt3A_13 : i1 to i32
    %cond3A = arith.constant 0 : i32
    %cond3A_14 = arith.cmpi ne, %convert_element_type3A, %cond3A : i32
    scf.if %cond3A_14 {
      %add3A_58 = arith.constant 0 : i32
      %add3A_59 = arith.addi %mul3A_10, %add3A_58 : i32
      %dma_start3A = tpu.memref_slice %arg5[%add3A_59] : memref<10112xi32, #tpu.memory_space<vmem>> -> memref<128xi32, #tpu.memory_space<vmem>>
      %dma_start3A_60 = arith.constant 0 : i32
      %dma_start3A_61 = arith.constant 0 : i32
      %dma_start3A_62 = tpu.memref_slice %arg2[%dma_start3A_60, %dma_start3A_61] : memref<100000x128xf32, #tpu.memory_space<hbm>> -> memref<100000x128xf32, #tpu.memory_space<hbm>>
      tpu.enqueue_indirect_dma source(%dma_start3A_62 : memref<100000x128xf32, #tpu.memory_space<hbm>>) target(%arg6 : memref<128x128xf32, #tpu.memory_space<vmem>>) offsets(%dma_start3A : memref<128xi32, #tpu.memory_space<vmem>>) semaphore(%arg8 : memref<!tpu.dma_semaphore, #tpu.memory_space<semaphore_mem>>)
    } else {
    }
    %gt3A_15 = arith.constant 1 : i32
    %gt3A_16 = arith.cmpi sgt, %select_n3A, %gt3A_15 : i32
    %convert_element_type3A_17 = arith.extui %gt3A_16 : i1 to i32
    %cond3A_18 = arith.constant 0 : i32
    %cond3A_19 = arith.cmpi ne, %convert_element_type3A_17, %cond3A_18 : i32
    scf.if %cond3A_19 {
      %add3A_58 = arith.constant 128 : i32
      %add3A_59 = arith.addi %mul3A_10, %add3A_58 : i32
      %dma_start3A = tpu.memref_slice %arg5[%add3A_59] : memref<10112xi32, #tpu.memory_space<vmem>> -> memref<128xi32, #tpu.memory_space<vmem>>
      %dma_start3A_60 = arith.constant 0 : i32
      %dma_start3A_61 = arith.constant 0 : i32
      %dma_start3A_62 = tpu.memref_slice %arg2[%dma_start3A_60, %dma_start3A_61] : memref<100000x128xf32, #tpu.memory_space<hbm>> -> memref<100000x128xf32, #tpu.memory_space<hbm>>
      tpu.enqueue_indirect_dma source(%dma_start3A_62 : memref<100000x128xf32, #tpu.memory_space<hbm>>) target(%arg10 : memref<128x128xf32, #tpu.memory_space<vmem>>) offsets(%dma_start3A : memref<128xi32, #tpu.memory_space<vmem>>) semaphore(%arg12 : memref<!tpu.dma_semaphore, #tpu.memory_space<semaphore_mem>>)
    } else {
    }
    %gt3A_20 = arith.constant 2 : i32
    %gt3A_21 = arith.cmpi sgt, %select_n3A, %gt3A_20 : i32
    %convert_element_type3A_22 = arith.extui %gt3A_21 : i1 to i32
    %cond3A_23 = arith.constant 0 : i32
    %cond3A_24 = arith.cmpi ne, %convert_element_type3A_22, %cond3A_23 : i32
    scf.if %cond3A_24 {
      %add3A_58 = arith.constant 256 : i32
      %add3A_59 = arith.addi %mul3A_10, %add3A_58 : i32
      %dma_start3A = tpu.memref_slice %arg5[%add3A_59] : memref<10112xi32, #tpu.memory_space<vmem>> -> memref<128xi32, #tpu.memory_space<vmem>>
      %dma_start3A_60 = arith.constant 0 : i32
      %dma_start3A_61 = arith.constant 0 : i32
      %dma_start3A_62 = tpu.memref_slice %arg2[%dma_start3A_60, %dma_start3A_61] : memref<100000x128xf32, #tpu.memory_space<hbm>> -> memref<100000x128xf32, #tpu.memory_space<hbm>>
      tpu.enqueue_indirect_dma source(%dma_start3A_62 : memref<100000x128xf32, #tpu.memory_space<hbm>>) target(%arg14 : memref<128x128xf32, #tpu.memory_space<vmem>>) offsets(%dma_start3A : memref<128xi32, #tpu.memory_space<vmem>>) semaphore(%arg16 : memref<!tpu.dma_semaphore, #tpu.memory_space<semaphore_mem>>)
    } else {
    }
    %gt3A_25 = arith.constant 3 : i32
    %gt3A_26 = arith.cmpi sgt, %select_n3A, %gt3A_25 : i32
    %convert_element_type3A_27 = arith.extui %gt3A_26 : i1 to i32
    %cond3A_28 = arith.constant 0 : i32
    %cond3A_29 = arith.cmpi ne, %convert_element_type3A_27, %cond3A_28 : i32
    scf.if %cond3A_29 {
      %add3A_58 = arith.constant 384 : i32
      %add3A_59 = arith.addi %mul3A_10, %add3A_58 : i32
      %dma_start3A = tpu.memref_slice %arg5[%add3A_59] : memref<10112xi32, #tpu.memory_space<vmem>> -> memref<128xi32, #tpu.memory_space<vmem>>
      %dma_start3A_60 = arith.constant 0 : i32
      %dma_start3A_61 = arith.constant 0 : i32
      %dma_start3A_62 = tpu.memref_slice %arg2[%dma_start3A_60, %dma_start3A_61] : memref<100000x128xf32, #tpu.memory_space<hbm>> -> memref<100000x128xf32, #tpu.memory_space<hbm>>
      tpu.enqueue_indirect_dma source(%dma_start3A_62 : memref<100000x128xf32, #tpu.memory_space<hbm>>) target(%arg18 : memref<128x128xf32, #tpu.memory_space<vmem>>) offsets(%dma_start3A : memref<128xi32, #tpu.memory_space<vmem>>) semaphore(%arg20 : memref<!tpu.dma_semaphore, #tpu.memory_space<semaphore_mem>>)
    } else {
    }
    %scan3A = arith.constant 0 : i32
    %scan3A_30 = arith.constant 0 : i32
    %scan3A_31 = arith.constant 20 : i32
    %scan3A_32 = arith.addi %scan3A_30, %scan3A_31 : i32
    %scan3A_33 = arith.constant 1 : i32
    scf.for %scan3A_58 = %scan3A_30 to %scan3A_32 step %scan3A_33  : i32 {
      %mul3A_59 = arith.constant 4 : i32
      %mul3A_60 = arith.muli %scan3A_58, %mul3A_59 : i32
      %add3A_61 = arith.constant 0 : i32
      %add3A_62 = arith.addi %mul3A_60, %add3A_61 : i32
      %lt3A_63 = arith.cmpi slt, %add3A_62, %select_n3A : i32
      %convert_element_type3A_64 = arith.extui %lt3A_63 : i1 to i32
      %cond3A_65 = arith.constant 0 : i32
      %cond3A_66 = arith.cmpi ne, %convert_element_type3A_64, %cond3A_65 : i32
      scf.if %cond3A_66 {
        %mul3A_91 = arith.constant 128 : i32
        %mul3A_92 = arith.muli %add3A_62, %mul3A_91 : i32
        %add3A_93 = arith.addi %mul3A_10, %mul3A_92 : i32
        %dma_wait3A_94 = tpu.memref_slice %arg5[%add3A_93] : memref<10112xi32, #tpu.memory_space<vmem>> -> memref<128xi32, #tpu.memory_space<vmem>>
        %dma_wait3A_95 = arith.constant 0 : i32
        %dma_wait3A_96 = arith.constant 0 : i32
        %dma_wait3A_97 = tpu.memref_slice %arg2[%dma_wait3A_95, %dma_wait3A_96] : memref<100000x128xf32, #tpu.memory_space<hbm>> -> memref<100000x128xf32, #tpu.memory_space<hbm>>
        tpu.wait_indirect_dma semaphore(%arg8 : memref<!tpu.dma_semaphore, #tpu.memory_space<semaphore_mem>>) src(%dma_wait3A_97 : memref<100000x128xf32, #tpu.memory_space<hbm>>) dst(%arg6 : memref<128x128xf32, #tpu.memory_space<vmem>>)
        %ge3A = arith.constant 4 : i32
        %ge3A_98 = arith.cmpi sge, %add3A_62, %ge3A : i32
        %convert_element_type3A_99 = arith.extui %ge3A_98 : i1 to i32
        %cond3A_100 = arith.constant 0 : i32
        %cond3A_101 = arith.cmpi ne, %convert_element_type3A_99, %cond3A_100 : i32
        scf.if %cond3A_101 {
          %dma_wait3A_684 = arith.constant 0 : i32
          %dma_wait3A_685 = arith.constant 0 : i32
          %dma_wait3A_686 = tpu.memref_slice %arg4[%dma_wait3A_684, %dma_wait3A_685] : memref<10000x128xf32, #tpu.memory_space<hbm>> -> memref<4x128xf32, #tpu.memory_space<hbm>>
          %dma_wait3A_687 = arith.constant 0 : i32
          %dma_wait3A_688 = arith.constant 0 : i32
          %dma_wait3A_689 = tpu.memref_slice %arg4[%dma_wait3A_687, %dma_wait3A_688] : memref<10000x128xf32, #tpu.memory_space<hbm>> -> memref<4x128xf32, #tpu.memory_space<hbm>>
          tpu.wait_dma2 semaphore(%arg9 : memref<!tpu.dma_semaphore, #tpu.memory_space<semaphore_mem>>) src(%arg7 : memref<4x128xf32, #tpu.memory_space<vmem>>) dst(%dma_wait3A_689 : memref<4x128xf32, #tpu.memory_space<hbm>>)
        } else {
        }
        %mul3A_102 = arith.constant 128 : i32
        %mul3A_103 = arith.muli %add3A_62, %mul3A_102 : i32
        %add3A_104 = arith.addi %mul3A_10, %mul3A_103 : i32
        %add3A_105 = arith.constant 0 : i32
        %add3A_106 = arith.addi %add3A_104, %add3A_105 : i32
        %get3A = arith.index_cast %add3A_106 : i32 to index
        %get3A_107 = tpu.vector_load %arg5[%get3A] {strides = array<i32>} : memref<10112xi32, #tpu.memory_space<vmem>>, vector<16xi32>,
        %mul3A_108 = arith.constant 128 : i32
        %mul3A_109 = arith.muli %add3A_62, %mul3A_108 : i32
        %add3A_110 = arith.addi %mul3A_10, %mul3A_109 : i32
        %add3A_111 = arith.constant 0 : i32
        %add3A_112 = arith.addi %add3A_110, %add3A_111 : i32
        %add3A_113 = arith.constant 16 : i32
        %add3A_114 = arith.addi %add3A_112, %add3A_113 : i32
        %get3A_115 = arith.index_cast %add3A_114 : i32 to index
        %get3A_116 = tpu.vector_load %arg5[%get3A_115] {strides = array<i32>} : memref<10112xi32, #tpu.memory_space<vmem>>, vector<16xi32>,
        %eq3A = arith.constant 0 : i32
        %eq3A_117 = vector.broadcast %eq3A : i32 to vector<16xi32>
        %eq3A_118 = arith.cmpi eq, %get3A_107, %eq3A_117 : vector<16xi32>
        %jit3A_119 = arith.constant 1.000000e+00 : f32
        %jit3A_120 = arith.constant 0.000000e+00 : f32
        %broadcast_in_dim3A = vector.broadcast %jit3A_119 : f32 to vector<16xf32>
        %broadcast_in_dim3A_121 = vector.broadcast %jit3A_120 : f32 to vector<16xf32>
        %select_n3A_122 = arith.select %eq3A_118, %broadcast_in_dim3A, %broadcast_in_dim3A_121 : vector<16xi1>, vector<16xf32>
        %eq3A_123 = arith.constant 0 : i32
        %eq3A_124 = vector.broadcast %eq3A_123 : i32 to vector<16xi32>
        %eq3A_125 = arith.cmpi eq, %get3A_116, %eq3A_124 : vector<16xi32>
        %jit3A_126 = arith.constant 1.000000e+00 : f32
        %jit3A_127 = arith.constant 0.000000e+00 : f32
        %broadcast_in_dim3A_128 = vector.broadcast %jit3A_126 : f32 to vector<16xf32>
        %broadcast_in_dim3A_129 = vector.broadcast %jit3A_127 : f32 to vector<16xf32>
        %select_n3A_130 = arith.select %eq3A_125, %broadcast_in_dim3A_128, %broadcast_in_dim3A_129 : vector<16xi1>, vector<16xf32>
        %add3A_131 = arith.addf %select_n3A_122, %select_n3A_130 : vector<16xf32>
        %reduce_sum3A = arith.constant true
        %reduce_sum3A_132 = vector.broadcast %reduce_sum3A : i1 to vector<16xi1>
        %reduce_sum3A_133 = tpu.scan <sum>, %add3A_131 masked %reduce_sum3A_132 : vector<16xf32>, vector<16xi1> -> vector<16xf32>
        %reduce_sum3A_134 = vector.extract %reduce_sum3A_133[15] : f32 from vector<16xf32>
        %broadcast_in_dim3A_135 = vector.broadcast %reduce_sum3A_134 : f32 to vector<16xf32>
        %broadcast_in_dim3A_136 = arith.constant 0.000000e+00 : f32
        %broadcast_in_dim3A_137 = vector.broadcast %broadcast_in_dim3A_136 : f32 to vector<16xf32>
        %broadcast_in_dim3A_138 = arith.constant 0.000000e+00 : f32
        %broadcast_in_dim3A_139 = vector.broadcast %broadcast_in_dim3A_138 : f32 to vector<16xf32>
        %broadcast_in_dim3A_140 = arith.constant 0.000000e+00 : f32
        %broadcast_in_dim3A_141 = vector.broadcast %broadcast_in_dim3A_140 : f32 to vector<16xf32>
        %broadcast_in_dim3A_142 = arith.constant 0.000000e+00 : f32
        %broadcast_in_dim3A_143 = vector.broadcast %broadcast_in_dim3A_142 : f32 to vector<16xf32>
        %broadcast_in_dim3A_144 = arith.constant 0.000000e+00 : f32
        %broadcast_in_dim3A_145 = vector.broadcast %broadcast_in_dim3A_144 : f32 to vector<16xf32>
        %broadcast_in_dim3A_146 = arith.constant 0.000000e+00 : f32
        %broadcast_in_dim3A_147 = vector.broadcast %broadcast_in_dim3A_146 : f32 to vector<16xf32>
        %broadcast_in_dim3A_148 = arith.constant 0.000000e+00 : f32
        %broadcast_in_dim3A_149 = vector.broadcast %broadcast_in_dim3A_148 : f32 to vector<16xf32>
        %broadcast_in_dim3A_150 = arith.constant 0.000000e+00 : f32
        %broadcast_in_dim3A_151 = vector.broadcast %broadcast_in_dim3A_150 : f32 to vector<16xf32>
        %scan3A_152 = arith.constant 0 : i32
        %scan3A_153 = arith.constant 32 : i32
        %scan3A_154 = arith.addi %scan3A_152, %scan3A_153 : i32
        %scan3A_155 = arith.constant 1 : i32
        %scan3A_156:8 = scf.for %scan3A_684 = %scan3A_152 to %scan3A_154 step %scan3A_155 iter_args(%scan3A_685 = %broadcast_in_dim3A_137, %scan3A_686 = %broadcast_in_dim3A_139, %scan3A_687 = %broadcast_in_dim3A_141, %scan3A_688 = %broadcast_in_dim3A_143, %scan3A_689 = %broadcast_in_dim3A_145, %scan3A_690 = %broadcast_in_dim3A_147, %scan3A_691 = %broadcast_in_dim3A_149, %scan3A_692 = %broadcast_in_dim3A_151) -> (vector<16xf32>, vector<16xf32>, vector<16xf32>, vector<16xf32>, vector<16xf32>, vector<16xf32>, vector<16xf32>, vector<16xf32>)  : i32 {
          %add3A_693 = arith.constant 0 : i32
          %add3A_694 = arith.addi %add3A_693, %scan3A_684 : i32
          %get3A_695 = arith.index_cast %add3A_694 : i32 to index
          %get3A_696 = arith.constant 0 : index
          %get3A_697 = tpu.vector_load %arg6[%get3A_695, %get3A_696] {strides = array<i32>} : memref<128x128xf32, #tpu.memory_space<vmem>>, vector<16xf32>,
          %add3A_698 = arith.addf %scan3A_685, %get3A_697 : vector<16xf32>
          %get3A_699 = arith.index_cast %add3A_694 : i32 to index
          %get3A_700 = arith.constant 16 : index
          %get3A_701 = tpu.vector_load %arg6[%get3A_699, %get3A_700] {strides = array<i32>} : memref<128x128xf32, #tpu.memory_space<vmem>>, vector<16xf32>,
          %add3A_702 = arith.addf %scan3A_686, %get3A_701 : vector<16xf32>
          %get3A_703 = arith.index_cast %add3A_694 : i32 to index
          %get3A_704 = arith.constant 32 : index
          %get3A_705 = tpu.vector_load %arg6[%get3A_703, %get3A_704] {strides = array<i32>} : memref<128x128xf32, #tpu.memory_space<vmem>>, vector<16xf32>,
          %add3A_706 = arith.addf %scan3A_687, %get3A_705 : vector<16xf32>
          %get3A_707 = arith.index_cast %add3A_694 : i32 to index
          %get3A_708 = arith.constant 48 : index
          %get3A_709 = tpu.vector_load %arg6[%get3A_707, %get3A_708] {strides = array<i32>} : memref<128x128xf32, #tpu.memory_space<vmem>>, vector<16xf32>,
          %add3A_710 = arith.addf %scan3A_688, %get3A_709 : vector<16xf32>
          %get3A_711 = arith.index_cast %add3A_694 : i32 to index
          %get3A_712 = arith.constant 64 : index
          %get3A_713 = tpu.vector_load %arg6[%get3A_711, %get3A_712] {strides = array<i32>} : memref<128x128xf32, #tpu.memory_space<vmem>>, vector<16xf32>,
          %add3A_714 = arith.addf %scan3A_689, %get3A_713 : vector<16xf32>
          %get3A_715 = arith.index_cast %add3A_694 : i32 to index
          %get3A_716 = arith.constant 80 : index
          %get3A_717 = tpu.vector_load %arg6[%get3A_715, %get3A_716] {strides = array<i32>} : memref<128x128xf32, #tpu.memory_space<vmem>>, vector<16xf32>,
          %add3A_718 = arith.addf %scan3A_690, %get3A_717 : vector<16xf32>
          %get3A_719 = arith.index_cast %add3A_694 : i32 to index
          %get3A_720 = arith.constant 96 : index
          %get3A_721 = tpu.vector_load %arg6[%get3A_719, %get3A_720] {strides = array<i32>} : memref<128x128xf32, #tpu.memory_space<vmem>>, vector<16xf32>,
          %add3A_722 = arith.addf %scan3A_691, %get3A_721 : vector<16xf32>
          %get3A_723 = arith.index_cast %add3A_694 : i32 to index
          %get3A_724 = arith.constant 112 : index
          %get3A_725 = tpu.vector_load %arg6[%get3A_723, %get3A_724] {strides = array<i32>} : memref<128x128xf32, #tpu.memory_space<vmem>>, vector<16xf32>,
          %add3A_726 = arith.addf %scan3A_692, %get3A_725 : vector<16xf32>
          scf.yield %add3A_698, %add3A_702, %add3A_706, %add3A_710, %add3A_714, %add3A_718, %add3A_722, %add3A_726 : vector<16xf32>, vector<16xf32>, vector<16xf32>, vector<16xf32>, vector<16xf32>, vector<16xf32>, vector<16xf32>, vector<16xf32>
        }
        %scan3A_157 = arith.constant 32 : i32
        %sub3A_158 = arith.constant 3.200000e+01 : f32
        %sub3A_159 = vector.broadcast %sub3A_158 : f32 to vector<16xf32>
        %sub3A_160 = arith.subf %sub3A_159, %broadcast_in_dim3A_135 : vector<16xf32>
        %eq3A_161 = arith.constant 0.000000e+00 : f32
        %eq3A_162 = vector.broadcast %eq3A_161 : f32 to vector<16xf32>
        %eq3A_163 = arith.cmpf oeq, %sub3A_160, %eq3A_162 : vector<16xf32>
        %jit3A_164 = arith.constant 1.000000e+00 : f32
        %broadcast_in_dim3A_165 = vector.broadcast %jit3A_164 : f32 to vector<16xf32>
        %select_n3A_166 = arith.select %eq3A_163, %broadcast_in_dim3A_165, %sub3A_160 : vector<16xi1>, vector<16xf32>
        %div3A = arith.constant 1.000000e+00 : f32
        %div3A_167 = vector.broadcast %div3A : f32 to vector<16xf32>
        %div3A_168 = arith.divf %div3A_167, %select_n3A_166 : vector<16xf32>
        %get3A_169 = arith.constant 0 : index
        %get3A_170 = tpu.vector_load %arg22[%get3A_169] {strides = array<i32>} : memref<128xf32, #tpu.memory_space<vmem>>, vector<16xf32>,
        %mul3A_171 = arith.mulf %broadcast_in_dim3A_135, %get3A_170 : vector<16xf32>
        %sub3A_172 = arith.subf %scan3A_156#0, %mul3A_171 : vector<16xf32>
        %mul3A_173 = arith.mulf %sub3A_172, %div3A_168 : vector<16xf32>
        %swap3A = arith.constant 0 : i32
        %swap3A_174 = arith.index_cast %swap3A : i32 to index
        %swap3A_175 = arith.constant 0 : index
        %swap3A_176 = tpu.vector_load %arg7[%swap3A_174, %swap3A_175] {strides = array<i32>} : memref<4x128xf32, #tpu.memory_space<vmem>>, vector<16xf32>,
        tpu.vector_store %arg7[%swap3A_174, %swap3A_175], %mul3A_173 {strides = array<i32>} : memref<4x128xf32, #tpu.memory_space<vmem>>, vector<16xf32>,
        %get3A_177 = arith.constant 16 : index
        %get3A_178 = tpu.vector_load %arg22[%get3A_177] {strides = array<i32>} : memref<128xf32, #tpu.memory_space<vmem>>, vector<16xf32>,
        %mul3A_179 = arith.mulf %broadcast_in_dim3A_135, %get3A_178 : vector<16xf32>
        %sub3A_180 = arith.subf %scan3A_156#1, %mul3A_179 : vector<16xf32>
        %mul3A_181 = arith.mulf %sub3A_180, %div3A_168 : vector<16xf32>
        %swap3A_182 = arith.constant 0 : i32
        %swap3A_183 = arith.index_cast %swap3A_182 : i32 to index
        %swap3A_184 = arith.constant 16 : index
        %swap3A_185 = tpu.vector_load %arg7[%swap3A_183, %swap3A_184] {strides = array<i32>} : memref<4x128xf32, #tpu.memory_space<vmem>>, vector<16xf32>,
        tpu.vector_store %arg7[%swap3A_183, %swap3A_184], %mul3A_181 {strides = array<i32>} : memref<4x128xf32, #tpu.memory_space<vmem>>, vector<16xf32>,
        %get3A_186 = arith.constant 32 : index
        %get3A_187 = tpu.vector_load %arg22[%get3A_186] {strides = array<i32>} : memref<128xf32, #tpu.memory_space<vmem>>, vector<16xf32>,
        %mul3A_188 = arith.mulf %broadcast_in_dim3A_135, %get3A_187 : vector<16xf32>
        %sub3A_189 = arith.subf %scan3A_156#2, %mul3A_188 : vector<16xf32>
        %mul3A_190 = arith.mulf %sub3A_189, %div3A_168 : vector<16xf32>
        %swap3A_191 = arith.constant 0 : i32
        %swap3A_192 = arith.index_cast %swap3A_191 : i32 to index
        %swap3A_193 = arith.constant 32 : index
        %swap3A_194 = tpu.vector_load %arg7[%swap3A_192, %swap3A_193] {strides = array<i32>} : memref<4x128xf32, #tpu.memory_space<vmem>>, vector<16xf32>,
        tpu.vector_store %arg7[%swap3A_192, %swap3A_193], %mul3A_190 {strides = array<i32>} : memref<4x128xf32, #tpu.memory_space<vmem>>, vector<16xf32>,
        %get3A_195 = arith.constant 48 : index
        %get3A_196 = tpu.vector_load %arg22[%get3A_195] {strides = array<i32>} : memref<128xf32, #tpu.memory_space<vmem>>, vector<16xf32>,
        %mul3A_197 = arith.mulf %broadcast_in_dim3A_135, %get3A_196 : vector<16xf32>
        %sub3A_198 = arith.subf %scan3A_156#3, %mul3A_197 : vector<16xf32>
        %mul3A_199 = arith.mulf %sub3A_198, %div3A_168 : vector<16xf32>
        %swap3A_200 = arith.constant 0 : i32
        %swap3A_201 = arith.index_cast %swap3A_200 : i32 to index
        %swap3A_202 = arith.constant 48 : index
        %swap3A_203 = tpu.vector_load %arg7[%swap3A_201, %swap3A_202] {strides = array<i32>} : memref<4x128xf32, #tpu.memory_space<vmem>>, vector<16xf32>,
        tpu.vector_store %arg7[%swap3A_201, %swap3A_202], %mul3A_199 {strides = array<i32>} : memref<4x128xf32, #tpu.memory_space<vmem>>, vector<16xf32>,
        %get3A_204 = arith.constant 64 : index
        %get3A_205 = tpu.vector_load %arg22[%get3A_204] {strides = array<i32>} : memref<128xf32, #tpu.memory_space<vmem>>, vector<16xf32>,
        %mul3A_206 = arith.mulf %broadcast_in_dim3A_135, %get3A_205 : vector<16xf32>
        %sub3A_207 = arith.subf %scan3A_156#4, %mul3A_206 : vector<16xf32>
        %mul3A_208 = arith.mulf %sub3A_207, %div3A_168 : vector<16xf32>
        %swap3A_209 = arith.constant 0 : i32
        %swap3A_210 = arith.index_cast %swap3A_209 : i32 to index
        %swap3A_211 = arith.constant 64 : index
        %swap3A_212 = tpu.vector_load %arg7[%swap3A_210, %swap3A_211] {strides = array<i32>} : memref<4x128xf32, #tpu.memory_space<vmem>>, vector<16xf32>,
        tpu.vector_store %arg7[%swap3A_210, %swap3A_211], %mul3A_208 {strides = array<i32>} : memref<4x128xf32, #tpu.memory_space<vmem>>, vector<16xf32>,
        %get3A_213 = arith.constant 80 : index
        %get3A_214 = tpu.vector_load %arg22[%get3A_213] {strides = array<i32>} : memref<128xf32, #tpu.memory_space<vmem>>, vector<16xf32>,
        %mul3A_215 = arith.mulf %broadcast_in_dim3A_135, %get3A_214 : vector<16xf32>
        %sub3A_216 = arith.subf %scan3A_156#5, %mul3A_215 : vector<16xf32>
        %mul3A_217 = arith.mulf %sub3A_216, %div3A_168 : vector<16xf32>
        %swap3A_218 = arith.constant 0 : i32
        %swap3A_219 = arith.index_cast %swap3A_218 : i32 to index
        %swap3A_220 = arith.constant 80 : index
        %swap3A_221 = tpu.vector_load %arg7[%swap3A_219, %swap3A_220] {strides = array<i32>} : memref<4x128xf32, #tpu.memory_space<vmem>>, vector<16xf32>,
        tpu.vector_store %arg7[%swap3A_219, %swap3A_220], %mul3A_217 {strides = array<i32>} : memref<4x128xf32, #tpu.memory_space<vmem>>, vector<16xf32>,
        %get3A_222 = arith.constant 96 : index
        %get3A_223 = tpu.vector_load %arg22[%get3A_222] {strides = array<i32>} : memref<128xf32, #tpu.memory_space<vmem>>, vector<16xf32>,
        %mul3A_224 = arith.mulf %broadcast_in_dim3A_135, %get3A_223 : vector<16xf32>
        %sub3A_225 = arith.subf %scan3A_156#6, %mul3A_224 : vector<16xf32>
        %mul3A_226 = arith.mulf %sub3A_225, %div3A_168 : vector<16xf32>
        %swap3A_227 = arith.constant 0 : i32
        %swap3A_228 = arith.index_cast %swap3A_227 : i32 to index
        %swap3A_229 = arith.constant 96 : index
        %swap3A_230 = tpu.vector_load %arg7[%swap3A_228, %swap3A_229] {strides = array<i32>} : memref<4x128xf32, #tpu.memory_space<vmem>>, vector<16xf32>,
        tpu.vector_store %arg7[%swap3A_228, %swap3A_229], %mul3A_226 {strides = array<i32>} : memref<4x128xf32, #tpu.memory_space<vmem>>, vector<16xf32>,
        %get3A_231 = arith.constant 112 : index
        %get3A_232 = tpu.vector_load %arg22[%get3A_231] {strides = array<i32>} : memref<128xf32, #tpu.memory_space<vmem>>, vector<16xf32>,
        %mul3A_233 = arith.mulf %broadcast_in_dim3A_135, %get3A_232 : vector<16xf32>
        %sub3A_234 = arith.subf %scan3A_156#7, %mul3A_233 : vector<16xf32>
        %mul3A_235 = arith.mulf %sub3A_234, %div3A_168 : vector<16xf32>
        %swap3A_236 = arith.constant 0 : i32
        %swap3A_237 = arith.index_cast %swap3A_236 : i32 to index
        %swap3A_238 = arith.constant 112 : index
        %swap3A_239 = tpu.vector_load %arg7[%swap3A_237, %swap3A_238] {strides = array<i32>} : memref<4x128xf32, #tpu.memory_space<vmem>>, vector<16xf32>,
        tpu.vector_store %arg7[%swap3A_237, %swap3A_238], %mul3A_235 {strides = array<i32>} : memref<4x128xf32, #tpu.memory_space<vmem>>, vector<16xf32>,
        %mul3A_240 = arith.constant 128 : i32
        %mul3A_241 = arith.muli %add3A_62, %mul3A_240 : i32
        %add3A_242 = arith.addi %mul3A_10, %mul3A_241 : i32
        %add3A_243 = arith.constant 32 : i32
        %add3A_244 = arith.addi %add3A_242, %add3A_243 : i32
        %get3A_245 = arith.index_cast %add3A_244 : i32 to index
        %get3A_246 = tpu.vector_load %arg5[%get3A_245] {strides = array<i32>} : memref<10112xi32, #tpu.memory_space<vmem>>, vector<16xi32>,
        %mul3A_247 = arith.constant 128 : i32
        %mul3A_248 = arith.muli %add3A_62, %mul3A_247 : i32
        %add3A_249 = arith.addi %mul3A_10, %mul3A_248 : i32
        %add3A_250 = arith.constant 32 : i32
        %add3A_251 = arith.addi %add3A_249, %add3A_250 : i32
        %add3A_252 = arith.constant 16 : i32
        %add3A_253 = arith.addi %add3A_251, %add3A_252 : i32
        %get3A_254 = arith.index_cast %add3A_253 : i32 to index
        %get3A_255 = tpu.vector_load %arg5[%get3A_254] {strides = array<i32>} : memref<10112xi32, #tpu.memory_space<vmem>>, vector<16xi32>,
        %eq3A_256 = arith.constant 0 : i32
        %eq3A_257 = vector.broadcast %eq3A_256 : i32 to vector<16xi32>
        %eq3A_258 = arith.cmpi eq, %get3A_246, %eq3A_257 : vector<16xi32>
        %jit3A_259 = arith.constant 1.000000e+00 : f32
        %jit3A_260 = arith.constant 0.000000e+00 : f32
        %broadcast_in_dim3A_261 = vector.broadcast %jit3A_259 : f32 to vector<16xf32>
        %broadcast_in_dim3A_262 = vector.broadcast %jit3A_260 : f32 to vector<16xf32>
        %select_n3A_263 = arith.select %eq3A_258, %broadcast_in_dim3A_261, %broadcast_in_dim3A_262 : vector<16xi1>, vector<16xf32>
        %eq3A_264 = arith.constant 0 : i32
        %eq3A_265 = vector.broadcast %eq3A_264 : i32 to vector<16xi32>
        %eq3A_266 = arith.cmpi eq, %get3A_255, %eq3A_265 : vector<16xi32>
        %jit3A_267 = arith.constant 1.000000e+00 : f32
        %jit3A_268 = arith.constant 0.000000e+00 : f32
        %broadcast_in_dim3A_269 = vector.broadcast %jit3A_267 : f32 to vector<16xf32>
        %broadcast_in_dim3A_270 = vector.broadcast %jit3A_268 : f32 to vector<16xf32>
        %select_n3A_271 = arith.select %eq3A_266, %broadcast_in_dim3A_269, %broadcast_in_dim3A_270 : vector<16xi1>, vector<16xf32>
        %add3A_272 = arith.addf %select_n3A_263, %select_n3A_271 : vector<16xf32>
        %reduce_sum3A_273 = arith.constant true
        %reduce_sum3A_274 = vector.broadcast %reduce_sum3A_273 : i1 to vector<16xi1>
        %reduce_sum3A_275 = tpu.scan <sum>, %add3A_272 masked %reduce_sum3A_274 : vector<16xf32>, vector<16xi1> -> vector<16xf32>
        %reduce_sum3A_276 = vector.extract %reduce_sum3A_275[15] : f32 from vector<16xf32>
        %broadcast_in_dim3A_277 = vector.broadcast %reduce_sum3A_276 : f32 to vector<16xf32>
        %broadcast_in_dim3A_278 = arith.constant 0.000000e+00 : f32
        %broadcast_in_dim3A_279 = vector.broadcast %broadcast_in_dim3A_278 : f32 to vector<16xf32>
        %broadcast_in_dim3A_280 = arith.constant 0.000000e+00 : f32
        %broadcast_in_dim3A_281 = vector.broadcast %broadcast_in_dim3A_280 : f32 to vector<16xf32>
        %broadcast_in_dim3A_282 = arith.constant 0.000000e+00 : f32
        %broadcast_in_dim3A_283 = vector.broadcast %broadcast_in_dim3A_282 : f32 to vector<16xf32>
        %broadcast_in_dim3A_284 = arith.constant 0.000000e+00 : f32
        %broadcast_in_dim3A_285 = vector.broadcast %broadcast_in_dim3A_284 : f32 to vector<16xf32>
        %broadcast_in_dim3A_286 = arith.constant 0.000000e+00 : f32
        %broadcast_in_dim3A_287 = vector.broadcast %broadcast_in_dim3A_286 : f32 to vector<16xf32>
        %broadcast_in_dim3A_288 = arith.constant 0.000000e+00 : f32
        %broadcast_in_dim3A_289 = vector.broadcast %broadcast_in_dim3A_288 : f32 to vector<16xf32>
        %broadcast_in_dim3A_290 = arith.constant 0.000000e+00 : f32
        %broadcast_in_dim3A_291 = vector.broadcast %broadcast_in_dim3A_290 : f32 to vector<16xf32>
        %broadcast_in_dim3A_292 = arith.constant 0.000000e+00 : f32
        %broadcast_in_dim3A_293 = vector.broadcast %broadcast_in_dim3A_292 : f32 to vector<16xf32>
        %scan3A_294 = arith.constant 0 : i32
        %scan3A_295 = arith.constant 32 : i32
        %scan3A_296 = arith.addi %scan3A_294, %scan3A_295 : i32
        %scan3A_297 = arith.constant 1 : i32
        %scan3A_298:8 = scf.for %scan3A_684 = %scan3A_294 to %scan3A_296 step %scan3A_297 iter_args(%scan3A_685 = %broadcast_in_dim3A_279, %scan3A_686 = %broadcast_in_dim3A_281, %scan3A_687 = %broadcast_in_dim3A_283, %scan3A_688 = %broadcast_in_dim3A_285, %scan3A_689 = %broadcast_in_dim3A_287, %scan3A_690 = %broadcast_in_dim3A_289, %scan3A_691 = %broadcast_in_dim3A_291, %scan3A_692 = %broadcast_in_dim3A_293) -> (vector<16xf32>, vector<16xf32>, vector<16xf32>, vector<16xf32>, vector<16xf32>, vector<16xf32>, vector<16xf32>, vector<16xf32>)  : i32 {
          %add3A_693 = arith.constant 32 : i32
          %add3A_694 = arith.addi %add3A_693, %scan3A_684 : i32
          %get3A_695 = arith.index_cast %add3A_694 : i32 to index
          %get3A_696 = arith.constant 0 : index
          %get3A_697 = tpu.vector_load %arg6[%get3A_695, %get3A_696] {strides = array<i32>} : memref<128x128xf32, #tpu.memory_space<vmem>>, vector<16xf32>,
          %add3A_698 = arith.addf %scan3A_685, %get3A_697 : vector<16xf32>
          %get3A_699 = arith.index_cast %add3A_694 : i32 to index
          %get3A_700 = arith.constant 16 : index
          %get3A_701 = tpu.vector_load %arg6[%get3A_699, %get3A_700] {strides = array<i32>} : memref<128x128xf32, #tpu.memory_space<vmem>>, vector<16xf32>,
          %add3A_702 = arith.addf %scan3A_686, %get3A_701 : vector<16xf32>
          %get3A_703 = arith.index_cast %add3A_694 : i32 to index
          %get3A_704 = arith.constant 32 : index
          %get3A_705 = tpu.vector_load %arg6[%get3A_703, %get3A_704] {strides = array<i32>} : memref<128x128xf32, #tpu.memory_space<vmem>>, vector<16xf32>,
          %add3A_706 = arith.addf %scan3A_687, %get3A_705 : vector<16xf32>
          %get3A_707 = arith.index_cast %add3A_694 : i32 to index
          %get3A_708 = arith.constant 48 : index
          %get3A_709 = tpu.vector_load %arg6[%get3A_707, %get3A_708] {strides = array<i32>} : memref<128x128xf32, #tpu.memory_space<vmem>>, vector<16xf32>,
          %add3A_710 = arith.addf %scan3A_688, %get3A_709 : vector<16xf32>
          %get3A_711 = arith.index_cast %add3A_694 : i32 to index
          %get3A_712 = arith.constant 64 : index
          %get3A_713 = tpu.vector_load %arg6[%get3A_711, %get3A_712] {strides = array<i32>} : memref<128x128xf32, #tpu.memory_space<vmem>>, vector<16xf32>,
          %add3A_714 = arith.addf %scan3A_689, %get3A_713 : vector<16xf32>
          %get3A_715 = arith.index_cast %add3A_694 : i32 to index
          %get3A_716 = arith.constant 80 : index
          %get3A_717 = tpu.vector_load %arg6[%get3A_715, %get3A_716] {strides = array<i32>} : memref<128x128xf32, #tpu.memory_space<vmem>>, vector<16xf32>,
          %add3A_718 = arith.addf %scan3A_690, %get3A_717 : vector<16xf32>
          %get3A_719 = arith.index_cast %add3A_694 : i32 to index
          %get3A_720 = arith.constant 96 : index
          %get3A_721 = tpu.vector_load %arg6[%get3A_719, %get3A_720] {strides = array<i32>} : memref<128x128xf32, #tpu.memory_space<vmem>>, vector<16xf32>,
          %add3A_722 = arith.addf %scan3A_691, %get3A_721 : vector<16xf32>
          %get3A_723 = arith.index_cast %add3A_694 : i32 to index
          %get3A_724 = arith.constant 112 : index
          %get3A_725 = tpu.vector_load %arg6[%get3A_723, %get3A_724] {strides = array<i32>} : memref<128x128xf32, #tpu.memory_space<vmem>>, vector<16xf32>,
          %add3A_726 = arith.addf %scan3A_692, %get3A_725 : vector<16xf32>
          scf.yield %add3A_698, %add3A_702, %add3A_706, %add3A_710, %add3A_714, %add3A_718, %add3A_722, %add3A_726 : vector<16xf32>, vector<16xf32>, vector<16xf32>, vector<16xf32>, vector<16xf32>, vector<16xf32>, vector<16xf32>, vector<16xf32>
        }
        %scan3A_299 = arith.constant 32 : i32
        %sub3A_300 = arith.constant 3.200000e+01 : f32
        %sub3A_301 = vector.broadcast %sub3A_300 : f32 to vector<16xf32>
        %sub3A_302 = arith.subf %sub3A_301, %broadcast_in_dim3A_277 : vector<16xf32>
        %eq3A_303 = arith.constant 0.000000e+00 : f32
        %eq3A_304 = vector.broadcast %eq3A_303 : f32 to vector<16xf32>
        %eq3A_305 = arith.cmpf oeq, %sub3A_302, %eq3A_304 : vector<16xf32>
        %jit3A_306 = arith.constant 1.000000e+00 : f32
        %broadcast_in_dim3A_307 = vector.broadcast %jit3A_306 : f32 to vector<16xf32>
        %select_n3A_308 = arith.select %eq3A_305, %broadcast_in_dim3A_307, %sub3A_302 : vector<16xi1>, vector<16xf32>
        %div3A_309 = arith.constant 1.000000e+00 : f32
        %div3A_310 = vector.broadcast %div3A_309 : f32 to vector<16xf32>
        %div3A_311 = arith.divf %div3A_310, %select_n3A_308 : vector<16xf32>
        %get3A_312 = arith.constant 0 : index
        %get3A_313 = tpu.vector_load %arg22[%get3A_312] {strides = array<i32>} : memref<128xf32, #tpu.memory_space<vmem>>, vector<16xf32>,
        %mul3A_314 = arith.mulf %broadcast_in_dim3A_277, %get3A_313 : vector<16xf32>
        %sub3A_315 = arith.subf %scan3A_298#0, %mul3A_314 : vector<16xf32>
        %mul3A_316 = arith.mulf %sub3A_315, %div3A_311 : vector<16xf32>
        %swap3A_317 = arith.constant 1 : i32
        %swap3A_318 = arith.index_cast %swap3A_317 : i32 to index
        %swap3A_319 = arith.constant 0 : index
        %swap3A_320 = tpu.vector_load %arg7[%swap3A_318, %swap3A_319] {strides = array<i32>} : memref<4x128xf32, #tpu.memory_space<vmem>>, vector<16xf32>,
        tpu.vector_store %arg7[%swap3A_318, %swap3A_319], %mul3A_316 {strides = array<i32>} : memref<4x128xf32, #tpu.memory_space<vmem>>, vector<16xf32>,
        %get3A_321 = arith.constant 16 : index
        %get3A_322 = tpu.vector_load %arg22[%get3A_321] {strides = array<i32>} : memref<128xf32, #tpu.memory_space<vmem>>, vector<16xf32>,
        %mul3A_323 = arith.mulf %broadcast_in_dim3A_277, %get3A_322 : vector<16xf32>
        %sub3A_324 = arith.subf %scan3A_298#1, %mul3A_323 : vector<16xf32>
        %mul3A_325 = arith.mulf %sub3A_324, %div3A_311 : vector<16xf32>
        %swap3A_326 = arith.constant 1 : i32
        %swap3A_327 = arith.index_cast %swap3A_326 : i32 to index
        %swap3A_328 = arith.constant 16 : index
        %swap3A_329 = tpu.vector_load %arg7[%swap3A_327, %swap3A_328] {strides = array<i32>} : memref<4x128xf32, #tpu.memory_space<vmem>>, vector<16xf32>,
        tpu.vector_store %arg7[%swap3A_327, %swap3A_328], %mul3A_325 {strides = array<i32>} : memref<4x128xf32, #tpu.memory_space<vmem>>, vector<16xf32>,
        %get3A_330 = arith.constant 32 : index
        %get3A_331 = tpu.vector_load %arg22[%get3A_330] {strides = array<i32>} : memref<128xf32, #tpu.memory_space<vmem>>, vector<16xf32>,
        %mul3A_332 = arith.mulf %broadcast_in_dim3A_277, %get3A_331 : vector<16xf32>
        %sub3A_333 = arith.subf %scan3A_298#2, %mul3A_332 : vector<16xf32>
        %mul3A_334 = arith.mulf %sub3A_333, %div3A_311 : vector<16xf32>
        %swap3A_335 = arith.constant 1 : i32
        %swap3A_336 = arith.index_cast %swap3A_335 : i32 to index
        %swap3A_337 = arith.constant 32 : index
        %swap3A_338 = tpu.vector_load %arg7[%swap3A_336, %swap3A_337] {strides = array<i32>} : memref<4x128xf32, #tpu.memory_space<vmem>>, vector<16xf32>,
        tpu.vector_store %arg7[%swap3A_336, %swap3A_337], %mul3A_334 {strides = array<i32>} : memref<4x128xf32, #tpu.memory_space<vmem>>, vector<16xf32>,
        %get3A_339 = arith.constant 48 : index
        %get3A_340 = tpu.vector_load %arg22[%get3A_339] {strides = array<i32>} : memref<128xf32, #tpu.memory_space<vmem>>, vector<16xf32>,
        %mul3A_341 = arith.mulf %broadcast_in_dim3A_277, %get3A_340 : vector<16xf32>
        %sub3A_342 = arith.subf %scan3A_298#3, %mul3A_341 : vector<16xf32>
        %mul3A_343 = arith.mulf %sub3A_342, %div3A_311 : vector<16xf32>
        %swap3A_344 = arith.constant 1 : i32
        %swap3A_345 = arith.index_cast %swap3A_344 : i32 to index
        %swap3A_346 = arith.constant 48 : index
        %swap3A_347 = tpu.vector_load %arg7[%swap3A_345, %swap3A_346] {strides = array<i32>} : memref<4x128xf32, #tpu.memory_space<vmem>>, vector<16xf32>,
        tpu.vector_store %arg7[%swap3A_345, %swap3A_346], %mul3A_343 {strides = array<i32>} : memref<4x128xf32, #tpu.memory_space<vmem>>, vector<16xf32>,
        %get3A_348 = arith.constant 64 : index
        %get3A_349 = tpu.vector_load %arg22[%get3A_348] {strides = array<i32>} : memref<128xf32, #tpu.memory_space<vmem>>, vector<16xf32>,
        %mul3A_350 = arith.mulf %broadcast_in_dim3A_277, %get3A_349 : vector<16xf32>
        %sub3A_351 = arith.subf %scan3A_298#4, %mul3A_350 : vector<16xf32>
        %mul3A_352 = arith.mulf %sub3A_351, %div3A_311 : vector<16xf32>
        %swap3A_353 = arith.constant 1 : i32
        %swap3A_354 = arith.index_cast %swap3A_353 : i32 to index
        %swap3A_355 = arith.constant 64 : index
        %swap3A_356 = tpu.vector_load %arg7[%swap3A_354, %swap3A_355] {strides = array<i32>} : memref<4x128xf32, #tpu.memory_space<vmem>>, vector<16xf32>,
        tpu.vector_store %arg7[%swap3A_354, %swap3A_355], %mul3A_352 {strides = array<i32>} : memref<4x128xf32, #tpu.memory_space<vmem>>, vector<16xf32>,
        %get3A_357 = arith.constant 80 : index
        %get3A_358 = tpu.vector_load %arg22[%get3A_357] {strides = array<i32>} : memref<128xf32, #tpu.memory_space<vmem>>, vector<16xf32>,
        %mul3A_359 = arith.mulf %broadcast_in_dim3A_277, %get3A_358 : vector<16xf32>
        %sub3A_360 = arith.subf %scan3A_298#5, %mul3A_359 : vector<16xf32>
        %mul3A_361 = arith.mulf %sub3A_360, %div3A_311 : vector<16xf32>
        %swap3A_362 = arith.constant 1 : i32
        %swap3A_363 = arith.index_cast %swap3A_362 : i32 to index
        %swap3A_364 = arith.constant 80 : index
        %swap3A_365 = tpu.vector_load %arg7[%swap3A_363, %swap3A_364] {strides = array<i32>} : memref<4x128xf32, #tpu.memory_space<vmem>>, vector<16xf32>,
        tpu.vector_store %arg7[%swap3A_363, %swap3A_364], %mul3A_361 {strides = array<i32>} : memref<4x128xf32, #tpu.memory_space<vmem>>, vector<16xf32>,
        %get3A_366 = arith.constant 96 : index
        %get3A_367 = tpu.vector_load %arg22[%get3A_366] {strides = array<i32>} : memref<128xf32, #tpu.memory_space<vmem>>, vector<16xf32>,
        %mul3A_368 = arith.mulf %broadcast_in_dim3A_277, %get3A_367 : vector<16xf32>
        %sub3A_369 = arith.subf %scan3A_298#6, %mul3A_368 : vector<16xf32>
        %mul3A_370 = arith.mulf %sub3A_369, %div3A_311 : vector<16xf32>
        %swap3A_371 = arith.constant 1 : i32
        %swap3A_372 = arith.index_cast %swap3A_371 : i32 to index
        %swap3A_373 = arith.constant 96 : index
        %swap3A_374 = tpu.vector_load %arg7[%swap3A_372, %swap3A_373] {strides = array<i32>} : memref<4x128xf32, #tpu.memory_space<vmem>>, vector<16xf32>,
        tpu.vector_store %arg7[%swap3A_372, %swap3A_373], %mul3A_370 {strides = array<i32>} : memref<4x128xf32, #tpu.memory_space<vmem>>, vector<16xf32>,
        %get3A_375 = arith.constant 112 : index
        %get3A_376 = tpu.vector_load %arg22[%get3A_375] {strides = array<i32>} : memref<128xf32, #tpu.memory_space<vmem>>, vector<16xf32>,
        %mul3A_377 = arith.mulf %broadcast_in_dim3A_277, %get3A_376 : vector<16xf32>
        %sub3A_378 = arith.subf %scan3A_298#7, %mul3A_377 : vector<16xf32>
        %mul3A_379 = arith.mulf %sub3A_378, %div3A_311 : vector<16xf32>
        %swap3A_380 = arith.constant 1 : i32
        %swap3A_381 = arith.index_cast %swap3A_380 : i32 to index
        %swap3A_382 = arith.constant 112 : index
        %swap3A_383 = tpu.vector_load %arg7[%swap3A_381, %swap3A_382] {strides = array<i32>} : memref<4x128xf32, #tpu.memory_space<vmem>>, vector<16xf32>,
        tpu.vector_store %arg7[%swap3A_381, %swap3A_382], %mul3A_379 {strides = array<i32>} : memref<4x128xf32, #tpu.memory_space<vmem>>, vector<16xf32>,
        %mul3A_384 = arith.constant 128 : i32
        %mul3A_385 = arith.muli %add3A_62, %mul3A_384 : i32
        %add3A_386 = arith.addi %mul3A_10, %mul3A_385 : i32
        %add3A_387 = arith.constant 64 : i32
        %add3A_388 = arith.addi %add3A_386, %add3A_387 : i32
        %get3A_389 = arith.index_cast %add3A_388 : i32 to index
        %get3A_390 = tpu.vector_load %arg5[%get3A_389] {strides = array<i32>} : memref<10112xi32, #tpu.memory_space<vmem>>, vector<16xi32>,
        %mul3A_391 = arith.constant 128 : i32
        %mul3A_392 = arith.muli %add3A_62, %mul3A_391 : i32
        %add3A_393 = arith.addi %mul3A_10, %mul3A_392 : i32
        %add3A_394 = arith.constant 64 : i32
        %add3A_395 = arith.addi %add3A_393, %add3A_394 : i32
        %add3A_396 = arith.constant 16 : i32
        %add3A_397 = arith.addi %add3A_395, %add3A_396 : i32
        %get3A_398 = arith.index_cast %add3A_397 : i32 to index
        %get3A_399 = tpu.vector_load %arg5[%get3A_398] {strides = array<i32>} : memref<10112xi32, #tpu.memory_space<vmem>>, vector<16xi32>,
        %eq3A_400 = arith.constant 0 : i32
        %eq3A_401 = vector.broadcast %eq3A_400 : i32 to vector<16xi32>
        %eq3A_402 = arith.cmpi eq, %get3A_390, %eq3A_401 : vector<16xi32>
        %jit3A_403 = arith.constant 1.000000e+00 : f32
        %jit3A_404 = arith.constant 0.000000e+00 : f32
        %broadcast_in_dim3A_405 = vector.broadcast %jit3A_403 : f32 to vector<16xf32>
        %broadcast_in_dim3A_406 = vector.broadcast %jit3A_404 : f32 to vector<16xf32>
        %select_n3A_407 = arith.select %eq3A_402, %broadcast_in_dim3A_405, %broadcast_in_dim3A_406 : vector<16xi1>, vector<16xf32>
        %eq3A_408 = arith.constant 0 : i32
        %eq3A_409 = vector.broadcast %eq3A_408 : i32 to vector<16xi32>
        %eq3A_410 = arith.cmpi eq, %get3A_399, %eq3A_409 : vector<16xi32>
        %jit3A_411 = arith.constant 1.000000e+00 : f32
        %jit3A_412 = arith.constant 0.000000e+00 : f32
        %broadcast_in_dim3A_413 = vector.broadcast %jit3A_411 : f32 to vector<16xf32>
        %broadcast_in_dim3A_414 = vector.broadcast %jit3A_412 : f32 to vector<16xf32>
        %select_n3A_415 = arith.select %eq3A_410, %broadcast_in_dim3A_413, %broadcast_in_dim3A_414 : vector<16xi1>, vector<16xf32>
        %add3A_416 = arith.addf %select_n3A_407, %select_n3A_415 : vector<16xf32>
        %reduce_sum3A_417 = arith.constant true
        %reduce_sum3A_418 = vector.broadcast %reduce_sum3A_417 : i1 to vector<16xi1>
        %reduce_sum3A_419 = tpu.scan <sum>, %add3A_416 masked %reduce_sum3A_418 : vector<16xf32>, vector<16xi1> -> vector<16xf32>
        %reduce_sum3A_420 = vector.extract %reduce_sum3A_419[15] : f32 from vector<16xf32>
        %broadcast_in_dim3A_421 = vector.broadcast %reduce_sum3A_420 : f32 to vector<16xf32>
        %broadcast_in_dim3A_422 = arith.constant 0.000000e+00 : f32
        %broadcast_in_dim3A_423 = vector.broadcast %broadcast_in_dim3A_422 : f32 to vector<16xf32>
        %broadcast_in_dim3A_424 = arith.constant 0.000000e+00 : f32
        %broadcast_in_dim3A_425 = vector.broadcast %broadcast_in_dim3A_424 : f32 to vector<16xf32>
        %broadcast_in_dim3A_426 = arith.constant 0.000000e+00 : f32
        %broadcast_in_dim3A_427 = vector.broadcast %broadcast_in_dim3A_426 : f32 to vector<16xf32>
        %broadcast_in_dim3A_428 = arith.constant 0.000000e+00 : f32
        %broadcast_in_dim3A_429 = vector.broadcast %broadcast_in_dim3A_428 : f32 to vector<16xf32>
        %broadcast_in_dim3A_430 = arith.constant 0.000000e+00 : f32
        %broadcast_in_dim3A_431 = vector.broadcast %broadcast_in_dim3A_430 : f32 to vector<16xf32>
        %broadcast_in_dim3A_432 = arith.constant 0.000000e+00 : f32
        %broadcast_in_dim3A_433 = vector.broadcast %broadcast_in_dim3A_432 : f32 to vector<16xf32>
        %broadcast_in_dim3A_434 = arith.constant 0.000000e+00 : f32
        %broadcast_in_dim3A_435 = vector.broadcast %broadcast_in_dim3A_434 : f32 to vector<16xf32>
        %broadcast_in_dim3A_436 = arith.constant 0.000000e+00 : f32
        %broadcast_in_dim3A_437 = vector.broadcast %broadcast_in_dim3A_436 : f32 to vector<16xf32>
        %scan3A_438 = arith.constant 0 : i32
        %scan3A_439 = arith.constant 32 : i32
        %scan3A_440 = arith.addi %scan3A_438, %scan3A_439 : i32
        %scan3A_441 = arith.constant 1 : i32
        %scan3A_442:8 = scf.for %scan3A_684 = %scan3A_438 to %scan3A_440 step %scan3A_441 iter_args(%scan3A_685 = %broadcast_in_dim3A_423, %scan3A_686 = %broadcast_in_dim3A_425, %scan3A_687 = %broadcast_in_dim3A_427, %scan3A_688 = %broadcast_in_dim3A_429, %scan3A_689 = %broadcast_in_dim3A_431, %scan3A_690 = %broadcast_in_dim3A_433, %scan3A_691 = %broadcast_in_dim3A_435, %scan3A_692 = %broadcast_in_dim3A_437) -> (vector<16xf32>, vector<16xf32>, vector<16xf32>, vector<16xf32>, vector<16xf32>, vector<16xf32>, vector<16xf32>, vector<16xf32>)  : i32 {
          %add3A_693 = arith.constant 64 : i32
          %add3A_694 = arith.addi %add3A_693, %scan3A_684 : i32
          %get3A_695 = arith.index_cast %add3A_694 : i32 to index
          %get3A_696 = arith.constant 0 : index
          %get3A_697 = tpu.vector_load %arg6[%get3A_695, %get3A_696] {strides = array<i32>} : memref<128x128xf32, #tpu.memory_space<vmem>>, vector<16xf32>,
          %add3A_698 = arith.addf %scan3A_685, %get3A_697 : vector<16xf32>
          %get3A_699 = arith.index_cast %add3A_694 : i32 to index
          %get3A_700 = arith.constant 16 : index
          %get3A_701 = tpu.vector_load %arg6[%get3A_699, %get3A_700] {strides = array<i32>} : memref<128x128xf32, #tpu.memory_space<vmem>>, vector<16xf32>,
          %add3A_702 = arith.addf %scan3A_686, %get3A_701 : vector<16xf32>
          %get3A_703 = arith.index_cast %add3A_694 : i32 to index
          %get3A_704 = arith.constant 32 : index
          %get3A_705 = tpu.vector_load %arg6[%get3A_703, %get3A_704] {strides = array<i32>} : memref<128x128xf32, #tpu.memory_space<vmem>>, vector<16xf32>,
          %add3A_706 = arith.addf %scan3A_687, %get3A_705 : vector<16xf32>
          %get3A_707 = arith.index_cast %add3A_694 : i32 to index
          %get3A_708 = arith.constant 48 : index
          %get3A_709 = tpu.vector_load %arg6[%get3A_707, %get3A_708] {strides = array<i32>} : memref<128x128xf32, #tpu.memory_space<vmem>>, vector<16xf32>,
          %add3A_710 = arith.addf %scan3A_688, %get3A_709 : vector<16xf32>
          %get3A_711 = arith.index_cast %add3A_694 : i32 to index
          %get3A_712 = arith.constant 64 : index
          %get3A_713 = tpu.vector_load %arg6[%get3A_711, %get3A_712] {strides = array<i32>} : memref<128x128xf32, #tpu.memory_space<vmem>>, vector<16xf32>,
          %add3A_714 = arith.addf %scan3A_689, %get3A_713 : vector<16xf32>
          %get3A_715 = arith.index_cast %add3A_694 : i32 to index
          %get3A_716 = arith.constant 80 : index
          %get3A_717 = tpu.vector_load %arg6[%get3A_715, %get3A_716] {strides = array<i32>} : memref<128x128xf32, #tpu.memory_space<vmem>>, vector<16xf32>,
          %add3A_718 = arith.addf %scan3A_690, %get3A_717 : vector<16xf32>
          %get3A_719 = arith.index_cast %add3A_694 : i32 to index
          %get3A_720 = arith.constant 96 : index
          %get3A_721 = tpu.vector_load %arg6[%get3A_719, %get3A_720] {strides = array<i32>} : memref<128x128xf32, #tpu.memory_space<vmem>>, vector<16xf32>,
          %add3A_722 = arith.addf %scan3A_691, %get3A_721 : vector<16xf32>
          %get3A_723 = arith.index_cast %add3A_694 : i32 to index
          %get3A_724 = arith.constant 112 : index
          %get3A_725 = tpu.vector_load %arg6[%get3A_723, %get3A_724] {strides = array<i32>} : memref<128x128xf32, #tpu.memory_space<vmem>>, vector<16xf32>,
          %add3A_726 = arith.addf %scan3A_692, %get3A_725 : vector<16xf32>
          scf.yield %add3A_698, %add3A_702, %add3A_706, %add3A_710, %add3A_714, %add3A_718, %add3A_722, %add3A_726 : vector<16xf32>, vector<16xf32>, vector<16xf32>, vector<16xf32>, vector<16xf32>, vector<16xf32>, vector<16xf32>, vector<16xf32>
        }
        %scan3A_443 = arith.constant 32 : i32
        %sub3A_444 = arith.constant 3.200000e+01 : f32
        %sub3A_445 = vector.broadcast %sub3A_444 : f32 to vector<16xf32>
        %sub3A_446 = arith.subf %sub3A_445, %broadcast_in_dim3A_421 : vector<16xf32>
        %eq3A_447 = arith.constant 0.000000e+00 : f32
        %eq3A_448 = vector.broadcast %eq3A_447 : f32 to vector<16xf32>
        %eq3A_449 = arith.cmpf oeq, %sub3A_446, %eq3A_448 : vector<16xf32>
        %jit3A_450 = arith.constant 1.000000e+00 : f32
        %broadcast_in_dim3A_451 = vector.broadcast %jit3A_450 : f32 to vector<16xf32>
        %select_n3A_452 = arith.select %eq3A_449, %broadcast_in_dim3A_451, %sub3A_446 : vector<16xi1>, vector<16xf32>
        %div3A_453 = arith.constant 1.000000e+00 : f32
        %div3A_454 = vector.broadcast %div3A_453 : f32 to vector<16xf32>
        %div3A_455 = arith.divf %div3A_454, %select_n3A_452 : vector<16xf32>
        %get3A_456 = arith.constant 0 : index
        %get3A_457 = tpu.vector_load %arg22[%get3A_456] {strides = array<i32>} : memref<128xf32, #tpu.memory_space<vmem>>, vector<16xf32>,
        %mul3A_458 = arith.mulf %broadcast_in_dim3A_421, %get3A_457 : vector<16xf32>
        %sub3A_459 = arith.subf %scan3A_442#0, %mul3A_458 : vector<16xf32>
        %mul3A_460 = arith.mulf %sub3A_459, %div3A_455 : vector<16xf32>
        %swap3A_461 = arith.constant 2 : i32
        %swap3A_462 = arith.index_cast %swap3A_461 : i32 to index
        %swap3A_463 = arith.constant 0 : index
        %swap3A_464 = tpu.vector_load %arg7[%swap3A_462, %swap3A_463] {strides = array<i32>} : memref<4x128xf32, #tpu.memory_space<vmem>>, vector<16xf32>,
        tpu.vector_store %arg7[%swap3A_462, %swap3A_463], %mul3A_460 {strides = array<i32>} : memref<4x128xf32, #tpu.memory_space<vmem>>, vector<16xf32>,
        %get3A_465 = arith.constant 16 : index
        %get3A_466 = tpu.vector_load %arg22[%get3A_465] {strides = array<i32>} : memref<128xf32, #tpu.memory_space<vmem>>, vector<16xf32>,
        %mul3A_467 = arith.mulf %broadcast_in_dim3A_421, %get3A_466 : vector<16xf32>
        %sub3A_468 = arith.subf %scan3A_442#1, %mul3A_467 : vector<16xf32>
        %mul3A_469 = arith.mulf %sub3A_468, %div3A_455 : vector<16xf32>
        %swap3A_470 = arith.constant 2 : i32
        %swap3A_471 = arith.index_cast %swap3A_470 : i32 to index
        %swap3A_472 = arith.constant 16 : index
        %swap3A_473 = tpu.vector_load %arg7[%swap3A_471, %swap3A_472] {strides = array<i32>} : memref<4x128xf32, #tpu.memory_space<vmem>>, vector<16xf32>,
        tpu.vector_store %arg7[%swap3A_471, %swap3A_472], %mul3A_469 {strides = array<i32>} : memref<4x128xf32, #tpu.memory_space<vmem>>, vector<16xf32>,
        %get3A_474 = arith.constant 32 : index
        %get3A_475 = tpu.vector_load %arg22[%get3A_474] {strides = array<i32>} : memref<128xf32, #tpu.memory_space<vmem>>, vector<16xf32>,
        %mul3A_476 = arith.mulf %broadcast_in_dim3A_421, %get3A_475 : vector<16xf32>
        %sub3A_477 = arith.subf %scan3A_442#2, %mul3A_476 : vector<16xf32>
        %mul3A_478 = arith.mulf %sub3A_477, %div3A_455 : vector<16xf32>
        %swap3A_479 = arith.constant 2 : i32
        %swap3A_480 = arith.index_cast %swap3A_479 : i32 to index
        %swap3A_481 = arith.constant 32 : index
        %swap3A_482 = tpu.vector_load %arg7[%swap3A_480, %swap3A_481] {strides = array<i32>} : memref<4x128xf32, #tpu.memory_space<vmem>>, vector<16xf32>,
        tpu.vector_store %arg7[%swap3A_480, %swap3A_481], %mul3A_478 {strides = array<i32>} : memref<4x128xf32, #tpu.memory_space<vmem>>, vector<16xf32>,
        %get3A_483 = arith.constant 48 : index
        %get3A_484 = tpu.vector_load %arg22[%get3A_483] {strides = array<i32>} : memref<128xf32, #tpu.memory_space<vmem>>, vector<16xf32>,
        %mul3A_485 = arith.mulf %broadcast_in_dim3A_421, %get3A_484 : vector<16xf32>
        %sub3A_486 = arith.subf %scan3A_442#3, %mul3A_485 : vector<16xf32>
        %mul3A_487 = arith.mulf %sub3A_486, %div3A_455 : vector<16xf32>
        %swap3A_488 = arith.constant 2 : i32
        %swap3A_489 = arith.index_cast %swap3A_488 : i32 to index
        %swap3A_490 = arith.constant 48 : index
        %swap3A_491 = tpu.vector_load %arg7[%swap3A_489, %swap3A_490] {strides = array<i32>} : memref<4x128xf32, #tpu.memory_space<vmem>>, vector<16xf32>,
        tpu.vector_store %arg7[%swap3A_489, %swap3A_490], %mul3A_487 {strides = array<i32>} : memref<4x128xf32, #tpu.memory_space<vmem>>, vector<16xf32>,
        %get3A_492 = arith.constant 64 : index
        %get3A_493 = tpu.vector_load %arg22[%get3A_492] {strides = array<i32>} : memref<128xf32, #tpu.memory_space<vmem>>, vector<16xf32>,
        %mul3A_494 = arith.mulf %broadcast_in_dim3A_421, %get3A_493 : vector<16xf32>
        %sub3A_495 = arith.subf %scan3A_442#4, %mul3A_494 : vector<16xf32>
        %mul3A_496 = arith.mulf %sub3A_495, %div3A_455 : vector<16xf32>
        %swap3A_497 = arith.constant 2 : i32
        %swap3A_498 = arith.index_cast %swap3A_497 : i32 to index
        %swap3A_499 = arith.constant 64 : index
        %swap3A_500 = tpu.vector_load %arg7[%swap3A_498, %swap3A_499] {strides = array<i32>} : memref<4x128xf32, #tpu.memory_space<vmem>>, vector<16xf32>,
        tpu.vector_store %arg7[%swap3A_498, %swap3A_499], %mul3A_496 {strides = array<i32>} : memref<4x128xf32, #tpu.memory_space<vmem>>, vector<16xf32>,
        %get3A_501 = arith.constant 80 : index
        %get3A_502 = tpu.vector_load %arg22[%get3A_501] {strides = array<i32>} : memref<128xf32, #tpu.memory_space<vmem>>, vector<16xf32>,
        %mul3A_503 = arith.mulf %broadcast_in_dim3A_421, %get3A_502 : vector<16xf32>
        %sub3A_504 = arith.subf %scan3A_442#5, %mul3A_503 : vector<16xf32>
        %mul3A_505 = arith.mulf %sub3A_504, %div3A_455 : vector<16xf32>
        %swap3A_506 = arith.constant 2 : i32
        %swap3A_507 = arith.index_cast %swap3A_506 : i32 to index
        %swap3A_508 = arith.constant 80 : index
        %swap3A_509 = tpu.vector_load %arg7[%swap3A_507, %swap3A_508] {strides = array<i32>} : memref<4x128xf32, #tpu.memory_space<vmem>>, vector<16xf32>,
        tpu.vector_store %arg7[%swap3A_507, %swap3A_508], %mul3A_505 {strides = array<i32>} : memref<4x128xf32, #tpu.memory_space<vmem>>, vector<16xf32>,
        %get3A_510 = arith.constant 96 : index
        %get3A_511 = tpu.vector_load %arg22[%get3A_510] {strides = array<i32>} : memref<128xf32, #tpu.memory_space<vmem>>, vector<16xf32>,
        %mul3A_512 = arith.mulf %broadcast_in_dim3A_421, %get3A_511 : vector<16xf32>
        %sub3A_513 = arith.subf %scan3A_442#6, %mul3A_512 : vector<16xf32>
        %mul3A_514 = arith.mulf %sub3A_513, %div3A_455 : vector<16xf32>
        %swap3A_515 = arith.constant 2 : i32
        %swap3A_516 = arith.index_cast %swap3A_515 : i32 to index
        %swap3A_517 = arith.constant 96 : index
        %swap3A_518 = tpu.vector_load %arg7[%swap3A_516, %swap3A_517] {strides = array<i32>} : memref<4x128xf32, #tpu.memory_space<vmem>>, vector<16xf32>,
        tpu.vector_store %arg7[%swap3A_516, %swap3A_517], %mul3A_514 {strides = array<i32>} : memref<4x128xf32, #tpu.memory_space<vmem>>, vector<16xf32>,
        %get3A_519 = arith.constant 112 : index
        %get3A_520 = tpu.vector_load %arg22[%get3A_519] {strides = array<i32>} : memref<128xf32, #tpu.memory_space<vmem>>, vector<16xf32>,
        %mul3A_521 = arith.mulf %broadcast_in_dim3A_421, %get3A_520 : vector<16xf32>
        %sub3A_522 = arith.subf %scan3A_442#7, %mul3A_521 : vector<16xf32>
        %mul3A_523 = arith.mulf %sub3A_522, %div3A_455 : vector<16xf32>
        %swap3A_524 = arith.constant 2 : i32
        %swap3A_525 = arith.index_cast %swap3A_524 : i32 to index
        %swap3A_526 = arith.constant 112 : index
        %swap3A_527 = tpu.vector_load %arg7[%swap3A_525, %swap3A_526] {strides = array<i32>} : memref<4x128xf32, #tpu.memory_space<vmem>>, vector<16xf32>,
        tpu.vector_store %arg7[%swap3A_525, %swap3A_526], %mul3A_523 {strides = array<i32>} : memref<4x128xf32, #tpu.memory_space<vmem>>, vector<16xf32>,
        %mul3A_528 = arith.constant 128 : i32
        %mul3A_529 = arith.muli %add3A_62, %mul3A_528 : i32
        %add3A_530 = arith.addi %mul3A_10, %mul3A_529 : i32
        %add3A_531 = arith.constant 96 : i32
        %add3A_532 = arith.addi %add3A_530, %add3A_531 : i32
        %get3A_533 = arith.index_cast %add3A_532 : i32 to index
        %get3A_534 = tpu.vector_load %arg5[%get3A_533] {strides = array<i32>} : memref<10112xi32, #tpu.memory_space<vmem>>, vector<16xi32>,
        %mul3A_535 = arith.constant 128 : i32
        %mul3A_536 = arith.muli %add3A_62, %mul3A_535 : i32
        %add3A_537 = arith.addi %mul3A_10, %mul3A_536 : i32
        %add3A_538 = arith.constant 96 : i32
        %add3A_539 = arith.addi %add3A_537, %add3A_538 : i32
        %add3A_540 = arith.constant 16 : i32
        %add3A_541 = arith.addi %add3A_539, %add3A_540 : i32
        %get3A_542 = arith.index_cast %add3A_541 : i32 to index
        %get3A_543 = tpu.vector_load %arg5[%get3A_542] {strides = array<i32>} : memref<10112xi32, #tpu.memory_space<vmem>>, vector<16xi32>,
        %eq3A_544 = arith.constant 0 : i32
        %eq3A_545 = vector.broadcast %eq3A_544 : i32 to vector<16xi32>
        %eq3A_546 = arith.cmpi eq, %get3A_534, %eq3A_545 : vector<16xi32>
        %jit3A_547 = arith.constant 1.000000e+00 : f32
        %jit3A_548 = arith.constant 0.000000e+00 : f32
        %broadcast_in_dim3A_549 = vector.broadcast %jit3A_547 : f32 to vector<16xf32>
        %broadcast_in_dim3A_550 = vector.broadcast %jit3A_548 : f32 to vector<16xf32>
        %select_n3A_551 = arith.select %eq3A_546, %broadcast_in_dim3A_549, %broadcast_in_dim3A_550 : vector<16xi1>, vector<16xf32>
        %eq3A_552 = arith.constant 0 : i32
        %eq3A_553 = vector.broadcast %eq3A_552 : i32 to vector<16xi32>
        %eq3A_554 = arith.cmpi eq, %get3A_543, %eq3A_553 : vector<16xi32>
        %jit3A_555 = arith.constant 1.000000e+00 : f32
        %jit3A_556 = arith.constant 0.000000e+00 : f32
        %broadcast_in_dim3A_557 = vector.broadcast %jit3A_555 : f32 to vector<16xf32>
        %broadcast_in_dim3A_558 = vector.broadcast %jit3A_556 : f32 to vector<16xf32>
        %select_n3A_559 = arith.select %eq3A_554, %broadcast_in_dim3A_557, %broadcast_in_dim3A_558 : vector<16xi1>, vector<16xf32>
        %add3A_560 = arith.addf %select_n3A_551, %select_n3A_559 : vector<16xf32>
        %reduce_sum3A_561 = arith.constant true
        %reduce_sum3A_562 = vector.broadcast %reduce_sum3A_561 : i1 to vector<16xi1>
        %reduce_sum3A_563 = tpu.scan <sum>, %add3A_560 masked %reduce_sum3A_562 : vector<16xf32>, vector<16xi1> -> vector<16xf32>
        %reduce_sum3A_564 = vector.extract %reduce_sum3A_563[15] : f32 from vector<16xf32>
        %broadcast_in_dim3A_565 = vector.broadcast %reduce_sum3A_564 : f32 to vector<16xf32>
        %broadcast_in_dim3A_566 = arith.constant 0.000000e+00 : f32
        %broadcast_in_dim3A_567 = vector.broadcast %broadcast_in_dim3A_566 : f32 to vector<16xf32>
        %broadcast_in_dim3A_568 = arith.constant 0.000000e+00 : f32
        %broadcast_in_dim3A_569 = vector.broadcast %broadcast_in_dim3A_568 : f32 to vector<16xf32>
        %broadcast_in_dim3A_570 = arith.constant 0.000000e+00 : f32
        %broadcast_in_dim3A_571 = vector.broadcast %broadcast_in_dim3A_570 : f32 to vector<16xf32>
        %broadcast_in_dim3A_572 = arith.constant 0.000000e+00 : f32
        %broadcast_in_dim3A_573 = vector.broadcast %broadcast_in_dim3A_572 : f32 to vector<16xf32>
        %broadcast_in_dim3A_574 = arith.constant 0.000000e+00 : f32
        %broadcast_in_dim3A_575 = vector.broadcast %broadcast_in_dim3A_574 : f32 to vector<16xf32>
        %broadcast_in_dim3A_576 = arith.constant 0.000000e+00 : f32
        %broadcast_in_dim3A_577 = vector.broadcast %broadcast_in_dim3A_576 : f32 to vector<16xf32>
        %broadcast_in_dim3A_578 = arith.constant 0.000000e+00 : f32
        %broadcast_in_dim3A_579 = vector.broadcast %broadcast_in_dim3A_578 : f32 to vector<16xf32>
        %broadcast_in_dim3A_580 = arith.constant 0.000000e+00 : f32
        %broadcast_in_dim3A_581 = vector.broadcast %broadcast_in_dim3A_580 : f32 to vector<16xf32>
        %scan3A_582 = arith.constant 0 : i32
        %scan3A_583 = arith.constant 32 : i32
        %scan3A_584 = arith.addi %scan3A_582, %scan3A_583 : i32
        %scan3A_585 = arith.constant 1 : i32
        %scan3A_586:8 = scf.for %scan3A_684 = %scan3A_582 to %scan3A_584 step %scan3A_585 iter_args(%scan3A_685 = %broadcast_in_dim3A_567, %scan3A_686 = %broadcast_in_dim3A_569, %scan3A_687 = %broadcast_in_dim3A_571, %scan3A_688 = %broadcast_in_dim3A_573, %scan3A_689 = %broadcast_in_dim3A_575, %scan3A_690 = %broadcast_in_dim3A_577, %scan3A_691 = %broadcast_in_dim3A_579, %scan3A_692 = %broadcast_in_dim3A_581) -> (vector<16xf32>, vector<16xf32>, vector<16xf32>, vector<16xf32>, vector<16xf32>, vector<16xf32>, vector<16xf32>, vector<16xf32>)  : i32 {
          %add3A_693 = arith.constant 96 : i32
          %add3A_694 = arith.addi %add3A_693, %scan3A_684 : i32
          %get3A_695 = arith.index_cast %add3A_694 : i32 to index
          %get3A_696 = arith.constant 0 : index
          %get3A_697 = tpu.vector_load %arg6[%get3A_695, %get3A_696] {strides = array<i32>} : memref<128x128xf32, #tpu.memory_space<vmem>>, vector<16xf32>,
          %add3A_698 = arith.addf %scan3A_685, %get3A_697 : vector<16xf32>
          %get3A_699 = arith.index_cast %add3A_694 : i32 to index
          %get3A_700 = arith.constant 16 : index
          %get3A_701 = tpu.vector_load %arg6[%get3A_699, %get3A_700] {strides = array<i32>} : memref<128x128xf32, #tpu.memory_space<vmem>>, vector<16xf32>,
          %add3A_702 = arith.addf %scan3A_686, %get3A_701 : vector<16xf32>
          %get3A_703 = arith.index_cast %add3A_694 : i32 to index
          %get3A_704 = arith.constant 32 : index
          %get3A_705 = tpu.vector_load %arg6[%get3A_703, %get3A_704] {strides = array<i32>} : memref<128x128xf32, #tpu.memory_space<vmem>>, vector<16xf32>,
          %add3A_706 = arith.addf %scan3A_687, %get3A_705 : vector<16xf32>
          %get3A_707 = arith.index_cast %add3A_694 : i32 to index
          %get3A_708 = arith.constant 48 : index
          %get3A_709 = tpu.vector_load %arg6[%get3A_707, %get3A_708] {strides = array<i32>} : memref<128x128xf32, #tpu.memory_space<vmem>>, vector<16xf32>,
          %add3A_710 = arith.addf %scan3A_688, %get3A_709 : vector<16xf32>
          %get3A_711 = arith.index_cast %add3A_694 : i32 to index
          %get3A_712 = arith.constant 64 : index
          %get3A_713 = tpu.vector_load %arg6[%get3A_711, %get3A_712] {strides = array<i32>} : memref<128x128xf32, #tpu.memory_space<vmem>>, vector<16xf32>,
          %add3A_714 = arith.addf %scan3A_689, %get3A_713 : vector<16xf32>
          %get3A_715 = arith.index_cast %add3A_694 : i32 to index
          %get3A_716 = arith.constant 80 : index
          %get3A_717 = tpu.vector_load %arg6[%get3A_715, %get3A_716] {strides = array<i32>} : memref<128x128xf32, #tpu.memory_space<vmem>>, vector<16xf32>,
          %add3A_718 = arith.addf %scan3A_690, %get3A_717 : vector<16xf32>
          %get3A_719 = arith.index_cast %add3A_694 : i32 to index
          %get3A_720 = arith.constant 96 : index
          %get3A_721 = tpu.vector_load %arg6[%get3A_719, %get3A_720] {strides = array<i32>} : memref<128x128xf32, #tpu.memory_space<vmem>>, vector<16xf32>,
          %add3A_722 = arith.addf %scan3A_691, %get3A_721 : vector<16xf32>
          %get3A_723 = arith.index_cast %add3A_694 : i32 to index
          %get3A_724 = arith.constant 112 : index
          %get3A_725 = tpu.vector_load %arg6[%get3A_723, %get3A_724] {strides = array<i32>} : memref<128x128xf32, #tpu.memory_space<vmem>>, vector<16xf32>,
          %add3A_726 = arith.addf %scan3A_692, %get3A_725 : vector<16xf32>
          scf.yield %add3A_698, %add3A_702, %add3A_706, %add3A_710, %add3A_714, %add3A_718, %add3A_722, %add3A_726 : vector<16xf32>, vector<16xf32>, vector<16xf32>, vector<16xf32>, vector<16xf32>, vector<16xf32>, vector<16xf32>, vector<16xf32>
        }
        %scan3A_587 = arith.constant 32 : i32
        %sub3A_588 = arith.constant 3.200000e+01 : f32
        %sub3A_589 = vector.broadcast %sub3A_588 : f32 to vector<16xf32>
        %sub3A_590 = arith.subf %sub3A_589, %broadcast_in_dim3A_565 : vector<16xf32>
        %eq3A_591 = arith.constant 0.000000e+00 : f32
        %eq3A_592 = vector.broadcast %eq3A_591 : f32 to vector<16xf32>
        %eq3A_593 = arith.cmpf oeq, %sub3A_590, %eq3A_592 : vector<16xf32>
        %jit3A_594 = arith.constant 1.000000e+00 : f32
        %broadcast_in_dim3A_595 = vector.broadcast %jit3A_594 : f32 to vector<16xf32>
        %select_n3A_596 = arith.select %eq3A_593, %broadcast_in_dim3A_595, %sub3A_590 : vector<16xi1>, vector<16xf32>
        %div3A_597 = arith.constant 1.000000e+00 : f32
        %div3A_598 = vector.broadcast %div3A_597 : f32 to vector<16xf32>
        %div3A_599 = arith.divf %div3A_598, %select_n3A_596 : vector<16xf32>
        %get3A_600 = arith.constant 0 : index
        %get3A_601 = tpu.vector_load %arg22[%get3A_600] {strides = array<i32>} : memref<128xf32, #tpu.memory_space<vmem>>, vector<16xf32>,
        %mul3A_602 = arith.mulf %broadcast_in_dim3A_565, %get3A_601 : vector<16xf32>
        %sub3A_603 = arith.subf %scan3A_586#0, %mul3A_602 : vector<16xf32>
        %mul3A_604 = arith.mulf %sub3A_603, %div3A_599 : vector<16xf32>
        %swap3A_605 = arith.constant 3 : i32
        %swap3A_606 = arith.index_cast %swap3A_605 : i32 to index
        %swap3A_607 = arith.constant 0 : index
        %swap3A_608 = tpu.vector_load %arg7[%swap3A_606, %swap3A_607] {strides = array<i32>} : memref<4x128xf32, #tpu.memory_space<vmem>>, vector<16xf32>,
        tpu.vector_store %arg7[%swap3A_606, %swap3A_607], %mul3A_604 {strides = array<i32>} : memref<4x128xf32, #tpu.memory_space<vmem>>, vector<16xf32>,
        %get3A_609 = arith.constant 16 : index
        %get3A_610 = tpu.vector_load %arg22[%get3A_609] {strides = array<i32>} : memref<128xf32, #tpu.memory_space<vmem>>, vector<16xf32>,
        %mul3A_611 = arith.mulf %broadcast_in_dim3A_565, %get3A_610 : vector<16xf32>
        %sub3A_612 = arith.subf %scan3A_586#1, %mul3A_611 : vector<16xf32>
        %mul3A_613 = arith.mulf %sub3A_612, %div3A_599 : vector<16xf32>
        %swap3A_614 = arith.constant 3 : i32
        %swap3A_615 = arith.index_cast %swap3A_614 : i32 to index
        %swap3A_616 = arith.constant 16 : index
        %swap3A_617 = tpu.vector_load %arg7[%swap3A_615, %swap3A_616] {strides = array<i32>} : memref<4x128xf32, #tpu.memory_space<vmem>>, vector<16xf32>,
        tpu.vector_store %arg7[%swap3A_615, %swap3A_616], %mul3A_613 {strides = array<i32>} : memref<4x128xf32, #tpu.memory_space<vmem>>, vector<16xf32>,
        %get3A_618 = arith.constant 32 : index
        %get3A_619 = tpu.vector_load %arg22[%get3A_618] {strides = array<i32>} : memref<128xf32, #tpu.memory_space<vmem>>, vector<16xf32>,
        %mul3A_620 = arith.mulf %broadcast_in_dim3A_565, %get3A_619 : vector<16xf32>
        %sub3A_621 = arith.subf %scan3A_586#2, %mul3A_620 : vector<16xf32>
        %mul3A_622 = arith.mulf %sub3A_621, %div3A_599 : vector<16xf32>
        %swap3A_623 = arith.constant 3 : i32
        %swap3A_624 = arith.index_cast %swap3A_623 : i32 to index
        %swap3A_625 = arith.constant 32 : index
        %swap3A_626 = tpu.vector_load %arg7[%swap3A_624, %swap3A_625] {strides = array<i32>} : memref<4x128xf32, #tpu.memory_space<vmem>>, vector<16xf32>,
        tpu.vector_store %arg7[%swap3A_624, %swap3A_625], %mul3A_622 {strides = array<i32>} : memref<4x128xf32, #tpu.memory_space<vmem>>, vector<16xf32>,
        %get3A_627 = arith.constant 48 : index
        %get3A_628 = tpu.vector_load %arg22[%get3A_627] {strides = array<i32>} : memref<128xf32, #tpu.memory_space<vmem>>, vector<16xf32>,
        %mul3A_629 = arith.mulf %broadcast_in_dim3A_565, %get3A_628 : vector<16xf32>
        %sub3A_630 = arith.subf %scan3A_586#3, %mul3A_629 : vector<16xf32>
        %mul3A_631 = arith.mulf %sub3A_630, %div3A_599 : vector<16xf32>
        %swap3A_632 = arith.constant 3 : i32
        %swap3A_633 = arith.index_cast %swap3A_632 : i32 to index
        %swap3A_634 = arith.constant 48 : index
        %swap3A_635 = tpu.vector_load %arg7[%swap3A_633, %swap3A_634] {strides = array<i32>} : memref<4x128xf32, #tpu.memory_space<vmem>>, vector<16xf32>,
        tpu.vector_store %arg7[%swap3A_633, %swap3A_634], %mul3A_631 {strides = array<i32>} : memref<4x128xf32, #tpu.memory_space<vmem>>, vector<16xf32>,
        %get3A_636 = arith.constant 64 : index
        %get3A_637 = tpu.vector_load %arg22[%get3A_636] {strides = array<i32>} : memref<128xf32, #tpu.memory_space<vmem>>, vector<16xf32>,
        %mul3A_638 = arith.mulf %broadcast_in_dim3A_565, %get3A_637 : vector<16xf32>
        %sub3A_639 = arith.subf %scan3A_586#4, %mul3A_638 : vector<16xf32>
        %mul3A_640 = arith.mulf %sub3A_639, %div3A_599 : vector<16xf32>
        %swap3A_641 = arith.constant 3 : i32
        %swap3A_642 = arith.index_cast %swap3A_641 : i32 to index
        %swap3A_643 = arith.constant 64 : index
        %swap3A_644 = tpu.vector_load %arg7[%swap3A_642, %swap3A_643] {strides = array<i32>} : memref<4x128xf32, #tpu.memory_space<vmem>>, vector<16xf32>,
        tpu.vector_store %arg7[%swap3A_642, %swap3A_643], %mul3A_640 {strides = array<i32>} : memref<4x128xf32, #tpu.memory_space<vmem>>, vector<16xf32>,
        %get3A_645 = arith.constant 80 : index
        %get3A_646 = tpu.vector_load %arg22[%get3A_645] {strides = array<i32>} : memref<128xf32, #tpu.memory_space<vmem>>, vector<16xf32>,
        %mul3A_647 = arith.mulf %broadcast_in_dim3A_565, %get3A_646 : vector<16xf32>
        %sub3A_648 = arith.subf %scan3A_586#5, %mul3A_647 : vector<16xf32>
        %mul3A_649 = arith.mulf %sub3A_648, %div3A_599 : vector<16xf32>
        %swap3A_650 = arith.constant 3 : i32
        %swap3A_651 = arith.index_cast %swap3A_650 : i32 to index
        %swap3A_652 = arith.constant 80 : index
        %swap3A_653 = tpu.vector_load %arg7[%swap3A_651, %swap3A_652] {strides = array<i32>} : memref<4x128xf32, #tpu.memory_space<vmem>>, vector<16xf32>,
        tpu.vector_store %arg7[%swap3A_651, %swap3A_652], %mul3A_649 {strides = array<i32>} : memref<4x128xf32, #tpu.memory_space<vmem>>, vector<16xf32>,
        %get3A_654 = arith.constant 96 : index
        %get3A_655 = tpu.vector_load %arg22[%get3A_654] {strides = array<i32>} : memref<128xf32, #tpu.memory_space<vmem>>, vector<16xf32>,
        %mul3A_656 = arith.mulf %broadcast_in_dim3A_565, %get3A_655 : vector<16xf32>
        %sub3A_657 = arith.subf %scan3A_586#6, %mul3A_656 : vector<16xf32>
        %mul3A_658 = arith.mulf %sub3A_657, %div3A_599 : vector<16xf32>
        %swap3A_659 = arith.constant 3 : i32
        %swap3A_660 = arith.index_cast %swap3A_659 : i32 to index
        %swap3A_661 = arith.constant 96 : index
        %swap3A_662 = tpu.vector_load %arg7[%swap3A_660, %swap3A_661] {strides = array<i32>} : memref<4x128xf32, #tpu.memory_space<vmem>>, vector<16xf32>,
        tpu.vector_store %arg7[%swap3A_660, %swap3A_661], %mul3A_658 {strides = array<i32>} : memref<4x128xf32, #tpu.memory_space<vmem>>, vector<16xf32>,
        %get3A_663 = arith.constant 112 : index
        %get3A_664 = tpu.vector_load %arg22[%get3A_663] {strides = array<i32>} : memref<128xf32, #tpu.memory_space<vmem>>, vector<16xf32>,
        %mul3A_665 = arith.mulf %broadcast_in_dim3A_565, %get3A_664 : vector<16xf32>
        %sub3A_666 = arith.subf %scan3A_586#7, %mul3A_665 : vector<16xf32>
        %mul3A_667 = arith.mulf %sub3A_666, %div3A_599 : vector<16xf32>
        %swap3A_668 = arith.constant 3 : i32
        %swap3A_669 = arith.index_cast %swap3A_668 : i32 to index
        %swap3A_670 = arith.constant 112 : index
        %swap3A_671 = tpu.vector_load %arg7[%swap3A_669, %swap3A_670] {strides = array<i32>} : memref<4x128xf32, #tpu.memory_space<vmem>>, vector<16xf32>,
        tpu.vector_store %arg7[%swap3A_669, %swap3A_670], %mul3A_667 {strides = array<i32>} : memref<4x128xf32, #tpu.memory_space<vmem>>, vector<16xf32>,
        %add3A_672 = arith.addi %add3A_6, %add3A_62 : i32
        %mul3A_673 = arith.constant 4 : i32
        %mul3A_674 = arith.muli %add3A_672, %mul3A_673 : i32
        %dma_start3A = arith.constant 0 : i32
        %dma_start3A_675 = tpu.memref_slice %arg4[%mul3A_674, %dma_start3A] : memref<10000x128xf32, #tpu.memory_space<hbm>> -> memref<4x128xf32, #tpu.memory_space<hbm>>
        %dma_start3A_676 = arith.constant 0 : i32
        %dma_start3A_677 = tpu.memref_slice %arg4[%mul3A_674, %dma_start3A_676] : memref<10000x128xf32, #tpu.memory_space<hbm>> -> memref<4x128xf32, #tpu.memory_space<hbm>>
        tpu.enqueue_dma source(%arg7 : memref<4x128xf32, #tpu.memory_space<vmem>>) target(%dma_start3A_677 : memref<4x128xf32, #tpu.memory_space<hbm>>) target_semaphore(%arg9 : memref<!tpu.dma_semaphore, #tpu.memory_space<semaphore_mem>>)
        %add3A_678 = arith.constant 4 : i32
        %add3A_679 = arith.addi %add3A_62, %add3A_678 : i32
        %lt3A_680 = arith.cmpi slt, %add3A_679, %select_n3A : i32
        %convert_element_type3A_681 = arith.extui %lt3A_680 : i1 to i32
        %cond3A_682 = arith.constant 0 : i32
        %cond3A_683 = arith.cmpi ne, %convert_element_type3A_681, %cond3A_682 : i32
        scf.if %cond3A_683 {
          %mul3A_684 = arith.constant 128 : i32
          %mul3A_685 = arith.muli %add3A_679, %mul3A_684 : i32
          %add3A_686 = arith.addi %mul3A_10, %mul3A_685 : i32
          %dma_start3A_687 = tpu.memref_slice %arg5[%add3A_686] : memref<10112xi32, #tpu.memory_space<vmem>> -> memref<128xi32, #tpu.memory_space<vmem>>
          %dma_start3A_688 = arith.constant 0 : i32
          %dma_start3A_689 = arith.constant 0 : i32
          %dma_start3A_690 = tpu.memref_slice %arg2[%dma_start3A_688, %dma_start3A_689] : memref<100000x128xf32, #tpu.memory_space<hbm>> -> memref<100000x128xf32, #tpu.memory_space<hbm>>
          tpu.enqueue_indirect_dma source(%dma_start3A_690 : memref<100000x128xf32, #tpu.memory_space<hbm>>) target(%arg6 : memref<128x128xf32, #tpu.memory_space<vmem>>) offsets(%dma_start3A_687 : memref<128xi32, #tpu.memory_space<vmem>>) semaphore(%arg8 : memref<!tpu.dma_semaphore, #tpu.memory_space<semaphore_mem>>)
        } else {
        }
      } else {
      }
      %mul3A_67 = arith.constant 4 : i32
      %mul3A_68 = arith.muli %scan3A_58, %mul3A_67 : i32
      %add3A_69 = arith.constant 1 : i32
      %add3A_70 = arith.addi %mul3A_68, %add3A_69 : i32
      %lt3A_71 = arith.cmpi slt, %add3A_70, %select_n3A : i32
      %convert_element_type3A_72 = arith.extui %lt3A_71 : i1 to i32
      %cond3A_73 = arith.constant 0 : i32
      %cond3A_74 = arith.cmpi ne, %convert_element_type3A_72, %cond3A_73 : i32
      scf.if %cond3A_74 {
        %mul3A_91 = arith.constant 128 : i32
        %mul3A_92 = arith.muli %add3A_70, %mul3A_91 : i32
        %add3A_93 = arith.addi %mul3A_10, %mul3A_92 : i32
        %dma_wait3A_94 = tpu.memref_slice %arg5[%add3A_93] : memref<10112xi32, #tpu.memory_space<vmem>> -> memref<128xi32, #tpu.memory_space<vmem>>
        %dma_wait3A_95 = arith.constant 0 : i32
        %dma_wait3A_96 = arith.constant 0 : i32
        %dma_wait3A_97 = tpu.memref_slice %arg2[%dma_wait3A_95, %dma_wait3A_96] : memref<100000x128xf32, #tpu.memory_space<hbm>> -> memref<100000x128xf32, #tpu.memory_space<hbm>>
        tpu.wait_indirect_dma semaphore(%arg12 : memref<!tpu.dma_semaphore, #tpu.memory_space<semaphore_mem>>) src(%dma_wait3A_97 : memref<100000x128xf32, #tpu.memory_space<hbm>>) dst(%arg10 : memref<128x128xf32, #tpu.memory_space<vmem>>)
        %ge3A = arith.constant 4 : i32
        %ge3A_98 = arith.cmpi sge, %add3A_70, %ge3A : i32
        %convert_element_type3A_99 = arith.extui %ge3A_98 : i1 to i32
        %cond3A_100 = arith.constant 0 : i32
        %cond3A_101 = arith.cmpi ne, %convert_element_type3A_99, %cond3A_100 : i32
        scf.if %cond3A_101 {
          %dma_wait3A_684 = arith.constant 0 : i32
          %dma_wait3A_685 = arith.constant 0 : i32
          %dma_wait3A_686 = tpu.memref_slice %arg4[%dma_wait3A_684, %dma_wait3A_685] : memref<10000x128xf32, #tpu.memory_space<hbm>> -> memref<4x128xf32, #tpu.memory_space<hbm>>
          %dma_wait3A_687 = arith.constant 0 : i32
          %dma_wait3A_688 = arith.constant 0 : i32
          %dma_wait3A_689 = tpu.memref_slice %arg4[%dma_wait3A_687, %dma_wait3A_688] : memref<10000x128xf32, #tpu.memory_space<hbm>> -> memref<4x128xf32, #tpu.memory_space<hbm>>
          tpu.wait_dma2 semaphore(%arg13 : memref<!tpu.dma_semaphore, #tpu.memory_space<semaphore_mem>>) src(%arg11 : memref<4x128xf32, #tpu.memory_space<vmem>>) dst(%dma_wait3A_689 : memref<4x128xf32, #tpu.memory_space<hbm>>)
        } else {
        }
        %mul3A_102 = arith.constant 128 : i32
        %mul3A_103 = arith.muli %add3A_70, %mul3A_102 : i32
        %add3A_104 = arith.addi %mul3A_10, %mul3A_103 : i32
        %add3A_105 = arith.constant 0 : i32
        %add3A_106 = arith.addi %add3A_104, %add3A_105 : i32
        %get3A = arith.index_cast %add3A_106 : i32 to index
        %get3A_107 = tpu.vector_load %arg5[%get3A] {strides = array<i32>} : memref<10112xi32, #tpu.memory_space<vmem>>, vector<16xi32>,
        %mul3A_108 = arith.constant 128 : i32
        %mul3A_109 = arith.muli %add3A_70, %mul3A_108 : i32
        %add3A_110 = arith.addi %mul3A_10, %mul3A_109 : i32
        %add3A_111 = arith.constant 0 : i32
        %add3A_112 = arith.addi %add3A_110, %add3A_111 : i32
        %add3A_113 = arith.constant 16 : i32
        %add3A_114 = arith.addi %add3A_112, %add3A_113 : i32
        %get3A_115 = arith.index_cast %add3A_114 : i32 to index
        %get3A_116 = tpu.vector_load %arg5[%get3A_115] {strides = array<i32>} : memref<10112xi32, #tpu.memory_space<vmem>>, vector<16xi32>,
        %eq3A = arith.constant 0 : i32
        %eq3A_117 = vector.broadcast %eq3A : i32 to vector<16xi32>
        %eq3A_118 = arith.cmpi eq, %get3A_107, %eq3A_117 : vector<16xi32>
        %jit3A_119 = arith.constant 1.000000e+00 : f32
        %jit3A_120 = arith.constant 0.000000e+00 : f32
        %broadcast_in_dim3A = vector.broadcast %jit3A_119 : f32 to vector<16xf32>
        %broadcast_in_dim3A_121 = vector.broadcast %jit3A_120 : f32 to vector<16xf32>
        %select_n3A_122 = arith.select %eq3A_118, %broadcast_in_dim3A, %broadcast_in_dim3A_121 : vector<16xi1>, vector<16xf32>
        %eq3A_123 = arith.constant 0 : i32
        %eq3A_124 = vector.broadcast %eq3A_123 : i32 to vector<16xi32>
        %eq3A_125 = arith.cmpi eq, %get3A_116, %eq3A_124 : vector<16xi32>
        %jit3A_126 = arith.constant 1.000000e+00 : f32
        %jit3A_127 = arith.constant 0.000000e+00 : f32
        %broadcast_in_dim3A_128 = vector.broadcast %jit3A_126 : f32 to vector<16xf32>
        %broadcast_in_dim3A_129 = vector.broadcast %jit3A_127 : f32 to vector<16xf32>
        %select_n3A_130 = arith.select %eq3A_125, %broadcast_in_dim3A_128, %broadcast_in_dim3A_129 : vector<16xi1>, vector<16xf32>
        %add3A_131 = arith.addf %select_n3A_122, %select_n3A_130 : vector<16xf32>
        %reduce_sum3A = arith.constant true
        %reduce_sum3A_132 = vector.broadcast %reduce_sum3A : i1 to vector<16xi1>
        %reduce_sum3A_133 = tpu.scan <sum>, %add3A_131 masked %reduce_sum3A_132 : vector<16xf32>, vector<16xi1> -> vector<16xf32>
        %reduce_sum3A_134 = vector.extract %reduce_sum3A_133[15] : f32 from vector<16xf32>
        %broadcast_in_dim3A_135 = vector.broadcast %reduce_sum3A_134 : f32 to vector<16xf32>
        %broadcast_in_dim3A_136 = arith.constant 0.000000e+00 : f32
        %broadcast_in_dim3A_137 = vector.broadcast %broadcast_in_dim3A_136 : f32 to vector<16xf32>
        %broadcast_in_dim3A_138 = arith.constant 0.000000e+00 : f32
        %broadcast_in_dim3A_139 = vector.broadcast %broadcast_in_dim3A_138 : f32 to vector<16xf32>
        %broadcast_in_dim3A_140 = arith.constant 0.000000e+00 : f32
        %broadcast_in_dim3A_141 = vector.broadcast %broadcast_in_dim3A_140 : f32 to vector<16xf32>
        %broadcast_in_dim3A_142 = arith.constant 0.000000e+00 : f32
        %broadcast_in_dim3A_143 = vector.broadcast %broadcast_in_dim3A_142 : f32 to vector<16xf32>
        %broadcast_in_dim3A_144 = arith.constant 0.000000e+00 : f32
        %broadcast_in_dim3A_145 = vector.broadcast %broadcast_in_dim3A_144 : f32 to vector<16xf32>
        %broadcast_in_dim3A_146 = arith.constant 0.000000e+00 : f32
        %broadcast_in_dim3A_147 = vector.broadcast %broadcast_in_dim3A_146 : f32 to vector<16xf32>
        %broadcast_in_dim3A_148 = arith.constant 0.000000e+00 : f32
        %broadcast_in_dim3A_149 = vector.broadcast %broadcast_in_dim3A_148 : f32 to vector<16xf32>
        %broadcast_in_dim3A_150 = arith.constant 0.000000e+00 : f32
        %broadcast_in_dim3A_151 = vector.broadcast %broadcast_in_dim3A_150 : f32 to vector<16xf32>
        %scan3A_152 = arith.constant 0 : i32
        %scan3A_153 = arith.constant 32 : i32
        %scan3A_154 = arith.addi %scan3A_152, %scan3A_153 : i32
        %scan3A_155 = arith.constant 1 : i32
        %scan3A_156:8 = scf.for %scan3A_684 = %scan3A_152 to %scan3A_154 step %scan3A_155 iter_args(%scan3A_685 = %broadcast_in_dim3A_137, %scan3A_686 = %broadcast_in_dim3A_139, %scan3A_687 = %broadcast_in_dim3A_141, %scan3A_688 = %broadcast_in_dim3A_143, %scan3A_689 = %broadcast_in_dim3A_145, %scan3A_690 = %broadcast_in_dim3A_147, %scan3A_691 = %broadcast_in_dim3A_149, %scan3A_692 = %broadcast_in_dim3A_151) -> (vector<16xf32>, vector<16xf32>, vector<16xf32>, vector<16xf32>, vector<16xf32>, vector<16xf32>, vector<16xf32>, vector<16xf32>)  : i32 {
          %add3A_693 = arith.constant 0 : i32
          %add3A_694 = arith.addi %add3A_693, %scan3A_684 : i32
          %get3A_695 = arith.index_cast %add3A_694 : i32 to index
          %get3A_696 = arith.constant 0 : index
          %get3A_697 = tpu.vector_load %arg10[%get3A_695, %get3A_696] {strides = array<i32>} : memref<128x128xf32, #tpu.memory_space<vmem>>, vector<16xf32>,
          %add3A_698 = arith.addf %scan3A_685, %get3A_697 : vector<16xf32>
          %get3A_699 = arith.index_cast %add3A_694 : i32 to index
          %get3A_700 = arith.constant 16 : index
          %get3A_701 = tpu.vector_load %arg10[%get3A_699, %get3A_700] {strides = array<i32>} : memref<128x128xf32, #tpu.memory_space<vmem>>, vector<16xf32>,
          %add3A_702 = arith.addf %scan3A_686, %get3A_701 : vector<16xf32>
          %get3A_703 = arith.index_cast %add3A_694 : i32 to index
          %get3A_704 = arith.constant 32 : index
          %get3A_705 = tpu.vector_load %arg10[%get3A_703, %get3A_704] {strides = array<i32>} : memref<128x128xf32, #tpu.memory_space<vmem>>, vector<16xf32>,
          %add3A_706 = arith.addf %scan3A_687, %get3A_705 : vector<16xf32>
          %get3A_707 = arith.index_cast %add3A_694 : i32 to index
          %get3A_708 = arith.constant 48 : index
          %get3A_709 = tpu.vector_load %arg10[%get3A_707, %get3A_708] {strides = array<i32>} : memref<128x128xf32, #tpu.memory_space<vmem>>, vector<16xf32>,
          %add3A_710 = arith.addf %scan3A_688, %get3A_709 : vector<16xf32>
          %get3A_711 = arith.index_cast %add3A_694 : i32 to index
          %get3A_712 = arith.constant 64 : index
          %get3A_713 = tpu.vector_load %arg10[%get3A_711, %get3A_712] {strides = array<i32>} : memref<128x128xf32, #tpu.memory_space<vmem>>, vector<16xf32>,
          %add3A_714 = arith.addf %scan3A_689, %get3A_713 : vector<16xf32>
          %get3A_715 = arith.index_cast %add3A_694 : i32 to index
          %get3A_716 = arith.constant 80 : index
          %get3A_717 = tpu.vector_load %arg10[%get3A_715, %get3A_716] {strides = array<i32>} : memref<128x128xf32, #tpu.memory_space<vmem>>, vector<16xf32>,
          %add3A_718 = arith.addf %scan3A_690, %get3A_717 : vector<16xf32>
          %get3A_719 = arith.index_cast %add3A_694 : i32 to index
          %get3A_720 = arith.constant 96 : index
          %get3A_721 = tpu.vector_load %arg10[%get3A_719, %get3A_720] {strides = array<i32>} : memref<128x128xf32, #tpu.memory_space<vmem>>, vector<16xf32>,
          %add3A_722 = arith.addf %scan3A_691, %get3A_721 : vector<16xf32>
          %get3A_723 = arith.index_cast %add3A_694 : i32 to index
          %get3A_724 = arith.constant 112 : index
          %get3A_725 = tpu.vector_load %arg10[%get3A_723, %get3A_724] {strides = array<i32>} : memref<128x128xf32, #tpu.memory_space<vmem>>, vector<16xf32>,
          %add3A_726 = arith.addf %scan3A_692, %get3A_725 : vector<16xf32>
          scf.yield %add3A_698, %add3A_702, %add3A_706, %add3A_710, %add3A_714, %add3A_718, %add3A_722, %add3A_726 : vector<16xf32>, vector<16xf32>, vector<16xf32>, vector<16xf32>, vector<16xf32>, vector<16xf32>, vector<16xf32>, vector<16xf32>
        }
        %scan3A_157 = arith.constant 32 : i32
        %sub3A_158 = arith.constant 3.200000e+01 : f32
        %sub3A_159 = vector.broadcast %sub3A_158 : f32 to vector<16xf32>
        %sub3A_160 = arith.subf %sub3A_159, %broadcast_in_dim3A_135 : vector<16xf32>
        %eq3A_161 = arith.constant 0.000000e+00 : f32
        %eq3A_162 = vector.broadcast %eq3A_161 : f32 to vector<16xf32>
        %eq3A_163 = arith.cmpf oeq, %sub3A_160, %eq3A_162 : vector<16xf32>
        %jit3A_164 = arith.constant 1.000000e+00 : f32
        %broadcast_in_dim3A_165 = vector.broadcast %jit3A_164 : f32 to vector<16xf32>
        %select_n3A_166 = arith.select %eq3A_163, %broadcast_in_dim3A_165, %sub3A_160 : vector<16xi1>, vector<16xf32>
        %div3A = arith.constant 1.000000e+00 : f32
        %div3A_167 = vector.broadcast %div3A : f32 to vector<16xf32>
        %div3A_168 = arith.divf %div3A_167, %select_n3A_166 : vector<16xf32>
        %get3A_169 = arith.constant 0 : index
        %get3A_170 = tpu.vector_load %arg22[%get3A_169] {strides = array<i32>} : memref<128xf32, #tpu.memory_space<vmem>>, vector<16xf32>,
        %mul3A_171 = arith.mulf %broadcast_in_dim3A_135, %get3A_170 : vector<16xf32>
        %sub3A_172 = arith.subf %scan3A_156#0, %mul3A_171 : vector<16xf32>
        %mul3A_173 = arith.mulf %sub3A_172, %div3A_168 : vector<16xf32>
        %swap3A = arith.constant 0 : i32
        %swap3A_174 = arith.index_cast %swap3A : i32 to index
        %swap3A_175 = arith.constant 0 : index
        %swap3A_176 = tpu.vector_load %arg11[%swap3A_174, %swap3A_175] {strides = array<i32>} : memref<4x128xf32, #tpu.memory_space<vmem>>, vector<16xf32>,
        tpu.vector_store %arg11[%swap3A_174, %swap3A_175], %mul3A_173 {strides = array<i32>} : memref<4x128xf32, #tpu.memory_space<vmem>>, vector<16xf32>,
        %get3A_177 = arith.constant 16 : index
        %get3A_178 = tpu.vector_load %arg22[%get3A_177] {strides = array<i32>} : memref<128xf32, #tpu.memory_space<vmem>>, vector<16xf32>,
        %mul3A_179 = arith.mulf %broadcast_in_dim3A_135, %get3A_178 : vector<16xf32>
        %sub3A_180 = arith.subf %scan3A_156#1, %mul3A_179 : vector<16xf32>
        %mul3A_181 = arith.mulf %sub3A_180, %div3A_168 : vector<16xf32>
        %swap3A_182 = arith.constant 0 : i32
        %swap3A_183 = arith.index_cast %swap3A_182 : i32 to index
        %swap3A_184 = arith.constant 16 : index
        %swap3A_185 = tpu.vector_load %arg11[%swap3A_183, %swap3A_184] {strides = array<i32>} : memref<4x128xf32, #tpu.memory_space<vmem>>, vector<16xf32>,
        tpu.vector_store %arg11[%swap3A_183, %swap3A_184], %mul3A_181 {strides = array<i32>} : memref<4x128xf32, #tpu.memory_space<vmem>>, vector<16xf32>,
        %get3A_186 = arith.constant 32 : index
        %get3A_187 = tpu.vector_load %arg22[%get3A_186] {strides = array<i32>} : memref<128xf32, #tpu.memory_space<vmem>>, vector<16xf32>,
        %mul3A_188 = arith.mulf %broadcast_in_dim3A_135, %get3A_187 : vector<16xf32>
        %sub3A_189 = arith.subf %scan3A_156#2, %mul3A_188 : vector<16xf32>
        %mul3A_190 = arith.mulf %sub3A_189, %div3A_168 : vector<16xf32>
        %swap3A_191 = arith.constant 0 : i32
        %swap3A_192 = arith.index_cast %swap3A_191 : i32 to index
        %swap3A_193 = arith.constant 32 : index
        %swap3A_194 = tpu.vector_load %arg11[%swap3A_192, %swap3A_193] {strides = array<i32>} : memref<4x128xf32, #tpu.memory_space<vmem>>, vector<16xf32>,
        tpu.vector_store %arg11[%swap3A_192, %swap3A_193], %mul3A_190 {strides = array<i32>} : memref<4x128xf32, #tpu.memory_space<vmem>>, vector<16xf32>,
        %get3A_195 = arith.constant 48 : index
        %get3A_196 = tpu.vector_load %arg22[%get3A_195] {strides = array<i32>} : memref<128xf32, #tpu.memory_space<vmem>>, vector<16xf32>,
        %mul3A_197 = arith.mulf %broadcast_in_dim3A_135, %get3A_196 : vector<16xf32>
        %sub3A_198 = arith.subf %scan3A_156#3, %mul3A_197 : vector<16xf32>
        %mul3A_199 = arith.mulf %sub3A_198, %div3A_168 : vector<16xf32>
        %swap3A_200 = arith.constant 0 : i32
        %swap3A_201 = arith.index_cast %swap3A_200 : i32 to index
        %swap3A_202 = arith.constant 48 : index
        %swap3A_203 = tpu.vector_load %arg11[%swap3A_201, %swap3A_202] {strides = array<i32>} : memref<4x128xf32, #tpu.memory_space<vmem>>, vector<16xf32>,
        tpu.vector_store %arg11[%swap3A_201, %swap3A_202], %mul3A_199 {strides = array<i32>} : memref<4x128xf32, #tpu.memory_space<vmem>>, vector<16xf32>,
        %get3A_204 = arith.constant 64 : index
        %get3A_205 = tpu.vector_load %arg22[%get3A_204] {strides = array<i32>} : memref<128xf32, #tpu.memory_space<vmem>>, vector<16xf32>,
        %mul3A_206 = arith.mulf %broadcast_in_dim3A_135, %get3A_205 : vector<16xf32>
        %sub3A_207 = arith.subf %scan3A_156#4, %mul3A_206 : vector<16xf32>
        %mul3A_208 = arith.mulf %sub3A_207, %div3A_168 : vector<16xf32>
        %swap3A_209 = arith.constant 0 : i32
        %swap3A_210 = arith.index_cast %swap3A_209 : i32 to index
        %swap3A_211 = arith.constant 64 : index
        %swap3A_212 = tpu.vector_load %arg11[%swap3A_210, %swap3A_211] {strides = array<i32>} : memref<4x128xf32, #tpu.memory_space<vmem>>, vector<16xf32>,
        tpu.vector_store %arg11[%swap3A_210, %swap3A_211], %mul3A_208 {strides = array<i32>} : memref<4x128xf32, #tpu.memory_space<vmem>>, vector<16xf32>,
        %get3A_213 = arith.constant 80 : index
        %get3A_214 = tpu.vector_load %arg22[%get3A_213] {strides = array<i32>} : memref<128xf32, #tpu.memory_space<vmem>>, vector<16xf32>,
        %mul3A_215 = arith.mulf %broadcast_in_dim3A_135, %get3A_214 : vector<16xf32>
        %sub3A_216 = arith.subf %scan3A_156#5, %mul3A_215 : vector<16xf32>
        %mul3A_217 = arith.mulf %sub3A_216, %div3A_168 : vector<16xf32>
        %swap3A_218 = arith.constant 0 : i32
        %swap3A_219 = arith.index_cast %swap3A_218 : i32 to index
        %swap3A_220 = arith.constant 80 : index
        %swap3A_221 = tpu.vector_load %arg11[%swap3A_219, %swap3A_220] {strides = array<i32>} : memref<4x128xf32, #tpu.memory_space<vmem>>, vector<16xf32>,
        tpu.vector_store %arg11[%swap3A_219, %swap3A_220], %mul3A_217 {strides = array<i32>} : memref<4x128xf32, #tpu.memory_space<vmem>>, vector<16xf32>,
        %get3A_222 = arith.constant 96 : index
        %get3A_223 = tpu.vector_load %arg22[%get3A_222] {strides = array<i32>} : memref<128xf32, #tpu.memory_space<vmem>>, vector<16xf32>,
        %mul3A_224 = arith.mulf %broadcast_in_dim3A_135, %get3A_223 : vector<16xf32>
        %sub3A_225 = arith.subf %scan3A_156#6, %mul3A_224 : vector<16xf32>
        %mul3A_226 = arith.mulf %sub3A_225, %div3A_168 : vector<16xf32>
        %swap3A_227 = arith.constant 0 : i32
        %swap3A_228 = arith.index_cast %swap3A_227 : i32 to index
        %swap3A_229 = arith.constant 96 : index
        %swap3A_230 = tpu.vector_load %arg11[%swap3A_228, %swap3A_229] {strides = array<i32>} : memref<4x128xf32, #tpu.memory_space<vmem>>, vector<16xf32>,
        tpu.vector_store %arg11[%swap3A_228, %swap3A_229], %mul3A_226 {strides = array<i32>} : memref<4x128xf32, #tpu.memory_space<vmem>>, vector<16xf32>,
        %get3A_231 = arith.constant 112 : index
        %get3A_232 = tpu.vector_load %arg22[%get3A_231] {strides = array<i32>} : memref<128xf32, #tpu.memory_space<vmem>>, vector<16xf32>,
        %mul3A_233 = arith.mulf %broadcast_in_dim3A_135, %get3A_232 : vector<16xf32>
        %sub3A_234 = arith.subf %scan3A_156#7, %mul3A_233 : vector<16xf32>
        %mul3A_235 = arith.mulf %sub3A_234, %div3A_168 : vector<16xf32>
        %swap3A_236 = arith.constant 0 : i32
        %swap3A_237 = arith.index_cast %swap3A_236 : i32 to index
        %swap3A_238 = arith.constant 112 : index
        %swap3A_239 = tpu.vector_load %arg11[%swap3A_237, %swap3A_238] {strides = array<i32>} : memref<4x128xf32, #tpu.memory_space<vmem>>, vector<16xf32>,
        tpu.vector_store %arg11[%swap3A_237, %swap3A_238], %mul3A_235 {strides = array<i32>} : memref<4x128xf32, #tpu.memory_space<vmem>>, vector<16xf32>,
        %mul3A_240 = arith.constant 128 : i32
        %mul3A_241 = arith.muli %add3A_70, %mul3A_240 : i32
        %add3A_242 = arith.addi %mul3A_10, %mul3A_241 : i32
        %add3A_243 = arith.constant 32 : i32
        %add3A_244 = arith.addi %add3A_242, %add3A_243 : i32
        %get3A_245 = arith.index_cast %add3A_244 : i32 to index
        %get3A_246 = tpu.vector_load %arg5[%get3A_245] {strides = array<i32>} : memref<10112xi32, #tpu.memory_space<vmem>>, vector<16xi32>,
        %mul3A_247 = arith.constant 128 : i32
        %mul3A_248 = arith.muli %add3A_70, %mul3A_247 : i32
        %add3A_249 = arith.addi %mul3A_10, %mul3A_248 : i32
        %add3A_250 = arith.constant 32 : i32
        %add3A_251 = arith.addi %add3A_249, %add3A_250 : i32
        %add3A_252 = arith.constant 16 : i32
        %add3A_253 = arith.addi %add3A_251, %add3A_252 : i32
        %get3A_254 = arith.index_cast %add3A_253 : i32 to index
        %get3A_255 = tpu.vector_load %arg5[%get3A_254] {strides = array<i32>} : memref<10112xi32, #tpu.memory_space<vmem>>, vector<16xi32>,
        %eq3A_256 = arith.constant 0 : i32
        %eq3A_257 = vector.broadcast %eq3A_256 : i32 to vector<16xi32>
        %eq3A_258 = arith.cmpi eq, %get3A_246, %eq3A_257 : vector<16xi32>
        %jit3A_259 = arith.constant 1.000000e+00 : f32
        %jit3A_260 = arith.constant 0.000000e+00 : f32
        %broadcast_in_dim3A_261 = vector.broadcast %jit3A_259 : f32 to vector<16xf32>
        %broadcast_in_dim3A_262 = vector.broadcast %jit3A_260 : f32 to vector<16xf32>
        %select_n3A_263 = arith.select %eq3A_258, %broadcast_in_dim3A_261, %broadcast_in_dim3A_262 : vector<16xi1>, vector<16xf32>
        %eq3A_264 = arith.constant 0 : i32
        %eq3A_265 = vector.broadcast %eq3A_264 : i32 to vector<16xi32>
        %eq3A_266 = arith.cmpi eq, %get3A_255, %eq3A_265 : vector<16xi32>
        %jit3A_267 = arith.constant 1.000000e+00 : f32
        %jit3A_268 = arith.constant 0.000000e+00 : f32
        %broadcast_in_dim3A_269 = vector.broadcast %jit3A_267 : f32 to vector<16xf32>
        %broadcast_in_dim3A_270 = vector.broadcast %jit3A_268 : f32 to vector<16xf32>
        %select_n3A_271 = arith.select %eq3A_266, %broadcast_in_dim3A_269, %broadcast_in_dim3A_270 : vector<16xi1>, vector<16xf32>
        %add3A_272 = arith.addf %select_n3A_263, %select_n3A_271 : vector<16xf32>
        %reduce_sum3A_273 = arith.constant true
        %reduce_sum3A_274 = vector.broadcast %reduce_sum3A_273 : i1 to vector<16xi1>
        %reduce_sum3A_275 = tpu.scan <sum>, %add3A_272 masked %reduce_sum3A_274 : vector<16xf32>, vector<16xi1> -> vector<16xf32>
        %reduce_sum3A_276 = vector.extract %reduce_sum3A_275[15] : f32 from vector<16xf32>
        %broadcast_in_dim3A_277 = vector.broadcast %reduce_sum3A_276 : f32 to vector<16xf32>
        %broadcast_in_dim3A_278 = arith.constant 0.000000e+00 : f32
        %broadcast_in_dim3A_279 = vector.broadcast %broadcast_in_dim3A_278 : f32 to vector<16xf32>
        %broadcast_in_dim3A_280 = arith.constant 0.000000e+00 : f32
        %broadcast_in_dim3A_281 = vector.broadcast %broadcast_in_dim3A_280 : f32 to vector<16xf32>
        %broadcast_in_dim3A_282 = arith.constant 0.000000e+00 : f32
        %broadcast_in_dim3A_283 = vector.broadcast %broadcast_in_dim3A_282 : f32 to vector<16xf32>
        %broadcast_in_dim3A_284 = arith.constant 0.000000e+00 : f32
        %broadcast_in_dim3A_285 = vector.broadcast %broadcast_in_dim3A_284 : f32 to vector<16xf32>
        %broadcast_in_dim3A_286 = arith.constant 0.000000e+00 : f32
        %broadcast_in_dim3A_287 = vector.broadcast %broadcast_in_dim3A_286 : f32 to vector<16xf32>
        %broadcast_in_dim3A_288 = arith.constant 0.000000e+00 : f32
        %broadcast_in_dim3A_289 = vector.broadcast %broadcast_in_dim3A_288 : f32 to vector<16xf32>
        %broadcast_in_dim3A_290 = arith.constant 0.000000e+00 : f32
        %broadcast_in_dim3A_291 = vector.broadcast %broadcast_in_dim3A_290 : f32 to vector<16xf32>
        %broadcast_in_dim3A_292 = arith.constant 0.000000e+00 : f32
        %broadcast_in_dim3A_293 = vector.broadcast %broadcast_in_dim3A_292 : f32 to vector<16xf32>
        %scan3A_294 = arith.constant 0 : i32
        %scan3A_295 = arith.constant 32 : i32
        %scan3A_296 = arith.addi %scan3A_294, %scan3A_295 : i32
        %scan3A_297 = arith.constant 1 : i32
        %scan3A_298:8 = scf.for %scan3A_684 = %scan3A_294 to %scan3A_296 step %scan3A_297 iter_args(%scan3A_685 = %broadcast_in_dim3A_279, %scan3A_686 = %broadcast_in_dim3A_281, %scan3A_687 = %broadcast_in_dim3A_283, %scan3A_688 = %broadcast_in_dim3A_285, %scan3A_689 = %broadcast_in_dim3A_287, %scan3A_690 = %broadcast_in_dim3A_289, %scan3A_691 = %broadcast_in_dim3A_291, %scan3A_692 = %broadcast_in_dim3A_293) -> (vector<16xf32>, vector<16xf32>, vector<16xf32>, vector<16xf32>, vector<16xf32>, vector<16xf32>, vector<16xf32>, vector<16xf32>)  : i32 {
          %add3A_693 = arith.constant 32 : i32
          %add3A_694 = arith.addi %add3A_693, %scan3A_684 : i32
          %get3A_695 = arith.index_cast %add3A_694 : i32 to index
          %get3A_696 = arith.constant 0 : index
          %get3A_697 = tpu.vector_load %arg10[%get3A_695, %get3A_696] {strides = array<i32>} : memref<128x128xf32, #tpu.memory_space<vmem>>, vector<16xf32>,
          %add3A_698 = arith.addf %scan3A_685, %get3A_697 : vector<16xf32>
          %get3A_699 = arith.index_cast %add3A_694 : i32 to index
          %get3A_700 = arith.constant 16 : index
          %get3A_701 = tpu.vector_load %arg10[%get3A_699, %get3A_700] {strides = array<i32>} : memref<128x128xf32, #tpu.memory_space<vmem>>, vector<16xf32>,
          %add3A_702 = arith.addf %scan3A_686, %get3A_701 : vector<16xf32>
          %get3A_703 = arith.index_cast %add3A_694 : i32 to index
          %get3A_704 = arith.constant 32 : index
          %get3A_705 = tpu.vector_load %arg10[%get3A_703, %get3A_704] {strides = array<i32>} : memref<128x128xf32, #tpu.memory_space<vmem>>, vector<16xf32>,
          %add3A_706 = arith.addf %scan3A_687, %get3A_705 : vector<16xf32>
          %get3A_707 = arith.index_cast %add3A_694 : i32 to index
          %get3A_708 = arith.constant 48 : index
          %get3A_709 = tpu.vector_load %arg10[%get3A_707, %get3A_708] {strides = array<i32>} : memref<128x128xf32, #tpu.memory_space<vmem>>, vector<16xf32>,
          %add3A_710 = arith.addf %scan3A_688, %get3A_709 : vector<16xf32>
          %get3A_711 = arith.index_cast %add3A_694 : i32 to index
          %get3A_712 = arith.constant 64 : index
          %get3A_713 = tpu.vector_load %arg10[%get3A_711, %get3A_712] {strides = array<i32>} : memref<128x128xf32, #tpu.memory_space<vmem>>, vector<16xf32>,
          %add3A_714 = arith.addf %scan3A_689, %get3A_713 : vector<16xf32>
          %get3A_715 = arith.index_cast %add3A_694 : i32 to index
          %get3A_716 = arith.constant 80 : index
          %get3A_717 = tpu.vector_load %arg10[%get3A_715, %get3A_716] {strides = array<i32>} : memref<128x128xf32, #tpu.memory_space<vmem>>, vector<16xf32>,
          %add3A_718 = arith.addf %scan3A_690, %get3A_717 : vector<16xf32>
          %get3A_719 = arith.index_cast %add3A_694 : i32 to index
          %get3A_720 = arith.constant 96 : index
          %get3A_721 = tpu.vector_load %arg10[%get3A_719, %get3A_720] {strides = array<i32>} : memref<128x128xf32, #tpu.memory_space<vmem>>, vector<16xf32>,
          %add3A_722 = arith.addf %scan3A_691, %get3A_721 : vector<16xf32>
          %get3A_723 = arith.index_cast %add3A_694 : i32 to index
          %get3A_724 = arith.constant 112 : index
          %get3A_725 = tpu.vector_load %arg10[%get3A_723, %get3A_724] {strides = array<i32>} : memref<128x128xf32, #tpu.memory_space<vmem>>, vector<16xf32>,
          %add3A_726 = arith.addf %scan3A_692, %get3A_725 : vector<16xf32>
          scf.yield %add3A_698, %add3A_702, %add3A_706, %add3A_710, %add3A_714, %add3A_718, %add3A_722, %add3A_726 : vector<16xf32>, vector<16xf32>, vector<16xf32>, vector<16xf32>, vector<16xf32>, vector<16xf32>, vector<16xf32>, vector<16xf32>
        }
        %scan3A_299 = arith.constant 32 : i32
        %sub3A_300 = arith.constant 3.200000e+01 : f32
        %sub3A_301 = vector.broadcast %sub3A_300 : f32 to vector<16xf32>
        %sub3A_302 = arith.subf %sub3A_301, %broadcast_in_dim3A_277 : vector<16xf32>
        %eq3A_303 = arith.constant 0.000000e+00 : f32
        %eq3A_304 = vector.broadcast %eq3A_303 : f32 to vector<16xf32>
        %eq3A_305 = arith.cmpf oeq, %sub3A_302, %eq3A_304 : vector<16xf32>
        %jit3A_306 = arith.constant 1.000000e+00 : f32
        %broadcast_in_dim3A_307 = vector.broadcast %jit3A_306 : f32 to vector<16xf32>
        %select_n3A_308 = arith.select %eq3A_305, %broadcast_in_dim3A_307, %sub3A_302 : vector<16xi1>, vector<16xf32>
        %div3A_309 = arith.constant 1.000000e+00 : f32
        %div3A_310 = vector.broadcast %div3A_309 : f32 to vector<16xf32>
        %div3A_311 = arith.divf %div3A_310, %select_n3A_308 : vector<16xf32>
        %get3A_312 = arith.constant 0 : index
        %get3A_313 = tpu.vector_load %arg22[%get3A_312] {strides = array<i32>} : memref<128xf32, #tpu.memory_space<vmem>>, vector<16xf32>,
        %mul3A_314 = arith.mulf %broadcast_in_dim3A_277, %get3A_313 : vector<16xf32>
        %sub3A_315 = arith.subf %scan3A_298#0, %mul3A_314 : vector<16xf32>
        %mul3A_316 = arith.mulf %sub3A_315, %div3A_311 : vector<16xf32>
        %swap3A_317 = arith.constant 1 : i32
        %swap3A_318 = arith.index_cast %swap3A_317 : i32 to index
        %swap3A_319 = arith.constant 0 : index
        %swap3A_320 = tpu.vector_load %arg11[%swap3A_318, %swap3A_319] {strides = array<i32>} : memref<4x128xf32, #tpu.memory_space<vmem>>, vector<16xf32>,
        tpu.vector_store %arg11[%swap3A_318, %swap3A_319], %mul3A_316 {strides = array<i32>} : memref<4x128xf32, #tpu.memory_space<vmem>>, vector<16xf32>,
        %get3A_321 = arith.constant 16 : index
        %get3A_322 = tpu.vector_load %arg22[%get3A_321] {strides = array<i32>} : memref<128xf32, #tpu.memory_space<vmem>>, vector<16xf32>,
        %mul3A_323 = arith.mulf %broadcast_in_dim3A_277, %get3A_322 : vector<16xf32>
        %sub3A_324 = arith.subf %scan3A_298#1, %mul3A_323 : vector<16xf32>
        %mul3A_325 = arith.mulf %sub3A_324, %div3A_311 : vector<16xf32>
        %swap3A_326 = arith.constant 1 : i32
        %swap3A_327 = arith.index_cast %swap3A_326 : i32 to index
        %swap3A_328 = arith.constant 16 : index
        %swap3A_329 = tpu.vector_load %arg11[%swap3A_327, %swap3A_328] {strides = array<i32>} : memref<4x128xf32, #tpu.memory_space<vmem>>, vector<16xf32>,
        tpu.vector_store %arg11[%swap3A_327, %swap3A_328], %mul3A_325 {strides = array<i32>} : memref<4x128xf32, #tpu.memory_space<vmem>>, vector<16xf32>,
        %get3A_330 = arith.constant 32 : index
        %get3A_331 = tpu.vector_load %arg22[%get3A_330] {strides = array<i32>} : memref<128xf32, #tpu.memory_space<vmem>>, vector<16xf32>,
        %mul3A_332 = arith.mulf %broadcast_in_dim3A_277, %get3A_331 : vector<16xf32>
        %sub3A_333 = arith.subf %scan3A_298#2, %mul3A_332 : vector<16xf32>
        %mul3A_334 = arith.mulf %sub3A_333, %div3A_311 : vector<16xf32>
        %swap3A_335 = arith.constant 1 : i32
        %swap3A_336 = arith.index_cast %swap3A_335 : i32 to index
        %swap3A_337 = arith.constant 32 : index
        %swap3A_338 = tpu.vector_load %arg11[%swap3A_336, %swap3A_337] {strides = array<i32>} : memref<4x128xf32, #tpu.memory_space<vmem>>, vector<16xf32>,
        tpu.vector_store %arg11[%swap3A_336, %swap3A_337], %mul3A_334 {strides = array<i32>} : memref<4x128xf32, #tpu.memory_space<vmem>>, vector<16xf32>,
        %get3A_339 = arith.constant 48 : index
        %get3A_340 = tpu.vector_load %arg22[%get3A_339] {strides = array<i32>} : memref<128xf32, #tpu.memory_space<vmem>>, vector<16xf32>,
        %mul3A_341 = arith.mulf %broadcast_in_dim3A_277, %get3A_340 : vector<16xf32>
        %sub3A_342 = arith.subf %scan3A_298#3, %mul3A_341 : vector<16xf32>
        %mul3A_343 = arith.mulf %sub3A_342, %div3A_311 : vector<16xf32>
        %swap3A_344 = arith.constant 1 : i32
        %swap3A_345 = arith.index_cast %swap3A_344 : i32 to index
        %swap3A_346 = arith.constant 48 : index
        %swap3A_347 = tpu.vector_load %arg11[%swap3A_345, %swap3A_346] {strides = array<i32>} : memref<4x128xf32, #tpu.memory_space<vmem>>, vector<16xf32>,
        tpu.vector_store %arg11[%swap3A_345, %swap3A_346], %mul3A_343 {strides = array<i32>} : memref<4x128xf32, #tpu.memory_space<vmem>>, vector<16xf32>,
        %get3A_348 = arith.constant 64 : index
        %get3A_349 = tpu.vector_load %arg22[%get3A_348] {strides = array<i32>} : memref<128xf32, #tpu.memory_space<vmem>>, vector<16xf32>,
        %mul3A_350 = arith.mulf %broadcast_in_dim3A_277, %get3A_349 : vector<16xf32>
        %sub3A_351 = arith.subf %scan3A_298#4, %mul3A_350 : vector<16xf32>
        %mul3A_352 = arith.mulf %sub3A_351, %div3A_311 : vector<16xf32>
        %swap3A_353 = arith.constant 1 : i32
        %swap3A_354 = arith.index_cast %swap3A_353 : i32 to index
        %swap3A_355 = arith.constant 64 : index
        %swap3A_356 = tpu.vector_load %arg11[%swap3A_354, %swap3A_355] {strides = array<i32>} : memref<4x128xf32, #tpu.memory_space<vmem>>, vector<16xf32>,
        tpu.vector_store %arg11[%swap3A_354, %swap3A_355], %mul3A_352 {strides = array<i32>} : memref<4x128xf32, #tpu.memory_space<vmem>>, vector<16xf32>,
        %get3A_357 = arith.constant 80 : index
        %get3A_358 = tpu.vector_load %arg22[%get3A_357] {strides = array<i32>} : memref<128xf32, #tpu.memory_space<vmem>>, vector<16xf32>,
        %mul3A_359 = arith.mulf %broadcast_in_dim3A_277, %get3A_358 : vector<16xf32>
        %sub3A_360 = arith.subf %scan3A_298#5, %mul3A_359 : vector<16xf32>
        %mul3A_361 = arith.mulf %sub3A_360, %div3A_311 : vector<16xf32>
        %swap3A_362 = arith.constant 1 : i32
        %swap3A_363 = arith.index_cast %swap3A_362 : i32 to index
        %swap3A_364 = arith.constant 80 : index
        %swap3A_365 = tpu.vector_load %arg11[%swap3A_363, %swap3A_364] {strides = array<i32>} : memref<4x128xf32, #tpu.memory_space<vmem>>, vector<16xf32>,
        tpu.vector_store %arg11[%swap3A_363, %swap3A_364], %mul3A_361 {strides = array<i32>} : memref<4x128xf32, #tpu.memory_space<vmem>>, vector<16xf32>,
        %get3A_366 = arith.constant 96 : index
        %get3A_367 = tpu.vector_load %arg22[%get3A_366] {strides = array<i32>} : memref<128xf32, #tpu.memory_space<vmem>>, vector<16xf32>,
        %mul3A_368 = arith.mulf %broadcast_in_dim3A_277, %get3A_367 : vector<16xf32>
        %sub3A_369 = arith.subf %scan3A_298#6, %mul3A_368 : vector<16xf32>
        %mul3A_370 = arith.mulf %sub3A_369, %div3A_311 : vector<16xf32>
        %swap3A_371 = arith.constant 1 : i32
        %swap3A_372 = arith.index_cast %swap3A_371 : i32 to index
        %swap3A_373 = arith.constant 96 : index
        %swap3A_374 = tpu.vector_load %arg11[%swap3A_372, %swap3A_373] {strides = array<i32>} : memref<4x128xf32, #tpu.memory_space<vmem>>, vector<16xf32>,
        tpu.vector_store %arg11[%swap3A_372, %swap3A_373], %mul3A_370 {strides = array<i32>} : memref<4x128xf32, #tpu.memory_space<vmem>>, vector<16xf32>,
        %get3A_375 = arith.constant 112 : index
        %get3A_376 = tpu.vector_load %arg22[%get3A_375] {strides = array<i32>} : memref<128xf32, #tpu.memory_space<vmem>>, vector<16xf32>,
        %mul3A_377 = arith.mulf %broadcast_in_dim3A_277, %get3A_376 : vector<16xf32>
        %sub3A_378 = arith.subf %scan3A_298#7, %mul3A_377 : vector<16xf32>
        %mul3A_379 = arith.mulf %sub3A_378, %div3A_311 : vector<16xf32>
        %swap3A_380 = arith.constant 1 : i32
        %swap3A_381 = arith.index_cast %swap3A_380 : i32 to index
        %swap3A_382 = arith.constant 112 : index
        %swap3A_383 = tpu.vector_load %arg11[%swap3A_381, %swap3A_382] {strides = array<i32>} : memref<4x128xf32, #tpu.memory_space<vmem>>, vector<16xf32>,
        tpu.vector_store %arg11[%swap3A_381, %swap3A_382], %mul3A_379 {strides = array<i32>} : memref<4x128xf32, #tpu.memory_space<vmem>>, vector<16xf32>,
        %mul3A_384 = arith.constant 128 : i32
        %mul3A_385 = arith.muli %add3A_70, %mul3A_384 : i32
        %add3A_386 = arith.addi %mul3A_10, %mul3A_385 : i32
        %add3A_387 = arith.constant 64 : i32
        %add3A_388 = arith.addi %add3A_386, %add3A_387 : i32
        %get3A_389 = arith.index_cast %add3A_388 : i32 to index
        %get3A_390 = tpu.vector_load %arg5[%get3A_389] {strides = array<i32>} : memref<10112xi32, #tpu.memory_space<vmem>>, vector<16xi32>,
        %mul3A_391 = arith.constant 128 : i32
        %mul3A_392 = arith.muli %add3A_70, %mul3A_391 : i32
        %add3A_393 = arith.addi %mul3A_10, %mul3A_392 : i32
        %add3A_394 = arith.constant 64 : i32
        %add3A_395 = arith.addi %add3A_393, %add3A_394 : i32
        %add3A_396 = arith.constant 16 : i32
        %add3A_397 = arith.addi %add3A_395, %add3A_396 : i32
        %get3A_398 = arith.index_cast %add3A_397 : i32 to index
        %get3A_399 = tpu.vector_load %arg5[%get3A_398] {strides = array<i32>} : memref<10112xi32, #tpu.memory_space<vmem>>, vector<16xi32>,
        %eq3A_400 = arith.constant 0 : i32
        %eq3A_401 = vector.broadcast %eq3A_400 : i32 to vector<16xi32>
        %eq3A_402 = arith.cmpi eq, %get3A_390, %eq3A_401 : vector<16xi32>
        %jit3A_403 = arith.constant 1.000000e+00 : f32
        %jit3A_404 = arith.constant 0.000000e+00 : f32
        %broadcast_in_dim3A_405 = vector.broadcast %jit3A_403 : f32 to vector<16xf32>
        %broadcast_in_dim3A_406 = vector.broadcast %jit3A_404 : f32 to vector<16xf32>
        %select_n3A_407 = arith.select %eq3A_402, %broadcast_in_dim3A_405, %broadcast_in_dim3A_406 : vector<16xi1>, vector<16xf32>
        %eq3A_408 = arith.constant 0 : i32
        %eq3A_409 = vector.broadcast %eq3A_408 : i32 to vector<16xi32>
        %eq3A_410 = arith.cmpi eq, %get3A_399, %eq3A_409 : vector<16xi32>
        %jit3A_411 = arith.constant 1.000000e+00 : f32
        %jit3A_412 = arith.constant 0.000000e+00 : f32
        %broadcast_in_dim3A_413 = vector.broadcast %jit3A_411 : f32 to vector<16xf32>
        %broadcast_in_dim3A_414 = vector.broadcast %jit3A_412 : f32 to vector<16xf32>
        %select_n3A_415 = arith.select %eq3A_410, %broadcast_in_dim3A_413, %broadcast_in_dim3A_414 : vector<16xi1>, vector<16xf32>
        %add3A_416 = arith.addf %select_n3A_407, %select_n3A_415 : vector<16xf32>
        %reduce_sum3A_417 = arith.constant true
        %reduce_sum3A_418 = vector.broadcast %reduce_sum3A_417 : i1 to vector<16xi1>
        %reduce_sum3A_419 = tpu.scan <sum>, %add3A_416 masked %reduce_sum3A_418 : vector<16xf32>, vector<16xi1> -> vector<16xf32>
        %reduce_sum3A_420 = vector.extract %reduce_sum3A_419[15] : f32 from vector<16xf32>
        %broadcast_in_dim3A_421 = vector.broadcast %reduce_sum3A_420 : f32 to vector<16xf32>
        %broadcast_in_dim3A_422 = arith.constant 0.000000e+00 : f32
        %broadcast_in_dim3A_423 = vector.broadcast %broadcast_in_dim3A_422 : f32 to vector<16xf32>
        %broadcast_in_dim3A_424 = arith.constant 0.000000e+00 : f32
        %broadcast_in_dim3A_425 = vector.broadcast %broadcast_in_dim3A_424 : f32 to vector<16xf32>
        %broadcast_in_dim3A_426 = arith.constant 0.000000e+00 : f32
        %broadcast_in_dim3A_427 = vector.broadcast %broadcast_in_dim3A_426 : f32 to vector<16xf32>
        %broadcast_in_dim3A_428 = arith.constant 0.000000e+00 : f32
        %broadcast_in_dim3A_429 = vector.broadcast %broadcast_in_dim3A_428 : f32 to vector<16xf32>
        %broadcast_in_dim3A_430 = arith.constant 0.000000e+00 : f32
        %broadcast_in_dim3A_431 = vector.broadcast %broadcast_in_dim3A_430 : f32 to vector<16xf32>
        %broadcast_in_dim3A_432 = arith.constant 0.000000e+00 : f32
        %broadcast_in_dim3A_433 = vector.broadcast %broadcast_in_dim3A_432 : f32 to vector<16xf32>
        %broadcast_in_dim3A_434 = arith.constant 0.000000e+00 : f32
        %broadcast_in_dim3A_435 = vector.broadcast %broadcast_in_dim3A_434 : f32 to vector<16xf32>
        %broadcast_in_dim3A_436 = arith.constant 0.000000e+00 : f32
        %broadcast_in_dim3A_437 = vector.broadcast %broadcast_in_dim3A_436 : f32 to vector<16xf32>
        %scan3A_438 = arith.constant 0 : i32
        %scan3A_439 = arith.constant 32 : i32
        %scan3A_440 = arith.addi %scan3A_438, %scan3A_439 : i32
        %scan3A_441 = arith.constant 1 : i32
        %scan3A_442:8 = scf.for %scan3A_684 = %scan3A_438 to %scan3A_440 step %scan3A_441 iter_args(%scan3A_685 = %broadcast_in_dim3A_423, %scan3A_686 = %broadcast_in_dim3A_425, %scan3A_687 = %broadcast_in_dim3A_427, %scan3A_688 = %broadcast_in_dim3A_429, %scan3A_689 = %broadcast_in_dim3A_431, %scan3A_690 = %broadcast_in_dim3A_433, %scan3A_691 = %broadcast_in_dim3A_435, %scan3A_692 = %broadcast_in_dim3A_437) -> (vector<16xf32>, vector<16xf32>, vector<16xf32>, vector<16xf32>, vector<16xf32>, vector<16xf32>, vector<16xf32>, vector<16xf32>)  : i32 {
          %add3A_693 = arith.constant 64 : i32
          %add3A_694 = arith.addi %add3A_693, %scan3A_684 : i32
          %get3A_695 = arith.index_cast %add3A_694 : i32 to index
          %get3A_696 = arith.constant 0 : index
          %get3A_697 = tpu.vector_load %arg10[%get3A_695, %get3A_696] {strides = array<i32>} : memref<128x128xf32, #tpu.memory_space<vmem>>, vector<16xf32>,
          %add3A_698 = arith.addf %scan3A_685, %get3A_697 : vector<16xf32>
          %get3A_699 = arith.index_cast %add3A_694 : i32 to index
          %get3A_700 = arith.constant 16 : index
          %get3A_701 = tpu.vector_load %arg10[%get3A_699, %get3A_700] {strides = array<i32>} : memref<128x128xf32, #tpu.memory_space<vmem>>, vector<16xf32>,
          %add3A_702 = arith.addf %scan3A_686, %get3A_701 : vector<16xf32>
          %get3A_703 = arith.index_cast %add3A_694 : i32 to index
          %get3A_704 = arith.constant 32 : index
          %get3A_705 = tpu.vector_load %arg10[%get3A_703, %get3A_704] {strides = array<i32>} : memref<128x128xf32, #tpu.memory_space<vmem>>, vector<16xf32>,
          %add3A_706 = arith.addf %scan3A_687, %get3A_705 : vector<16xf32>
          %get3A_707 = arith.index_cast %add3A_694 : i32 to index
          %get3A_708 = arith.constant 48 : index
          %get3A_709 = tpu.vector_load %arg10[%get3A_707, %get3A_708] {strides = array<i32>} : memref<128x128xf32, #tpu.memory_space<vmem>>, vector<16xf32>,
          %add3A_710 = arith.addf %scan3A_688, %get3A_709 : vector<16xf32>
          %get3A_711 = arith.index_cast %add3A_694 : i32 to index
          %get3A_712 = arith.constant 64 : index
          %get3A_713 = tpu.vector_load %arg10[%get3A_711, %get3A_712] {strides = array<i32>} : memref<128x128xf32, #tpu.memory_space<vmem>>, vector<16xf32>,
          %add3A_714 = arith.addf %scan3A_689, %get3A_713 : vector<16xf32>
          %get3A_715 = arith.index_cast %add3A_694 : i32 to index
          %get3A_716 = arith.constant 80 : index
          %get3A_717 = tpu.vector_load %arg10[%get3A_715, %get3A_716] {strides = array<i32>} : memref<128x128xf32, #tpu.memory_space<vmem>>, vector<16xf32>,
          %add3A_718 = arith.addf %scan3A_690, %get3A_717 : vector<16xf32>
          %get3A_719 = arith.index_cast %add3A_694 : i32 to index
          %get3A_720 = arith.constant 96 : index
          %get3A_721 = tpu.vector_load %arg10[%get3A_719, %get3A_720] {strides = array<i32>} : memref<128x128xf32, #tpu.memory_space<vmem>>, vector<16xf32>,
          %add3A_722 = arith.addf %scan3A_691, %get3A_721 : vector<16xf32>
          %get3A_723 = arith.index_cast %add3A_694 : i32 to index
          %get3A_724 = arith.constant 112 : index
          %get3A_725 = tpu.vector_load %arg10[%get3A_723, %get3A_724] {strides = array<i32>} : memref<128x128xf32, #tpu.memory_space<vmem>>, vector<16xf32>,
          %add3A_726 = arith.addf %scan3A_692, %get3A_725 : vector<16xf32>
          scf.yield %add3A_698, %add3A_702, %add3A_706, %add3A_710, %add3A_714, %add3A_718, %add3A_722, %add3A_726 : vector<16xf32>, vector<16xf32>, vector<16xf32>, vector<16xf32>, vector<16xf32>, vector<16xf32>, vector<16xf32>, vector<16xf32>
        }
        %scan3A_443 = arith.constant 32 : i32
        %sub3A_444 = arith.constant 3.200000e+01 : f32
        %sub3A_445 = vector.broadcast %sub3A_444 : f32 to vector<16xf32>
        %sub3A_446 = arith.subf %sub3A_445, %broadcast_in_dim3A_421 : vector<16xf32>
        %eq3A_447 = arith.constant 0.000000e+00 : f32
        %eq3A_448 = vector.broadcast %eq3A_447 : f32 to vector<16xf32>
        %eq3A_449 = arith.cmpf oeq, %sub3A_446, %eq3A_448 : vector<16xf32>
        %jit3A_450 = arith.constant 1.000000e+00 : f32
        %broadcast_in_dim3A_451 = vector.broadcast %jit3A_450 : f32 to vector<16xf32>
        %select_n3A_452 = arith.select %eq3A_449, %broadcast_in_dim3A_451, %sub3A_446 : vector<16xi1>, vector<16xf32>
        %div3A_453 = arith.constant 1.000000e+00 : f32
        %div3A_454 = vector.broadcast %div3A_453 : f32 to vector<16xf32>
        %div3A_455 = arith.divf %div3A_454, %select_n3A_452 : vector<16xf32>
        %get3A_456 = arith.constant 0 : index
        %get3A_457 = tpu.vector_load %arg22[%get3A_456] {strides = array<i32>} : memref<128xf32, #tpu.memory_space<vmem>>, vector<16xf32>,
        %mul3A_458 = arith.mulf %broadcast_in_dim3A_421, %get3A_457 : vector<16xf32>
        %sub3A_459 = arith.subf %scan3A_442#0, %mul3A_458 : vector<16xf32>
        %mul3A_460 = arith.mulf %sub3A_459, %div3A_455 : vector<16xf32>
        %swap3A_461 = arith.constant 2 : i32
        %swap3A_462 = arith.index_cast %swap3A_461 : i32 to index
        %swap3A_463 = arith.constant 0 : index
        %swap3A_464 = tpu.vector_load %arg11[%swap3A_462, %swap3A_463] {strides = array<i32>} : memref<4x128xf32, #tpu.memory_space<vmem>>, vector<16xf32>,
        tpu.vector_store %arg11[%swap3A_462, %swap3A_463], %mul3A_460 {strides = array<i32>} : memref<4x128xf32, #tpu.memory_space<vmem>>, vector<16xf32>,
        %get3A_465 = arith.constant 16 : index
        %get3A_466 = tpu.vector_load %arg22[%get3A_465] {strides = array<i32>} : memref<128xf32, #tpu.memory_space<vmem>>, vector<16xf32>,
        %mul3A_467 = arith.mulf %broadcast_in_dim3A_421, %get3A_466 : vector<16xf32>
        %sub3A_468 = arith.subf %scan3A_442#1, %mul3A_467 : vector<16xf32>
        %mul3A_469 = arith.mulf %sub3A_468, %div3A_455 : vector<16xf32>
        %swap3A_470 = arith.constant 2 : i32
        %swap3A_471 = arith.index_cast %swap3A_470 : i32 to index
        %swap3A_472 = arith.constant 16 : index
        %swap3A_473 = tpu.vector_load %arg11[%swap3A_471, %swap3A_472] {strides = array<i32>} : memref<4x128xf32, #tpu.memory_space<vmem>>, vector<16xf32>,
        tpu.vector_store %arg11[%swap3A_471, %swap3A_472], %mul3A_469 {strides = array<i32>} : memref<4x128xf32, #tpu.memory_space<vmem>>, vector<16xf32>,
        %get3A_474 = arith.constant 32 : index
        %get3A_475 = tpu.vector_load %arg22[%get3A_474] {strides = array<i32>} : memref<128xf32, #tpu.memory_space<vmem>>, vector<16xf32>,
        %mul3A_476 = arith.mulf %broadcast_in_dim3A_421, %get3A_475 : vector<16xf32>
        %sub3A_477 = arith.subf %scan3A_442#2, %mul3A_476 : vector<16xf32>
        %mul3A_478 = arith.mulf %sub3A_477, %div3A_455 : vector<16xf32>
        %swap3A_479 = arith.constant 2 : i32
        %swap3A_480 = arith.index_cast %swap3A_479 : i32 to index
        %swap3A_481 = arith.constant 32 : index
        %swap3A_482 = tpu.vector_load %arg11[%swap3A_480, %swap3A_481] {strides = array<i32>} : memref<4x128xf32, #tpu.memory_space<vmem>>, vector<16xf32>,
        tpu.vector_store %arg11[%swap3A_480, %swap3A_481], %mul3A_478 {strides = array<i32>} : memref<4x128xf32, #tpu.memory_space<vmem>>, vector<16xf32>,
        %get3A_483 = arith.constant 48 : index
        %get3A_484 = tpu.vector_load %arg22[%get3A_483] {strides = array<i32>} : memref<128xf32, #tpu.memory_space<vmem>>, vector<16xf32>,
        %mul3A_485 = arith.mulf %broadcast_in_dim3A_421, %get3A_484 : vector<16xf32>
        %sub3A_486 = arith.subf %scan3A_442#3, %mul3A_485 : vector<16xf32>
        %mul3A_487 = arith.mulf %sub3A_486, %div3A_455 : vector<16xf32>
        %swap3A_488 = arith.constant 2 : i32
        %swap3A_489 = arith.index_cast %swap3A_488 : i32 to index
        %swap3A_490 = arith.constant 48 : index
        %swap3A_491 = tpu.vector_load %arg11[%swap3A_489, %swap3A_490] {strides = array<i32>} : memref<4x128xf32, #tpu.memory_space<vmem>>, vector<16xf32>,
        tpu.vector_store %arg11[%swap3A_489, %swap3A_490], %mul3A_487 {strides = array<i32>} : memref<4x128xf32, #tpu.memory_space<vmem>>, vector<16xf32>,
        %get3A_492 = arith.constant 64 : index
        %get3A_493 = tpu.vector_load %arg22[%get3A_492] {strides = array<i32>} : memref<128xf32, #tpu.memory_space<vmem>>, vector<16xf32>,
        %mul3A_494 = arith.mulf %broadcast_in_dim3A_421, %get3A_493 : vector<16xf32>
        %sub3A_495 = arith.subf %scan3A_442#4, %mul3A_494 : vector<16xf32>
        %mul3A_496 = arith.mulf %sub3A_495, %div3A_455 : vector<16xf32>
        %swap3A_497 = arith.constant 2 : i32
        %swap3A_498 = arith.index_cast %swap3A_497 : i32 to index
        %swap3A_499 = arith.constant 64 : index
        %swap3A_500 = tpu.vector_load %arg11[%swap3A_498, %swap3A_499] {strides = array<i32>} : memref<4x128xf32, #tpu.memory_space<vmem>>, vector<16xf32>,
        tpu.vector_store %arg11[%swap3A_498, %swap3A_499], %mul3A_496 {strides = array<i32>} : memref<4x128xf32, #tpu.memory_space<vmem>>, vector<16xf32>,
        %get3A_501 = arith.constant 80 : index
        %get3A_502 = tpu.vector_load %arg22[%get3A_501] {strides = array<i32>} : memref<128xf32, #tpu.memory_space<vmem>>, vector<16xf32>,
        %mul3A_503 = arith.mulf %broadcast_in_dim3A_421, %get3A_502 : vector<16xf32>
        %sub3A_504 = arith.subf %scan3A_442#5, %mul3A_503 : vector<16xf32>
        %mul3A_505 = arith.mulf %sub3A_504, %div3A_455 : vector<16xf32>
        %swap3A_506 = arith.constant 2 : i32
        %swap3A_507 = arith.index_cast %swap3A_506 : i32 to index
        %swap3A_508 = arith.constant 80 : index
        %swap3A_509 = tpu.vector_load %arg11[%swap3A_507, %swap3A_508] {strides = array<i32>} : memref<4x128xf32, #tpu.memory_space<vmem>>, vector<16xf32>,
        tpu.vector_store %arg11[%swap3A_507, %swap3A_508], %mul3A_505 {strides = array<i32>} : memref<4x128xf32, #tpu.memory_space<vmem>>, vector<16xf32>,
        %get3A_510 = arith.constant 96 : index
        %get3A_511 = tpu.vector_load %arg22[%get3A_510] {strides = array<i32>} : memref<128xf32, #tpu.memory_space<vmem>>, vector<16xf32>,
        %mul3A_512 = arith.mulf %broadcast_in_dim3A_421, %get3A_511 : vector<16xf32>
        %sub3A_513 = arith.subf %scan3A_442#6, %mul3A_512 : vector<16xf32>
        %mul3A_514 = arith.mulf %sub3A_513, %div3A_455 : vector<16xf32>
        %swap3A_515 = arith.constant 2 : i32
        %swap3A_516 = arith.index_cast %swap3A_515 : i32 to index
        %swap3A_517 = arith.constant 96 : index
        %swap3A_518 = tpu.vector_load %arg11[%swap3A_516, %swap3A_517] {strides = array<i32>} : memref<4x128xf32, #tpu.memory_space<vmem>>, vector<16xf32>,
        tpu.vector_store %arg11[%swap3A_516, %swap3A_517], %mul3A_514 {strides = array<i32>} : memref<4x128xf32, #tpu.memory_space<vmem>>, vector<16xf32>,
        %get3A_519 = arith.constant 112 : index
        %get3A_520 = tpu.vector_load %arg22[%get3A_519] {strides = array<i32>} : memref<128xf32, #tpu.memory_space<vmem>>, vector<16xf32>,
        %mul3A_521 = arith.mulf %broadcast_in_dim3A_421, %get3A_520 : vector<16xf32>
        %sub3A_522 = arith.subf %scan3A_442#7, %mul3A_521 : vector<16xf32>
        %mul3A_523 = arith.mulf %sub3A_522, %div3A_455 : vector<16xf32>
        %swap3A_524 = arith.constant 2 : i32
        %swap3A_525 = arith.index_cast %swap3A_524 : i32 to index
        %swap3A_526 = arith.constant 112 : index
        %swap3A_527 = tpu.vector_load %arg11[%swap3A_525, %swap3A_526] {strides = array<i32>} : memref<4x128xf32, #tpu.memory_space<vmem>>, vector<16xf32>,
        tpu.vector_store %arg11[%swap3A_525, %swap3A_526], %mul3A_523 {strides = array<i32>} : memref<4x128xf32, #tpu.memory_space<vmem>>, vector<16xf32>,
        %mul3A_528 = arith.constant 128 : i32
        %mul3A_529 = arith.muli %add3A_70, %mul3A_528 : i32
        %add3A_530 = arith.addi %mul3A_10, %mul3A_529 : i32
        %add3A_531 = arith.constant 96 : i32
        %add3A_532 = arith.addi %add3A_530, %add3A_531 : i32
        %get3A_533 = arith.index_cast %add3A_532 : i32 to index
        %get3A_534 = tpu.vector_load %arg5[%get3A_533] {strides = array<i32>} : memref<10112xi32, #tpu.memory_space<vmem>>, vector<16xi32>,
        %mul3A_535 = arith.constant 128 : i32
        %mul3A_536 = arith.muli %add3A_70, %mul3A_535 : i32
        %add3A_537 = arith.addi %mul3A_10, %mul3A_536 : i32
        %add3A_538 = arith.constant 96 : i32
        %add3A_539 = arith.addi %add3A_537, %add3A_538 : i32
        %add3A_540 = arith.constant 16 : i32
        %add3A_541 = arith.addi %add3A_539, %add3A_540 : i32
        %get3A_542 = arith.index_cast %add3A_541 : i32 to index
        %get3A_543 = tpu.vector_load %arg5[%get3A_542] {strides = array<i32>} : memref<10112xi32, #tpu.memory_space<vmem>>, vector<16xi32>,
        %eq3A_544 = arith.constant 0 : i32
        %eq3A_545 = vector.broadcast %eq3A_544 : i32 to vector<16xi32>
        %eq3A_546 = arith.cmpi eq, %get3A_534, %eq3A_545 : vector<16xi32>
        %jit3A_547 = arith.constant 1.000000e+00 : f32
        %jit3A_548 = arith.constant 0.000000e+00 : f32
        %broadcast_in_dim3A_549 = vector.broadcast %jit3A_547 : f32 to vector<16xf32>
        %broadcast_in_dim3A_550 = vector.broadcast %jit3A_548 : f32 to vector<16xf32>
        %select_n3A_551 = arith.select %eq3A_546, %broadcast_in_dim3A_549, %broadcast_in_dim3A_550 : vector<16xi1>, vector<16xf32>
        %eq3A_552 = arith.constant 0 : i32
        %eq3A_553 = vector.broadcast %eq3A_552 : i32 to vector<16xi32>
        %eq3A_554 = arith.cmpi eq, %get3A_543, %eq3A_553 : vector<16xi32>
        %jit3A_555 = arith.constant 1.000000e+00 : f32
        %jit3A_556 = arith.constant 0.000000e+00 : f32
        %broadcast_in_dim3A_557 = vector.broadcast %jit3A_555 : f32 to vector<16xf32>
        %broadcast_in_dim3A_558 = vector.broadcast %jit3A_556 : f32 to vector<16xf32>
        %select_n3A_559 = arith.select %eq3A_554, %broadcast_in_dim3A_557, %broadcast_in_dim3A_558 : vector<16xi1>, vector<16xf32>
        %add3A_560 = arith.addf %select_n3A_551, %select_n3A_559 : vector<16xf32>
        %reduce_sum3A_561 = arith.constant true
        %reduce_sum3A_562 = vector.broadcast %reduce_sum3A_561 : i1 to vector<16xi1>
        %reduce_sum3A_563 = tpu.scan <sum>, %add3A_560 masked %reduce_sum3A_562 : vector<16xf32>, vector<16xi1> -> vector<16xf32>
        %reduce_sum3A_564 = vector.extract %reduce_sum3A_563[15] : f32 from vector<16xf32>
        %broadcast_in_dim3A_565 = vector.broadcast %reduce_sum3A_564 : f32 to vector<16xf32>
        %broadcast_in_dim3A_566 = arith.constant 0.000000e+00 : f32
        %broadcast_in_dim3A_567 = vector.broadcast %broadcast_in_dim3A_566 : f32 to vector<16xf32>
        %broadcast_in_dim3A_568 = arith.constant 0.000000e+00 : f32
        %broadcast_in_dim3A_569 = vector.broadcast %broadcast_in_dim3A_568 : f32 to vector<16xf32>
        %broadcast_in_dim3A_570 = arith.constant 0.000000e+00 : f32
        %broadcast_in_dim3A_571 = vector.broadcast %broadcast_in_dim3A_570 : f32 to vector<16xf32>
        %broadcast_in_dim3A_572 = arith.constant 0.000000e+00 : f32
        %broadcast_in_dim3A_573 = vector.broadcast %broadcast_in_dim3A_572 : f32 to vector<16xf32>
        %broadcast_in_dim3A_574 = arith.constant 0.000000e+00 : f32
        %broadcast_in_dim3A_575 = vector.broadcast %broadcast_in_dim3A_574 : f32 to vector<16xf32>
        %broadcast_in_dim3A_576 = arith.constant 0.000000e+00 : f32
        %broadcast_in_dim3A_577 = vector.broadcast %broadcast_in_dim3A_576 : f32 to vector<16xf32>
        %broadcast_in_dim3A_578 = arith.constant 0.000000e+00 : f32
        %broadcast_in_dim3A_579 = vector.broadcast %broadcast_in_dim3A_578 : f32 to vector<16xf32>
        %broadcast_in_dim3A_580 = arith.constant 0.000000e+00 : f32
        %broadcast_in_dim3A_581 = vector.broadcast %broadcast_in_dim3A_580 : f32 to vector<16xf32>
        %scan3A_582 = arith.constant 0 : i32
        %scan3A_583 = arith.constant 32 : i32
        %scan3A_584 = arith.addi %scan3A_582, %scan3A_583 : i32
        %scan3A_585 = arith.constant 1 : i32
        %scan3A_586:8 = scf.for %scan3A_684 = %scan3A_582 to %scan3A_584 step %scan3A_585 iter_args(%scan3A_685 = %broadcast_in_dim3A_567, %scan3A_686 = %broadcast_in_dim3A_569, %scan3A_687 = %broadcast_in_dim3A_571, %scan3A_688 = %broadcast_in_dim3A_573, %scan3A_689 = %broadcast_in_dim3A_575, %scan3A_690 = %broadcast_in_dim3A_577, %scan3A_691 = %broadcast_in_dim3A_579, %scan3A_692 = %broadcast_in_dim3A_581) -> (vector<16xf32>, vector<16xf32>, vector<16xf32>, vector<16xf32>, vector<16xf32>, vector<16xf32>, vector<16xf32>, vector<16xf32>)  : i32 {
          %add3A_693 = arith.constant 96 : i32
          %add3A_694 = arith.addi %add3A_693, %scan3A_684 : i32
          %get3A_695 = arith.index_cast %add3A_694 : i32 to index
          %get3A_696 = arith.constant 0 : index
          %get3A_697 = tpu.vector_load %arg10[%get3A_695, %get3A_696] {strides = array<i32>} : memref<128x128xf32, #tpu.memory_space<vmem>>, vector<16xf32>,
          %add3A_698 = arith.addf %scan3A_685, %get3A_697 : vector<16xf32>
          %get3A_699 = arith.index_cast %add3A_694 : i32 to index
          %get3A_700 = arith.constant 16 : index
          %get3A_701 = tpu.vector_load %arg10[%get3A_699, %get3A_700] {strides = array<i32>} : memref<128x128xf32, #tpu.memory_space<vmem>>, vector<16xf32>,
          %add3A_702 = arith.addf %scan3A_686, %get3A_701 : vector<16xf32>
          %get3A_703 = arith.index_cast %add3A_694 : i32 to index
          %get3A_704 = arith.constant 32 : index
          %get3A_705 = tpu.vector_load %arg10[%get3A_703, %get3A_704] {strides = array<i32>} : memref<128x128xf32, #tpu.memory_space<vmem>>, vector<16xf32>,
          %add3A_706 = arith.addf %scan3A_687, %get3A_705 : vector<16xf32>
          %get3A_707 = arith.index_cast %add3A_694 : i32 to index
          %get3A_708 = arith.constant 48 : index
          %get3A_709 = tpu.vector_load %arg10[%get3A_707, %get3A_708] {strides = array<i32>} : memref<128x128xf32, #tpu.memory_space<vmem>>, vector<16xf32>,
          %add3A_710 = arith.addf %scan3A_688, %get3A_709 : vector<16xf32>
          %get3A_711 = arith.index_cast %add3A_694 : i32 to index
          %get3A_712 = arith.constant 64 : index
          %get3A_713 = tpu.vector_load %arg10[%get3A_711, %get3A_712] {strides = array<i32>} : memref<128x128xf32, #tpu.memory_space<vmem>>, vector<16xf32>,
          %add3A_714 = arith.addf %scan3A_689, %get3A_713 : vector<16xf32>
          %get3A_715 = arith.index_cast %add3A_694 : i32 to index
          %get3A_716 = arith.constant 80 : index
          %get3A_717 = tpu.vector_load %arg10[%get3A_715, %get3A_716] {strides = array<i32>} : memref<128x128xf32, #tpu.memory_space<vmem>>, vector<16xf32>,
          %add3A_718 = arith.addf %scan3A_690, %get3A_717 : vector<16xf32>
          %get3A_719 = arith.index_cast %add3A_694 : i32 to index
          %get3A_720 = arith.constant 96 : index
          %get3A_721 = tpu.vector_load %arg10[%get3A_719, %get3A_720] {strides = array<i32>} : memref<128x128xf32, #tpu.memory_space<vmem>>, vector<16xf32>,
          %add3A_722 = arith.addf %scan3A_691, %get3A_721 : vector<16xf32>
          %get3A_723 = arith.index_cast %add3A_694 : i32 to index
          %get3A_724 = arith.constant 112 : index
          %get3A_725 = tpu.vector_load %arg10[%get3A_723, %get3A_724] {strides = array<i32>} : memref<128x128xf32, #tpu.memory_space<vmem>>, vector<16xf32>,
          %add3A_726 = arith.addf %scan3A_692, %get3A_725 : vector<16xf32>
          scf.yield %add3A_698, %add3A_702, %add3A_706, %add3A_710, %add3A_714, %add3A_718, %add3A_722, %add3A_726 : vector<16xf32>, vector<16xf32>, vector<16xf32>, vector<16xf32>, vector<16xf32>, vector<16xf32>, vector<16xf32>, vector<16xf32>
        }
        %scan3A_587 = arith.constant 32 : i32
        %sub3A_588 = arith.constant 3.200000e+01 : f32
        %sub3A_589 = vector.broadcast %sub3A_588 : f32 to vector<16xf32>
        %sub3A_590 = arith.subf %sub3A_589, %broadcast_in_dim3A_565 : vector<16xf32>
        %eq3A_591 = arith.constant 0.000000e+00 : f32
        %eq3A_592 = vector.broadcast %eq3A_591 : f32 to vector<16xf32>
        %eq3A_593 = arith.cmpf oeq, %sub3A_590, %eq3A_592 : vector<16xf32>
        %jit3A_594 = arith.constant 1.000000e+00 : f32
        %broadcast_in_dim3A_595 = vector.broadcast %jit3A_594 : f32 to vector<16xf32>
        %select_n3A_596 = arith.select %eq3A_593, %broadcast_in_dim3A_595, %sub3A_590 : vector<16xi1>, vector<16xf32>
        %div3A_597 = arith.constant 1.000000e+00 : f32
        %div3A_598 = vector.broadcast %div3A_597 : f32 to vector<16xf32>
        %div3A_599 = arith.divf %div3A_598, %select_n3A_596 : vector<16xf32>
        %get3A_600 = arith.constant 0 : index
        %get3A_601 = tpu.vector_load %arg22[%get3A_600] {strides = array<i32>} : memref<128xf32, #tpu.memory_space<vmem>>, vector<16xf32>,
        %mul3A_602 = arith.mulf %broadcast_in_dim3A_565, %get3A_601 : vector<16xf32>
        %sub3A_603 = arith.subf %scan3A_586#0, %mul3A_602 : vector<16xf32>
        %mul3A_604 = arith.mulf %sub3A_603, %div3A_599 : vector<16xf32>
        %swap3A_605 = arith.constant 3 : i32
        %swap3A_606 = arith.index_cast %swap3A_605 : i32 to index
        %swap3A_607 = arith.constant 0 : index
        %swap3A_608 = tpu.vector_load %arg11[%swap3A_606, %swap3A_607] {strides = array<i32>} : memref<4x128xf32, #tpu.memory_space<vmem>>, vector<16xf32>,
        tpu.vector_store %arg11[%swap3A_606, %swap3A_607], %mul3A_604 {strides = array<i32>} : memref<4x128xf32, #tpu.memory_space<vmem>>, vector<16xf32>,
        %get3A_609 = arith.constant 16 : index
        %get3A_610 = tpu.vector_load %arg22[%get3A_609] {strides = array<i32>} : memref<128xf32, #tpu.memory_space<vmem>>, vector<16xf32>,
        %mul3A_611 = arith.mulf %broadcast_in_dim3A_565, %get3A_610 : vector<16xf32>
        %sub3A_612 = arith.subf %scan3A_586#1, %mul3A_611 : vector<16xf32>
        %mul3A_613 = arith.mulf %sub3A_612, %div3A_599 : vector<16xf32>
        %swap3A_614 = arith.constant 3 : i32
        %swap3A_615 = arith.index_cast %swap3A_614 : i32 to index
        %swap3A_616 = arith.constant 16 : index
        %swap3A_617 = tpu.vector_load %arg11[%swap3A_615, %swap3A_616] {strides = array<i32>} : memref<4x128xf32, #tpu.memory_space<vmem>>, vector<16xf32>,
        tpu.vector_store %arg11[%swap3A_615, %swap3A_616], %mul3A_613 {strides = array<i32>} : memref<4x128xf32, #tpu.memory_space<vmem>>, vector<16xf32>,
        %get3A_618 = arith.constant 32 : index
        %get3A_619 = tpu.vector_load %arg22[%get3A_618] {strides = array<i32>} : memref<128xf32, #tpu.memory_space<vmem>>, vector<16xf32>,
        %mul3A_620 = arith.mulf %broadcast_in_dim3A_565, %get3A_619 : vector<16xf32>
        %sub3A_621 = arith.subf %scan3A_586#2, %mul3A_620 : vector<16xf32>
        %mul3A_622 = arith.mulf %sub3A_621, %div3A_599 : vector<16xf32>
        %swap3A_623 = arith.constant 3 : i32
        %swap3A_624 = arith.index_cast %swap3A_623 : i32 to index
        %swap3A_625 = arith.constant 32 : index
        %swap3A_626 = tpu.vector_load %arg11[%swap3A_624, %swap3A_625] {strides = array<i32>} : memref<4x128xf32, #tpu.memory_space<vmem>>, vector<16xf32>,
        tpu.vector_store %arg11[%swap3A_624, %swap3A_625], %mul3A_622 {strides = array<i32>} : memref<4x128xf32, #tpu.memory_space<vmem>>, vector<16xf32>,
        %get3A_627 = arith.constant 48 : index
        %get3A_628 = tpu.vector_load %arg22[%get3A_627] {strides = array<i32>} : memref<128xf32, #tpu.memory_space<vmem>>, vector<16xf32>,
        %mul3A_629 = arith.mulf %broadcast_in_dim3A_565, %get3A_628 : vector<16xf32>
        %sub3A_630 = arith.subf %scan3A_586#3, %mul3A_629 : vector<16xf32>
        %mul3A_631 = arith.mulf %sub3A_630, %div3A_599 : vector<16xf32>
        %swap3A_632 = arith.constant 3 : i32
        %swap3A_633 = arith.index_cast %swap3A_632 : i32 to index
        %swap3A_634 = arith.constant 48 : index
        %swap3A_635 = tpu.vector_load %arg11[%swap3A_633, %swap3A_634] {strides = array<i32>} : memref<4x128xf32, #tpu.memory_space<vmem>>, vector<16xf32>,
        tpu.vector_store %arg11[%swap3A_633, %swap3A_634], %mul3A_631 {strides = array<i32>} : memref<4x128xf32, #tpu.memory_space<vmem>>, vector<16xf32>,
        %get3A_636 = arith.constant 64 : index
        %get3A_637 = tpu.vector_load %arg22[%get3A_636] {strides = array<i32>} : memref<128xf32, #tpu.memory_space<vmem>>, vector<16xf32>,
        %mul3A_638 = arith.mulf %broadcast_in_dim3A_565, %get3A_637 : vector<16xf32>
        %sub3A_639 = arith.subf %scan3A_586#4, %mul3A_638 : vector<16xf32>
        %mul3A_640 = arith.mulf %sub3A_639, %div3A_599 : vector<16xf32>
        %swap3A_641 = arith.constant 3 : i32
        %swap3A_642 = arith.index_cast %swap3A_641 : i32 to index
        %swap3A_643 = arith.constant 64 : index
        %swap3A_644 = tpu.vector_load %arg11[%swap3A_642, %swap3A_643] {strides = array<i32>} : memref<4x128xf32, #tpu.memory_space<vmem>>, vector<16xf32>,
        tpu.vector_store %arg11[%swap3A_642, %swap3A_643], %mul3A_640 {strides = array<i32>} : memref<4x128xf32, #tpu.memory_space<vmem>>, vector<16xf32>,
        %get3A_645 = arith.constant 80 : index
        %get3A_646 = tpu.vector_load %arg22[%get3A_645] {strides = array<i32>} : memref<128xf32, #tpu.memory_space<vmem>>, vector<16xf32>,
        %mul3A_647 = arith.mulf %broadcast_in_dim3A_565, %get3A_646 : vector<16xf32>
        %sub3A_648 = arith.subf %scan3A_586#5, %mul3A_647 : vector<16xf32>
        %mul3A_649 = arith.mulf %sub3A_648, %div3A_599 : vector<16xf32>
        %swap3A_650 = arith.constant 3 : i32
        %swap3A_651 = arith.index_cast %swap3A_650 : i32 to index
        %swap3A_652 = arith.constant 80 : index
        %swap3A_653 = tpu.vector_load %arg11[%swap3A_651, %swap3A_652] {strides = array<i32>} : memref<4x128xf32, #tpu.memory_space<vmem>>, vector<16xf32>,
        tpu.vector_store %arg11[%swap3A_651, %swap3A_652], %mul3A_649 {strides = array<i32>} : memref<4x128xf32, #tpu.memory_space<vmem>>, vector<16xf32>,
        %get3A_654 = arith.constant 96 : index
        %get3A_655 = tpu.vector_load %arg22[%get3A_654] {strides = array<i32>} : memref<128xf32, #tpu.memory_space<vmem>>, vector<16xf32>,
        %mul3A_656 = arith.mulf %broadcast_in_dim3A_565, %get3A_655 : vector<16xf32>
        %sub3A_657 = arith.subf %scan3A_586#6, %mul3A_656 : vector<16xf32>
        %mul3A_658 = arith.mulf %sub3A_657, %div3A_599 : vector<16xf32>
        %swap3A_659 = arith.constant 3 : i32
        %swap3A_660 = arith.index_cast %swap3A_659 : i32 to index
        %swap3A_661 = arith.constant 96 : index
        %swap3A_662 = tpu.vector_load %arg11[%swap3A_660, %swap3A_661] {strides = array<i32>} : memref<4x128xf32, #tpu.memory_space<vmem>>, vector<16xf32>,
        tpu.vector_store %arg11[%swap3A_660, %swap3A_661], %mul3A_658 {strides = array<i32>} : memref<4x128xf32, #tpu.memory_space<vmem>>, vector<16xf32>,
        %get3A_663 = arith.constant 112 : index
        %get3A_664 = tpu.vector_load %arg22[%get3A_663] {strides = array<i32>} : memref<128xf32, #tpu.memory_space<vmem>>, vector<16xf32>,
        %mul3A_665 = arith.mulf %broadcast_in_dim3A_565, %get3A_664 : vector<16xf32>
        %sub3A_666 = arith.subf %scan3A_586#7, %mul3A_665 : vector<16xf32>
        %mul3A_667 = arith.mulf %sub3A_666, %div3A_599 : vector<16xf32>
        %swap3A_668 = arith.constant 3 : i32
        %swap3A_669 = arith.index_cast %swap3A_668 : i32 to index
        %swap3A_670 = arith.constant 112 : index
        %swap3A_671 = tpu.vector_load %arg11[%swap3A_669, %swap3A_670] {strides = array<i32>} : memref<4x128xf32, #tpu.memory_space<vmem>>, vector<16xf32>,
        tpu.vector_store %arg11[%swap3A_669, %swap3A_670], %mul3A_667 {strides = array<i32>} : memref<4x128xf32, #tpu.memory_space<vmem>>, vector<16xf32>,
        %add3A_672 = arith.addi %add3A_6, %add3A_70 : i32
        %mul3A_673 = arith.constant 4 : i32
        %mul3A_674 = arith.muli %add3A_672, %mul3A_673 : i32
        %dma_start3A = arith.constant 0 : i32
        %dma_start3A_675 = tpu.memref_slice %arg4[%mul3A_674, %dma_start3A] : memref<10000x128xf32, #tpu.memory_space<hbm>> -> memref<4x128xf32, #tpu.memory_space<hbm>>
        %dma_start3A_676 = arith.constant 0 : i32
        %dma_start3A_677 = tpu.memref_slice %arg4[%mul3A_674, %dma_start3A_676] : memref<10000x128xf32, #tpu.memory_space<hbm>> -> memref<4x128xf32, #tpu.memory_space<hbm>>
        tpu.enqueue_dma source(%arg11 : memref<4x128xf32, #tpu.memory_space<vmem>>) target(%dma_start3A_677 : memref<4x128xf32, #tpu.memory_space<hbm>>) target_semaphore(%arg13 : memref<!tpu.dma_semaphore, #tpu.memory_space<semaphore_mem>>)
        %add3A_678 = arith.constant 4 : i32
        %add3A_679 = arith.addi %add3A_70, %add3A_678 : i32
        %lt3A_680 = arith.cmpi slt, %add3A_679, %select_n3A : i32
        %convert_element_type3A_681 = arith.extui %lt3A_680 : i1 to i32
        %cond3A_682 = arith.constant 0 : i32
        %cond3A_683 = arith.cmpi ne, %convert_element_type3A_681, %cond3A_682 : i32
        scf.if %cond3A_683 {
          %mul3A_684 = arith.constant 128 : i32
          %mul3A_685 = arith.muli %add3A_679, %mul3A_684 : i32
          %add3A_686 = arith.addi %mul3A_10, %mul3A_685 : i32
          %dma_start3A_687 = tpu.memref_slice %arg5[%add3A_686] : memref<10112xi32, #tpu.memory_space<vmem>> -> memref<128xi32, #tpu.memory_space<vmem>>
          %dma_start3A_688 = arith.constant 0 : i32
          %dma_start3A_689 = arith.constant 0 : i32
          %dma_start3A_690 = tpu.memref_slice %arg2[%dma_start3A_688, %dma_start3A_689] : memref<100000x128xf32, #tpu.memory_space<hbm>> -> memref<100000x128xf32, #tpu.memory_space<hbm>>
          tpu.enqueue_indirect_dma source(%dma_start3A_690 : memref<100000x128xf32, #tpu.memory_space<hbm>>) target(%arg10 : memref<128x128xf32, #tpu.memory_space<vmem>>) offsets(%dma_start3A_687 : memref<128xi32, #tpu.memory_space<vmem>>) semaphore(%arg12 : memref<!tpu.dma_semaphore, #tpu.memory_space<semaphore_mem>>)
        } else {
        }
      } else {
      }
      %mul3A_75 = arith.constant 4 : i32
      %mul3A_76 = arith.muli %scan3A_58, %mul3A_75 : i32
      %add3A_77 = arith.constant 2 : i32
      %add3A_78 = arith.addi %mul3A_76, %add3A_77 : i32
      %lt3A_79 = arith.cmpi slt, %add3A_78, %select_n3A : i32
      %convert_element_type3A_80 = arith.extui %lt3A_79 : i1 to i32
      %cond3A_81 = arith.constant 0 : i32
      %cond3A_82 = arith.cmpi ne, %convert_element_type3A_80, %cond3A_81 : i32
      scf.if %cond3A_82 {
        %mul3A_91 = arith.constant 128 : i32
        %mul3A_92 = arith.muli %add3A_78, %mul3A_91 : i32
        %add3A_93 = arith.addi %mul3A_10, %mul3A_92 : i32
        %dma_wait3A_94 = tpu.memref_slice %arg5[%add3A_93] : memref<10112xi32, #tpu.memory_space<vmem>> -> memref<128xi32, #tpu.memory_space<vmem>>
        %dma_wait3A_95 = arith.constant 0 : i32
        %dma_wait3A_96 = arith.constant 0 : i32
        %dma_wait3A_97 = tpu.memref_slice %arg2[%dma_wait3A_95, %dma_wait3A_96] : memref<100000x128xf32, #tpu.memory_space<hbm>> -> memref<100000x128xf32, #tpu.memory_space<hbm>>
        tpu.wait_indirect_dma semaphore(%arg16 : memref<!tpu.dma_semaphore, #tpu.memory_space<semaphore_mem>>) src(%dma_wait3A_97 : memref<100000x128xf32, #tpu.memory_space<hbm>>) dst(%arg14 : memref<128x128xf32, #tpu.memory_space<vmem>>)
        %ge3A = arith.constant 4 : i32
        %ge3A_98 = arith.cmpi sge, %add3A_78, %ge3A : i32
        %convert_element_type3A_99 = arith.extui %ge3A_98 : i1 to i32
        %cond3A_100 = arith.constant 0 : i32
        %cond3A_101 = arith.cmpi ne, %convert_element_type3A_99, %cond3A_100 : i32
        scf.if %cond3A_101 {
          %dma_wait3A_684 = arith.constant 0 : i32
          %dma_wait3A_685 = arith.constant 0 : i32
          %dma_wait3A_686 = tpu.memref_slice %arg4[%dma_wait3A_684, %dma_wait3A_685] : memref<10000x128xf32, #tpu.memory_space<hbm>> -> memref<4x128xf32, #tpu.memory_space<hbm>>
          %dma_wait3A_687 = arith.constant 0 : i32
          %dma_wait3A_688 = arith.constant 0 : i32
          %dma_wait3A_689 = tpu.memref_slice %arg4[%dma_wait3A_687, %dma_wait3A_688] : memref<10000x128xf32, #tpu.memory_space<hbm>> -> memref<4x128xf32, #tpu.memory_space<hbm>>
          tpu.wait_dma2 semaphore(%arg17 : memref<!tpu.dma_semaphore, #tpu.memory_space<semaphore_mem>>) src(%arg15 : memref<4x128xf32, #tpu.memory_space<vmem>>) dst(%dma_wait3A_689 : memref<4x128xf32, #tpu.memory_space<hbm>>)
        } else {
        }
        %mul3A_102 = arith.constant 128 : i32
        %mul3A_103 = arith.muli %add3A_78, %mul3A_102 : i32
        %add3A_104 = arith.addi %mul3A_10, %mul3A_103 : i32
        %add3A_105 = arith.constant 0 : i32
        %add3A_106 = arith.addi %add3A_104, %add3A_105 : i32
        %get3A = arith.index_cast %add3A_106 : i32 to index
        %get3A_107 = tpu.vector_load %arg5[%get3A] {strides = array<i32>} : memref<10112xi32, #tpu.memory_space<vmem>>, vector<16xi32>,
        %mul3A_108 = arith.constant 128 : i32
        %mul3A_109 = arith.muli %add3A_78, %mul3A_108 : i32
        %add3A_110 = arith.addi %mul3A_10, %mul3A_109 : i32
        %add3A_111 = arith.constant 0 : i32
        %add3A_112 = arith.addi %add3A_110, %add3A_111 : i32
        %add3A_113 = arith.constant 16 : i32
        %add3A_114 = arith.addi %add3A_112, %add3A_113 : i32
        %get3A_115 = arith.index_cast %add3A_114 : i32 to index
        %get3A_116 = tpu.vector_load %arg5[%get3A_115] {strides = array<i32>} : memref<10112xi32, #tpu.memory_space<vmem>>, vector<16xi32>,
        %eq3A = arith.constant 0 : i32
        %eq3A_117 = vector.broadcast %eq3A : i32 to vector<16xi32>
        %eq3A_118 = arith.cmpi eq, %get3A_107, %eq3A_117 : vector<16xi32>
        %jit3A_119 = arith.constant 1.000000e+00 : f32
        %jit3A_120 = arith.constant 0.000000e+00 : f32
        %broadcast_in_dim3A = vector.broadcast %jit3A_119 : f32 to vector<16xf32>
        %broadcast_in_dim3A_121 = vector.broadcast %jit3A_120 : f32 to vector<16xf32>
        %select_n3A_122 = arith.select %eq3A_118, %broadcast_in_dim3A, %broadcast_in_dim3A_121 : vector<16xi1>, vector<16xf32>
        %eq3A_123 = arith.constant 0 : i32
        %eq3A_124 = vector.broadcast %eq3A_123 : i32 to vector<16xi32>
        %eq3A_125 = arith.cmpi eq, %get3A_116, %eq3A_124 : vector<16xi32>
        %jit3A_126 = arith.constant 1.000000e+00 : f32
        %jit3A_127 = arith.constant 0.000000e+00 : f32
        %broadcast_in_dim3A_128 = vector.broadcast %jit3A_126 : f32 to vector<16xf32>
        %broadcast_in_dim3A_129 = vector.broadcast %jit3A_127 : f32 to vector<16xf32>
        %select_n3A_130 = arith.select %eq3A_125, %broadcast_in_dim3A_128, %broadcast_in_dim3A_129 : vector<16xi1>, vector<16xf32>
        %add3A_131 = arith.addf %select_n3A_122, %select_n3A_130 : vector<16xf32>
        %reduce_sum3A = arith.constant true
        %reduce_sum3A_132 = vector.broadcast %reduce_sum3A : i1 to vector<16xi1>
        %reduce_sum3A_133 = tpu.scan <sum>, %add3A_131 masked %reduce_sum3A_132 : vector<16xf32>, vector<16xi1> -> vector<16xf32>
        %reduce_sum3A_134 = vector.extract %reduce_sum3A_133[15] : f32 from vector<16xf32>
        %broadcast_in_dim3A_135 = vector.broadcast %reduce_sum3A_134 : f32 to vector<16xf32>
        %broadcast_in_dim3A_136 = arith.constant 0.000000e+00 : f32
        %broadcast_in_dim3A_137 = vector.broadcast %broadcast_in_dim3A_136 : f32 to vector<16xf32>
        %broadcast_in_dim3A_138 = arith.constant 0.000000e+00 : f32
        %broadcast_in_dim3A_139 = vector.broadcast %broadcast_in_dim3A_138 : f32 to vector<16xf32>
        %broadcast_in_dim3A_140 = arith.constant 0.000000e+00 : f32
        %broadcast_in_dim3A_141 = vector.broadcast %broadcast_in_dim3A_140 : f32 to vector<16xf32>
        %broadcast_in_dim3A_142 = arith.constant 0.000000e+00 : f32
        %broadcast_in_dim3A_143 = vector.broadcast %broadcast_in_dim3A_142 : f32 to vector<16xf32>
        %broadcast_in_dim3A_144 = arith.constant 0.000000e+00 : f32
        %broadcast_in_dim3A_145 = vector.broadcast %broadcast_in_dim3A_144 : f32 to vector<16xf32>
        %broadcast_in_dim3A_146 = arith.constant 0.000000e+00 : f32
        %broadcast_in_dim3A_147 = vector.broadcast %broadcast_in_dim3A_146 : f32 to vector<16xf32>
        %broadcast_in_dim3A_148 = arith.constant 0.000000e+00 : f32
        %broadcast_in_dim3A_149 = vector.broadcast %broadcast_in_dim3A_148 : f32 to vector<16xf32>
        %broadcast_in_dim3A_150 = arith.constant 0.000000e+00 : f32
        %broadcast_in_dim3A_151 = vector.broadcast %broadcast_in_dim3A_150 : f32 to vector<16xf32>
        %scan3A_152 = arith.constant 0 : i32
        %scan3A_153 = arith.constant 32 : i32
        %scan3A_154 = arith.addi %scan3A_152, %scan3A_153 : i32
        %scan3A_155 = arith.constant 1 : i32
        %scan3A_156:8 = scf.for %scan3A_684 = %scan3A_152 to %scan3A_154 step %scan3A_155 iter_args(%scan3A_685 = %broadcast_in_dim3A_137, %scan3A_686 = %broadcast_in_dim3A_139, %scan3A_687 = %broadcast_in_dim3A_141, %scan3A_688 = %broadcast_in_dim3A_143, %scan3A_689 = %broadcast_in_dim3A_145, %scan3A_690 = %broadcast_in_dim3A_147, %scan3A_691 = %broadcast_in_dim3A_149, %scan3A_692 = %broadcast_in_dim3A_151) -> (vector<16xf32>, vector<16xf32>, vector<16xf32>, vector<16xf32>, vector<16xf32>, vector<16xf32>, vector<16xf32>, vector<16xf32>)  : i32 {
          %add3A_693 = arith.constant 0 : i32
          %add3A_694 = arith.addi %add3A_693, %scan3A_684 : i32
          %get3A_695 = arith.index_cast %add3A_694 : i32 to index
          %get3A_696 = arith.constant 0 : index
          %get3A_697 = tpu.vector_load %arg14[%get3A_695, %get3A_696] {strides = array<i32>} : memref<128x128xf32, #tpu.memory_space<vmem>>, vector<16xf32>,
          %add3A_698 = arith.addf %scan3A_685, %get3A_697 : vector<16xf32>
          %get3A_699 = arith.index_cast %add3A_694 : i32 to index
          %get3A_700 = arith.constant 16 : index
          %get3A_701 = tpu.vector_load %arg14[%get3A_699, %get3A_700] {strides = array<i32>} : memref<128x128xf32, #tpu.memory_space<vmem>>, vector<16xf32>,
          %add3A_702 = arith.addf %scan3A_686, %get3A_701 : vector<16xf32>
          %get3A_703 = arith.index_cast %add3A_694 : i32 to index
          %get3A_704 = arith.constant 32 : index
          %get3A_705 = tpu.vector_load %arg14[%get3A_703, %get3A_704] {strides = array<i32>} : memref<128x128xf32, #tpu.memory_space<vmem>>, vector<16xf32>,
          %add3A_706 = arith.addf %scan3A_687, %get3A_705 : vector<16xf32>
          %get3A_707 = arith.index_cast %add3A_694 : i32 to index
          %get3A_708 = arith.constant 48 : index
          %get3A_709 = tpu.vector_load %arg14[%get3A_707, %get3A_708] {strides = array<i32>} : memref<128x128xf32, #tpu.memory_space<vmem>>, vector<16xf32>,
          %add3A_710 = arith.addf %scan3A_688, %get3A_709 : vector<16xf32>
          %get3A_711 = arith.index_cast %add3A_694 : i32 to index
          %get3A_712 = arith.constant 64 : index
          %get3A_713 = tpu.vector_load %arg14[%get3A_711, %get3A_712] {strides = array<i32>} : memref<128x128xf32, #tpu.memory_space<vmem>>, vector<16xf32>,
          %add3A_714 = arith.addf %scan3A_689, %get3A_713 : vector<16xf32>
          %get3A_715 = arith.index_cast %add3A_694 : i32 to index
          %get3A_716 = arith.constant 80 : index
          %get3A_717 = tpu.vector_load %arg14[%get3A_715, %get3A_716] {strides = array<i32>} : memref<128x128xf32, #tpu.memory_space<vmem>>, vector<16xf32>,
          %add3A_718 = arith.addf %scan3A_690, %get3A_717 : vector<16xf32>
          %get3A_719 = arith.index_cast %add3A_694 : i32 to index
          %get3A_720 = arith.constant 96 : index
          %get3A_721 = tpu.vector_load %arg14[%get3A_719, %get3A_720] {strides = array<i32>} : memref<128x128xf32, #tpu.memory_space<vmem>>, vector<16xf32>,
          %add3A_722 = arith.addf %scan3A_691, %get3A_721 : vector<16xf32>
          %get3A_723 = arith.index_cast %add3A_694 : i32 to index
          %get3A_724 = arith.constant 112 : index
          %get3A_725 = tpu.vector_load %arg14[%get3A_723, %get3A_724] {strides = array<i32>} : memref<128x128xf32, #tpu.memory_space<vmem>>, vector<16xf32>,
          %add3A_726 = arith.addf %scan3A_692, %get3A_725 : vector<16xf32>
          scf.yield %add3A_698, %add3A_702, %add3A_706, %add3A_710, %add3A_714, %add3A_718, %add3A_722, %add3A_726 : vector<16xf32>, vector<16xf32>, vector<16xf32>, vector<16xf32>, vector<16xf32>, vector<16xf32>, vector<16xf32>, vector<16xf32>
        }
        %scan3A_157 = arith.constant 32 : i32
        %sub3A_158 = arith.constant 3.200000e+01 : f32
        %sub3A_159 = vector.broadcast %sub3A_158 : f32 to vector<16xf32>
        %sub3A_160 = arith.subf %sub3A_159, %broadcast_in_dim3A_135 : vector<16xf32>
        %eq3A_161 = arith.constant 0.000000e+00 : f32
        %eq3A_162 = vector.broadcast %eq3A_161 : f32 to vector<16xf32>
        %eq3A_163 = arith.cmpf oeq, %sub3A_160, %eq3A_162 : vector<16xf32>
        %jit3A_164 = arith.constant 1.000000e+00 : f32
        %broadcast_in_dim3A_165 = vector.broadcast %jit3A_164 : f32 to vector<16xf32>
        %select_n3A_166 = arith.select %eq3A_163, %broadcast_in_dim3A_165, %sub3A_160 : vector<16xi1>, vector<16xf32>
        %div3A = arith.constant 1.000000e+00 : f32
        %div3A_167 = vector.broadcast %div3A : f32 to vector<16xf32>
        %div3A_168 = arith.divf %div3A_167, %select_n3A_166 : vector<16xf32>
        %get3A_169 = arith.constant 0 : index
        %get3A_170 = tpu.vector_load %arg22[%get3A_169] {strides = array<i32>} : memref<128xf32, #tpu.memory_space<vmem>>, vector<16xf32>,
        %mul3A_171 = arith.mulf %broadcast_in_dim3A_135, %get3A_170 : vector<16xf32>
        %sub3A_172 = arith.subf %scan3A_156#0, %mul3A_171 : vector<16xf32>
        %mul3A_173 = arith.mulf %sub3A_172, %div3A_168 : vector<16xf32>
        %swap3A = arith.constant 0 : i32
        %swap3A_174 = arith.index_cast %swap3A : i32 to index
        %swap3A_175 = arith.constant 0 : index
        %swap3A_176 = tpu.vector_load %arg15[%swap3A_174, %swap3A_175] {strides = array<i32>} : memref<4x128xf32, #tpu.memory_space<vmem>>, vector<16xf32>,
        tpu.vector_store %arg15[%swap3A_174, %swap3A_175], %mul3A_173 {strides = array<i32>} : memref<4x128xf32, #tpu.memory_space<vmem>>, vector<16xf32>,
        %get3A_177 = arith.constant 16 : index
        %get3A_178 = tpu.vector_load %arg22[%get3A_177] {strides = array<i32>} : memref<128xf32, #tpu.memory_space<vmem>>, vector<16xf32>,
        %mul3A_179 = arith.mulf %broadcast_in_dim3A_135, %get3A_178 : vector<16xf32>
        %sub3A_180 = arith.subf %scan3A_156#1, %mul3A_179 : vector<16xf32>
        %mul3A_181 = arith.mulf %sub3A_180, %div3A_168 : vector<16xf32>
        %swap3A_182 = arith.constant 0 : i32
        %swap3A_183 = arith.index_cast %swap3A_182 : i32 to index
        %swap3A_184 = arith.constant 16 : index
        %swap3A_185 = tpu.vector_load %arg15[%swap3A_183, %swap3A_184] {strides = array<i32>} : memref<4x128xf32, #tpu.memory_space<vmem>>, vector<16xf32>,
        tpu.vector_store %arg15[%swap3A_183, %swap3A_184], %mul3A_181 {strides = array<i32>} : memref<4x128xf32, #tpu.memory_space<vmem>>, vector<16xf32>,
        %get3A_186 = arith.constant 32 : index
        %get3A_187 = tpu.vector_load %arg22[%get3A_186] {strides = array<i32>} : memref<128xf32, #tpu.memory_space<vmem>>, vector<16xf32>,
        %mul3A_188 = arith.mulf %broadcast_in_dim3A_135, %get3A_187 : vector<16xf32>
        %sub3A_189 = arith.subf %scan3A_156#2, %mul3A_188 : vector<16xf32>
        %mul3A_190 = arith.mulf %sub3A_189, %div3A_168 : vector<16xf32>
        %swap3A_191 = arith.constant 0 : i32
        %swap3A_192 = arith.index_cast %swap3A_191 : i32 to index
        %swap3A_193 = arith.constant 32 : index
        %swap3A_194 = tpu.vector_load %arg15[%swap3A_192, %swap3A_193] {strides = array<i32>} : memref<4x128xf32, #tpu.memory_space<vmem>>, vector<16xf32>,
        tpu.vector_store %arg15[%swap3A_192, %swap3A_193], %mul3A_190 {strides = array<i32>} : memref<4x128xf32, #tpu.memory_space<vmem>>, vector<16xf32>,
        %get3A_195 = arith.constant 48 : index
        %get3A_196 = tpu.vector_load %arg22[%get3A_195] {strides = array<i32>} : memref<128xf32, #tpu.memory_space<vmem>>, vector<16xf32>,
        %mul3A_197 = arith.mulf %broadcast_in_dim3A_135, %get3A_196 : vector<16xf32>
        %sub3A_198 = arith.subf %scan3A_156#3, %mul3A_197 : vector<16xf32>
        %mul3A_199 = arith.mulf %sub3A_198, %div3A_168 : vector<16xf32>
        %swap3A_200 = arith.constant 0 : i32
        %swap3A_201 = arith.index_cast %swap3A_200 : i32 to index
        %swap3A_202 = arith.constant 48 : index
        %swap3A_203 = tpu.vector_load %arg15[%swap3A_201, %swap3A_202] {strides = array<i32>} : memref<4x128xf32, #tpu.memory_space<vmem>>, vector<16xf32>,
        tpu.vector_store %arg15[%swap3A_201, %swap3A_202], %mul3A_199 {strides = array<i32>} : memref<4x128xf32, #tpu.memory_space<vmem>>, vector<16xf32>,
        %get3A_204 = arith.constant 64 : index
        %get3A_205 = tpu.vector_load %arg22[%get3A_204] {strides = array<i32>} : memref<128xf32, #tpu.memory_space<vmem>>, vector<16xf32>,
        %mul3A_206 = arith.mulf %broadcast_in_dim3A_135, %get3A_205 : vector<16xf32>
        %sub3A_207 = arith.subf %scan3A_156#4, %mul3A_206 : vector<16xf32>
        %mul3A_208 = arith.mulf %sub3A_207, %div3A_168 : vector<16xf32>
        %swap3A_209 = arith.constant 0 : i32
        %swap3A_210 = arith.index_cast %swap3A_209 : i32 to index
        %swap3A_211 = arith.constant 64 : index
        %swap3A_212 = tpu.vector_load %arg15[%swap3A_210, %swap3A_211] {strides = array<i32>} : memref<4x128xf32, #tpu.memory_space<vmem>>, vector<16xf32>,
        tpu.vector_store %arg15[%swap3A_210, %swap3A_211], %mul3A_208 {strides = array<i32>} : memref<4x128xf32, #tpu.memory_space<vmem>>, vector<16xf32>,
        %get3A_213 = arith.constant 80 : index
        %get3A_214 = tpu.vector_load %arg22[%get3A_213] {strides = array<i32>} : memref<128xf32, #tpu.memory_space<vmem>>, vector<16xf32>,
        %mul3A_215 = arith.mulf %broadcast_in_dim3A_135, %get3A_214 : vector<16xf32>
        %sub3A_216 = arith.subf %scan3A_156#5, %mul3A_215 : vector<16xf32>
        %mul3A_217 = arith.mulf %sub3A_216, %div3A_168 : vector<16xf32>
        %swap3A_218 = arith.constant 0 : i32
        %swap3A_219 = arith.index_cast %swap3A_218 : i32 to index
        %swap3A_220 = arith.constant 80 : index
        %swap3A_221 = tpu.vector_load %arg15[%swap3A_219, %swap3A_220] {strides = array<i32>} : memref<4x128xf32, #tpu.memory_space<vmem>>, vector<16xf32>,
        tpu.vector_store %arg15[%swap3A_219, %swap3A_220], %mul3A_217 {strides = array<i32>} : memref<4x128xf32, #tpu.memory_space<vmem>>, vector<16xf32>,
        %get3A_222 = arith.constant 96 : index
        %get3A_223 = tpu.vector_load %arg22[%get3A_222] {strides = array<i32>} : memref<128xf32, #tpu.memory_space<vmem>>, vector<16xf32>,
        %mul3A_224 = arith.mulf %broadcast_in_dim3A_135, %get3A_223 : vector<16xf32>
        %sub3A_225 = arith.subf %scan3A_156#6, %mul3A_224 : vector<16xf32>
        %mul3A_226 = arith.mulf %sub3A_225, %div3A_168 : vector<16xf32>
        %swap3A_227 = arith.constant 0 : i32
        %swap3A_228 = arith.index_cast %swap3A_227 : i32 to index
        %swap3A_229 = arith.constant 96 : index
        %swap3A_230 = tpu.vector_load %arg15[%swap3A_228, %swap3A_229] {strides = array<i32>} : memref<4x128xf32, #tpu.memory_space<vmem>>, vector<16xf32>,
        tpu.vector_store %arg15[%swap3A_228, %swap3A_229], %mul3A_226 {strides = array<i32>} : memref<4x128xf32, #tpu.memory_space<vmem>>, vector<16xf32>,
        %get3A_231 = arith.constant 112 : index
        %get3A_232 = tpu.vector_load %arg22[%get3A_231] {strides = array<i32>} : memref<128xf32, #tpu.memory_space<vmem>>, vector<16xf32>,
        %mul3A_233 = arith.mulf %broadcast_in_dim3A_135, %get3A_232 : vector<16xf32>
        %sub3A_234 = arith.subf %scan3A_156#7, %mul3A_233 : vector<16xf32>
        %mul3A_235 = arith.mulf %sub3A_234, %div3A_168 : vector<16xf32>
        %swap3A_236 = arith.constant 0 : i32
        %swap3A_237 = arith.index_cast %swap3A_236 : i32 to index
        %swap3A_238 = arith.constant 112 : index
        %swap3A_239 = tpu.vector_load %arg15[%swap3A_237, %swap3A_238] {strides = array<i32>} : memref<4x128xf32, #tpu.memory_space<vmem>>, vector<16xf32>,
        tpu.vector_store %arg15[%swap3A_237, %swap3A_238], %mul3A_235 {strides = array<i32>} : memref<4x128xf32, #tpu.memory_space<vmem>>, vector<16xf32>,
        %mul3A_240 = arith.constant 128 : i32
        %mul3A_241 = arith.muli %add3A_78, %mul3A_240 : i32
        %add3A_242 = arith.addi %mul3A_10, %mul3A_241 : i32
        %add3A_243 = arith.constant 32 : i32
        %add3A_244 = arith.addi %add3A_242, %add3A_243 : i32
        %get3A_245 = arith.index_cast %add3A_244 : i32 to index
        %get3A_246 = tpu.vector_load %arg5[%get3A_245] {strides = array<i32>} : memref<10112xi32, #tpu.memory_space<vmem>>, vector<16xi32>,
        %mul3A_247 = arith.constant 128 : i32
        %mul3A_248 = arith.muli %add3A_78, %mul3A_247 : i32
        %add3A_249 = arith.addi %mul3A_10, %mul3A_248 : i32
        %add3A_250 = arith.constant 32 : i32
        %add3A_251 = arith.addi %add3A_249, %add3A_250 : i32
        %add3A_252 = arith.constant 16 : i32
        %add3A_253 = arith.addi %add3A_251, %add3A_252 : i32
        %get3A_254 = arith.index_cast %add3A_253 : i32 to index
        %get3A_255 = tpu.vector_load %arg5[%get3A_254] {strides = array<i32>} : memref<10112xi32, #tpu.memory_space<vmem>>, vector<16xi32>,
        %eq3A_256 = arith.constant 0 : i32
        %eq3A_257 = vector.broadcast %eq3A_256 : i32 to vector<16xi32>
        %eq3A_258 = arith.cmpi eq, %get3A_246, %eq3A_257 : vector<16xi32>
        %jit3A_259 = arith.constant 1.000000e+00 : f32
        %jit3A_260 = arith.constant 0.000000e+00 : f32
        %broadcast_in_dim3A_261 = vector.broadcast %jit3A_259 : f32 to vector<16xf32>
        %broadcast_in_dim3A_262 = vector.broadcast %jit3A_260 : f32 to vector<16xf32>
        %select_n3A_263 = arith.select %eq3A_258, %broadcast_in_dim3A_261, %broadcast_in_dim3A_262 : vector<16xi1>, vector<16xf32>
        %eq3A_264 = arith.constant 0 : i32
        %eq3A_265 = vector.broadcast %eq3A_264 : i32 to vector<16xi32>
        %eq3A_266 = arith.cmpi eq, %get3A_255, %eq3A_265 : vector<16xi32>
        %jit3A_267 = arith.constant 1.000000e+00 : f32
        %jit3A_268 = arith.constant 0.000000e+00 : f32
        %broadcast_in_dim3A_269 = vector.broadcast %jit3A_267 : f32 to vector<16xf32>
        %broadcast_in_dim3A_270 = vector.broadcast %jit3A_268 : f32 to vector<16xf32>
        %select_n3A_271 = arith.select %eq3A_266, %broadcast_in_dim3A_269, %broadcast_in_dim3A_270 : vector<16xi1>, vector<16xf32>
        %add3A_272 = arith.addf %select_n3A_263, %select_n3A_271 : vector<16xf32>
        %reduce_sum3A_273 = arith.constant true
        %reduce_sum3A_274 = vector.broadcast %reduce_sum3A_273 : i1 to vector<16xi1>
        %reduce_sum3A_275 = tpu.scan <sum>, %add3A_272 masked %reduce_sum3A_274 : vector<16xf32>, vector<16xi1> -> vector<16xf32>
        %reduce_sum3A_276 = vector.extract %reduce_sum3A_275[15] : f32 from vector<16xf32>
        %broadcast_in_dim3A_277 = vector.broadcast %reduce_sum3A_276 : f32 to vector<16xf32>
        %broadcast_in_dim3A_278 = arith.constant 0.000000e+00 : f32
        %broadcast_in_dim3A_279 = vector.broadcast %broadcast_in_dim3A_278 : f32 to vector<16xf32>
        %broadcast_in_dim3A_280 = arith.constant 0.000000e+00 : f32
        %broadcast_in_dim3A_281 = vector.broadcast %broadcast_in_dim3A_280 : f32 to vector<16xf32>
        %broadcast_in_dim3A_282 = arith.constant 0.000000e+00 : f32
        %broadcast_in_dim3A_283 = vector.broadcast %broadcast_in_dim3A_282 : f32 to vector<16xf32>
        %broadcast_in_dim3A_284 = arith.constant 0.000000e+00 : f32
        %broadcast_in_dim3A_285 = vector.broadcast %broadcast_in_dim3A_284 : f32 to vector<16xf32>
        %broadcast_in_dim3A_286 = arith.constant 0.000000e+00 : f32
        %broadcast_in_dim3A_287 = vector.broadcast %broadcast_in_dim3A_286 : f32 to vector<16xf32>
        %broadcast_in_dim3A_288 = arith.constant 0.000000e+00 : f32
        %broadcast_in_dim3A_289 = vector.broadcast %broadcast_in_dim3A_288 : f32 to vector<16xf32>
        %broadcast_in_dim3A_290 = arith.constant 0.000000e+00 : f32
        %broadcast_in_dim3A_291 = vector.broadcast %broadcast_in_dim3A_290 : f32 to vector<16xf32>
        %broadcast_in_dim3A_292 = arith.constant 0.000000e+00 : f32
        %broadcast_in_dim3A_293 = vector.broadcast %broadcast_in_dim3A_292 : f32 to vector<16xf32>
        %scan3A_294 = arith.constant 0 : i32
        %scan3A_295 = arith.constant 32 : i32
        %scan3A_296 = arith.addi %scan3A_294, %scan3A_295 : i32
        %scan3A_297 = arith.constant 1 : i32
        %scan3A_298:8 = scf.for %scan3A_684 = %scan3A_294 to %scan3A_296 step %scan3A_297 iter_args(%scan3A_685 = %broadcast_in_dim3A_279, %scan3A_686 = %broadcast_in_dim3A_281, %scan3A_687 = %broadcast_in_dim3A_283, %scan3A_688 = %broadcast_in_dim3A_285, %scan3A_689 = %broadcast_in_dim3A_287, %scan3A_690 = %broadcast_in_dim3A_289, %scan3A_691 = %broadcast_in_dim3A_291, %scan3A_692 = %broadcast_in_dim3A_293) -> (vector<16xf32>, vector<16xf32>, vector<16xf32>, vector<16xf32>, vector<16xf32>, vector<16xf32>, vector<16xf32>, vector<16xf32>)  : i32 {
          %add3A_693 = arith.constant 32 : i32
          %add3A_694 = arith.addi %add3A_693, %scan3A_684 : i32
          %get3A_695 = arith.index_cast %add3A_694 : i32 to index
          %get3A_696 = arith.constant 0 : index
          %get3A_697 = tpu.vector_load %arg14[%get3A_695, %get3A_696] {strides = array<i32>} : memref<128x128xf32, #tpu.memory_space<vmem>>, vector<16xf32>,
          %add3A_698 = arith.addf %scan3A_685, %get3A_697 : vector<16xf32>
          %get3A_699 = arith.index_cast %add3A_694 : i32 to index
          %get3A_700 = arith.constant 16 : index
          %get3A_701 = tpu.vector_load %arg14[%get3A_699, %get3A_700] {strides = array<i32>} : memref<128x128xf32, #tpu.memory_space<vmem>>, vector<16xf32>,
          %add3A_702 = arith.addf %scan3A_686, %get3A_701 : vector<16xf32>
          %get3A_703 = arith.index_cast %add3A_694 : i32 to index
          %get3A_704 = arith.constant 32 : index
          %get3A_705 = tpu.vector_load %arg14[%get3A_703, %get3A_704] {strides = array<i32>} : memref<128x128xf32, #tpu.memory_space<vmem>>, vector<16xf32>,
          %add3A_706 = arith.addf %scan3A_687, %get3A_705 : vector<16xf32>
          %get3A_707 = arith.index_cast %add3A_694 : i32 to index
          %get3A_708 = arith.constant 48 : index
          %get3A_709 = tpu.vector_load %arg14[%get3A_707, %get3A_708] {strides = array<i32>} : memref<128x128xf32, #tpu.memory_space<vmem>>, vector<16xf32>,
          %add3A_710 = arith.addf %scan3A_688, %get3A_709 : vector<16xf32>
          %get3A_711 = arith.index_cast %add3A_694 : i32 to index
          %get3A_712 = arith.constant 64 : index
          %get3A_713 = tpu.vector_load %arg14[%get3A_711, %get3A_712] {strides = array<i32>} : memref<128x128xf32, #tpu.memory_space<vmem>>, vector<16xf32>,
          %add3A_714 = arith.addf %scan3A_689, %get3A_713 : vector<16xf32>
          %get3A_715 = arith.index_cast %add3A_694 : i32 to index
          %get3A_716 = arith.constant 80 : index
          %get3A_717 = tpu.vector_load %arg14[%get3A_715, %get3A_716] {strides = array<i32>} : memref<128x128xf32, #tpu.memory_space<vmem>>, vector<16xf32>,
          %add3A_718 = arith.addf %scan3A_690, %get3A_717 : vector<16xf32>
          %get3A_719 = arith.index_cast %add3A_694 : i32 to index
          %get3A_720 = arith.constant 96 : index
          %get3A_721 = tpu.vector_load %arg14[%get3A_719, %get3A_720] {strides = array<i32>} : memref<128x128xf32, #tpu.memory_space<vmem>>, vector<16xf32>,
          %add3A_722 = arith.addf %scan3A_691, %get3A_721 : vector<16xf32>
          %get3A_723 = arith.index_cast %add3A_694 : i32 to index
          %get3A_724 = arith.constant 112 : index
          %get3A_725 = tpu.vector_load %arg14[%get3A_723, %get3A_724] {strides = array<i32>} : memref<128x128xf32, #tpu.memory_space<vmem>>, vector<16xf32>,
          %add3A_726 = arith.addf %scan3A_692, %get3A_725 : vector<16xf32>
          scf.yield %add3A_698, %add3A_702, %add3A_706, %add3A_710, %add3A_714, %add3A_718, %add3A_722, %add3A_726 : vector<16xf32>, vector<16xf32>, vector<16xf32>, vector<16xf32>, vector<16xf32>, vector<16xf32>, vector<16xf32>, vector<16xf32>
        }
        %scan3A_299 = arith.constant 32 : i32
        %sub3A_300 = arith.constant 3.200000e+01 : f32
        %sub3A_301 = vector.broadcast %sub3A_300 : f32 to vector<16xf32>
        %sub3A_302 = arith.subf %sub3A_301, %broadcast_in_dim3A_277 : vector<16xf32>
        %eq3A_303 = arith.constant 0.000000e+00 : f32
        %eq3A_304 = vector.broadcast %eq3A_303 : f32 to vector<16xf32>
        %eq3A_305 = arith.cmpf oeq, %sub3A_302, %eq3A_304 : vector<16xf32>
        %jit3A_306 = arith.constant 1.000000e+00 : f32
        %broadcast_in_dim3A_307 = vector.broadcast %jit3A_306 : f32 to vector<16xf32>
        %select_n3A_308 = arith.select %eq3A_305, %broadcast_in_dim3A_307, %sub3A_302 : vector<16xi1>, vector<16xf32>
        %div3A_309 = arith.constant 1.000000e+00 : f32
        %div3A_310 = vector.broadcast %div3A_309 : f32 to vector<16xf32>
        %div3A_311 = arith.divf %div3A_310, %select_n3A_308 : vector<16xf32>
        %get3A_312 = arith.constant 0 : index
        %get3A_313 = tpu.vector_load %arg22[%get3A_312] {strides = array<i32>} : memref<128xf32, #tpu.memory_space<vmem>>, vector<16xf32>,
        %mul3A_314 = arith.mulf %broadcast_in_dim3A_277, %get3A_313 : vector<16xf32>
        %sub3A_315 = arith.subf %scan3A_298#0, %mul3A_314 : vector<16xf32>
        %mul3A_316 = arith.mulf %sub3A_315, %div3A_311 : vector<16xf32>
        %swap3A_317 = arith.constant 1 : i32
        %swap3A_318 = arith.index_cast %swap3A_317 : i32 to index
        %swap3A_319 = arith.constant 0 : index
        %swap3A_320 = tpu.vector_load %arg15[%swap3A_318, %swap3A_319] {strides = array<i32>} : memref<4x128xf32, #tpu.memory_space<vmem>>, vector<16xf32>,
        tpu.vector_store %arg15[%swap3A_318, %swap3A_319], %mul3A_316 {strides = array<i32>} : memref<4x128xf32, #tpu.memory_space<vmem>>, vector<16xf32>,
        %get3A_321 = arith.constant 16 : index
        %get3A_322 = tpu.vector_load %arg22[%get3A_321] {strides = array<i32>} : memref<128xf32, #tpu.memory_space<vmem>>, vector<16xf32>,
        %mul3A_323 = arith.mulf %broadcast_in_dim3A_277, %get3A_322 : vector<16xf32>
        %sub3A_324 = arith.subf %scan3A_298#1, %mul3A_323 : vector<16xf32>
        %mul3A_325 = arith.mulf %sub3A_324, %div3A_311 : vector<16xf32>
        %swap3A_326 = arith.constant 1 : i32
        %swap3A_327 = arith.index_cast %swap3A_326 : i32 to index
        %swap3A_328 = arith.constant 16 : index
        %swap3A_329 = tpu.vector_load %arg15[%swap3A_327, %swap3A_328] {strides = array<i32>} : memref<4x128xf32, #tpu.memory_space<vmem>>, vector<16xf32>,
        tpu.vector_store %arg15[%swap3A_327, %swap3A_328], %mul3A_325 {strides = array<i32>} : memref<4x128xf32, #tpu.memory_space<vmem>>, vector<16xf32>,
        %get3A_330 = arith.constant 32 : index
        %get3A_331 = tpu.vector_load %arg22[%get3A_330] {strides = array<i32>} : memref<128xf32, #tpu.memory_space<vmem>>, vector<16xf32>,
        %mul3A_332 = arith.mulf %broadcast_in_dim3A_277, %get3A_331 : vector<16xf32>
        %sub3A_333 = arith.subf %scan3A_298#2, %mul3A_332 : vector<16xf32>
        %mul3A_334 = arith.mulf %sub3A_333, %div3A_311 : vector<16xf32>
        %swap3A_335 = arith.constant 1 : i32
        %swap3A_336 = arith.index_cast %swap3A_335 : i32 to index
        %swap3A_337 = arith.constant 32 : index
        %swap3A_338 = tpu.vector_load %arg15[%swap3A_336, %swap3A_337] {strides = array<i32>} : memref<4x128xf32, #tpu.memory_space<vmem>>, vector<16xf32>,
        tpu.vector_store %arg15[%swap3A_336, %swap3A_337], %mul3A_334 {strides = array<i32>} : memref<4x128xf32, #tpu.memory_space<vmem>>, vector<16xf32>,
        %get3A_339 = arith.constant 48 : index
        %get3A_340 = tpu.vector_load %arg22[%get3A_339] {strides = array<i32>} : memref<128xf32, #tpu.memory_space<vmem>>, vector<16xf32>,
        %mul3A_341 = arith.mulf %broadcast_in_dim3A_277, %get3A_340 : vector<16xf32>
        %sub3A_342 = arith.subf %scan3A_298#3, %mul3A_341 : vector<16xf32>
        %mul3A_343 = arith.mulf %sub3A_342, %div3A_311 : vector<16xf32>
        %swap3A_344 = arith.constant 1 : i32
        %swap3A_345 = arith.index_cast %swap3A_344 : i32 to index
        %swap3A_346 = arith.constant 48 : index
        %swap3A_347 = tpu.vector_load %arg15[%swap3A_345, %swap3A_346] {strides = array<i32>} : memref<4x128xf32, #tpu.memory_space<vmem>>, vector<16xf32>,
        tpu.vector_store %arg15[%swap3A_345, %swap3A_346], %mul3A_343 {strides = array<i32>} : memref<4x128xf32, #tpu.memory_space<vmem>>, vector<16xf32>,
        %get3A_348 = arith.constant 64 : index
        %get3A_349 = tpu.vector_load %arg22[%get3A_348] {strides = array<i32>} : memref<128xf32, #tpu.memory_space<vmem>>, vector<16xf32>,
        %mul3A_350 = arith.mulf %broadcast_in_dim3A_277, %get3A_349 : vector<16xf32>
        %sub3A_351 = arith.subf %scan3A_298#4, %mul3A_350 : vector<16xf32>
        %mul3A_352 = arith.mulf %sub3A_351, %div3A_311 : vector<16xf32>
        %swap3A_353 = arith.constant 1 : i32
        %swap3A_354 = arith.index_cast %swap3A_353 : i32 to index
        %swap3A_355 = arith.constant 64 : index
        %swap3A_356 = tpu.vector_load %arg15[%swap3A_354, %swap3A_355] {strides = array<i32>} : memref<4x128xf32, #tpu.memory_space<vmem>>, vector<16xf32>,
        tpu.vector_store %arg15[%swap3A_354, %swap3A_355], %mul3A_352 {strides = array<i32>} : memref<4x128xf32, #tpu.memory_space<vmem>>, vector<16xf32>,
        %get3A_357 = arith.constant 80 : index
        %get3A_358 = tpu.vector_load %arg22[%get3A_357] {strides = array<i32>} : memref<128xf32, #tpu.memory_space<vmem>>, vector<16xf32>,
        %mul3A_359 = arith.mulf %broadcast_in_dim3A_277, %get3A_358 : vector<16xf32>
        %sub3A_360 = arith.subf %scan3A_298#5, %mul3A_359 : vector<16xf32>
        %mul3A_361 = arith.mulf %sub3A_360, %div3A_311 : vector<16xf32>
        %swap3A_362 = arith.constant 1 : i32
        %swap3A_363 = arith.index_cast %swap3A_362 : i32 to index
        %swap3A_364 = arith.constant 80 : index
        %swap3A_365 = tpu.vector_load %arg15[%swap3A_363, %swap3A_364] {strides = array<i32>} : memref<4x128xf32, #tpu.memory_space<vmem>>, vector<16xf32>,
        tpu.vector_store %arg15[%swap3A_363, %swap3A_364], %mul3A_361 {strides = array<i32>} : memref<4x128xf32, #tpu.memory_space<vmem>>, vector<16xf32>,
        %get3A_366 = arith.constant 96 : index
        %get3A_367 = tpu.vector_load %arg22[%get3A_366] {strides = array<i32>} : memref<128xf32, #tpu.memory_space<vmem>>, vector<16xf32>,
        %mul3A_368 = arith.mulf %broadcast_in_dim3A_277, %get3A_367 : vector<16xf32>
        %sub3A_369 = arith.subf %scan3A_298#6, %mul3A_368 : vector<16xf32>
        %mul3A_370 = arith.mulf %sub3A_369, %div3A_311 : vector<16xf32>
        %swap3A_371 = arith.constant 1 : i32
        %swap3A_372 = arith.index_cast %swap3A_371 : i32 to index
        %swap3A_373 = arith.constant 96 : index
        %swap3A_374 = tpu.vector_load %arg15[%swap3A_372, %swap3A_373] {strides = array<i32>} : memref<4x128xf32, #tpu.memory_space<vmem>>, vector<16xf32>,
        tpu.vector_store %arg15[%swap3A_372, %swap3A_373], %mul3A_370 {strides = array<i32>} : memref<4x128xf32, #tpu.memory_space<vmem>>, vector<16xf32>,
        %get3A_375 = arith.constant 112 : index
        %get3A_376 = tpu.vector_load %arg22[%get3A_375] {strides = array<i32>} : memref<128xf32, #tpu.memory_space<vmem>>, vector<16xf32>,
        %mul3A_377 = arith.mulf %broadcast_in_dim3A_277, %get3A_376 : vector<16xf32>
        %sub3A_378 = arith.subf %scan3A_298#7, %mul3A_377 : vector<16xf32>
        %mul3A_379 = arith.mulf %sub3A_378, %div3A_311 : vector<16xf32>
        %swap3A_380 = arith.constant 1 : i32
        %swap3A_381 = arith.index_cast %swap3A_380 : i32 to index
        %swap3A_382 = arith.constant 112 : index
        %swap3A_383 = tpu.vector_load %arg15[%swap3A_381, %swap3A_382] {strides = array<i32>} : memref<4x128xf32, #tpu.memory_space<vmem>>, vector<16xf32>,
        tpu.vector_store %arg15[%swap3A_381, %swap3A_382], %mul3A_379 {strides = array<i32>} : memref<4x128xf32, #tpu.memory_space<vmem>>, vector<16xf32>,
        %mul3A_384 = arith.constant 128 : i32
        %mul3A_385 = arith.muli %add3A_78, %mul3A_384 : i32
        %add3A_386 = arith.addi %mul3A_10, %mul3A_385 : i32
        %add3A_387 = arith.constant 64 : i32
        %add3A_388 = arith.addi %add3A_386, %add3A_387 : i32
        %get3A_389 = arith.index_cast %add3A_388 : i32 to index
        %get3A_390 = tpu.vector_load %arg5[%get3A_389] {strides = array<i32>} : memref<10112xi32, #tpu.memory_space<vmem>>, vector<16xi32>,
        %mul3A_391 = arith.constant 128 : i32
        %mul3A_392 = arith.muli %add3A_78, %mul3A_391 : i32
        %add3A_393 = arith.addi %mul3A_10, %mul3A_392 : i32
        %add3A_394 = arith.constant 64 : i32
        %add3A_395 = arith.addi %add3A_393, %add3A_394 : i32
        %add3A_396 = arith.constant 16 : i32
        %add3A_397 = arith.addi %add3A_395, %add3A_396 : i32
        %get3A_398 = arith.index_cast %add3A_397 : i32 to index
        %get3A_399 = tpu.vector_load %arg5[%get3A_398] {strides = array<i32>} : memref<10112xi32, #tpu.memory_space<vmem>>, vector<16xi32>,
        %eq3A_400 = arith.constant 0 : i32
        %eq3A_401 = vector.broadcast %eq3A_400 : i32 to vector<16xi32>
        %eq3A_402 = arith.cmpi eq, %get3A_390, %eq3A_401 : vector<16xi32>
        %jit3A_403 = arith.constant 1.000000e+00 : f32
        %jit3A_404 = arith.constant 0.000000e+00 : f32
        %broadcast_in_dim3A_405 = vector.broadcast %jit3A_403 : f32 to vector<16xf32>
        %broadcast_in_dim3A_406 = vector.broadcast %jit3A_404 : f32 to vector<16xf32>
        %select_n3A_407 = arith.select %eq3A_402, %broadcast_in_dim3A_405, %broadcast_in_dim3A_406 : vector<16xi1>, vector<16xf32>
        %eq3A_408 = arith.constant 0 : i32
        %eq3A_409 = vector.broadcast %eq3A_408 : i32 to vector<16xi32>
        %eq3A_410 = arith.cmpi eq, %get3A_399, %eq3A_409 : vector<16xi32>
        %jit3A_411 = arith.constant 1.000000e+00 : f32
        %jit3A_412 = arith.constant 0.000000e+00 : f32
        %broadcast_in_dim3A_413 = vector.broadcast %jit3A_411 : f32 to vector<16xf32>
        %broadcast_in_dim3A_414 = vector.broadcast %jit3A_412 : f32 to vector<16xf32>
        %select_n3A_415 = arith.select %eq3A_410, %broadcast_in_dim3A_413, %broadcast_in_dim3A_414 : vector<16xi1>, vector<16xf32>
        %add3A_416 = arith.addf %select_n3A_407, %select_n3A_415 : vector<16xf32>
        %reduce_sum3A_417 = arith.constant true
        %reduce_sum3A_418 = vector.broadcast %reduce_sum3A_417 : i1 to vector<16xi1>
        %reduce_sum3A_419 = tpu.scan <sum>, %add3A_416 masked %reduce_sum3A_418 : vector<16xf32>, vector<16xi1> -> vector<16xf32>
        %reduce_sum3A_420 = vector.extract %reduce_sum3A_419[15] : f32 from vector<16xf32>
        %broadcast_in_dim3A_421 = vector.broadcast %reduce_sum3A_420 : f32 to vector<16xf32>
        %broadcast_in_dim3A_422 = arith.constant 0.000000e+00 : f32
        %broadcast_in_dim3A_423 = vector.broadcast %broadcast_in_dim3A_422 : f32 to vector<16xf32>
        %broadcast_in_dim3A_424 = arith.constant 0.000000e+00 : f32
        %broadcast_in_dim3A_425 = vector.broadcast %broadcast_in_dim3A_424 : f32 to vector<16xf32>
        %broadcast_in_dim3A_426 = arith.constant 0.000000e+00 : f32
        %broadcast_in_dim3A_427 = vector.broadcast %broadcast_in_dim3A_426 : f32 to vector<16xf32>
        %broadcast_in_dim3A_428 = arith.constant 0.000000e+00 : f32
        %broadcast_in_dim3A_429 = vector.broadcast %broadcast_in_dim3A_428 : f32 to vector<16xf32>
        %broadcast_in_dim3A_430 = arith.constant 0.000000e+00 : f32
        %broadcast_in_dim3A_431 = vector.broadcast %broadcast_in_dim3A_430 : f32 to vector<16xf32>
        %broadcast_in_dim3A_432 = arith.constant 0.000000e+00 : f32
        %broadcast_in_dim3A_433 = vector.broadcast %broadcast_in_dim3A_432 : f32 to vector<16xf32>
        %broadcast_in_dim3A_434 = arith.constant 0.000000e+00 : f32
        %broadcast_in_dim3A_435 = vector.broadcast %broadcast_in_dim3A_434 : f32 to vector<16xf32>
        %broadcast_in_dim3A_436 = arith.constant 0.000000e+00 : f32
        %broadcast_in_dim3A_437 = vector.broadcast %broadcast_in_dim3A_436 : f32 to vector<16xf32>
        %scan3A_438 = arith.constant 0 : i32
        %scan3A_439 = arith.constant 32 : i32
        %scan3A_440 = arith.addi %scan3A_438, %scan3A_439 : i32
        %scan3A_441 = arith.constant 1 : i32
        %scan3A_442:8 = scf.for %scan3A_684 = %scan3A_438 to %scan3A_440 step %scan3A_441 iter_args(%scan3A_685 = %broadcast_in_dim3A_423, %scan3A_686 = %broadcast_in_dim3A_425, %scan3A_687 = %broadcast_in_dim3A_427, %scan3A_688 = %broadcast_in_dim3A_429, %scan3A_689 = %broadcast_in_dim3A_431, %scan3A_690 = %broadcast_in_dim3A_433, %scan3A_691 = %broadcast_in_dim3A_435, %scan3A_692 = %broadcast_in_dim3A_437) -> (vector<16xf32>, vector<16xf32>, vector<16xf32>, vector<16xf32>, vector<16xf32>, vector<16xf32>, vector<16xf32>, vector<16xf32>)  : i32 {
          %add3A_693 = arith.constant 64 : i32
          %add3A_694 = arith.addi %add3A_693, %scan3A_684 : i32
          %get3A_695 = arith.index_cast %add3A_694 : i32 to index
          %get3A_696 = arith.constant 0 : index
          %get3A_697 = tpu.vector_load %arg14[%get3A_695, %get3A_696] {strides = array<i32>} : memref<128x128xf32, #tpu.memory_space<vmem>>, vector<16xf32>,
          %add3A_698 = arith.addf %scan3A_685, %get3A_697 : vector<16xf32>
          %get3A_699 = arith.index_cast %add3A_694 : i32 to index
          %get3A_700 = arith.constant 16 : index
          %get3A_701 = tpu.vector_load %arg14[%get3A_699, %get3A_700] {strides = array<i32>} : memref<128x128xf32, #tpu.memory_space<vmem>>, vector<16xf32>,
          %add3A_702 = arith.addf %scan3A_686, %get3A_701 : vector<16xf32>
          %get3A_703 = arith.index_cast %add3A_694 : i32 to index
          %get3A_704 = arith.constant 32 : index
          %get3A_705 = tpu.vector_load %arg14[%get3A_703, %get3A_704] {strides = array<i32>} : memref<128x128xf32, #tpu.memory_space<vmem>>, vector<16xf32>,
          %add3A_706 = arith.addf %scan3A_687, %get3A_705 : vector<16xf32>
          %get3A_707 = arith.index_cast %add3A_694 : i32 to index
          %get3A_708 = arith.constant 48 : index
          %get3A_709 = tpu.vector_load %arg14[%get3A_707, %get3A_708] {strides = array<i32>} : memref<128x128xf32, #tpu.memory_space<vmem>>, vector<16xf32>,
          %add3A_710 = arith.addf %scan3A_688, %get3A_709 : vector<16xf32>
          %get3A_711 = arith.index_cast %add3A_694 : i32 to index
          %get3A_712 = arith.constant 64 : index
          %get3A_713 = tpu.vector_load %arg14[%get3A_711, %get3A_712] {strides = array<i32>} : memref<128x128xf32, #tpu.memory_space<vmem>>, vector<16xf32>,
          %add3A_714 = arith.addf %scan3A_689, %get3A_713 : vector<16xf32>
          %get3A_715 = arith.index_cast %add3A_694 : i32 to index
          %get3A_716 = arith.constant 80 : index
          %get3A_717 = tpu.vector_load %arg14[%get3A_715, %get3A_716] {strides = array<i32>} : memref<128x128xf32, #tpu.memory_space<vmem>>, vector<16xf32>,
          %add3A_718 = arith.addf %scan3A_690, %get3A_717 : vector<16xf32>
          %get3A_719 = arith.index_cast %add3A_694 : i32 to index
          %get3A_720 = arith.constant 96 : index
          %get3A_721 = tpu.vector_load %arg14[%get3A_719, %get3A_720] {strides = array<i32>} : memref<128x128xf32, #tpu.memory_space<vmem>>, vector<16xf32>,
          %add3A_722 = arith.addf %scan3A_691, %get3A_721 : vector<16xf32>
          %get3A_723 = arith.index_cast %add3A_694 : i32 to index
          %get3A_724 = arith.constant 112 : index
          %get3A_725 = tpu.vector_load %arg14[%get3A_723, %get3A_724] {strides = array<i32>} : memref<128x128xf32, #tpu.memory_space<vmem>>, vector<16xf32>,
          %add3A_726 = arith.addf %scan3A_692, %get3A_725 : vector<16xf32>
          scf.yield %add3A_698, %add3A_702, %add3A_706, %add3A_710, %add3A_714, %add3A_718, %add3A_722, %add3A_726 : vector<16xf32>, vector<16xf32>, vector<16xf32>, vector<16xf32>, vector<16xf32>, vector<16xf32>, vector<16xf32>, vector<16xf32>
        }
        %scan3A_443 = arith.constant 32 : i32
        %sub3A_444 = arith.constant 3.200000e+01 : f32
        %sub3A_445 = vector.broadcast %sub3A_444 : f32 to vector<16xf32>
        %sub3A_446 = arith.subf %sub3A_445, %broadcast_in_dim3A_421 : vector<16xf32>
        %eq3A_447 = arith.constant 0.000000e+00 : f32
        %eq3A_448 = vector.broadcast %eq3A_447 : f32 to vector<16xf32>
        %eq3A_449 = arith.cmpf oeq, %sub3A_446, %eq3A_448 : vector<16xf32>
        %jit3A_450 = arith.constant 1.000000e+00 : f32
        %broadcast_in_dim3A_451 = vector.broadcast %jit3A_450 : f32 to vector<16xf32>
        %select_n3A_452 = arith.select %eq3A_449, %broadcast_in_dim3A_451, %sub3A_446 : vector<16xi1>, vector<16xf32>
        %div3A_453 = arith.constant 1.000000e+00 : f32
        %div3A_454 = vector.broadcast %div3A_453 : f32 to vector<16xf32>
        %div3A_455 = arith.divf %div3A_454, %select_n3A_452 : vector<16xf32>
        %get3A_456 = arith.constant 0 : index
        %get3A_457 = tpu.vector_load %arg22[%get3A_456] {strides = array<i32>} : memref<128xf32, #tpu.memory_space<vmem>>, vector<16xf32>,
        %mul3A_458 = arith.mulf %broadcast_in_dim3A_421, %get3A_457 : vector<16xf32>
        %sub3A_459 = arith.subf %scan3A_442#0, %mul3A_458 : vector<16xf32>
        %mul3A_460 = arith.mulf %sub3A_459, %div3A_455 : vector<16xf32>
        %swap3A_461 = arith.constant 2 : i32
        %swap3A_462 = arith.index_cast %swap3A_461 : i32 to index
        %swap3A_463 = arith.constant 0 : index
        %swap3A_464 = tpu.vector_load %arg15[%swap3A_462, %swap3A_463] {strides = array<i32>} : memref<4x128xf32, #tpu.memory_space<vmem>>, vector<16xf32>,
        tpu.vector_store %arg15[%swap3A_462, %swap3A_463], %mul3A_460 {strides = array<i32>} : memref<4x128xf32, #tpu.memory_space<vmem>>, vector<16xf32>,
        %get3A_465 = arith.constant 16 : index
        %get3A_466 = tpu.vector_load %arg22[%get3A_465] {strides = array<i32>} : memref<128xf32, #tpu.memory_space<vmem>>, vector<16xf32>,
        %mul3A_467 = arith.mulf %broadcast_in_dim3A_421, %get3A_466 : vector<16xf32>
        %sub3A_468 = arith.subf %scan3A_442#1, %mul3A_467 : vector<16xf32>
        %mul3A_469 = arith.mulf %sub3A_468, %div3A_455 : vector<16xf32>
        %swap3A_470 = arith.constant 2 : i32
        %swap3A_471 = arith.index_cast %swap3A_470 : i32 to index
        %swap3A_472 = arith.constant 16 : index
        %swap3A_473 = tpu.vector_load %arg15[%swap3A_471, %swap3A_472] {strides = array<i32>} : memref<4x128xf32, #tpu.memory_space<vmem>>, vector<16xf32>,
        tpu.vector_store %arg15[%swap3A_471, %swap3A_472], %mul3A_469 {strides = array<i32>} : memref<4x128xf32, #tpu.memory_space<vmem>>, vector<16xf32>,
        %get3A_474 = arith.constant 32 : index
        %get3A_475 = tpu.vector_load %arg22[%get3A_474] {strides = array<i32>} : memref<128xf32, #tpu.memory_space<vmem>>, vector<16xf32>,
        %mul3A_476 = arith.mulf %broadcast_in_dim3A_421, %get3A_475 : vector<16xf32>
        %sub3A_477 = arith.subf %scan3A_442#2, %mul3A_476 : vector<16xf32>
        %mul3A_478 = arith.mulf %sub3A_477, %div3A_455 : vector<16xf32>
        %swap3A_479 = arith.constant 2 : i32
        %swap3A_480 = arith.index_cast %swap3A_479 : i32 to index
        %swap3A_481 = arith.constant 32 : index
        %swap3A_482 = tpu.vector_load %arg15[%swap3A_480, %swap3A_481] {strides = array<i32>} : memref<4x128xf32, #tpu.memory_space<vmem>>, vector<16xf32>,
        tpu.vector_store %arg15[%swap3A_480, %swap3A_481], %mul3A_478 {strides = array<i32>} : memref<4x128xf32, #tpu.memory_space<vmem>>, vector<16xf32>,
        %get3A_483 = arith.constant 48 : index
        %get3A_484 = tpu.vector_load %arg22[%get3A_483] {strides = array<i32>} : memref<128xf32, #tpu.memory_space<vmem>>, vector<16xf32>,
        %mul3A_485 = arith.mulf %broadcast_in_dim3A_421, %get3A_484 : vector<16xf32>
        %sub3A_486 = arith.subf %scan3A_442#3, %mul3A_485 : vector<16xf32>
        %mul3A_487 = arith.mulf %sub3A_486, %div3A_455 : vector<16xf32>
        %swap3A_488 = arith.constant 2 : i32
        %swap3A_489 = arith.index_cast %swap3A_488 : i32 to index
        %swap3A_490 = arith.constant 48 : index
        %swap3A_491 = tpu.vector_load %arg15[%swap3A_489, %swap3A_490] {strides = array<i32>} : memref<4x128xf32, #tpu.memory_space<vmem>>, vector<16xf32>,
        tpu.vector_store %arg15[%swap3A_489, %swap3A_490], %mul3A_487 {strides = array<i32>} : memref<4x128xf32, #tpu.memory_space<vmem>>, vector<16xf32>,
        %get3A_492 = arith.constant 64 : index
        %get3A_493 = tpu.vector_load %arg22[%get3A_492] {strides = array<i32>} : memref<128xf32, #tpu.memory_space<vmem>>, vector<16xf32>,
        %mul3A_494 = arith.mulf %broadcast_in_dim3A_421, %get3A_493 : vector<16xf32>
        %sub3A_495 = arith.subf %scan3A_442#4, %mul3A_494 : vector<16xf32>
        %mul3A_496 = arith.mulf %sub3A_495, %div3A_455 : vector<16xf32>
        %swap3A_497 = arith.constant 2 : i32
        %swap3A_498 = arith.index_cast %swap3A_497 : i32 to index
        %swap3A_499 = arith.constant 64 : index
        %swap3A_500 = tpu.vector_load %arg15[%swap3A_498, %swap3A_499] {strides = array<i32>} : memref<4x128xf32, #tpu.memory_space<vmem>>, vector<16xf32>,
        tpu.vector_store %arg15[%swap3A_498, %swap3A_499], %mul3A_496 {strides = array<i32>} : memref<4x128xf32, #tpu.memory_space<vmem>>, vector<16xf32>,
        %get3A_501 = arith.constant 80 : index
        %get3A_502 = tpu.vector_load %arg22[%get3A_501] {strides = array<i32>} : memref<128xf32, #tpu.memory_space<vmem>>, vector<16xf32>,
        %mul3A_503 = arith.mulf %broadcast_in_dim3A_421, %get3A_502 : vector<16xf32>
        %sub3A_504 = arith.subf %scan3A_442#5, %mul3A_503 : vector<16xf32>
        %mul3A_505 = arith.mulf %sub3A_504, %div3A_455 : vector<16xf32>
        %swap3A_506 = arith.constant 2 : i32
        %swap3A_507 = arith.index_cast %swap3A_506 : i32 to index
        %swap3A_508 = arith.constant 80 : index
        %swap3A_509 = tpu.vector_load %arg15[%swap3A_507, %swap3A_508] {strides = array<i32>} : memref<4x128xf32, #tpu.memory_space<vmem>>, vector<16xf32>,
        tpu.vector_store %arg15[%swap3A_507, %swap3A_508], %mul3A_505 {strides = array<i32>} : memref<4x128xf32, #tpu.memory_space<vmem>>, vector<16xf32>,
        %get3A_510 = arith.constant 96 : index
        %get3A_511 = tpu.vector_load %arg22[%get3A_510] {strides = array<i32>} : memref<128xf32, #tpu.memory_space<vmem>>, vector<16xf32>,
        %mul3A_512 = arith.mulf %broadcast_in_dim3A_421, %get3A_511 : vector<16xf32>
        %sub3A_513 = arith.subf %scan3A_442#6, %mul3A_512 : vector<16xf32>
        %mul3A_514 = arith.mulf %sub3A_513, %div3A_455 : vector<16xf32>
        %swap3A_515 = arith.constant 2 : i32
        %swap3A_516 = arith.index_cast %swap3A_515 : i32 to index
        %swap3A_517 = arith.constant 96 : index
        %swap3A_518 = tpu.vector_load %arg15[%swap3A_516, %swap3A_517] {strides = array<i32>} : memref<4x128xf32, #tpu.memory_space<vmem>>, vector<16xf32>,
        tpu.vector_store %arg15[%swap3A_516, %swap3A_517], %mul3A_514 {strides = array<i32>} : memref<4x128xf32, #tpu.memory_space<vmem>>, vector<16xf32>,
        %get3A_519 = arith.constant 112 : index
        %get3A_520 = tpu.vector_load %arg22[%get3A_519] {strides = array<i32>} : memref<128xf32, #tpu.memory_space<vmem>>, vector<16xf32>,
        %mul3A_521 = arith.mulf %broadcast_in_dim3A_421, %get3A_520 : vector<16xf32>
        %sub3A_522 = arith.subf %scan3A_442#7, %mul3A_521 : vector<16xf32>
        %mul3A_523 = arith.mulf %sub3A_522, %div3A_455 : vector<16xf32>
        %swap3A_524 = arith.constant 2 : i32
        %swap3A_525 = arith.index_cast %swap3A_524 : i32 to index
        %swap3A_526 = arith.constant 112 : index
        %swap3A_527 = tpu.vector_load %arg15[%swap3A_525, %swap3A_526] {strides = array<i32>} : memref<4x128xf32, #tpu.memory_space<vmem>>, vector<16xf32>,
        tpu.vector_store %arg15[%swap3A_525, %swap3A_526], %mul3A_523 {strides = array<i32>} : memref<4x128xf32, #tpu.memory_space<vmem>>, vector<16xf32>,
        %mul3A_528 = arith.constant 128 : i32
        %mul3A_529 = arith.muli %add3A_78, %mul3A_528 : i32
        %add3A_530 = arith.addi %mul3A_10, %mul3A_529 : i32
        %add3A_531 = arith.constant 96 : i32
        %add3A_532 = arith.addi %add3A_530, %add3A_531 : i32
        %get3A_533 = arith.index_cast %add3A_532 : i32 to index
        %get3A_534 = tpu.vector_load %arg5[%get3A_533] {strides = array<i32>} : memref<10112xi32, #tpu.memory_space<vmem>>, vector<16xi32>,
        %mul3A_535 = arith.constant 128 : i32
        %mul3A_536 = arith.muli %add3A_78, %mul3A_535 : i32
        %add3A_537 = arith.addi %mul3A_10, %mul3A_536 : i32
        %add3A_538 = arith.constant 96 : i32
        %add3A_539 = arith.addi %add3A_537, %add3A_538 : i32
        %add3A_540 = arith.constant 16 : i32
        %add3A_541 = arith.addi %add3A_539, %add3A_540 : i32
        %get3A_542 = arith.index_cast %add3A_541 : i32 to index
        %get3A_543 = tpu.vector_load %arg5[%get3A_542] {strides = array<i32>} : memref<10112xi32, #tpu.memory_space<vmem>>, vector<16xi32>,
        %eq3A_544 = arith.constant 0 : i32
        %eq3A_545 = vector.broadcast %eq3A_544 : i32 to vector<16xi32>
        %eq3A_546 = arith.cmpi eq, %get3A_534, %eq3A_545 : vector<16xi32>
        %jit3A_547 = arith.constant 1.000000e+00 : f32
        %jit3A_548 = arith.constant 0.000000e+00 : f32
        %broadcast_in_dim3A_549 = vector.broadcast %jit3A_547 : f32 to vector<16xf32>
        %broadcast_in_dim3A_550 = vector.broadcast %jit3A_548 : f32 to vector<16xf32>
        %select_n3A_551 = arith.select %eq3A_546, %broadcast_in_dim3A_549, %broadcast_in_dim3A_550 : vector<16xi1>, vector<16xf32>
        %eq3A_552 = arith.constant 0 : i32
        %eq3A_553 = vector.broadcast %eq3A_552 : i32 to vector<16xi32>
        %eq3A_554 = arith.cmpi eq, %get3A_543, %eq3A_553 : vector<16xi32>
        %jit3A_555 = arith.constant 1.000000e+00 : f32
        %jit3A_556 = arith.constant 0.000000e+00 : f32
        %broadcast_in_dim3A_557 = vector.broadcast %jit3A_555 : f32 to vector<16xf32>
        %broadcast_in_dim3A_558 = vector.broadcast %jit3A_556 : f32 to vector<16xf32>
        %select_n3A_559 = arith.select %eq3A_554, %broadcast_in_dim3A_557, %broadcast_in_dim3A_558 : vector<16xi1>, vector<16xf32>
        %add3A_560 = arith.addf %select_n3A_551, %select_n3A_559 : vector<16xf32>
        %reduce_sum3A_561 = arith.constant true
        %reduce_sum3A_562 = vector.broadcast %reduce_sum3A_561 : i1 to vector<16xi1>
        %reduce_sum3A_563 = tpu.scan <sum>, %add3A_560 masked %reduce_sum3A_562 : vector<16xf32>, vector<16xi1> -> vector<16xf32>
        %reduce_sum3A_564 = vector.extract %reduce_sum3A_563[15] : f32 from vector<16xf32>
        %broadcast_in_dim3A_565 = vector.broadcast %reduce_sum3A_564 : f32 to vector<16xf32>
        %broadcast_in_dim3A_566 = arith.constant 0.000000e+00 : f32
        %broadcast_in_dim3A_567 = vector.broadcast %broadcast_in_dim3A_566 : f32 to vector<16xf32>
        %broadcast_in_dim3A_568 = arith.constant 0.000000e+00 : f32
        %broadcast_in_dim3A_569 = vector.broadcast %broadcast_in_dim3A_568 : f32 to vector<16xf32>
        %broadcast_in_dim3A_570 = arith.constant 0.000000e+00 : f32
        %broadcast_in_dim3A_571 = vector.broadcast %broadcast_in_dim3A_570 : f32 to vector<16xf32>
        %broadcast_in_dim3A_572 = arith.constant 0.000000e+00 : f32
        %broadcast_in_dim3A_573 = vector.broadcast %broadcast_in_dim3A_572 : f32 to vector<16xf32>
        %broadcast_in_dim3A_574 = arith.constant 0.000000e+00 : f32
        %broadcast_in_dim3A_575 = vector.broadcast %broadcast_in_dim3A_574 : f32 to vector<16xf32>
        %broadcast_in_dim3A_576 = arith.constant 0.000000e+00 : f32
        %broadcast_in_dim3A_577 = vector.broadcast %broadcast_in_dim3A_576 : f32 to vector<16xf32>
        %broadcast_in_dim3A_578 = arith.constant 0.000000e+00 : f32
        %broadcast_in_dim3A_579 = vector.broadcast %broadcast_in_dim3A_578 : f32 to vector<16xf32>
        %broadcast_in_dim3A_580 = arith.constant 0.000000e+00 : f32
        %broadcast_in_dim3A_581 = vector.broadcast %broadcast_in_dim3A_580 : f32 to vector<16xf32>
        %scan3A_582 = arith.constant 0 : i32
        %scan3A_583 = arith.constant 32 : i32
        %scan3A_584 = arith.addi %scan3A_582, %scan3A_583 : i32
        %scan3A_585 = arith.constant 1 : i32
        %scan3A_586:8 = scf.for %scan3A_684 = %scan3A_582 to %scan3A_584 step %scan3A_585 iter_args(%scan3A_685 = %broadcast_in_dim3A_567, %scan3A_686 = %broadcast_in_dim3A_569, %scan3A_687 = %broadcast_in_dim3A_571, %scan3A_688 = %broadcast_in_dim3A_573, %scan3A_689 = %broadcast_in_dim3A_575, %scan3A_690 = %broadcast_in_dim3A_577, %scan3A_691 = %broadcast_in_dim3A_579, %scan3A_692 = %broadcast_in_dim3A_581) -> (vector<16xf32>, vector<16xf32>, vector<16xf32>, vector<16xf32>, vector<16xf32>, vector<16xf32>, vector<16xf32>, vector<16xf32>)  : i32 {
          %add3A_693 = arith.constant 96 : i32
          %add3A_694 = arith.addi %add3A_693, %scan3A_684 : i32
          %get3A_695 = arith.index_cast %add3A_694 : i32 to index
          %get3A_696 = arith.constant 0 : index
          %get3A_697 = tpu.vector_load %arg14[%get3A_695, %get3A_696] {strides = array<i32>} : memref<128x128xf32, #tpu.memory_space<vmem>>, vector<16xf32>,
          %add3A_698 = arith.addf %scan3A_685, %get3A_697 : vector<16xf32>
          %get3A_699 = arith.index_cast %add3A_694 : i32 to index
          %get3A_700 = arith.constant 16 : index
          %get3A_701 = tpu.vector_load %arg14[%get3A_699, %get3A_700] {strides = array<i32>} : memref<128x128xf32, #tpu.memory_space<vmem>>, vector<16xf32>,
          %add3A_702 = arith.addf %scan3A_686, %get3A_701 : vector<16xf32>
          %get3A_703 = arith.index_cast %add3A_694 : i32 to index
          %get3A_704 = arith.constant 32 : index
          %get3A_705 = tpu.vector_load %arg14[%get3A_703, %get3A_704] {strides = array<i32>} : memref<128x128xf32, #tpu.memory_space<vmem>>, vector<16xf32>,
          %add3A_706 = arith.addf %scan3A_687, %get3A_705 : vector<16xf32>
          %get3A_707 = arith.index_cast %add3A_694 : i32 to index
          %get3A_708 = arith.constant 48 : index
          %get3A_709 = tpu.vector_load %arg14[%get3A_707, %get3A_708] {strides = array<i32>} : memref<128x128xf32, #tpu.memory_space<vmem>>, vector<16xf32>,
          %add3A_710 = arith.addf %scan3A_688, %get3A_709 : vector<16xf32>
          %get3A_711 = arith.index_cast %add3A_694 : i32 to index
          %get3A_712 = arith.constant 64 : index
          %get3A_713 = tpu.vector_load %arg14[%get3A_711, %get3A_712] {strides = array<i32>} : memref<128x128xf32, #tpu.memory_space<vmem>>, vector<16xf32>,
          %add3A_714 = arith.addf %scan3A_689, %get3A_713 : vector<16xf32>
          %get3A_715 = arith.index_cast %add3A_694 : i32 to index
          %get3A_716 = arith.constant 80 : index
          %get3A_717 = tpu.vector_load %arg14[%get3A_715, %get3A_716] {strides = array<i32>} : memref<128x128xf32, #tpu.memory_space<vmem>>, vector<16xf32>,
          %add3A_718 = arith.addf %scan3A_690, %get3A_717 : vector<16xf32>
          %get3A_719 = arith.index_cast %add3A_694 : i32 to index
          %get3A_720 = arith.constant 96 : index
          %get3A_721 = tpu.vector_load %arg14[%get3A_719, %get3A_720] {strides = array<i32>} : memref<128x128xf32, #tpu.memory_space<vmem>>, vector<16xf32>,
          %add3A_722 = arith.addf %scan3A_691, %get3A_721 : vector<16xf32>
          %get3A_723 = arith.index_cast %add3A_694 : i32 to index
          %get3A_724 = arith.constant 112 : index
          %get3A_725 = tpu.vector_load %arg14[%get3A_723, %get3A_724] {strides = array<i32>} : memref<128x128xf32, #tpu.memory_space<vmem>>, vector<16xf32>,
          %add3A_726 = arith.addf %scan3A_692, %get3A_725 : vector<16xf32>
          scf.yield %add3A_698, %add3A_702, %add3A_706, %add3A_710, %add3A_714, %add3A_718, %add3A_722, %add3A_726 : vector<16xf32>, vector<16xf32>, vector<16xf32>, vector<16xf32>, vector<16xf32>, vector<16xf32>, vector<16xf32>, vector<16xf32>
        }
        %scan3A_587 = arith.constant 32 : i32
        %sub3A_588 = arith.constant 3.200000e+01 : f32
        %sub3A_589 = vector.broadcast %sub3A_588 : f32 to vector<16xf32>
        %sub3A_590 = arith.subf %sub3A_589, %broadcast_in_dim3A_565 : vector<16xf32>
        %eq3A_591 = arith.constant 0.000000e+00 : f32
        %eq3A_592 = vector.broadcast %eq3A_591 : f32 to vector<16xf32>
        %eq3A_593 = arith.cmpf oeq, %sub3A_590, %eq3A_592 : vector<16xf32>
        %jit3A_594 = arith.constant 1.000000e+00 : f32
        %broadcast_in_dim3A_595 = vector.broadcast %jit3A_594 : f32 to vector<16xf32>
        %select_n3A_596 = arith.select %eq3A_593, %broadcast_in_dim3A_595, %sub3A_590 : vector<16xi1>, vector<16xf32>
        %div3A_597 = arith.constant 1.000000e+00 : f32
        %div3A_598 = vector.broadcast %div3A_597 : f32 to vector<16xf32>
        %div3A_599 = arith.divf %div3A_598, %select_n3A_596 : vector<16xf32>
        %get3A_600 = arith.constant 0 : index
        %get3A_601 = tpu.vector_load %arg22[%get3A_600] {strides = array<i32>} : memref<128xf32, #tpu.memory_space<vmem>>, vector<16xf32>,
        %mul3A_602 = arith.mulf %broadcast_in_dim3A_565, %get3A_601 : vector<16xf32>
        %sub3A_603 = arith.subf %scan3A_586#0, %mul3A_602 : vector<16xf32>
        %mul3A_604 = arith.mulf %sub3A_603, %div3A_599 : vector<16xf32>
        %swap3A_605 = arith.constant 3 : i32
        %swap3A_606 = arith.index_cast %swap3A_605 : i32 to index
        %swap3A_607 = arith.constant 0 : index
        %swap3A_608 = tpu.vector_load %arg15[%swap3A_606, %swap3A_607] {strides = array<i32>} : memref<4x128xf32, #tpu.memory_space<vmem>>, vector<16xf32>,
        tpu.vector_store %arg15[%swap3A_606, %swap3A_607], %mul3A_604 {strides = array<i32>} : memref<4x128xf32, #tpu.memory_space<vmem>>, vector<16xf32>,
        %get3A_609 = arith.constant 16 : index
        %get3A_610 = tpu.vector_load %arg22[%get3A_609] {strides = array<i32>} : memref<128xf32, #tpu.memory_space<vmem>>, vector<16xf32>,
        %mul3A_611 = arith.mulf %broadcast_in_dim3A_565, %get3A_610 : vector<16xf32>
        %sub3A_612 = arith.subf %scan3A_586#1, %mul3A_611 : vector<16xf32>
        %mul3A_613 = arith.mulf %sub3A_612, %div3A_599 : vector<16xf32>
        %swap3A_614 = arith.constant 3 : i32
        %swap3A_615 = arith.index_cast %swap3A_614 : i32 to index
        %swap3A_616 = arith.constant 16 : index
        %swap3A_617 = tpu.vector_load %arg15[%swap3A_615, %swap3A_616] {strides = array<i32>} : memref<4x128xf32, #tpu.memory_space<vmem>>, vector<16xf32>,
        tpu.vector_store %arg15[%swap3A_615, %swap3A_616], %mul3A_613 {strides = array<i32>} : memref<4x128xf32, #tpu.memory_space<vmem>>, vector<16xf32>,
        %get3A_618 = arith.constant 32 : index
        %get3A_619 = tpu.vector_load %arg22[%get3A_618] {strides = array<i32>} : memref<128xf32, #tpu.memory_space<vmem>>, vector<16xf32>,
        %mul3A_620 = arith.mulf %broadcast_in_dim3A_565, %get3A_619 : vector<16xf32>
        %sub3A_621 = arith.subf %scan3A_586#2, %mul3A_620 : vector<16xf32>
        %mul3A_622 = arith.mulf %sub3A_621, %div3A_599 : vector<16xf32>
        %swap3A_623 = arith.constant 3 : i32
        %swap3A_624 = arith.index_cast %swap3A_623 : i32 to index
        %swap3A_625 = arith.constant 32 : index
        %swap3A_626 = tpu.vector_load %arg15[%swap3A_624, %swap3A_625] {strides = array<i32>} : memref<4x128xf32, #tpu.memory_space<vmem>>, vector<16xf32>,
        tpu.vector_store %arg15[%swap3A_624, %swap3A_625], %mul3A_622 {strides = array<i32>} : memref<4x128xf32, #tpu.memory_space<vmem>>, vector<16xf32>,
        %get3A_627 = arith.constant 48 : index
        %get3A_628 = tpu.vector_load %arg22[%get3A_627] {strides = array<i32>} : memref<128xf32, #tpu.memory_space<vmem>>, vector<16xf32>,
        %mul3A_629 = arith.mulf %broadcast_in_dim3A_565, %get3A_628 : vector<16xf32>
        %sub3A_630 = arith.subf %scan3A_586#3, %mul3A_629 : vector<16xf32>
        %mul3A_631 = arith.mulf %sub3A_630, %div3A_599 : vector<16xf32>
        %swap3A_632 = arith.constant 3 : i32
        %swap3A_633 = arith.index_cast %swap3A_632 : i32 to index
        %swap3A_634 = arith.constant 48 : index
        %swap3A_635 = tpu.vector_load %arg15[%swap3A_633, %swap3A_634] {strides = array<i32>} : memref<4x128xf32, #tpu.memory_space<vmem>>, vector<16xf32>,
        tpu.vector_store %arg15[%swap3A_633, %swap3A_634], %mul3A_631 {strides = array<i32>} : memref<4x128xf32, #tpu.memory_space<vmem>>, vector<16xf32>,
        %get3A_636 = arith.constant 64 : index
        %get3A_637 = tpu.vector_load %arg22[%get3A_636] {strides = array<i32>} : memref<128xf32, #tpu.memory_space<vmem>>, vector<16xf32>,
        %mul3A_638 = arith.mulf %broadcast_in_dim3A_565, %get3A_637 : vector<16xf32>
        %sub3A_639 = arith.subf %scan3A_586#4, %mul3A_638 : vector<16xf32>
        %mul3A_640 = arith.mulf %sub3A_639, %div3A_599 : vector<16xf32>
        %swap3A_641 = arith.constant 3 : i32
        %swap3A_642 = arith.index_cast %swap3A_641 : i32 to index
        %swap3A_643 = arith.constant 64 : index
        %swap3A_644 = tpu.vector_load %arg15[%swap3A_642, %swap3A_643] {strides = array<i32>} : memref<4x128xf32, #tpu.memory_space<vmem>>, vector<16xf32>,
        tpu.vector_store %arg15[%swap3A_642, %swap3A_643], %mul3A_640 {strides = array<i32>} : memref<4x128xf32, #tpu.memory_space<vmem>>, vector<16xf32>,
        %get3A_645 = arith.constant 80 : index
        %get3A_646 = tpu.vector_load %arg22[%get3A_645] {strides = array<i32>} : memref<128xf32, #tpu.memory_space<vmem>>, vector<16xf32>,
        %mul3A_647 = arith.mulf %broadcast_in_dim3A_565, %get3A_646 : vector<16xf32>
        %sub3A_648 = arith.subf %scan3A_586#5, %mul3A_647 : vector<16xf32>
        %mul3A_649 = arith.mulf %sub3A_648, %div3A_599 : vector<16xf32>
        %swap3A_650 = arith.constant 3 : i32
        %swap3A_651 = arith.index_cast %swap3A_650 : i32 to index
        %swap3A_652 = arith.constant 80 : index
        %swap3A_653 = tpu.vector_load %arg15[%swap3A_651, %swap3A_652] {strides = array<i32>} : memref<4x128xf32, #tpu.memory_space<vmem>>, vector<16xf32>,
        tpu.vector_store %arg15[%swap3A_651, %swap3A_652], %mul3A_649 {strides = array<i32>} : memref<4x128xf32, #tpu.memory_space<vmem>>, vector<16xf32>,
        %get3A_654 = arith.constant 96 : index
        %get3A_655 = tpu.vector_load %arg22[%get3A_654] {strides = array<i32>} : memref<128xf32, #tpu.memory_space<vmem>>, vector<16xf32>,
        %mul3A_656 = arith.mulf %broadcast_in_dim3A_565, %get3A_655 : vector<16xf32>
        %sub3A_657 = arith.subf %scan3A_586#6, %mul3A_656 : vector<16xf32>
        %mul3A_658 = arith.mulf %sub3A_657, %div3A_599 : vector<16xf32>
        %swap3A_659 = arith.constant 3 : i32
        %swap3A_660 = arith.index_cast %swap3A_659 : i32 to index
        %swap3A_661 = arith.constant 96 : index
        %swap3A_662 = tpu.vector_load %arg15[%swap3A_660, %swap3A_661] {strides = array<i32>} : memref<4x128xf32, #tpu.memory_space<vmem>>, vector<16xf32>,
        tpu.vector_store %arg15[%swap3A_660, %swap3A_661], %mul3A_658 {strides = array<i32>} : memref<4x128xf32, #tpu.memory_space<vmem>>, vector<16xf32>,
        %get3A_663 = arith.constant 112 : index
        %get3A_664 = tpu.vector_load %arg22[%get3A_663] {strides = array<i32>} : memref<128xf32, #tpu.memory_space<vmem>>, vector<16xf32>,
        %mul3A_665 = arith.mulf %broadcast_in_dim3A_565, %get3A_664 : vector<16xf32>
        %sub3A_666 = arith.subf %scan3A_586#7, %mul3A_665 : vector<16xf32>
        %mul3A_667 = arith.mulf %sub3A_666, %div3A_599 : vector<16xf32>
        %swap3A_668 = arith.constant 3 : i32
        %swap3A_669 = arith.index_cast %swap3A_668 : i32 to index
        %swap3A_670 = arith.constant 112 : index
        %swap3A_671 = tpu.vector_load %arg15[%swap3A_669, %swap3A_670] {strides = array<i32>} : memref<4x128xf32, #tpu.memory_space<vmem>>, vector<16xf32>,
        tpu.vector_store %arg15[%swap3A_669, %swap3A_670], %mul3A_667 {strides = array<i32>} : memref<4x128xf32, #tpu.memory_space<vmem>>, vector<16xf32>,
        %add3A_672 = arith.addi %add3A_6, %add3A_78 : i32
        %mul3A_673 = arith.constant 4 : i32
        %mul3A_674 = arith.muli %add3A_672, %mul3A_673 : i32
        %dma_start3A = arith.constant 0 : i32
        %dma_start3A_675 = tpu.memref_slice %arg4[%mul3A_674, %dma_start3A] : memref<10000x128xf32, #tpu.memory_space<hbm>> -> memref<4x128xf32, #tpu.memory_space<hbm>>
        %dma_start3A_676 = arith.constant 0 : i32
        %dma_start3A_677 = tpu.memref_slice %arg4[%mul3A_674, %dma_start3A_676] : memref<10000x128xf32, #tpu.memory_space<hbm>> -> memref<4x128xf32, #tpu.memory_space<hbm>>
        tpu.enqueue_dma source(%arg15 : memref<4x128xf32, #tpu.memory_space<vmem>>) target(%dma_start3A_677 : memref<4x128xf32, #tpu.memory_space<hbm>>) target_semaphore(%arg17 : memref<!tpu.dma_semaphore, #tpu.memory_space<semaphore_mem>>)
        %add3A_678 = arith.constant 4 : i32
        %add3A_679 = arith.addi %add3A_78, %add3A_678 : i32
        %lt3A_680 = arith.cmpi slt, %add3A_679, %select_n3A : i32
        %convert_element_type3A_681 = arith.extui %lt3A_680 : i1 to i32
        %cond3A_682 = arith.constant 0 : i32
        %cond3A_683 = arith.cmpi ne, %convert_element_type3A_681, %cond3A_682 : i32
        scf.if %cond3A_683 {
          %mul3A_684 = arith.constant 128 : i32
          %mul3A_685 = arith.muli %add3A_679, %mul3A_684 : i32
          %add3A_686 = arith.addi %mul3A_10, %mul3A_685 : i32
          %dma_start3A_687 = tpu.memref_slice %arg5[%add3A_686] : memref<10112xi32, #tpu.memory_space<vmem>> -> memref<128xi32, #tpu.memory_space<vmem>>
          %dma_start3A_688 = arith.constant 0 : i32
          %dma_start3A_689 = arith.constant 0 : i32
          %dma_start3A_690 = tpu.memref_slice %arg2[%dma_start3A_688, %dma_start3A_689] : memref<100000x128xf32, #tpu.memory_space<hbm>> -> memref<100000x128xf32, #tpu.memory_space<hbm>>
          tpu.enqueue_indirect_dma source(%dma_start3A_690 : memref<100000x128xf32, #tpu.memory_space<hbm>>) target(%arg14 : memref<128x128xf32, #tpu.memory_space<vmem>>) offsets(%dma_start3A_687 : memref<128xi32, #tpu.memory_space<vmem>>) semaphore(%arg16 : memref<!tpu.dma_semaphore, #tpu.memory_space<semaphore_mem>>)
        } else {
        }
      } else {
      }
      %mul3A_83 = arith.constant 4 : i32
      %mul3A_84 = arith.muli %scan3A_58, %mul3A_83 : i32
      %add3A_85 = arith.constant 3 : i32
      %add3A_86 = arith.addi %mul3A_84, %add3A_85 : i32
      %lt3A_87 = arith.cmpi slt, %add3A_86, %select_n3A : i32
      %convert_element_type3A_88 = arith.extui %lt3A_87 : i1 to i32
      %cond3A_89 = arith.constant 0 : i32
      %cond3A_90 = arith.cmpi ne, %convert_element_type3A_88, %cond3A_89 : i32
      scf.if %cond3A_90 {
        %mul3A_91 = arith.constant 128 : i32
        %mul3A_92 = arith.muli %add3A_86, %mul3A_91 : i32
        %add3A_93 = arith.addi %mul3A_10, %mul3A_92 : i32
        %dma_wait3A_94 = tpu.memref_slice %arg5[%add3A_93] : memref<10112xi32, #tpu.memory_space<vmem>> -> memref<128xi32, #tpu.memory_space<vmem>>
        %dma_wait3A_95 = arith.constant 0 : i32
        %dma_wait3A_96 = arith.constant 0 : i32
        %dma_wait3A_97 = tpu.memref_slice %arg2[%dma_wait3A_95, %dma_wait3A_96] : memref<100000x128xf32, #tpu.memory_space<hbm>> -> memref<100000x128xf32, #tpu.memory_space<hbm>>
        tpu.wait_indirect_dma semaphore(%arg20 : memref<!tpu.dma_semaphore, #tpu.memory_space<semaphore_mem>>) src(%dma_wait3A_97 : memref<100000x128xf32, #tpu.memory_space<hbm>>) dst(%arg18 : memref<128x128xf32, #tpu.memory_space<vmem>>)
        %ge3A = arith.constant 4 : i32
        %ge3A_98 = arith.cmpi sge, %add3A_86, %ge3A : i32
        %convert_element_type3A_99 = arith.extui %ge3A_98 : i1 to i32
        %cond3A_100 = arith.constant 0 : i32
        %cond3A_101 = arith.cmpi ne, %convert_element_type3A_99, %cond3A_100 : i32
        scf.if %cond3A_101 {
          %dma_wait3A_684 = arith.constant 0 : i32
          %dma_wait3A_685 = arith.constant 0 : i32
          %dma_wait3A_686 = tpu.memref_slice %arg4[%dma_wait3A_684, %dma_wait3A_685] : memref<10000x128xf32, #tpu.memory_space<hbm>> -> memref<4x128xf32, #tpu.memory_space<hbm>>
          %dma_wait3A_687 = arith.constant 0 : i32
          %dma_wait3A_688 = arith.constant 0 : i32
          %dma_wait3A_689 = tpu.memref_slice %arg4[%dma_wait3A_687, %dma_wait3A_688] : memref<10000x128xf32, #tpu.memory_space<hbm>> -> memref<4x128xf32, #tpu.memory_space<hbm>>
          tpu.wait_dma2 semaphore(%arg21 : memref<!tpu.dma_semaphore, #tpu.memory_space<semaphore_mem>>) src(%arg19 : memref<4x128xf32, #tpu.memory_space<vmem>>) dst(%dma_wait3A_689 : memref<4x128xf32, #tpu.memory_space<hbm>>)
        } else {
        }
        %mul3A_102 = arith.constant 128 : i32
        %mul3A_103 = arith.muli %add3A_86, %mul3A_102 : i32
        %add3A_104 = arith.addi %mul3A_10, %mul3A_103 : i32
        %add3A_105 = arith.constant 0 : i32
        %add3A_106 = arith.addi %add3A_104, %add3A_105 : i32
        %get3A = arith.index_cast %add3A_106 : i32 to index
        %get3A_107 = tpu.vector_load %arg5[%get3A] {strides = array<i32>} : memref<10112xi32, #tpu.memory_space<vmem>>, vector<16xi32>,
        %mul3A_108 = arith.constant 128 : i32
        %mul3A_109 = arith.muli %add3A_86, %mul3A_108 : i32
        %add3A_110 = arith.addi %mul3A_10, %mul3A_109 : i32
        %add3A_111 = arith.constant 0 : i32
        %add3A_112 = arith.addi %add3A_110, %add3A_111 : i32
        %add3A_113 = arith.constant 16 : i32
        %add3A_114 = arith.addi %add3A_112, %add3A_113 : i32
        %get3A_115 = arith.index_cast %add3A_114 : i32 to index
        %get3A_116 = tpu.vector_load %arg5[%get3A_115] {strides = array<i32>} : memref<10112xi32, #tpu.memory_space<vmem>>, vector<16xi32>,
        %eq3A = arith.constant 0 : i32
        %eq3A_117 = vector.broadcast %eq3A : i32 to vector<16xi32>
        %eq3A_118 = arith.cmpi eq, %get3A_107, %eq3A_117 : vector<16xi32>
        %jit3A_119 = arith.constant 1.000000e+00 : f32
        %jit3A_120 = arith.constant 0.000000e+00 : f32
        %broadcast_in_dim3A = vector.broadcast %jit3A_119 : f32 to vector<16xf32>
        %broadcast_in_dim3A_121 = vector.broadcast %jit3A_120 : f32 to vector<16xf32>
        %select_n3A_122 = arith.select %eq3A_118, %broadcast_in_dim3A, %broadcast_in_dim3A_121 : vector<16xi1>, vector<16xf32>
        %eq3A_123 = arith.constant 0 : i32
        %eq3A_124 = vector.broadcast %eq3A_123 : i32 to vector<16xi32>
        %eq3A_125 = arith.cmpi eq, %get3A_116, %eq3A_124 : vector<16xi32>
        %jit3A_126 = arith.constant 1.000000e+00 : f32
        %jit3A_127 = arith.constant 0.000000e+00 : f32
        %broadcast_in_dim3A_128 = vector.broadcast %jit3A_126 : f32 to vector<16xf32>
        %broadcast_in_dim3A_129 = vector.broadcast %jit3A_127 : f32 to vector<16xf32>
        %select_n3A_130 = arith.select %eq3A_125, %broadcast_in_dim3A_128, %broadcast_in_dim3A_129 : vector<16xi1>, vector<16xf32>
        %add3A_131 = arith.addf %select_n3A_122, %select_n3A_130 : vector<16xf32>
        %reduce_sum3A = arith.constant true
        %reduce_sum3A_132 = vector.broadcast %reduce_sum3A : i1 to vector<16xi1>
        %reduce_sum3A_133 = tpu.scan <sum>, %add3A_131 masked %reduce_sum3A_132 : vector<16xf32>, vector<16xi1> -> vector<16xf32>
        %reduce_sum3A_134 = vector.extract %reduce_sum3A_133[15] : f32 from vector<16xf32>
        %broadcast_in_dim3A_135 = vector.broadcast %reduce_sum3A_134 : f32 to vector<16xf32>
        %broadcast_in_dim3A_136 = arith.constant 0.000000e+00 : f32
        %broadcast_in_dim3A_137 = vector.broadcast %broadcast_in_dim3A_136 : f32 to vector<16xf32>
        %broadcast_in_dim3A_138 = arith.constant 0.000000e+00 : f32
        %broadcast_in_dim3A_139 = vector.broadcast %broadcast_in_dim3A_138 : f32 to vector<16xf32>
        %broadcast_in_dim3A_140 = arith.constant 0.000000e+00 : f32
        %broadcast_in_dim3A_141 = vector.broadcast %broadcast_in_dim3A_140 : f32 to vector<16xf32>
        %broadcast_in_dim3A_142 = arith.constant 0.000000e+00 : f32
        %broadcast_in_dim3A_143 = vector.broadcast %broadcast_in_dim3A_142 : f32 to vector<16xf32>
        %broadcast_in_dim3A_144 = arith.constant 0.000000e+00 : f32
        %broadcast_in_dim3A_145 = vector.broadcast %broadcast_in_dim3A_144 : f32 to vector<16xf32>
        %broadcast_in_dim3A_146 = arith.constant 0.000000e+00 : f32
        %broadcast_in_dim3A_147 = vector.broadcast %broadcast_in_dim3A_146 : f32 to vector<16xf32>
        %broadcast_in_dim3A_148 = arith.constant 0.000000e+00 : f32
        %broadcast_in_dim3A_149 = vector.broadcast %broadcast_in_dim3A_148 : f32 to vector<16xf32>
        %broadcast_in_dim3A_150 = arith.constant 0.000000e+00 : f32
        %broadcast_in_dim3A_151 = vector.broadcast %broadcast_in_dim3A_150 : f32 to vector<16xf32>
        %scan3A_152 = arith.constant 0 : i32
        %scan3A_153 = arith.constant 32 : i32
        %scan3A_154 = arith.addi %scan3A_152, %scan3A_153 : i32
        %scan3A_155 = arith.constant 1 : i32
        %scan3A_156:8 = scf.for %scan3A_684 = %scan3A_152 to %scan3A_154 step %scan3A_155 iter_args(%scan3A_685 = %broadcast_in_dim3A_137, %scan3A_686 = %broadcast_in_dim3A_139, %scan3A_687 = %broadcast_in_dim3A_141, %scan3A_688 = %broadcast_in_dim3A_143, %scan3A_689 = %broadcast_in_dim3A_145, %scan3A_690 = %broadcast_in_dim3A_147, %scan3A_691 = %broadcast_in_dim3A_149, %scan3A_692 = %broadcast_in_dim3A_151) -> (vector<16xf32>, vector<16xf32>, vector<16xf32>, vector<16xf32>, vector<16xf32>, vector<16xf32>, vector<16xf32>, vector<16xf32>)  : i32 {
          %add3A_693 = arith.constant 0 : i32
          %add3A_694 = arith.addi %add3A_693, %scan3A_684 : i32
          %get3A_695 = arith.index_cast %add3A_694 : i32 to index
          %get3A_696 = arith.constant 0 : index
          %get3A_697 = tpu.vector_load %arg18[%get3A_695, %get3A_696] {strides = array<i32>} : memref<128x128xf32, #tpu.memory_space<vmem>>, vector<16xf32>,
          %add3A_698 = arith.addf %scan3A_685, %get3A_697 : vector<16xf32>
          %get3A_699 = arith.index_cast %add3A_694 : i32 to index
          %get3A_700 = arith.constant 16 : index
          %get3A_701 = tpu.vector_load %arg18[%get3A_699, %get3A_700] {strides = array<i32>} : memref<128x128xf32, #tpu.memory_space<vmem>>, vector<16xf32>,
          %add3A_702 = arith.addf %scan3A_686, %get3A_701 : vector<16xf32>
          %get3A_703 = arith.index_cast %add3A_694 : i32 to index
          %get3A_704 = arith.constant 32 : index
          %get3A_705 = tpu.vector_load %arg18[%get3A_703, %get3A_704] {strides = array<i32>} : memref<128x128xf32, #tpu.memory_space<vmem>>, vector<16xf32>,
          %add3A_706 = arith.addf %scan3A_687, %get3A_705 : vector<16xf32>
          %get3A_707 = arith.index_cast %add3A_694 : i32 to index
          %get3A_708 = arith.constant 48 : index
          %get3A_709 = tpu.vector_load %arg18[%get3A_707, %get3A_708] {strides = array<i32>} : memref<128x128xf32, #tpu.memory_space<vmem>>, vector<16xf32>,
          %add3A_710 = arith.addf %scan3A_688, %get3A_709 : vector<16xf32>
          %get3A_711 = arith.index_cast %add3A_694 : i32 to index
          %get3A_712 = arith.constant 64 : index
          %get3A_713 = tpu.vector_load %arg18[%get3A_711, %get3A_712] {strides = array<i32>} : memref<128x128xf32, #tpu.memory_space<vmem>>, vector<16xf32>,
          %add3A_714 = arith.addf %scan3A_689, %get3A_713 : vector<16xf32>
          %get3A_715 = arith.index_cast %add3A_694 : i32 to index
          %get3A_716 = arith.constant 80 : index
          %get3A_717 = tpu.vector_load %arg18[%get3A_715, %get3A_716] {strides = array<i32>} : memref<128x128xf32, #tpu.memory_space<vmem>>, vector<16xf32>,
          %add3A_718 = arith.addf %scan3A_690, %get3A_717 : vector<16xf32>
          %get3A_719 = arith.index_cast %add3A_694 : i32 to index
          %get3A_720 = arith.constant 96 : index
          %get3A_721 = tpu.vector_load %arg18[%get3A_719, %get3A_720] {strides = array<i32>} : memref<128x128xf32, #tpu.memory_space<vmem>>, vector<16xf32>,
          %add3A_722 = arith.addf %scan3A_691, %get3A_721 : vector<16xf32>
          %get3A_723 = arith.index_cast %add3A_694 : i32 to index
          %get3A_724 = arith.constant 112 : index
          %get3A_725 = tpu.vector_load %arg18[%get3A_723, %get3A_724] {strides = array<i32>} : memref<128x128xf32, #tpu.memory_space<vmem>>, vector<16xf32>,
          %add3A_726 = arith.addf %scan3A_692, %get3A_725 : vector<16xf32>
          scf.yield %add3A_698, %add3A_702, %add3A_706, %add3A_710, %add3A_714, %add3A_718, %add3A_722, %add3A_726 : vector<16xf32>, vector<16xf32>, vector<16xf32>, vector<16xf32>, vector<16xf32>, vector<16xf32>, vector<16xf32>, vector<16xf32>
        }
        %scan3A_157 = arith.constant 32 : i32
        %sub3A_158 = arith.constant 3.200000e+01 : f32
        %sub3A_159 = vector.broadcast %sub3A_158 : f32 to vector<16xf32>
        %sub3A_160 = arith.subf %sub3A_159, %broadcast_in_dim3A_135 : vector<16xf32>
        %eq3A_161 = arith.constant 0.000000e+00 : f32
        %eq3A_162 = vector.broadcast %eq3A_161 : f32 to vector<16xf32>
        %eq3A_163 = arith.cmpf oeq, %sub3A_160, %eq3A_162 : vector<16xf32>
        %jit3A_164 = arith.constant 1.000000e+00 : f32
        %broadcast_in_dim3A_165 = vector.broadcast %jit3A_164 : f32 to vector<16xf32>
        %select_n3A_166 = arith.select %eq3A_163, %broadcast_in_dim3A_165, %sub3A_160 : vector<16xi1>, vector<16xf32>
        %div3A = arith.constant 1.000000e+00 : f32
        %div3A_167 = vector.broadcast %div3A : f32 to vector<16xf32>
        %div3A_168 = arith.divf %div3A_167, %select_n3A_166 : vector<16xf32>
        %get3A_169 = arith.constant 0 : index
        %get3A_170 = tpu.vector_load %arg22[%get3A_169] {strides = array<i32>} : memref<128xf32, #tpu.memory_space<vmem>>, vector<16xf32>,
        %mul3A_171 = arith.mulf %broadcast_in_dim3A_135, %get3A_170 : vector<16xf32>
        %sub3A_172 = arith.subf %scan3A_156#0, %mul3A_171 : vector<16xf32>
        %mul3A_173 = arith.mulf %sub3A_172, %div3A_168 : vector<16xf32>
        %swap3A = arith.constant 0 : i32
        %swap3A_174 = arith.index_cast %swap3A : i32 to index
        %swap3A_175 = arith.constant 0 : index
        %swap3A_176 = tpu.vector_load %arg19[%swap3A_174, %swap3A_175] {strides = array<i32>} : memref<4x128xf32, #tpu.memory_space<vmem>>, vector<16xf32>,
        tpu.vector_store %arg19[%swap3A_174, %swap3A_175], %mul3A_173 {strides = array<i32>} : memref<4x128xf32, #tpu.memory_space<vmem>>, vector<16xf32>,
        %get3A_177 = arith.constant 16 : index
        %get3A_178 = tpu.vector_load %arg22[%get3A_177] {strides = array<i32>} : memref<128xf32, #tpu.memory_space<vmem>>, vector<16xf32>,
        %mul3A_179 = arith.mulf %broadcast_in_dim3A_135, %get3A_178 : vector<16xf32>
        %sub3A_180 = arith.subf %scan3A_156#1, %mul3A_179 : vector<16xf32>
        %mul3A_181 = arith.mulf %sub3A_180, %div3A_168 : vector<16xf32>
        %swap3A_182 = arith.constant 0 : i32
        %swap3A_183 = arith.index_cast %swap3A_182 : i32 to index
        %swap3A_184 = arith.constant 16 : index
        %swap3A_185 = tpu.vector_load %arg19[%swap3A_183, %swap3A_184] {strides = array<i32>} : memref<4x128xf32, #tpu.memory_space<vmem>>, vector<16xf32>,
        tpu.vector_store %arg19[%swap3A_183, %swap3A_184], %mul3A_181 {strides = array<i32>} : memref<4x128xf32, #tpu.memory_space<vmem>>, vector<16xf32>,
        %get3A_186 = arith.constant 32 : index
        %get3A_187 = tpu.vector_load %arg22[%get3A_186] {strides = array<i32>} : memref<128xf32, #tpu.memory_space<vmem>>, vector<16xf32>,
        %mul3A_188 = arith.mulf %broadcast_in_dim3A_135, %get3A_187 : vector<16xf32>
        %sub3A_189 = arith.subf %scan3A_156#2, %mul3A_188 : vector<16xf32>
        %mul3A_190 = arith.mulf %sub3A_189, %div3A_168 : vector<16xf32>
        %swap3A_191 = arith.constant 0 : i32
        %swap3A_192 = arith.index_cast %swap3A_191 : i32 to index
        %swap3A_193 = arith.constant 32 : index
        %swap3A_194 = tpu.vector_load %arg19[%swap3A_192, %swap3A_193] {strides = array<i32>} : memref<4x128xf32, #tpu.memory_space<vmem>>, vector<16xf32>,
        tpu.vector_store %arg19[%swap3A_192, %swap3A_193], %mul3A_190 {strides = array<i32>} : memref<4x128xf32, #tpu.memory_space<vmem>>, vector<16xf32>,
        %get3A_195 = arith.constant 48 : index
        %get3A_196 = tpu.vector_load %arg22[%get3A_195] {strides = array<i32>} : memref<128xf32, #tpu.memory_space<vmem>>, vector<16xf32>,
        %mul3A_197 = arith.mulf %broadcast_in_dim3A_135, %get3A_196 : vector<16xf32>
        %sub3A_198 = arith.subf %scan3A_156#3, %mul3A_197 : vector<16xf32>
        %mul3A_199 = arith.mulf %sub3A_198, %div3A_168 : vector<16xf32>
        %swap3A_200 = arith.constant 0 : i32
        %swap3A_201 = arith.index_cast %swap3A_200 : i32 to index
        %swap3A_202 = arith.constant 48 : index
        %swap3A_203 = tpu.vector_load %arg19[%swap3A_201, %swap3A_202] {strides = array<i32>} : memref<4x128xf32, #tpu.memory_space<vmem>>, vector<16xf32>,
        tpu.vector_store %arg19[%swap3A_201, %swap3A_202], %mul3A_199 {strides = array<i32>} : memref<4x128xf32, #tpu.memory_space<vmem>>, vector<16xf32>,
        %get3A_204 = arith.constant 64 : index
        %get3A_205 = tpu.vector_load %arg22[%get3A_204] {strides = array<i32>} : memref<128xf32, #tpu.memory_space<vmem>>, vector<16xf32>,
        %mul3A_206 = arith.mulf %broadcast_in_dim3A_135, %get3A_205 : vector<16xf32>
        %sub3A_207 = arith.subf %scan3A_156#4, %mul3A_206 : vector<16xf32>
        %mul3A_208 = arith.mulf %sub3A_207, %div3A_168 : vector<16xf32>
        %swap3A_209 = arith.constant 0 : i32
        %swap3A_210 = arith.index_cast %swap3A_209 : i32 to index
        %swap3A_211 = arith.constant 64 : index
        %swap3A_212 = tpu.vector_load %arg19[%swap3A_210, %swap3A_211] {strides = array<i32>} : memref<4x128xf32, #tpu.memory_space<vmem>>, vector<16xf32>,
        tpu.vector_store %arg19[%swap3A_210, %swap3A_211], %mul3A_208 {strides = array<i32>} : memref<4x128xf32, #tpu.memory_space<vmem>>, vector<16xf32>,
        %get3A_213 = arith.constant 80 : index
        %get3A_214 = tpu.vector_load %arg22[%get3A_213] {strides = array<i32>} : memref<128xf32, #tpu.memory_space<vmem>>, vector<16xf32>,
        %mul3A_215 = arith.mulf %broadcast_in_dim3A_135, %get3A_214 : vector<16xf32>
        %sub3A_216 = arith.subf %scan3A_156#5, %mul3A_215 : vector<16xf32>
        %mul3A_217 = arith.mulf %sub3A_216, %div3A_168 : vector<16xf32>
        %swap3A_218 = arith.constant 0 : i32
        %swap3A_219 = arith.index_cast %swap3A_218 : i32 to index
        %swap3A_220 = arith.constant 80 : index
        %swap3A_221 = tpu.vector_load %arg19[%swap3A_219, %swap3A_220] {strides = array<i32>} : memref<4x128xf32, #tpu.memory_space<vmem>>, vector<16xf32>,
        tpu.vector_store %arg19[%swap3A_219, %swap3A_220], %mul3A_217 {strides = array<i32>} : memref<4x128xf32, #tpu.memory_space<vmem>>, vector<16xf32>,
        %get3A_222 = arith.constant 96 : index
        %get3A_223 = tpu.vector_load %arg22[%get3A_222] {strides = array<i32>} : memref<128xf32, #tpu.memory_space<vmem>>, vector<16xf32>,
        %mul3A_224 = arith.mulf %broadcast_in_dim3A_135, %get3A_223 : vector<16xf32>
        %sub3A_225 = arith.subf %scan3A_156#6, %mul3A_224 : vector<16xf32>
        %mul3A_226 = arith.mulf %sub3A_225, %div3A_168 : vector<16xf32>
        %swap3A_227 = arith.constant 0 : i32
        %swap3A_228 = arith.index_cast %swap3A_227 : i32 to index
        %swap3A_229 = arith.constant 96 : index
        %swap3A_230 = tpu.vector_load %arg19[%swap3A_228, %swap3A_229] {strides = array<i32>} : memref<4x128xf32, #tpu.memory_space<vmem>>, vector<16xf32>,
        tpu.vector_store %arg19[%swap3A_228, %swap3A_229], %mul3A_226 {strides = array<i32>} : memref<4x128xf32, #tpu.memory_space<vmem>>, vector<16xf32>,
        %get3A_231 = arith.constant 112 : index
        %get3A_232 = tpu.vector_load %arg22[%get3A_231] {strides = array<i32>} : memref<128xf32, #tpu.memory_space<vmem>>, vector<16xf32>,
        %mul3A_233 = arith.mulf %broadcast_in_dim3A_135, %get3A_232 : vector<16xf32>
        %sub3A_234 = arith.subf %scan3A_156#7, %mul3A_233 : vector<16xf32>
        %mul3A_235 = arith.mulf %sub3A_234, %div3A_168 : vector<16xf32>
        %swap3A_236 = arith.constant 0 : i32
        %swap3A_237 = arith.index_cast %swap3A_236 : i32 to index
        %swap3A_238 = arith.constant 112 : index
        %swap3A_239 = tpu.vector_load %arg19[%swap3A_237, %swap3A_238] {strides = array<i32>} : memref<4x128xf32, #tpu.memory_space<vmem>>, vector<16xf32>,
        tpu.vector_store %arg19[%swap3A_237, %swap3A_238], %mul3A_235 {strides = array<i32>} : memref<4x128xf32, #tpu.memory_space<vmem>>, vector<16xf32>,
        %mul3A_240 = arith.constant 128 : i32
        %mul3A_241 = arith.muli %add3A_86, %mul3A_240 : i32
        %add3A_242 = arith.addi %mul3A_10, %mul3A_241 : i32
        %add3A_243 = arith.constant 32 : i32
        %add3A_244 = arith.addi %add3A_242, %add3A_243 : i32
        %get3A_245 = arith.index_cast %add3A_244 : i32 to index
        %get3A_246 = tpu.vector_load %arg5[%get3A_245] {strides = array<i32>} : memref<10112xi32, #tpu.memory_space<vmem>>, vector<16xi32>,
        %mul3A_247 = arith.constant 128 : i32
        %mul3A_248 = arith.muli %add3A_86, %mul3A_247 : i32
        %add3A_249 = arith.addi %mul3A_10, %mul3A_248 : i32
        %add3A_250 = arith.constant 32 : i32
        %add3A_251 = arith.addi %add3A_249, %add3A_250 : i32
        %add3A_252 = arith.constant 16 : i32
        %add3A_253 = arith.addi %add3A_251, %add3A_252 : i32
        %get3A_254 = arith.index_cast %add3A_253 : i32 to index
        %get3A_255 = tpu.vector_load %arg5[%get3A_254] {strides = array<i32>} : memref<10112xi32, #tpu.memory_space<vmem>>, vector<16xi32>,
        %eq3A_256 = arith.constant 0 : i32
        %eq3A_257 = vector.broadcast %eq3A_256 : i32 to vector<16xi32>
        %eq3A_258 = arith.cmpi eq, %get3A_246, %eq3A_257 : vector<16xi32>
        %jit3A_259 = arith.constant 1.000000e+00 : f32
        %jit3A_260 = arith.constant 0.000000e+00 : f32
        %broadcast_in_dim3A_261 = vector.broadcast %jit3A_259 : f32 to vector<16xf32>
        %broadcast_in_dim3A_262 = vector.broadcast %jit3A_260 : f32 to vector<16xf32>
        %select_n3A_263 = arith.select %eq3A_258, %broadcast_in_dim3A_261, %broadcast_in_dim3A_262 : vector<16xi1>, vector<16xf32>
        %eq3A_264 = arith.constant 0 : i32
        %eq3A_265 = vector.broadcast %eq3A_264 : i32 to vector<16xi32>
        %eq3A_266 = arith.cmpi eq, %get3A_255, %eq3A_265 : vector<16xi32>
        %jit3A_267 = arith.constant 1.000000e+00 : f32
        %jit3A_268 = arith.constant 0.000000e+00 : f32
        %broadcast_in_dim3A_269 = vector.broadcast %jit3A_267 : f32 to vector<16xf32>
        %broadcast_in_dim3A_270 = vector.broadcast %jit3A_268 : f32 to vector<16xf32>
        %select_n3A_271 = arith.select %eq3A_266, %broadcast_in_dim3A_269, %broadcast_in_dim3A_270 : vector<16xi1>, vector<16xf32>
        %add3A_272 = arith.addf %select_n3A_263, %select_n3A_271 : vector<16xf32>
        %reduce_sum3A_273 = arith.constant true
        %reduce_sum3A_274 = vector.broadcast %reduce_sum3A_273 : i1 to vector<16xi1>
        %reduce_sum3A_275 = tpu.scan <sum>, %add3A_272 masked %reduce_sum3A_274 : vector<16xf32>, vector<16xi1> -> vector<16xf32>
        %reduce_sum3A_276 = vector.extract %reduce_sum3A_275[15] : f32 from vector<16xf32>
        %broadcast_in_dim3A_277 = vector.broadcast %reduce_sum3A_276 : f32 to vector<16xf32>
        %broadcast_in_dim3A_278 = arith.constant 0.000000e+00 : f32
        %broadcast_in_dim3A_279 = vector.broadcast %broadcast_in_dim3A_278 : f32 to vector<16xf32>
        %broadcast_in_dim3A_280 = arith.constant 0.000000e+00 : f32
        %broadcast_in_dim3A_281 = vector.broadcast %broadcast_in_dim3A_280 : f32 to vector<16xf32>
        %broadcast_in_dim3A_282 = arith.constant 0.000000e+00 : f32
        %broadcast_in_dim3A_283 = vector.broadcast %broadcast_in_dim3A_282 : f32 to vector<16xf32>
        %broadcast_in_dim3A_284 = arith.constant 0.000000e+00 : f32
        %broadcast_in_dim3A_285 = vector.broadcast %broadcast_in_dim3A_284 : f32 to vector<16xf32>
        %broadcast_in_dim3A_286 = arith.constant 0.000000e+00 : f32
        %broadcast_in_dim3A_287 = vector.broadcast %broadcast_in_dim3A_286 : f32 to vector<16xf32>
        %broadcast_in_dim3A_288 = arith.constant 0.000000e+00 : f32
        %broadcast_in_dim3A_289 = vector.broadcast %broadcast_in_dim3A_288 : f32 to vector<16xf32>
        %broadcast_in_dim3A_290 = arith.constant 0.000000e+00 : f32
        %broadcast_in_dim3A_291 = vector.broadcast %broadcast_in_dim3A_290 : f32 to vector<16xf32>
        %broadcast_in_dim3A_292 = arith.constant 0.000000e+00 : f32
        %broadcast_in_dim3A_293 = vector.broadcast %broadcast_in_dim3A_292 : f32 to vector<16xf32>
        %scan3A_294 = arith.constant 0 : i32
        %scan3A_295 = arith.constant 32 : i32
        %scan3A_296 = arith.addi %scan3A_294, %scan3A_295 : i32
        %scan3A_297 = arith.constant 1 : i32
        %scan3A_298:8 = scf.for %scan3A_684 = %scan3A_294 to %scan3A_296 step %scan3A_297 iter_args(%scan3A_685 = %broadcast_in_dim3A_279, %scan3A_686 = %broadcast_in_dim3A_281, %scan3A_687 = %broadcast_in_dim3A_283, %scan3A_688 = %broadcast_in_dim3A_285, %scan3A_689 = %broadcast_in_dim3A_287, %scan3A_690 = %broadcast_in_dim3A_289, %scan3A_691 = %broadcast_in_dim3A_291, %scan3A_692 = %broadcast_in_dim3A_293) -> (vector<16xf32>, vector<16xf32>, vector<16xf32>, vector<16xf32>, vector<16xf32>, vector<16xf32>, vector<16xf32>, vector<16xf32>)  : i32 {
          %add3A_693 = arith.constant 32 : i32
          %add3A_694 = arith.addi %add3A_693, %scan3A_684 : i32
          %get3A_695 = arith.index_cast %add3A_694 : i32 to index
          %get3A_696 = arith.constant 0 : index
          %get3A_697 = tpu.vector_load %arg18[%get3A_695, %get3A_696] {strides = array<i32>} : memref<128x128xf32, #tpu.memory_space<vmem>>, vector<16xf32>,
          %add3A_698 = arith.addf %scan3A_685, %get3A_697 : vector<16xf32>
          %get3A_699 = arith.index_cast %add3A_694 : i32 to index
          %get3A_700 = arith.constant 16 : index
          %get3A_701 = tpu.vector_load %arg18[%get3A_699, %get3A_700] {strides = array<i32>} : memref<128x128xf32, #tpu.memory_space<vmem>>, vector<16xf32>,
          %add3A_702 = arith.addf %scan3A_686, %get3A_701 : vector<16xf32>
          %get3A_703 = arith.index_cast %add3A_694 : i32 to index
          %get3A_704 = arith.constant 32 : index
          %get3A_705 = tpu.vector_load %arg18[%get3A_703, %get3A_704] {strides = array<i32>} : memref<128x128xf32, #tpu.memory_space<vmem>>, vector<16xf32>,
          %add3A_706 = arith.addf %scan3A_687, %get3A_705 : vector<16xf32>
          %get3A_707 = arith.index_cast %add3A_694 : i32 to index
          %get3A_708 = arith.constant 48 : index
          %get3A_709 = tpu.vector_load %arg18[%get3A_707, %get3A_708] {strides = array<i32>} : memref<128x128xf32, #tpu.memory_space<vmem>>, vector<16xf32>,
          %add3A_710 = arith.addf %scan3A_688, %get3A_709 : vector<16xf32>
          %get3A_711 = arith.index_cast %add3A_694 : i32 to index
          %get3A_712 = arith.constant 64 : index
          %get3A_713 = tpu.vector_load %arg18[%get3A_711, %get3A_712] {strides = array<i32>} : memref<128x128xf32, #tpu.memory_space<vmem>>, vector<16xf32>,
          %add3A_714 = arith.addf %scan3A_689, %get3A_713 : vector<16xf32>
          %get3A_715 = arith.index_cast %add3A_694 : i32 to index
          %get3A_716 = arith.constant 80 : index
          %get3A_717 = tpu.vector_load %arg18[%get3A_715, %get3A_716] {strides = array<i32>} : memref<128x128xf32, #tpu.memory_space<vmem>>, vector<16xf32>,
          %add3A_718 = arith.addf %scan3A_690, %get3A_717 : vector<16xf32>
          %get3A_719 = arith.index_cast %add3A_694 : i32 to index
          %get3A_720 = arith.constant 96 : index
          %get3A_721 = tpu.vector_load %arg18[%get3A_719, %get3A_720] {strides = array<i32>} : memref<128x128xf32, #tpu.memory_space<vmem>>, vector<16xf32>,
          %add3A_722 = arith.addf %scan3A_691, %get3A_721 : vector<16xf32>
          %get3A_723 = arith.index_cast %add3A_694 : i32 to index
          %get3A_724 = arith.constant 112 : index
          %get3A_725 = tpu.vector_load %arg18[%get3A_723, %get3A_724] {strides = array<i32>} : memref<128x128xf32, #tpu.memory_space<vmem>>, vector<16xf32>,
          %add3A_726 = arith.addf %scan3A_692, %get3A_725 : vector<16xf32>
          scf.yield %add3A_698, %add3A_702, %add3A_706, %add3A_710, %add3A_714, %add3A_718, %add3A_722, %add3A_726 : vector<16xf32>, vector<16xf32>, vector<16xf32>, vector<16xf32>, vector<16xf32>, vector<16xf32>, vector<16xf32>, vector<16xf32>
        }
        %scan3A_299 = arith.constant 32 : i32
        %sub3A_300 = arith.constant 3.200000e+01 : f32
        %sub3A_301 = vector.broadcast %sub3A_300 : f32 to vector<16xf32>
        %sub3A_302 = arith.subf %sub3A_301, %broadcast_in_dim3A_277 : vector<16xf32>
        %eq3A_303 = arith.constant 0.000000e+00 : f32
        %eq3A_304 = vector.broadcast %eq3A_303 : f32 to vector<16xf32>
        %eq3A_305 = arith.cmpf oeq, %sub3A_302, %eq3A_304 : vector<16xf32>
        %jit3A_306 = arith.constant 1.000000e+00 : f32
        %broadcast_in_dim3A_307 = vector.broadcast %jit3A_306 : f32 to vector<16xf32>
        %select_n3A_308 = arith.select %eq3A_305, %broadcast_in_dim3A_307, %sub3A_302 : vector<16xi1>, vector<16xf32>
        %div3A_309 = arith.constant 1.000000e+00 : f32
        %div3A_310 = vector.broadcast %div3A_309 : f32 to vector<16xf32>
        %div3A_311 = arith.divf %div3A_310, %select_n3A_308 : vector<16xf32>
        %get3A_312 = arith.constant 0 : index
        %get3A_313 = tpu.vector_load %arg22[%get3A_312] {strides = array<i32>} : memref<128xf32, #tpu.memory_space<vmem>>, vector<16xf32>,
        %mul3A_314 = arith.mulf %broadcast_in_dim3A_277, %get3A_313 : vector<16xf32>
        %sub3A_315 = arith.subf %scan3A_298#0, %mul3A_314 : vector<16xf32>
        %mul3A_316 = arith.mulf %sub3A_315, %div3A_311 : vector<16xf32>
        %swap3A_317 = arith.constant 1 : i32
        %swap3A_318 = arith.index_cast %swap3A_317 : i32 to index
        %swap3A_319 = arith.constant 0 : index
        %swap3A_320 = tpu.vector_load %arg19[%swap3A_318, %swap3A_319] {strides = array<i32>} : memref<4x128xf32, #tpu.memory_space<vmem>>, vector<16xf32>,
        tpu.vector_store %arg19[%swap3A_318, %swap3A_319], %mul3A_316 {strides = array<i32>} : memref<4x128xf32, #tpu.memory_space<vmem>>, vector<16xf32>,
        %get3A_321 = arith.constant 16 : index
        %get3A_322 = tpu.vector_load %arg22[%get3A_321] {strides = array<i32>} : memref<128xf32, #tpu.memory_space<vmem>>, vector<16xf32>,
        %mul3A_323 = arith.mulf %broadcast_in_dim3A_277, %get3A_322 : vector<16xf32>
        %sub3A_324 = arith.subf %scan3A_298#1, %mul3A_323 : vector<16xf32>
        %mul3A_325 = arith.mulf %sub3A_324, %div3A_311 : vector<16xf32>
        %swap3A_326 = arith.constant 1 : i32
        %swap3A_327 = arith.index_cast %swap3A_326 : i32 to index
        %swap3A_328 = arith.constant 16 : index
        %swap3A_329 = tpu.vector_load %arg19[%swap3A_327, %swap3A_328] {strides = array<i32>} : memref<4x128xf32, #tpu.memory_space<vmem>>, vector<16xf32>,
        tpu.vector_store %arg19[%swap3A_327, %swap3A_328], %mul3A_325 {strides = array<i32>} : memref<4x128xf32, #tpu.memory_space<vmem>>, vector<16xf32>,
        %get3A_330 = arith.constant 32 : index
        %get3A_331 = tpu.vector_load %arg22[%get3A_330] {strides = array<i32>} : memref<128xf32, #tpu.memory_space<vmem>>, vector<16xf32>,
        %mul3A_332 = arith.mulf %broadcast_in_dim3A_277, %get3A_331 : vector<16xf32>
        %sub3A_333 = arith.subf %scan3A_298#2, %mul3A_332 : vector<16xf32>
        %mul3A_334 = arith.mulf %sub3A_333, %div3A_311 : vector<16xf32>
        %swap3A_335 = arith.constant 1 : i32
        %swap3A_336 = arith.index_cast %swap3A_335 : i32 to index
        %swap3A_337 = arith.constant 32 : index
        %swap3A_338 = tpu.vector_load %arg19[%swap3A_336, %swap3A_337] {strides = array<i32>} : memref<4x128xf32, #tpu.memory_space<vmem>>, vector<16xf32>,
        tpu.vector_store %arg19[%swap3A_336, %swap3A_337], %mul3A_334 {strides = array<i32>} : memref<4x128xf32, #tpu.memory_space<vmem>>, vector<16xf32>,
        %get3A_339 = arith.constant 48 : index
        %get3A_340 = tpu.vector_load %arg22[%get3A_339] {strides = array<i32>} : memref<128xf32, #tpu.memory_space<vmem>>, vector<16xf32>,
        %mul3A_341 = arith.mulf %broadcast_in_dim3A_277, %get3A_340 : vector<16xf32>
        %sub3A_342 = arith.subf %scan3A_298#3, %mul3A_341 : vector<16xf32>
        %mul3A_343 = arith.mulf %sub3A_342, %div3A_311 : vector<16xf32>
        %swap3A_344 = arith.constant 1 : i32
        %swap3A_345 = arith.index_cast %swap3A_344 : i32 to index
        %swap3A_346 = arith.constant 48 : index
        %swap3A_347 = tpu.vector_load %arg19[%swap3A_345, %swap3A_346] {strides = array<i32>} : memref<4x128xf32, #tpu.memory_space<vmem>>, vector<16xf32>,
        tpu.vector_store %arg19[%swap3A_345, %swap3A_346], %mul3A_343 {strides = array<i32>} : memref<4x128xf32, #tpu.memory_space<vmem>>, vector<16xf32>,
        %get3A_348 = arith.constant 64 : index
        %get3A_349 = tpu.vector_load %arg22[%get3A_348] {strides = array<i32>} : memref<128xf32, #tpu.memory_space<vmem>>, vector<16xf32>,
        %mul3A_350 = arith.mulf %broadcast_in_dim3A_277, %get3A_349 : vector<16xf32>
        %sub3A_351 = arith.subf %scan3A_298#4, %mul3A_350 : vector<16xf32>
        %mul3A_352 = arith.mulf %sub3A_351, %div3A_311 : vector<16xf32>
        %swap3A_353 = arith.constant 1 : i32
        %swap3A_354 = arith.index_cast %swap3A_353 : i32 to index
        %swap3A_355 = arith.constant 64 : index
        %swap3A_356 = tpu.vector_load %arg19[%swap3A_354, %swap3A_355] {strides = array<i32>} : memref<4x128xf32, #tpu.memory_space<vmem>>, vector<16xf32>,
        tpu.vector_store %arg19[%swap3A_354, %swap3A_355], %mul3A_352 {strides = array<i32>} : memref<4x128xf32, #tpu.memory_space<vmem>>, vector<16xf32>,
        %get3A_357 = arith.constant 80 : index
        %get3A_358 = tpu.vector_load %arg22[%get3A_357] {strides = array<i32>} : memref<128xf32, #tpu.memory_space<vmem>>, vector<16xf32>,
        %mul3A_359 = arith.mulf %broadcast_in_dim3A_277, %get3A_358 : vector<16xf32>
        %sub3A_360 = arith.subf %scan3A_298#5, %mul3A_359 : vector<16xf32>
        %mul3A_361 = arith.mulf %sub3A_360, %div3A_311 : vector<16xf32>
        %swap3A_362 = arith.constant 1 : i32
        %swap3A_363 = arith.index_cast %swap3A_362 : i32 to index
        %swap3A_364 = arith.constant 80 : index
        %swap3A_365 = tpu.vector_load %arg19[%swap3A_363, %swap3A_364] {strides = array<i32>} : memref<4x128xf32, #tpu.memory_space<vmem>>, vector<16xf32>,
        tpu.vector_store %arg19[%swap3A_363, %swap3A_364], %mul3A_361 {strides = array<i32>} : memref<4x128xf32, #tpu.memory_space<vmem>>, vector<16xf32>,
        %get3A_366 = arith.constant 96 : index
        %get3A_367 = tpu.vector_load %arg22[%get3A_366] {strides = array<i32>} : memref<128xf32, #tpu.memory_space<vmem>>, vector<16xf32>,
        %mul3A_368 = arith.mulf %broadcast_in_dim3A_277, %get3A_367 : vector<16xf32>
        %sub3A_369 = arith.subf %scan3A_298#6, %mul3A_368 : vector<16xf32>
        %mul3A_370 = arith.mulf %sub3A_369, %div3A_311 : vector<16xf32>
        %swap3A_371 = arith.constant 1 : i32
        %swap3A_372 = arith.index_cast %swap3A_371 : i32 to index
        %swap3A_373 = arith.constant 96 : index
        %swap3A_374 = tpu.vector_load %arg19[%swap3A_372, %swap3A_373] {strides = array<i32>} : memref<4x128xf32, #tpu.memory_space<vmem>>, vector<16xf32>,
        tpu.vector_store %arg19[%swap3A_372, %swap3A_373], %mul3A_370 {strides = array<i32>} : memref<4x128xf32, #tpu.memory_space<vmem>>, vector<16xf32>,
        %get3A_375 = arith.constant 112 : index
        %get3A_376 = tpu.vector_load %arg22[%get3A_375] {strides = array<i32>} : memref<128xf32, #tpu.memory_space<vmem>>, vector<16xf32>,
        %mul3A_377 = arith.mulf %broadcast_in_dim3A_277, %get3A_376 : vector<16xf32>
        %sub3A_378 = arith.subf %scan3A_298#7, %mul3A_377 : vector<16xf32>
        %mul3A_379 = arith.mulf %sub3A_378, %div3A_311 : vector<16xf32>
        %swap3A_380 = arith.constant 1 : i32
        %swap3A_381 = arith.index_cast %swap3A_380 : i32 to index
        %swap3A_382 = arith.constant 112 : index
        %swap3A_383 = tpu.vector_load %arg19[%swap3A_381, %swap3A_382] {strides = array<i32>} : memref<4x128xf32, #tpu.memory_space<vmem>>, vector<16xf32>,
        tpu.vector_store %arg19[%swap3A_381, %swap3A_382], %mul3A_379 {strides = array<i32>} : memref<4x128xf32, #tpu.memory_space<vmem>>, vector<16xf32>,
        %mul3A_384 = arith.constant 128 : i32
        %mul3A_385 = arith.muli %add3A_86, %mul3A_384 : i32
        %add3A_386 = arith.addi %mul3A_10, %mul3A_385 : i32
        %add3A_387 = arith.constant 64 : i32
        %add3A_388 = arith.addi %add3A_386, %add3A_387 : i32
        %get3A_389 = arith.index_cast %add3A_388 : i32 to index
        %get3A_390 = tpu.vector_load %arg5[%get3A_389] {strides = array<i32>} : memref<10112xi32, #tpu.memory_space<vmem>>, vector<16xi32>,
        %mul3A_391 = arith.constant 128 : i32
        %mul3A_392 = arith.muli %add3A_86, %mul3A_391 : i32
        %add3A_393 = arith.addi %mul3A_10, %mul3A_392 : i32
        %add3A_394 = arith.constant 64 : i32
        %add3A_395 = arith.addi %add3A_393, %add3A_394 : i32
        %add3A_396 = arith.constant 16 : i32
        %add3A_397 = arith.addi %add3A_395, %add3A_396 : i32
        %get3A_398 = arith.index_cast %add3A_397 : i32 to index
        %get3A_399 = tpu.vector_load %arg5[%get3A_398] {strides = array<i32>} : memref<10112xi32, #tpu.memory_space<vmem>>, vector<16xi32>,
        %eq3A_400 = arith.constant 0 : i32
        %eq3A_401 = vector.broadcast %eq3A_400 : i32 to vector<16xi32>
        %eq3A_402 = arith.cmpi eq, %get3A_390, %eq3A_401 : vector<16xi32>
        %jit3A_403 = arith.constant 1.000000e+00 : f32
        %jit3A_404 = arith.constant 0.000000e+00 : f32
        %broadcast_in_dim3A_405 = vector.broadcast %jit3A_403 : f32 to vector<16xf32>
        %broadcast_in_dim3A_406 = vector.broadcast %jit3A_404 : f32 to vector<16xf32>
        %select_n3A_407 = arith.select %eq3A_402, %broadcast_in_dim3A_405, %broadcast_in_dim3A_406 : vector<16xi1>, vector<16xf32>
        %eq3A_408 = arith.constant 0 : i32
        %eq3A_409 = vector.broadcast %eq3A_408 : i32 to vector<16xi32>
        %eq3A_410 = arith.cmpi eq, %get3A_399, %eq3A_409 : vector<16xi32>
        %jit3A_411 = arith.constant 1.000000e+00 : f32
        %jit3A_412 = arith.constant 0.000000e+00 : f32
        %broadcast_in_dim3A_413 = vector.broadcast %jit3A_411 : f32 to vector<16xf32>
        %broadcast_in_dim3A_414 = vector.broadcast %jit3A_412 : f32 to vector<16xf32>
        %select_n3A_415 = arith.select %eq3A_410, %broadcast_in_dim3A_413, %broadcast_in_dim3A_414 : vector<16xi1>, vector<16xf32>
        %add3A_416 = arith.addf %select_n3A_407, %select_n3A_415 : vector<16xf32>
        %reduce_sum3A_417 = arith.constant true
        %reduce_sum3A_418 = vector.broadcast %reduce_sum3A_417 : i1 to vector<16xi1>
        %reduce_sum3A_419 = tpu.scan <sum>, %add3A_416 masked %reduce_sum3A_418 : vector<16xf32>, vector<16xi1> -> vector<16xf32>
        %reduce_sum3A_420 = vector.extract %reduce_sum3A_419[15] : f32 from vector<16xf32>
        %broadcast_in_dim3A_421 = vector.broadcast %reduce_sum3A_420 : f32 to vector<16xf32>
        %broadcast_in_dim3A_422 = arith.constant 0.000000e+00 : f32
        %broadcast_in_dim3A_423 = vector.broadcast %broadcast_in_dim3A_422 : f32 to vector<16xf32>
        %broadcast_in_dim3A_424 = arith.constant 0.000000e+00 : f32
        %broadcast_in_dim3A_425 = vector.broadcast %broadcast_in_dim3A_424 : f32 to vector<16xf32>
        %broadcast_in_dim3A_426 = arith.constant 0.000000e+00 : f32
        %broadcast_in_dim3A_427 = vector.broadcast %broadcast_in_dim3A_426 : f32 to vector<16xf32>
        %broadcast_in_dim3A_428 = arith.constant 0.000000e+00 : f32
        %broadcast_in_dim3A_429 = vector.broadcast %broadcast_in_dim3A_428 : f32 to vector<16xf32>
        %broadcast_in_dim3A_430 = arith.constant 0.000000e+00 : f32
        %broadcast_in_dim3A_431 = vector.broadcast %broadcast_in_dim3A_430 : f32 to vector<16xf32>
        %broadcast_in_dim3A_432 = arith.constant 0.000000e+00 : f32
        %broadcast_in_dim3A_433 = vector.broadcast %broadcast_in_dim3A_432 : f32 to vector<16xf32>
        %broadcast_in_dim3A_434 = arith.constant 0.000000e+00 : f32
        %broadcast_in_dim3A_435 = vector.broadcast %broadcast_in_dim3A_434 : f32 to vector<16xf32>
        %broadcast_in_dim3A_436 = arith.constant 0.000000e+00 : f32
        %broadcast_in_dim3A_437 = vector.broadcast %broadcast_in_dim3A_436 : f32 to vector<16xf32>
        %scan3A_438 = arith.constant 0 : i32
        %scan3A_439 = arith.constant 32 : i32
        %scan3A_440 = arith.addi %scan3A_438, %scan3A_439 : i32
        %scan3A_441 = arith.constant 1 : i32
        %scan3A_442:8 = scf.for %scan3A_684 = %scan3A_438 to %scan3A_440 step %scan3A_441 iter_args(%scan3A_685 = %broadcast_in_dim3A_423, %scan3A_686 = %broadcast_in_dim3A_425, %scan3A_687 = %broadcast_in_dim3A_427, %scan3A_688 = %broadcast_in_dim3A_429, %scan3A_689 = %broadcast_in_dim3A_431, %scan3A_690 = %broadcast_in_dim3A_433, %scan3A_691 = %broadcast_in_dim3A_435, %scan3A_692 = %broadcast_in_dim3A_437) -> (vector<16xf32>, vector<16xf32>, vector<16xf32>, vector<16xf32>, vector<16xf32>, vector<16xf32>, vector<16xf32>, vector<16xf32>)  : i32 {
          %add3A_693 = arith.constant 64 : i32
          %add3A_694 = arith.addi %add3A_693, %scan3A_684 : i32
          %get3A_695 = arith.index_cast %add3A_694 : i32 to index
          %get3A_696 = arith.constant 0 : index
          %get3A_697 = tpu.vector_load %arg18[%get3A_695, %get3A_696] {strides = array<i32>} : memref<128x128xf32, #tpu.memory_space<vmem>>, vector<16xf32>,
          %add3A_698 = arith.addf %scan3A_685, %get3A_697 : vector<16xf32>
          %get3A_699 = arith.index_cast %add3A_694 : i32 to index
          %get3A_700 = arith.constant 16 : index
          %get3A_701 = tpu.vector_load %arg18[%get3A_699, %get3A_700] {strides = array<i32>} : memref<128x128xf32, #tpu.memory_space<vmem>>, vector<16xf32>,
          %add3A_702 = arith.addf %scan3A_686, %get3A_701 : vector<16xf32>
          %get3A_703 = arith.index_cast %add3A_694 : i32 to index
          %get3A_704 = arith.constant 32 : index
          %get3A_705 = tpu.vector_load %arg18[%get3A_703, %get3A_704] {strides = array<i32>} : memref<128x128xf32, #tpu.memory_space<vmem>>, vector<16xf32>,
          %add3A_706 = arith.addf %scan3A_687, %get3A_705 : vector<16xf32>
          %get3A_707 = arith.index_cast %add3A_694 : i32 to index
          %get3A_708 = arith.constant 48 : index
          %get3A_709 = tpu.vector_load %arg18[%get3A_707, %get3A_708] {strides = array<i32>} : memref<128x128xf32, #tpu.memory_space<vmem>>, vector<16xf32>,
          %add3A_710 = arith.addf %scan3A_688, %get3A_709 : vector<16xf32>
          %get3A_711 = arith.index_cast %add3A_694 : i32 to index
          %get3A_712 = arith.constant 64 : index
          %get3A_713 = tpu.vector_load %arg18[%get3A_711, %get3A_712] {strides = array<i32>} : memref<128x128xf32, #tpu.memory_space<vmem>>, vector<16xf32>,
          %add3A_714 = arith.addf %scan3A_689, %get3A_713 : vector<16xf32>
          %get3A_715 = arith.index_cast %add3A_694 : i32 to index
          %get3A_716 = arith.constant 80 : index
          %get3A_717 = tpu.vector_load %arg18[%get3A_715, %get3A_716] {strides = array<i32>} : memref<128x128xf32, #tpu.memory_space<vmem>>, vector<16xf32>,
          %add3A_718 = arith.addf %scan3A_690, %get3A_717 : vector<16xf32>
          %get3A_719 = arith.index_cast %add3A_694 : i32 to index
          %get3A_720 = arith.constant 96 : index
          %get3A_721 = tpu.vector_load %arg18[%get3A_719, %get3A_720] {strides = array<i32>} : memref<128x128xf32, #tpu.memory_space<vmem>>, vector<16xf32>,
          %add3A_722 = arith.addf %scan3A_691, %get3A_721 : vector<16xf32>
          %get3A_723 = arith.index_cast %add3A_694 : i32 to index
          %get3A_724 = arith.constant 112 : index
          %get3A_725 = tpu.vector_load %arg18[%get3A_723, %get3A_724] {strides = array<i32>} : memref<128x128xf32, #tpu.memory_space<vmem>>, vector<16xf32>,
          %add3A_726 = arith.addf %scan3A_692, %get3A_725 : vector<16xf32>
          scf.yield %add3A_698, %add3A_702, %add3A_706, %add3A_710, %add3A_714, %add3A_718, %add3A_722, %add3A_726 : vector<16xf32>, vector<16xf32>, vector<16xf32>, vector<16xf32>, vector<16xf32>, vector<16xf32>, vector<16xf32>, vector<16xf32>
        }
        %scan3A_443 = arith.constant 32 : i32
        %sub3A_444 = arith.constant 3.200000e+01 : f32
        %sub3A_445 = vector.broadcast %sub3A_444 : f32 to vector<16xf32>
        %sub3A_446 = arith.subf %sub3A_445, %broadcast_in_dim3A_421 : vector<16xf32>
        %eq3A_447 = arith.constant 0.000000e+00 : f32
        %eq3A_448 = vector.broadcast %eq3A_447 : f32 to vector<16xf32>
        %eq3A_449 = arith.cmpf oeq, %sub3A_446, %eq3A_448 : vector<16xf32>
        %jit3A_450 = arith.constant 1.000000e+00 : f32
        %broadcast_in_dim3A_451 = vector.broadcast %jit3A_450 : f32 to vector<16xf32>
        %select_n3A_452 = arith.select %eq3A_449, %broadcast_in_dim3A_451, %sub3A_446 : vector<16xi1>, vector<16xf32>
        %div3A_453 = arith.constant 1.000000e+00 : f32
        %div3A_454 = vector.broadcast %div3A_453 : f32 to vector<16xf32>
        %div3A_455 = arith.divf %div3A_454, %select_n3A_452 : vector<16xf32>
        %get3A_456 = arith.constant 0 : index
        %get3A_457 = tpu.vector_load %arg22[%get3A_456] {strides = array<i32>} : memref<128xf32, #tpu.memory_space<vmem>>, vector<16xf32>,
        %mul3A_458 = arith.mulf %broadcast_in_dim3A_421, %get3A_457 : vector<16xf32>
        %sub3A_459 = arith.subf %scan3A_442#0, %mul3A_458 : vector<16xf32>
        %mul3A_460 = arith.mulf %sub3A_459, %div3A_455 : vector<16xf32>
        %swap3A_461 = arith.constant 2 : i32
        %swap3A_462 = arith.index_cast %swap3A_461 : i32 to index
        %swap3A_463 = arith.constant 0 : index
        %swap3A_464 = tpu.vector_load %arg19[%swap3A_462, %swap3A_463] {strides = array<i32>} : memref<4x128xf32, #tpu.memory_space<vmem>>, vector<16xf32>,
        tpu.vector_store %arg19[%swap3A_462, %swap3A_463], %mul3A_460 {strides = array<i32>} : memref<4x128xf32, #tpu.memory_space<vmem>>, vector<16xf32>,
        %get3A_465 = arith.constant 16 : index
        %get3A_466 = tpu.vector_load %arg22[%get3A_465] {strides = array<i32>} : memref<128xf32, #tpu.memory_space<vmem>>, vector<16xf32>,
        %mul3A_467 = arith.mulf %broadcast_in_dim3A_421, %get3A_466 : vector<16xf32>
        %sub3A_468 = arith.subf %scan3A_442#1, %mul3A_467 : vector<16xf32>
        %mul3A_469 = arith.mulf %sub3A_468, %div3A_455 : vector<16xf32>
        %swap3A_470 = arith.constant 2 : i32
        %swap3A_471 = arith.index_cast %swap3A_470 : i32 to index
        %swap3A_472 = arith.constant 16 : index
        %swap3A_473 = tpu.vector_load %arg19[%swap3A_471, %swap3A_472] {strides = array<i32>} : memref<4x128xf32, #tpu.memory_space<vmem>>, vector<16xf32>,
        tpu.vector_store %arg19[%swap3A_471, %swap3A_472], %mul3A_469 {strides = array<i32>} : memref<4x128xf32, #tpu.memory_space<vmem>>, vector<16xf32>,
        %get3A_474 = arith.constant 32 : index
        %get3A_475 = tpu.vector_load %arg22[%get3A_474] {strides = array<i32>} : memref<128xf32, #tpu.memory_space<vmem>>, vector<16xf32>,
        %mul3A_476 = arith.mulf %broadcast_in_dim3A_421, %get3A_475 : vector<16xf32>
        %sub3A_477 = arith.subf %scan3A_442#2, %mul3A_476 : vector<16xf32>
        %mul3A_478 = arith.mulf %sub3A_477, %div3A_455 : vector<16xf32>
        %swap3A_479 = arith.constant 2 : i32
        %swap3A_480 = arith.index_cast %swap3A_479 : i32 to index
        %swap3A_481 = arith.constant 32 : index
        %swap3A_482 = tpu.vector_load %arg19[%swap3A_480, %swap3A_481] {strides = array<i32>} : memref<4x128xf32, #tpu.memory_space<vmem>>, vector<16xf32>,
        tpu.vector_store %arg19[%swap3A_480, %swap3A_481], %mul3A_478 {strides = array<i32>} : memref<4x128xf32, #tpu.memory_space<vmem>>, vector<16xf32>,
        %get3A_483 = arith.constant 48 : index
        %get3A_484 = tpu.vector_load %arg22[%get3A_483] {strides = array<i32>} : memref<128xf32, #tpu.memory_space<vmem>>, vector<16xf32>,
        %mul3A_485 = arith.mulf %broadcast_in_dim3A_421, %get3A_484 : vector<16xf32>
        %sub3A_486 = arith.subf %scan3A_442#3, %mul3A_485 : vector<16xf32>
        %mul3A_487 = arith.mulf %sub3A_486, %div3A_455 : vector<16xf32>
        %swap3A_488 = arith.constant 2 : i32
        %swap3A_489 = arith.index_cast %swap3A_488 : i32 to index
        %swap3A_490 = arith.constant 48 : index
        %swap3A_491 = tpu.vector_load %arg19[%swap3A_489, %swap3A_490] {strides = array<i32>} : memref<4x128xf32, #tpu.memory_space<vmem>>, vector<16xf32>,
        tpu.vector_store %arg19[%swap3A_489, %swap3A_490], %mul3A_487 {strides = array<i32>} : memref<4x128xf32, #tpu.memory_space<vmem>>, vector<16xf32>,
        %get3A_492 = arith.constant 64 : index
        %get3A_493 = tpu.vector_load %arg22[%get3A_492] {strides = array<i32>} : memref<128xf32, #tpu.memory_space<vmem>>, vector<16xf32>,
        %mul3A_494 = arith.mulf %broadcast_in_dim3A_421, %get3A_493 : vector<16xf32>
        %sub3A_495 = arith.subf %scan3A_442#4, %mul3A_494 : vector<16xf32>
        %mul3A_496 = arith.mulf %sub3A_495, %div3A_455 : vector<16xf32>
        %swap3A_497 = arith.constant 2 : i32
        %swap3A_498 = arith.index_cast %swap3A_497 : i32 to index
        %swap3A_499 = arith.constant 64 : index
        %swap3A_500 = tpu.vector_load %arg19[%swap3A_498, %swap3A_499] {strides = array<i32>} : memref<4x128xf32, #tpu.memory_space<vmem>>, vector<16xf32>,
        tpu.vector_store %arg19[%swap3A_498, %swap3A_499], %mul3A_496 {strides = array<i32>} : memref<4x128xf32, #tpu.memory_space<vmem>>, vector<16xf32>,
        %get3A_501 = arith.constant 80 : index
        %get3A_502 = tpu.vector_load %arg22[%get3A_501] {strides = array<i32>} : memref<128xf32, #tpu.memory_space<vmem>>, vector<16xf32>,
        %mul3A_503 = arith.mulf %broadcast_in_dim3A_421, %get3A_502 : vector<16xf32>
        %sub3A_504 = arith.subf %scan3A_442#5, %mul3A_503 : vector<16xf32>
        %mul3A_505 = arith.mulf %sub3A_504, %div3A_455 : vector<16xf32>
        %swap3A_506 = arith.constant 2 : i32
        %swap3A_507 = arith.index_cast %swap3A_506 : i32 to index
        %swap3A_508 = arith.constant 80 : index
        %swap3A_509 = tpu.vector_load %arg19[%swap3A_507, %swap3A_508] {strides = array<i32>} : memref<4x128xf32, #tpu.memory_space<vmem>>, vector<16xf32>,
        tpu.vector_store %arg19[%swap3A_507, %swap3A_508], %mul3A_505 {strides = array<i32>} : memref<4x128xf32, #tpu.memory_space<vmem>>, vector<16xf32>,
        %get3A_510 = arith.constant 96 : index
        %get3A_511 = tpu.vector_load %arg22[%get3A_510] {strides = array<i32>} : memref<128xf32, #tpu.memory_space<vmem>>, vector<16xf32>,
        %mul3A_512 = arith.mulf %broadcast_in_dim3A_421, %get3A_511 : vector<16xf32>
        %sub3A_513 = arith.subf %scan3A_442#6, %mul3A_512 : vector<16xf32>
        %mul3A_514 = arith.mulf %sub3A_513, %div3A_455 : vector<16xf32>
        %swap3A_515 = arith.constant 2 : i32
        %swap3A_516 = arith.index_cast %swap3A_515 : i32 to index
        %swap3A_517 = arith.constant 96 : index
        %swap3A_518 = tpu.vector_load %arg19[%swap3A_516, %swap3A_517] {strides = array<i32>} : memref<4x128xf32, #tpu.memory_space<vmem>>, vector<16xf32>,
        tpu.vector_store %arg19[%swap3A_516, %swap3A_517], %mul3A_514 {strides = array<i32>} : memref<4x128xf32, #tpu.memory_space<vmem>>, vector<16xf32>,
        %get3A_519 = arith.constant 112 : index
        %get3A_520 = tpu.vector_load %arg22[%get3A_519] {strides = array<i32>} : memref<128xf32, #tpu.memory_space<vmem>>, vector<16xf32>,
        %mul3A_521 = arith.mulf %broadcast_in_dim3A_421, %get3A_520 : vector<16xf32>
        %sub3A_522 = arith.subf %scan3A_442#7, %mul3A_521 : vector<16xf32>
        %mul3A_523 = arith.mulf %sub3A_522, %div3A_455 : vector<16xf32>
        %swap3A_524 = arith.constant 2 : i32
        %swap3A_525 = arith.index_cast %swap3A_524 : i32 to index
        %swap3A_526 = arith.constant 112 : index
        %swap3A_527 = tpu.vector_load %arg19[%swap3A_525, %swap3A_526] {strides = array<i32>} : memref<4x128xf32, #tpu.memory_space<vmem>>, vector<16xf32>,
        tpu.vector_store %arg19[%swap3A_525, %swap3A_526], %mul3A_523 {strides = array<i32>} : memref<4x128xf32, #tpu.memory_space<vmem>>, vector<16xf32>,
        %mul3A_528 = arith.constant 128 : i32
        %mul3A_529 = arith.muli %add3A_86, %mul3A_528 : i32
        %add3A_530 = arith.addi %mul3A_10, %mul3A_529 : i32
        %add3A_531 = arith.constant 96 : i32
        %add3A_532 = arith.addi %add3A_530, %add3A_531 : i32
        %get3A_533 = arith.index_cast %add3A_532 : i32 to index
        %get3A_534 = tpu.vector_load %arg5[%get3A_533] {strides = array<i32>} : memref<10112xi32, #tpu.memory_space<vmem>>, vector<16xi32>,
        %mul3A_535 = arith.constant 128 : i32
        %mul3A_536 = arith.muli %add3A_86, %mul3A_535 : i32
        %add3A_537 = arith.addi %mul3A_10, %mul3A_536 : i32
        %add3A_538 = arith.constant 96 : i32
        %add3A_539 = arith.addi %add3A_537, %add3A_538 : i32
        %add3A_540 = arith.constant 16 : i32
        %add3A_541 = arith.addi %add3A_539, %add3A_540 : i32
        %get3A_542 = arith.index_cast %add3A_541 : i32 to index
        %get3A_543 = tpu.vector_load %arg5[%get3A_542] {strides = array<i32>} : memref<10112xi32, #tpu.memory_space<vmem>>, vector<16xi32>,
        %eq3A_544 = arith.constant 0 : i32
        %eq3A_545 = vector.broadcast %eq3A_544 : i32 to vector<16xi32>
        %eq3A_546 = arith.cmpi eq, %get3A_534, %eq3A_545 : vector<16xi32>
        %jit3A_547 = arith.constant 1.000000e+00 : f32
        %jit3A_548 = arith.constant 0.000000e+00 : f32
        %broadcast_in_dim3A_549 = vector.broadcast %jit3A_547 : f32 to vector<16xf32>
        %broadcast_in_dim3A_550 = vector.broadcast %jit3A_548 : f32 to vector<16xf32>
        %select_n3A_551 = arith.select %eq3A_546, %broadcast_in_dim3A_549, %broadcast_in_dim3A_550 : vector<16xi1>, vector<16xf32>
        %eq3A_552 = arith.constant 0 : i32
        %eq3A_553 = vector.broadcast %eq3A_552 : i32 to vector<16xi32>
        %eq3A_554 = arith.cmpi eq, %get3A_543, %eq3A_553 : vector<16xi32>
        %jit3A_555 = arith.constant 1.000000e+00 : f32
        %jit3A_556 = arith.constant 0.000000e+00 : f32
        %broadcast_in_dim3A_557 = vector.broadcast %jit3A_555 : f32 to vector<16xf32>
        %broadcast_in_dim3A_558 = vector.broadcast %jit3A_556 : f32 to vector<16xf32>
        %select_n3A_559 = arith.select %eq3A_554, %broadcast_in_dim3A_557, %broadcast_in_dim3A_558 : vector<16xi1>, vector<16xf32>
        %add3A_560 = arith.addf %select_n3A_551, %select_n3A_559 : vector<16xf32>
        %reduce_sum3A_561 = arith.constant true
        %reduce_sum3A_562 = vector.broadcast %reduce_sum3A_561 : i1 to vector<16xi1>
        %reduce_sum3A_563 = tpu.scan <sum>, %add3A_560 masked %reduce_sum3A_562 : vector<16xf32>, vector<16xi1> -> vector<16xf32>
        %reduce_sum3A_564 = vector.extract %reduce_sum3A_563[15] : f32 from vector<16xf32>
        %broadcast_in_dim3A_565 = vector.broadcast %reduce_sum3A_564 : f32 to vector<16xf32>
        %broadcast_in_dim3A_566 = arith.constant 0.000000e+00 : f32
        %broadcast_in_dim3A_567 = vector.broadcast %broadcast_in_dim3A_566 : f32 to vector<16xf32>
        %broadcast_in_dim3A_568 = arith.constant 0.000000e+00 : f32
        %broadcast_in_dim3A_569 = vector.broadcast %broadcast_in_dim3A_568 : f32 to vector<16xf32>
        %broadcast_in_dim3A_570 = arith.constant 0.000000e+00 : f32
        %broadcast_in_dim3A_571 = vector.broadcast %broadcast_in_dim3A_570 : f32 to vector<16xf32>
        %broadcast_in_dim3A_572 = arith.constant 0.000000e+00 : f32
        %broadcast_in_dim3A_573 = vector.broadcast %broadcast_in_dim3A_572 : f32 to vector<16xf32>
        %broadcast_in_dim3A_574 = arith.constant 0.000000e+00 : f32
        %broadcast_in_dim3A_575 = vector.broadcast %broadcast_in_dim3A_574 : f32 to vector<16xf32>
        %broadcast_in_dim3A_576 = arith.constant 0.000000e+00 : f32
        %broadcast_in_dim3A_577 = vector.broadcast %broadcast_in_dim3A_576 : f32 to vector<16xf32>
        %broadcast_in_dim3A_578 = arith.constant 0.000000e+00 : f32
        %broadcast_in_dim3A_579 = vector.broadcast %broadcast_in_dim3A_578 : f32 to vector<16xf32>
        %broadcast_in_dim3A_580 = arith.constant 0.000000e+00 : f32
        %broadcast_in_dim3A_581 = vector.broadcast %broadcast_in_dim3A_580 : f32 to vector<16xf32>
        %scan3A_582 = arith.constant 0 : i32
        %scan3A_583 = arith.constant 32 : i32
        %scan3A_584 = arith.addi %scan3A_582, %scan3A_583 : i32
        %scan3A_585 = arith.constant 1 : i32
        %scan3A_586:8 = scf.for %scan3A_684 = %scan3A_582 to %scan3A_584 step %scan3A_585 iter_args(%scan3A_685 = %broadcast_in_dim3A_567, %scan3A_686 = %broadcast_in_dim3A_569, %scan3A_687 = %broadcast_in_dim3A_571, %scan3A_688 = %broadcast_in_dim3A_573, %scan3A_689 = %broadcast_in_dim3A_575, %scan3A_690 = %broadcast_in_dim3A_577, %scan3A_691 = %broadcast_in_dim3A_579, %scan3A_692 = %broadcast_in_dim3A_581) -> (vector<16xf32>, vector<16xf32>, vector<16xf32>, vector<16xf32>, vector<16xf32>, vector<16xf32>, vector<16xf32>, vector<16xf32>)  : i32 {
          %add3A_693 = arith.constant 96 : i32
          %add3A_694 = arith.addi %add3A_693, %scan3A_684 : i32
          %get3A_695 = arith.index_cast %add3A_694 : i32 to index
          %get3A_696 = arith.constant 0 : index
          %get3A_697 = tpu.vector_load %arg18[%get3A_695, %get3A_696] {strides = array<i32>} : memref<128x128xf32, #tpu.memory_space<vmem>>, vector<16xf32>,
          %add3A_698 = arith.addf %scan3A_685, %get3A_697 : vector<16xf32>
          %get3A_699 = arith.index_cast %add3A_694 : i32 to index
          %get3A_700 = arith.constant 16 : index
          %get3A_701 = tpu.vector_load %arg18[%get3A_699, %get3A_700] {strides = array<i32>} : memref<128x128xf32, #tpu.memory_space<vmem>>, vector<16xf32>,
          %add3A_702 = arith.addf %scan3A_686, %get3A_701 : vector<16xf32>
          %get3A_703 = arith.index_cast %add3A_694 : i32 to index
          %get3A_704 = arith.constant 32 : index
          %get3A_705 = tpu.vector_load %arg18[%get3A_703, %get3A_704] {strides = array<i32>} : memref<128x128xf32, #tpu.memory_space<vmem>>, vector<16xf32>,
          %add3A_706 = arith.addf %scan3A_687, %get3A_705 : vector<16xf32>
          %get3A_707 = arith.index_cast %add3A_694 : i32 to index
          %get3A_708 = arith.constant 48 : index
          %get3A_709 = tpu.vector_load %arg18[%get3A_707, %get3A_708] {strides = array<i32>} : memref<128x128xf32, #tpu.memory_space<vmem>>, vector<16xf32>,
          %add3A_710 = arith.addf %scan3A_688, %get3A_709 : vector<16xf32>
          %get3A_711 = arith.index_cast %add3A_694 : i32 to index
          %get3A_712 = arith.constant 64 : index
          %get3A_713 = tpu.vector_load %arg18[%get3A_711, %get3A_712] {strides = array<i32>} : memref<128x128xf32, #tpu.memory_space<vmem>>, vector<16xf32>,
          %add3A_714 = arith.addf %scan3A_689, %get3A_713 : vector<16xf32>
          %get3A_715 = arith.index_cast %add3A_694 : i32 to index
          %get3A_716 = arith.constant 80 : index
          %get3A_717 = tpu.vector_load %arg18[%get3A_715, %get3A_716] {strides = array<i32>} : memref<128x128xf32, #tpu.memory_space<vmem>>, vector<16xf32>,
          %add3A_718 = arith.addf %scan3A_690, %get3A_717 : vector<16xf32>
          %get3A_719 = arith.index_cast %add3A_694 : i32 to index
          %get3A_720 = arith.constant 96 : index
          %get3A_721 = tpu.vector_load %arg18[%get3A_719, %get3A_720] {strides = array<i32>} : memref<128x128xf32, #tpu.memory_space<vmem>>, vector<16xf32>,
          %add3A_722 = arith.addf %scan3A_691, %get3A_721 : vector<16xf32>
          %get3A_723 = arith.index_cast %add3A_694 : i32 to index
          %get3A_724 = arith.constant 112 : index
          %get3A_725 = tpu.vector_load %arg18[%get3A_723, %get3A_724] {strides = array<i32>} : memref<128x128xf32, #tpu.memory_space<vmem>>, vector<16xf32>,
          %add3A_726 = arith.addf %scan3A_692, %get3A_725 : vector<16xf32>
          scf.yield %add3A_698, %add3A_702, %add3A_706, %add3A_710, %add3A_714, %add3A_718, %add3A_722, %add3A_726 : vector<16xf32>, vector<16xf32>, vector<16xf32>, vector<16xf32>, vector<16xf32>, vector<16xf32>, vector<16xf32>, vector<16xf32>
        }
        %scan3A_587 = arith.constant 32 : i32
        %sub3A_588 = arith.constant 3.200000e+01 : f32
        %sub3A_589 = vector.broadcast %sub3A_588 : f32 to vector<16xf32>
        %sub3A_590 = arith.subf %sub3A_589, %broadcast_in_dim3A_565 : vector<16xf32>
        %eq3A_591 = arith.constant 0.000000e+00 : f32
        %eq3A_592 = vector.broadcast %eq3A_591 : f32 to vector<16xf32>
        %eq3A_593 = arith.cmpf oeq, %sub3A_590, %eq3A_592 : vector<16xf32>
        %jit3A_594 = arith.constant 1.000000e+00 : f32
        %broadcast_in_dim3A_595 = vector.broadcast %jit3A_594 : f32 to vector<16xf32>
        %select_n3A_596 = arith.select %eq3A_593, %broadcast_in_dim3A_595, %sub3A_590 : vector<16xi1>, vector<16xf32>
        %div3A_597 = arith.constant 1.000000e+00 : f32
        %div3A_598 = vector.broadcast %div3A_597 : f32 to vector<16xf32>
        %div3A_599 = arith.divf %div3A_598, %select_n3A_596 : vector<16xf32>
        %get3A_600 = arith.constant 0 : index
        %get3A_601 = tpu.vector_load %arg22[%get3A_600] {strides = array<i32>} : memref<128xf32, #tpu.memory_space<vmem>>, vector<16xf32>,
        %mul3A_602 = arith.mulf %broadcast_in_dim3A_565, %get3A_601 : vector<16xf32>
        %sub3A_603 = arith.subf %scan3A_586#0, %mul3A_602 : vector<16xf32>
        %mul3A_604 = arith.mulf %sub3A_603, %div3A_599 : vector<16xf32>
        %swap3A_605 = arith.constant 3 : i32
        %swap3A_606 = arith.index_cast %swap3A_605 : i32 to index
        %swap3A_607 = arith.constant 0 : index
        %swap3A_608 = tpu.vector_load %arg19[%swap3A_606, %swap3A_607] {strides = array<i32>} : memref<4x128xf32, #tpu.memory_space<vmem>>, vector<16xf32>,
        tpu.vector_store %arg19[%swap3A_606, %swap3A_607], %mul3A_604 {strides = array<i32>} : memref<4x128xf32, #tpu.memory_space<vmem>>, vector<16xf32>,
        %get3A_609 = arith.constant 16 : index
        %get3A_610 = tpu.vector_load %arg22[%get3A_609] {strides = array<i32>} : memref<128xf32, #tpu.memory_space<vmem>>, vector<16xf32>,
        %mul3A_611 = arith.mulf %broadcast_in_dim3A_565, %get3A_610 : vector<16xf32>
        %sub3A_612 = arith.subf %scan3A_586#1, %mul3A_611 : vector<16xf32>
        %mul3A_613 = arith.mulf %sub3A_612, %div3A_599 : vector<16xf32>
        %swap3A_614 = arith.constant 3 : i32
        %swap3A_615 = arith.index_cast %swap3A_614 : i32 to index
        %swap3A_616 = arith.constant 16 : index
        %swap3A_617 = tpu.vector_load %arg19[%swap3A_615, %swap3A_616] {strides = array<i32>} : memref<4x128xf32, #tpu.memory_space<vmem>>, vector<16xf32>,
        tpu.vector_store %arg19[%swap3A_615, %swap3A_616], %mul3A_613 {strides = array<i32>} : memref<4x128xf32, #tpu.memory_space<vmem>>, vector<16xf32>,
        %get3A_618 = arith.constant 32 : index
        %get3A_619 = tpu.vector_load %arg22[%get3A_618] {strides = array<i32>} : memref<128xf32, #tpu.memory_space<vmem>>, vector<16xf32>,
        %mul3A_620 = arith.mulf %broadcast_in_dim3A_565, %get3A_619 : vector<16xf32>
        %sub3A_621 = arith.subf %scan3A_586#2, %mul3A_620 : vector<16xf32>
        %mul3A_622 = arith.mulf %sub3A_621, %div3A_599 : vector<16xf32>
        %swap3A_623 = arith.constant 3 : i32
        %swap3A_624 = arith.index_cast %swap3A_623 : i32 to index
        %swap3A_625 = arith.constant 32 : index
        %swap3A_626 = tpu.vector_load %arg19[%swap3A_624, %swap3A_625] {strides = array<i32>} : memref<4x128xf32, #tpu.memory_space<vmem>>, vector<16xf32>,
        tpu.vector_store %arg19[%swap3A_624, %swap3A_625], %mul3A_622 {strides = array<i32>} : memref<4x128xf32, #tpu.memory_space<vmem>>, vector<16xf32>,
        %get3A_627 = arith.constant 48 : index
        %get3A_628 = tpu.vector_load %arg22[%get3A_627] {strides = array<i32>} : memref<128xf32, #tpu.memory_space<vmem>>, vector<16xf32>,
        %mul3A_629 = arith.mulf %broadcast_in_dim3A_565, %get3A_628 : vector<16xf32>
        %sub3A_630 = arith.subf %scan3A_586#3, %mul3A_629 : vector<16xf32>
        %mul3A_631 = arith.mulf %sub3A_630, %div3A_599 : vector<16xf32>
        %swap3A_632 = arith.constant 3 : i32
        %swap3A_633 = arith.index_cast %swap3A_632 : i32 to index
        %swap3A_634 = arith.constant 48 : index
        %swap3A_635 = tpu.vector_load %arg19[%swap3A_633, %swap3A_634] {strides = array<i32>} : memref<4x128xf32, #tpu.memory_space<vmem>>, vector<16xf32>,
        tpu.vector_store %arg19[%swap3A_633, %swap3A_634], %mul3A_631 {strides = array<i32>} : memref<4x128xf32, #tpu.memory_space<vmem>>, vector<16xf32>,
        %get3A_636 = arith.constant 64 : index
        %get3A_637 = tpu.vector_load %arg22[%get3A_636] {strides = array<i32>} : memref<128xf32, #tpu.memory_space<vmem>>, vector<16xf32>,
        %mul3A_638 = arith.mulf %broadcast_in_dim3A_565, %get3A_637 : vector<16xf32>
        %sub3A_639 = arith.subf %scan3A_586#4, %mul3A_638 : vector<16xf32>
        %mul3A_640 = arith.mulf %sub3A_639, %div3A_599 : vector<16xf32>
        %swap3A_641 = arith.constant 3 : i32
        %swap3A_642 = arith.index_cast %swap3A_641 : i32 to index
        %swap3A_643 = arith.constant 64 : index
        %swap3A_644 = tpu.vector_load %arg19[%swap3A_642, %swap3A_643] {strides = array<i32>} : memref<4x128xf32, #tpu.memory_space<vmem>>, vector<16xf32>,
        tpu.vector_store %arg19[%swap3A_642, %swap3A_643], %mul3A_640 {strides = array<i32>} : memref<4x128xf32, #tpu.memory_space<vmem>>, vector<16xf32>,
        %get3A_645 = arith.constant 80 : index
        %get3A_646 = tpu.vector_load %arg22[%get3A_645] {strides = array<i32>} : memref<128xf32, #tpu.memory_space<vmem>>, vector<16xf32>,
        %mul3A_647 = arith.mulf %broadcast_in_dim3A_565, %get3A_646 : vector<16xf32>
        %sub3A_648 = arith.subf %scan3A_586#5, %mul3A_647 : vector<16xf32>
        %mul3A_649 = arith.mulf %sub3A_648, %div3A_599 : vector<16xf32>
        %swap3A_650 = arith.constant 3 : i32
        %swap3A_651 = arith.index_cast %swap3A_650 : i32 to index
        %swap3A_652 = arith.constant 80 : index
        %swap3A_653 = tpu.vector_load %arg19[%swap3A_651, %swap3A_652] {strides = array<i32>} : memref<4x128xf32, #tpu.memory_space<vmem>>, vector<16xf32>,
        tpu.vector_store %arg19[%swap3A_651, %swap3A_652], %mul3A_649 {strides = array<i32>} : memref<4x128xf32, #tpu.memory_space<vmem>>, vector<16xf32>,
        %get3A_654 = arith.constant 96 : index
        %get3A_655 = tpu.vector_load %arg22[%get3A_654] {strides = array<i32>} : memref<128xf32, #tpu.memory_space<vmem>>, vector<16xf32>,
        %mul3A_656 = arith.mulf %broadcast_in_dim3A_565, %get3A_655 : vector<16xf32>
        %sub3A_657 = arith.subf %scan3A_586#6, %mul3A_656 : vector<16xf32>
        %mul3A_658 = arith.mulf %sub3A_657, %div3A_599 : vector<16xf32>
        %swap3A_659 = arith.constant 3 : i32
        %swap3A_660 = arith.index_cast %swap3A_659 : i32 to index
        %swap3A_661 = arith.constant 96 : index
        %swap3A_662 = tpu.vector_load %arg19[%swap3A_660, %swap3A_661] {strides = array<i32>} : memref<4x128xf32, #tpu.memory_space<vmem>>, vector<16xf32>,
        tpu.vector_store %arg19[%swap3A_660, %swap3A_661], %mul3A_658 {strides = array<i32>} : memref<4x128xf32, #tpu.memory_space<vmem>>, vector<16xf32>,
        %get3A_663 = arith.constant 112 : index
        %get3A_664 = tpu.vector_load %arg22[%get3A_663] {strides = array<i32>} : memref<128xf32, #tpu.memory_space<vmem>>, vector<16xf32>,
        %mul3A_665 = arith.mulf %broadcast_in_dim3A_565, %get3A_664 : vector<16xf32>
        %sub3A_666 = arith.subf %scan3A_586#7, %mul3A_665 : vector<16xf32>
        %mul3A_667 = arith.mulf %sub3A_666, %div3A_599 : vector<16xf32>
        %swap3A_668 = arith.constant 3 : i32
        %swap3A_669 = arith.index_cast %swap3A_668 : i32 to index
        %swap3A_670 = arith.constant 112 : index
        %swap3A_671 = tpu.vector_load %arg19[%swap3A_669, %swap3A_670] {strides = array<i32>} : memref<4x128xf32, #tpu.memory_space<vmem>>, vector<16xf32>,
        tpu.vector_store %arg19[%swap3A_669, %swap3A_670], %mul3A_667 {strides = array<i32>} : memref<4x128xf32, #tpu.memory_space<vmem>>, vector<16xf32>,
        %add3A_672 = arith.addi %add3A_6, %add3A_86 : i32
        %mul3A_673 = arith.constant 4 : i32
        %mul3A_674 = arith.muli %add3A_672, %mul3A_673 : i32
        %dma_start3A = arith.constant 0 : i32
        %dma_start3A_675 = tpu.memref_slice %arg4[%mul3A_674, %dma_start3A] : memref<10000x128xf32, #tpu.memory_space<hbm>> -> memref<4x128xf32, #tpu.memory_space<hbm>>
        %dma_start3A_676 = arith.constant 0 : i32
        %dma_start3A_677 = tpu.memref_slice %arg4[%mul3A_674, %dma_start3A_676] : memref<10000x128xf32, #tpu.memory_space<hbm>> -> memref<4x128xf32, #tpu.memory_space<hbm>>
        tpu.enqueue_dma source(%arg19 : memref<4x128xf32, #tpu.memory_space<vmem>>) target(%dma_start3A_677 : memref<4x128xf32, #tpu.memory_space<hbm>>) target_semaphore(%arg21 : memref<!tpu.dma_semaphore, #tpu.memory_space<semaphore_mem>>)
        %add3A_678 = arith.constant 4 : i32
        %add3A_679 = arith.addi %add3A_86, %add3A_678 : i32
        %lt3A_680 = arith.cmpi slt, %add3A_679, %select_n3A : i32
        %convert_element_type3A_681 = arith.extui %lt3A_680 : i1 to i32
        %cond3A_682 = arith.constant 0 : i32
        %cond3A_683 = arith.cmpi ne, %convert_element_type3A_681, %cond3A_682 : i32
        scf.if %cond3A_683 {
          %mul3A_684 = arith.constant 128 : i32
          %mul3A_685 = arith.muli %add3A_679, %mul3A_684 : i32
          %add3A_686 = arith.addi %mul3A_10, %mul3A_685 : i32
          %dma_start3A_687 = tpu.memref_slice %arg5[%add3A_686] : memref<10112xi32, #tpu.memory_space<vmem>> -> memref<128xi32, #tpu.memory_space<vmem>>
          %dma_start3A_688 = arith.constant 0 : i32
          %dma_start3A_689 = arith.constant 0 : i32
          %dma_start3A_690 = tpu.memref_slice %arg2[%dma_start3A_688, %dma_start3A_689] : memref<100000x128xf32, #tpu.memory_space<hbm>> -> memref<100000x128xf32, #tpu.memory_space<hbm>>
          tpu.enqueue_indirect_dma source(%dma_start3A_690 : memref<100000x128xf32, #tpu.memory_space<hbm>>) target(%arg18 : memref<128x128xf32, #tpu.memory_space<vmem>>) offsets(%dma_start3A_687 : memref<128xi32, #tpu.memory_space<vmem>>) semaphore(%arg20 : memref<!tpu.dma_semaphore, #tpu.memory_space<semaphore_mem>>)
        } else {
        }
      } else {
      }
    }
    %scan3A_34 = arith.constant 20 : i32
    %dma_wait3A = arith.constant 0 : i32
    %dma_wait3A_35 = arith.constant 0 : i32
    %dma_wait3A_36 = tpu.memref_slice %arg4[%dma_wait3A, %dma_wait3A_35] : memref<10000x128xf32, #tpu.memory_space<hbm>> -> memref<4x128xf32, #tpu.memory_space<hbm>>
    %dma_wait3A_37 = arith.constant 0 : i32
    %dma_wait3A_38 = arith.constant 0 : i32
    %dma_wait3A_39 = tpu.memref_slice %arg4[%dma_wait3A_37, %dma_wait3A_38] : memref<10000x128xf32, #tpu.memory_space<hbm>> -> memref<4x128xf32, #tpu.memory_space<hbm>>
    tpu.wait_dma2 semaphore(%arg9 : memref<!tpu.dma_semaphore, #tpu.memory_space<semaphore_mem>>) src(%arg7 : memref<4x128xf32, #tpu.memory_space<vmem>>) dst(%dma_wait3A_39 : memref<4x128xf32, #tpu.memory_space<hbm>>)
    %dma_wait3A_40 = arith.constant 0 : i32
    %dma_wait3A_41 = arith.constant 0 : i32
    %dma_wait3A_42 = tpu.memref_slice %arg4[%dma_wait3A_40, %dma_wait3A_41] : memref<10000x128xf32, #tpu.memory_space<hbm>> -> memref<4x128xf32, #tpu.memory_space<hbm>>
    %dma_wait3A_43 = arith.constant 0 : i32
    %dma_wait3A_44 = arith.constant 0 : i32
    %dma_wait3A_45 = tpu.memref_slice %arg4[%dma_wait3A_43, %dma_wait3A_44] : memref<10000x128xf32, #tpu.memory_space<hbm>> -> memref<4x128xf32, #tpu.memory_space<hbm>>
    tpu.wait_dma2 semaphore(%arg13 : memref<!tpu.dma_semaphore, #tpu.memory_space<semaphore_mem>>) src(%arg11 : memref<4x128xf32, #tpu.memory_space<vmem>>) dst(%dma_wait3A_45 : memref<4x128xf32, #tpu.memory_space<hbm>>)
    %dma_wait3A_46 = arith.constant 0 : i32
    %dma_wait3A_47 = arith.constant 0 : i32
    %dma_wait3A_48 = tpu.memref_slice %arg4[%dma_wait3A_46, %dma_wait3A_47] : memref<10000x128xf32, #tpu.memory_space<hbm>> -> memref<4x128xf32, #tpu.memory_space<hbm>>
    %dma_wait3A_49 = arith.constant 0 : i32
    %dma_wait3A_50 = arith.constant 0 : i32
    %dma_wait3A_51 = tpu.memref_slice %arg4[%dma_wait3A_49, %dma_wait3A_50] : memref<10000x128xf32, #tpu.memory_space<hbm>> -> memref<4x128xf32, #tpu.memory_space<hbm>>
    tpu.wait_dma2 semaphore(%arg17 : memref<!tpu.dma_semaphore, #tpu.memory_space<semaphore_mem>>) src(%arg15 : memref<4x128xf32, #tpu.memory_space<vmem>>) dst(%dma_wait3A_51 : memref<4x128xf32, #tpu.memory_space<hbm>>)
    %dma_wait3A_52 = arith.constant 0 : i32
    %dma_wait3A_53 = arith.constant 0 : i32
    %dma_wait3A_54 = tpu.memref_slice %arg4[%dma_wait3A_52, %dma_wait3A_53] : memref<10000x128xf32, #tpu.memory_space<hbm>> -> memref<4x128xf32, #tpu.memory_space<hbm>>
    %dma_wait3A_55 = arith.constant 0 : i32
    %dma_wait3A_56 = arith.constant 0 : i32
    %dma_wait3A_57 = tpu.memref_slice %arg4[%dma_wait3A_55, %dma_wait3A_56] : memref<10000x128xf32, #tpu.memory_space<hbm>> -> memref<4x128xf32, #tpu.memory_space<hbm>>
    tpu.wait_dma2 semaphore(%arg21 : memref<!tpu.dma_semaphore, #tpu.memory_space<semaphore_mem>>) src(%arg19 : memref<4x128xf32, #tpu.memory_space<vmem>>) dst(%dma_wait3A_57 : memref<4x128xf32, #tpu.memory_space<hbm>>)
    return
  }
}

</mosaic_0001>

<sc_bundles>
// kernel: kernel.3.cloned.1.call-start
scs
__scs_entry_jumppad:
0x0: {  	(pc) =	sbr.rel $0x88, $3  }
0x1: {  	(tag) =	ssettag $0x0;
	lr =	simm.s32 $0x1  }
0x2: {  	[smem:$0x3F9F] =	sst lr;
	_ =	strace $0xD0000000  }
0x3: {  	_ = 	snop  }
0x4: {  	_ = 	snop  }
0x5: {  	_ = 	snop  }
0x6: {  	_ = 	snop  }
0x7: {  	_ = 	snop  }
__scs_overlays_trampoline_lowered:
0x8: {  	[smem:$0x3FAE] =	sst s0  }
0x9: {  	[smem:$0x3FAF] =	sst s1  }
0xa: {  	[smem:$0x3FB0] =	sst s2  }
0xb: {  	[smem:$0x3FB1] =	sst s3  }
0xc: {  	[smem:$0x3FB2] =	sst s4  }
0xd: {  	[smem:$0x3FB3] =	sst s5  }
0xe: {  	[smem:$0x3FB4] =	sst s6  }
0xf: {  	[smem:$0x3FB5] =	sst s7  }
0x10: {  	[smem:$0x3FB6] =	sst s8  }
0x11: {  	[smem:$0x3FB7] =	sst s9;
	s0 =	simm.s32 @!p0 $0x0  }
0x12: {  	s1 =	sld [smem:$0x3F9D];
	s0 =	simm.s32 @p0 $0x1  }
0x13: {  	[smem:$0x3FB8] =	sst s0;
	s0 =	simm.s32 @!p1 $0x0  }
0x14: {  	s2 =	sld [smem:$0x3F9C];
	s0 =	simm.s32 @p1 $0x1  }
0x15: {  	[smem:$0x3FB9] =	sst s0;
	s0 =	simm.s32 @!p2 $0x0  }
0x16: {  	s3 =	sld [smem:$0x3FDB];
	s0 =	simm.s32 @p2 $0x1  }
0x17: {  	s4 =	simm.s32 $0x1BF5;
	[smem:$0x3FBB] =	sst s0  }
0x18: {  	s0 =	sld [smem:$0x3F9E];
	_ =	swait.ge [sflag:s4], $0x0  }
0x19: {  	s7 =	sld [smem:$0x3F9F]  }
0x1a: {  	s8 =	sadd.s32 $0xFFFFE003, lr  }
0x1b: {  	s9 =	sadd.s32 $0xFFFFFEF7, lr;
	s5 =	simm.s32 $0xFFFFFFFF;
	p2 =	slt.u32 s8, $0xFFFFF086  }
0x1c: {  	p1 =	slt.u32 s9, $0xF7A;
	s5 =	simm.s32 @!p2 $0x0  }
0x1d: {  	s5 =	simm.s32 @p1 $0x1;
	p0 =	seq.s32 s7, s2  }
0x1e: {  	s7 =	smul.u32 @!p0 $0xF7A, s2;
	p2 =	seq.s32 @!p0 s5, $0x0  }
0x1f: {  	s9 =	smul.u32 $0xF7A, s1;
	s8 =	simm.s32 @!p0 $0x1BF5;
	p2 =	por !p2, p0  }
0x20: {  	[sflag:s8] =	ssyncset.s32 @!p0 $0xFFFFF086;
	s6 =	sadd.s32 @!p0 s3, s7;
	s7 =	simm.s32 @!p0 $0x108  }
0x21: {  	s3 =	sadd.s32 s3, s9;
	s6 =	sadd.s32 @!p0 $0x88, s6;
	s7 =	simm.s32 @p2 $0x1082  }
0x22: {  	[simem:s7], [sflag:s8] =	dma.local @!p0 [hbm:s6], $0xF7A  }
0x23: {  	s9 =	sor.u32 $0xD0000000, s2;
	s6 =	simm.s32 $0x108;
	_ =	swait.ge @!p0 [sflag:s8], $0x0  }
0x24: {  	s3 =	sadd.s32 $0x88, s3;
	s6 =	simm.s32 @!p1 $0x1082;
	[sflag:s4] =	ssyncset.s32 $0xFFFFF086  }
0x25: {  	[simem:s6], [sflag:s4] =	dma.local [hbm:s3], $0xF7A  }
0x26: {  	[smem:$0x3F9F] =	sst s1;
	(tag) =	ssettag s2;
	_ =	strace s9  }
0x27: {  	s1 =	sld [smem:$0x3FAF]  }
0x28: {  	s2 =	sld [smem:$0x3FB0]  }
0x29: {  	s4 =	sld [smem:$0x3FB2]  }
0x2a: {  	p0 =	seq.s32 s5, $0x0;
	s5 =	sld [smem:$0x3FB3]  }
0x2b: {  	s6 =	sld [smem:$0x3FB4]  }
0x2c: {  	s7 =	sld [smem:$0x3FB5]  }
0x2d: {  	s3 =	simm.s32 $0x108;
	s8 =	sld [smem:$0x3FB6]  }
0x2e: {  	s3 =	simm.s32 @!p0 $0x1082;
	s9 =	sld [smem:$0x3FB7]  }
0x2f: {  	lr =	sadd.s32 s0, s3;
	s0 =	sld [smem:$0x3FAE]  }
0x30: {  	s3 =	sld [smem:$0x3FB1]  }
0x31: {  	[smem:$0x3FBA] =	sst s10  }
0x32: {  	s10 =	sld [smem:$0x3FB8];
	_ =	sdelay $0x3  }
0x33: {  	p0 =	seq.s32 s10, $0x1;
	s10 =	sld [smem:$0x3FBA];
	_ =	sdelay $0x3  }
0x34: {  	[smem:$0x3FBA] =	sst s10  }
0x35: {  	s10 =	sld [smem:$0x3FB9];
	_ =	sdelay $0x3  }
0x36: {  	p1 =	seq.s32 s10, $0x1;
	s10 =	sld [smem:$0x3FBA];
	_ =	sdelay $0x3  }
0x37: {  	[smem:$0x3FBA] =	sst s10  }
0x38: {  	s10 =	sld [smem:$0x3FBB]  }
0x39: {  	_ = 	snop;
	(pc) =	sbr.ind lr, $3  }
0x3a: {  	_ = 	snop  }
0x3b: {  	_ = 	snop  }
0x3c: {  	p2 =	seq.s32 s10, $0x1;
	s10 =	sld [smem:$0x3FBA]  }
0x3d: {  	_ =	shalt  }
0x3e: {  	_ =	shalt  }
0x3f: {  	_ =	shalt  }
0x40: {  	_ =	shalt  }
0x41: {  	_ =	shalt  }
0x42: {  	_ =	shalt  }
0x43: {  	_ =	shalt  }
0x44: {  	_ =	shalt  }
0x45: {  	_ =	shalt  }
0x46: {  	_ =	shalt  }
0x47: {  	_ =	shalt  }
0x48: {  	_ =	shalt  }
0x49: {  	_ =	shalt  }
0x4a: {  	_ =	shalt  }
0x4b: {  	_ =	shalt  }
0x4c: {  	_ =	shalt  }
0x4d: {  	_ =	shalt  }
0x4e: {  	_ =	shalt  }
0x4f: {  	_ =	shalt  }
0x50: {  	_ =	shalt  }
0x51: {  	_ =	shalt  }
0x52: {  	_ =	shalt  }
0x53: {  	_ =	shalt  }
0x54: {  	_ =	shalt  }
0x55: {  	_ =	shalt  }
0x56: {  	_ =	shalt  }
0x57: {  	_ =	shalt  }
0x58: {  	_ =	shalt  }
0x59: {  	_ =	shalt  }
0x5a: {  	_ =	shalt  }
0x5b: {  	_ =	shalt  }
0x5c: {  	_ =	shalt  }
0x5d: {  	_ =	shalt  }
0x5e: {  	_ =	shalt  }
0x5f: {  	_ =	shalt  }
0x60: {  	_ =	shalt  }
0x61: {  	_ =	shalt  }
0x62: {  	_ =	shalt  }
0x63: {  	_ =	shalt  }
0x64: {  	_ =	shalt  }
0x65: {  	_ =	shalt  }
0x66: {  	_ =	shalt  }
0x67: {  	_ =	shalt  }
0x68: {  	_ =	shalt  }
0x69: {  	_ =	shalt  }
0x6a: {  	_ =	shalt  }
0x6b: {  	_ =	shalt  }
0x6c: {  	_ =	shalt  }
0x6d: {  	_ =	shalt  }
0x6e: {  	_ =	shalt  }
0x6f: {  	_ =	shalt  }
0x70: {  	_ =	shalt  }
0x71: {  	_ =	shalt  }
0x72: {  	_ =	shalt  }
0x73: {  	_ =	shalt  }
0x74: {  	_ =	shalt  }
0x75: {  	_ =	shalt  }
0x76: {  	_ =	shalt  }
0x77: {  	_ =	shalt  }
0x78: {  	_ =	shalt  }
0x79: {  	_ =	shalt  }
0x7a: {  	_ =	shalt  }
0x7b: {  	_ =	shalt  }
0x7c: {  	_ =	shalt  }
0x7d: {  	_ =	shalt  }
0x7e: {  	_ =	shalt  }
0x7f: {  	_ =	shalt  }
0x80: {  	_ =	shalt  }
0x81: {  	_ =	shalt  }
0x82: {  	_ =	shalt  }
0x83: {  	_ =	shalt  }
0x84: {  	_ =	shalt  }
0x85: {  	_ =	shalt  }
0x86: {  	_ =	shalt  }
0x87: {  	_ =	shalt  }
.Lfunc_end0:
.L_simem_size_0:
called_computation_lowered:
.L_overlay_start_0:
0x88: {  	s2 =	sld [smem:$0x3FD9]  }
0x89: {  	s3 =	sld [smem:$0x3FFE];
	_ =	sdelay $0x1  }
0x8a: {  	s1 =	srdreg.scid  }
0x8b: {  	s0 =	sand.u32 $0x1, s1  }
0x8c: {  	s17 =	sshll.u32 s0, $0xA;
	s2 =	sadd.s32 s3, s2  }
0x8d: {  	s2 =	sadd.s32 s2, s17  }
0x8e: {  	[smem:$0x3FC6] =	sst s2  }
0x8f: {  	_ = 	snop  }
0x90: {  	s2 =	sld [smem:$0x3FC9]  }
0x91: {  	s18 =	sld [smem:$0x3FD0];
	(tm) =	ssettm $0x1  }
0x92: {  	s4 =	sld [smem:$0x3FFB];
	_ =	sdelay $0x3  }
0x93: {  	_ =	strace s4  }
0x94: {  	s4 =	sld [smem:$0x3FFC];
	_ =	sdelay $0x3  }
0x95: {  	_ =	strace s4  }
0x96: {  	s4 =	sld [smem:$0x3FFD];
	_ =	sdelay $0x3  }
0x97: {  	_ =	strace s4  }
0x98: {  	_ =	strace $0x8FFFFFFF  }
0x99: {  	s19 =	sld [smem:$0x3FDB];
	_ =	sdelay $0x1  }
0x9a: {  	s5 =	simm.s32 $_scs_section_size  }
0x9b: {  	s6 =	simm.s32 $_size__tile_overlayer_lowered;
	s7 =	simm.s32 $_tile_overlayer_lowered  }
0x9c: {  	s22 =	simm.s32 $0x1BFF;
	s21 =	sshll.u32 s7, $0x1;
	s4 =	sadd.s32 s5, s19  }
0x9d: {  	s8 =	simm.s32 $0x0;
	s20 =	sshll.u32 s6, $0x1;
	s6 =	sadd.s32 s21, s4  }
0x9e: {  	[timem:s8], [sflag:s22] =	dma.local [hbm:s6], s20  }
0x9f: {  	_ =	swait.ge [sflag:s22], s20  }
0xa0: {  	s5 =	ssub.s32 $0x0, s20;
	[sflag:s22] =	ssyncset.done $0x0  }
0xa1: {  	[sflag:s22] =	ssyncadd.s32 s5;
	_ =	sdelay $0x1  }
0xa2: {  	s23 =	simm.s32 $0x1B8B  }
0xa3: {  	_ =	swait.ge [sflag:s23], $0x1  }
0xa4: {  	[sflag:s23] =	ssyncset.done $0x0  }
0xa5: {  	s25 =	simm.s32 $0x1B8E;
	s24 =	sld [smem:$0x3FFE];
	[sflag:s23] =	ssyncadd.s32 $0xFFFFFFFF  }
0xa6: {  	s26 =	simm.s32 $execute0_lowered;
	[smem:$0x3FD2] =	sst s25  }
0xa7: {  	s6 =	sshll.u32 s26, $0x1;
	_ =	strace $0x80000046;
	[dreg:$0x1] =	wrdreg $0xFFFFFFFF  }
0xa8: {  	s28 =	simm.s32 $_size_execute0_lowered;
	s4 =	sadd.s32 s4, s6;
	[dreg:$0x0] =	wrdreg $0x0  }
0xa9: {  	s6 =	sshll.u32 s28, $0x1;
	[dreg:$0x2] =	wrdreg s4  }
0xaa: {  	[dreg:$0x3] =	wrdreg s6  }
0xab: {  	[dreg:$0x4] =	wrdreg $0xC0  }
0xac: {  	_ =	task [dreg:s8], $0x5FFFF  }
0xad: {  	[dreg:$0x1] =	wrdreg $0xFFFFFFFF  }
0xae: {  	[dreg:$0x0] =	wrdreg $0x60  }
0xaf: {  	[dreg:$0x2] =	wrdreg s2  }
0xb0: {  	[dreg:$0x3] =	wrdreg s24  }
0xb1: {  	[dreg:$0x4] =	wrdreg s18  }
0xb2: {  	[dreg:$0x5] =	wrdreg $0x9  }
0xb3: {  	_ =	task.clear_ibuf [dreg:s8], $0x6FFFF;
	_ =	strace $0x90000046  }
0xb4: {  	s29 =	simm.s32 $0x9;
	_ =	strace $0x80000048  }
0xb5: {  	_ =	swait.ge [sflag:s29], $0x1  }
0xb6: {  	[sflag:s29] =	ssyncadd.s32 $0xFFFFFFFF  }
0xb7: {  	_ =	strace $0x90000048  }
0xb8: {  	_ =	sfence  }
0xb9: {  	s30 =	sld [smem:$0x0];
	_ =	sdelay $0x2  }
0xba: {  	s31 =	sshll.u32 s1, $0xD;
	s1 =	sshrl.u32 s1, $0x2  }
0xbb: {  	s3 =	sand.u32 $0x4000, s31;
	s1 =	sadd.s32 s1, s30  }
0xbc: {  	s0 =	sor.u32 s3, s0;
	s1 =	sshll.u32 s1, $0x11  }
0xbd: {  	s0 =	sor.u32 s1, s0  }
0xbe: {  	s0 =	sadd.s32 $0x8F2B, s0  }
0xbf: {  	[sflag:s0] =	ssyncadd.remote.s32 $0x1  }
0xc0: {  	_ =	sfence.sel $0xFFFF  }
0xc1: {  	[dreg:$0x0] =	wrdreg $0xFFFFFFFF;
	(pc) =	sbr.abs _section_cstart, $3  }
0xc2: {  	[dreg:$0x1] =	wrdreg $0xFFFFFFFF  }
0xc3: {  	_ =	task.clear_ibuf [dreg:s8], $0x2FFFF;
	_ =	strace $0x9FFFFFFF  }
0xc4: {  	(tm) =	ssettm $0x7FFFFFFF  }
0xc5: {  	_ =	shalt  }
tec
execute0_lowered:
.L_overlay_start_1:
0x0: {  	(tag) =	ssettag $0x1  }
0x1: {  	s2 =	rddreg [dreg:$0x0]  }
0x2: {  	s0 =	srdreg.scid;
	s6 =	rddreg [dreg:$0x1]  }
0x3: {  	s11 =	stileid.u32;
	s3 =	rddreg [dreg:$0x2];
	s4 =	simm.s32 $0x0  }
0x4: {  	s16 =	simm.s32 $0x9;
	s17 =	simm.s32 $0x80;
	s28 =	simm.s32 $0xEB80  }
0x5: {  	s29 =	simm.s32 $0x7;
	s0 =	sand.u32 $0x1, s0;
	s1 =	sshll.u32 s11, $0x1  }
0x6: {  	s30 =	simm.s32 $0x12D80;
	s31 =	simm.s32 $0x2;
	s1 =	sor.u32 s0, s1  }
0x7: {  	s15 =	simm.s32 $0x8;
	s18 =	simm.s32 $0x0;
	s5 =	smul.u32 $0x4E, s1  }
0x8: {  	[smem:$0x7FF] =	sst s4;
	s0 =	ssub.s32 $0x2, s0;
	s1 =	smin.u32 s1, $0x4  }
0x9: {  	p0 =	slt.u32 s11, $0x2;
	s9 =	sshrl.u32 s0, $0x1;
	s5 =	sadd.s32 s1, s5  }
0xa: {  	_ =	strace $0x80000047;
	s0 =	ssub.s32 s0, s9;
	s7 =	smin.u32 s5, $0x975  }
0xb: {  	s1 =	sshll.u32 s1, $0x6;
	s14 =	smax.u32 s0, $0x1;
	s8 =	sshll.u32 s7, $0x4  }
0xc: {  	s1 =	sand.u32 $0x40, s1;
	s10 =	sadd.s32 s8, s6;
	s6 =	ssub.s32 s5, s7  }
0xd: {  	s0 =	simm.s32 $0x6;
	s13 =	sadd.s32 s3, s1;
	s22 =	sshll.u32 s6, $0x9  }
0xe: {  	s1 =	simm.s32 $0x4;
	s23 =	sadd.s32 $0x400, s10;
	s8 =	sshra.s32 s22, $0x2  }
.Ltmp0:
0xf: {  	[dreg:$0x4] =	wrdreg s23;
	s24 =	sadd.s32 $0x80, s8;
	(pc) =	sbr.rel .LBB2_1-.Ltmp0, $4  }
0x10: {  	s7 =	simm.s32 $0x4F;
	s25 =	sadd.s32 $0x100, s8;
	[dreg:$0x5] =	wrdreg s24  }
0x11: {  	s7 =	simm.s32 @!p0 $0x4E;
	s26 =	sadd.s32 $0x180, s8;
	[dreg:$0x6] =	wrdreg s25  }
0x12: {  	s22 =	simm.s32 $0x1;
	s23 =	simm.s32 $0x6780;
	[dreg:$0x7] =	wrdreg s26  }
0x13: {  	v0 =	vimm.f32 $0.0e+00;
	v1 =	vmov s8;
	s24 =	simm.s32 $0x3;
	s25 =	simm.s32 $0xA980;
	s26 =	simm.s32 $0x5  }
.LBB2_39:
0x14: {  	_ =	swait.ge [sflag:s31], $0x200  }
0x15: {  	[sflag:s31] =	ssyncset.done $0x0  }
0x16: {  	[sflag:s31] =	ssyncadd.s32 $0xFFFFFE00  }
0x17: {  	_ =	swait.ge [sflag:s1], $0x200  }
0x18: {  	[sflag:s1] =	ssyncset.done $0x0  }
0x19: {  	s18 =	sadd.s32 $0x1, s18;
	[sflag:s1] =	ssyncadd.s32 $0xFFFFFE00  }
0x1a: {  	p0 =	sne.s32 s18, s14;
	_ =	swait.ge [sflag:s0], $0x200  }
.Ltmp1:
0x1b: {  	[sflag:s0] =	ssyncset.done $0x0;
	(pc) =	sbr.rel @!p0 .LBB2_40-.Ltmp1, $4  }
0x1c: {  	[sflag:s0] =	ssyncadd.s32 $0xFFFFFE00  }
0x1d: {  	_ =	swait.ge [sflag:s15], $0x200  }
0x1e: {  	[sflag:s15] =	ssyncset.done $0x0  }
0x1f: {  	[sflag:s15] =	ssyncadd.s32 $0xFFFFFE00  }
.LBB2_1:
0x20: {  	s9 =	simm.s32 $0x12F80  }
0x21: {  	[tilespmem:s9], [sflag:$0x9] =	stream.linear.gather [hbm4b:s2+s4], $0x80, $0x38;
	[tilespmem:$0x13000] =	vst v63  }
0x22: {  	_ =	swait.ge [sflag:s16], $0x80  }
0x23: {  	[sflag:s16] =	ssyncset.done $0x0  }
0x24: {  	s21 =	rddreg [dreg:$0x4];
	[sflag:s16] =	ssyncadd.s32 $0xFFFFFF80  }
0x25: {  	[tilespmem:s4], [sflag:$0x9] =	stream.linear.gather [hbm4b:s21+s4], $0x2780, $0x38;
	[tilespmem:$0x13000] =	vst v63  }
0x26: {  	_ =	swait.ge [sflag:s16], $0x2780  }
0x27: {  	[sflag:s16] =	ssyncset.done $0x0  }
0x28: {  	s10 =	simm.s32 $0x2780;
	[sflag:s16] =	ssyncadd.s32 $0xFFFFD880  }
0x29: {  	[tilespmem:s10], [sflag:$0x1] =	stream.indirect.gather [hbm4b:s2+s17], $0x80, s8, s17, $0xb8;
	[tilespmem:$0x13000] =	vst v63  }
0x2a: {  	s11 =	rddreg [dreg:$0x5];
	s10 =	simm.s32 $0x6980  }
0x2b: {  	[tilespmem:s10], [sflag:$0x3] =	stream.indirect.gather [hbm4b:s2+s17], $0x80, s11, s17, $0xb8;
	[tilespmem:$0x13000] =	vst v63  }
.Ltmp2:
0x2c: {  	_ = 	snop;
	(pc) =	sbr.rel .LBB2_2-.Ltmp2, $4  }
0x2d: {  	s19 =	simm.s32 $0xAB80;
	s12 =	rddreg [dreg:$0x6]  }
0x2e: {  	[tilespmem:s19], [sflag:$0x5] =	stream.indirect.gather [hbm4b:s2+s17], $0x80, s12, s17, $0xb8;
	[tilespmem:$0x13000] =	vst v63  }
0x2f: {  	s21 =	simm.s32 $0xED80;
	s20 =	rddreg [dreg:$0x7];
	s19 =	simm.s32 $0x0  }
0x30: {  	[tilespmem:s21], [sflag:$0x7] =	stream.indirect.gather [hbm4b:s2+s17], $0x80, s20, s17, $0xb8;
	[tilespmem:$0x13000] =	vst v63  }
.LBB2_38:
0x31: {  	s19 =	sadd.s32 $0x1, s19  }
0x32: {  	p0 =	sne.s32 s19, $0x14  }
.Ltmp3:
0x33: {  	_ = 	snop;
	(pc) =	sbr.rel @!p0 .LBB2_39-.Ltmp3, $1  }
0x34: {  	_ =	sdelay $0x3  }
.LBB2_2:
0x35: {  	_ =	swait.ge [sflag:s22], $0x4000  }
0x36: {  	p0 =	seq.s32 s19, $0x0;
	[sflag:s22] =	ssyncset.done $0x0  }
0x37: {  	s9 =	simm.s32 @!p0 $0x2;
	[sflag:s22] =	ssyncadd.s32 $0xFFFFC000  }
0x38: {  	_ =	swait.ge @!p0 [sflag:s9], $0x200  }
0x39: {  	s10 =	sshll.u32 s19, $0x9;
	[sflag:s9] =	ssyncset.done @!p0 $0x0  }
0x3a: {  	s21 =	sand.u32 $0x3FFFFE00, s10;
	[sflag:s9] =	ssyncadd.s32 @!p0 $0xFFFFFE00  }
0x3b: {  	s11 =	simm.s32 $0x0;
	v2 =	vld.idx.msk [tilespmem:v1+s21+$0x0 ss:$0x1], $0xffff  }
0x3c: {  	v3 =	vld [tilespmem:s11+$0x27F0]  }
0x3d: {  	v4 =	vld [tilespmem:s11+$0x2780]  }
0x3e: {  	v5 =	vld [tilespmem:s11+$0x2790]  }
0x3f: {  	v16 =	vld.idx.msk [tilespmem:v1+s21+$0x10 ss:$0x1], $0xffff  }
0x40: {  	v8 =	vld [tilespmem:s11+$0x27A0]  }
0x41: {  	v9 =	vld [tilespmem:s11+$0x27B0]  }
0x42: {  	v6 =	vimm.f32 $0.0e+00;
	v7 =	vimm.f32 $0.0e+00;
	v10 =	vld [tilespmem:s11+$0x27C0]  }
0x43: {  	s20 =	sshll.u32 s19, $0x2;
	v13 =	vimm.f32 $0.0e+00;
	v11 =	vimm.f32 $0.0e+00;
	v14 =	vld [tilespmem:s11+$0x27D0];
	v3 =	vadd.f32 v3, v6  }
0x44: {  	v12 =	vimm.f32 $0.0e+00;
	s10 =	simm.s32 $0x400;
	s9 =	sadd.s32 s21, s8;
	s21 =	simm.s32 $0x80;
	v15 =	vld [tilespmem:s11+$0x27E0];
	v4 =	vadd.f32 v4, v6;
	v5 =	vadd.f32 v5, v6  }
.LBB2_3:
0x45: {  	p1 =	sne.s32 s10, $0x3E00;
	v17 =	vld [tilespmem:s21+$0x27F0];
	v6 =	vadd.f32 v8, v6  }
0x46: {  	v18 =	vld [tilespmem:s21+$0x2780];
	v7 =	vadd.f32 v9, v7  }
0x47: {  	v19 =	vld [tilespmem:s21+$0x2790];
	v13 =	vadd.f32 v10, v13  }
.Ltmp4:
0x48: {  	v8 =	vld [tilespmem:s21+$0x27A0];
	v11 =	vadd.f32 v14, v11;
	(pc) =	sbr.rel @p1 .LBB2_3-.Ltmp4, $4  }
0x49: {  	v9 =	vld [tilespmem:s21+$0x27B0];
	v12 =	vadd.f32 v15, v12  }
0x4a: {  	v10 =	vld [tilespmem:s21+$0x27C0];
	v3 =	vadd.f32 v17, v3  }
0x4b: {  	v4 =	vadd.f32 v18, v4;
	v14 =	vld [tilespmem:s21+$0x27D0]  }
0x4c: {  	v5 =	vadd.f32 v19, v5;
	v15 =	vld [tilespmem:s21+$0x27E0];
	s21 =	sshra.s32 s10, $0x2;
	s10 =	sadd.s32 $0x200, s10  }
0x4d: {  	vm0 =	veq.s32 v2, $0x0;
	v2 =	vimm.f32 $0.0e+00;
	vm1 =	veq.s32 v16, $0x0  }
0x4e: {  	v16 =	vsel vm0, $0x3F800000, v2;
	v17 =	vsel vm1, $0x3F800000, v2  }
0x4f: {  	v16 =	vadd.f32 v17, v16;
	_ =	sdelay $0x1  }
0x50: {  	(xrf2) =	vadd.scan.msk.f32 $0xffff, v16;
	_ =	sdelay $0x9  }
0x51: {  	v18 =	vld [tilespmem:s21+$0x2780];
	v17, _, _ =	vpop (xrf2)  }
0x52: {  	v19 =	vld [tilespmem:s21+$0x2790];
	v17 =	vbroadcast v17, $0xF  }
0x53: {  	v20 =	vld [tilespmem:s21+$0x27A0]  }
0x54: {  	v22 =	vld [tilespmem:s21+$0x27B0];
	v21 =	vsub.f32 $3.200000000e+01, v17  }
0x55: {  	v23 =	vld [tilespmem:s21+$0x27C0]  }
0x56: {  	v24 =	vld [tilespmem:s21+$0x27D0];
	vm15 =	veq.f32 v21, $0.0e+00  }
0x57: {  	v63 =	vld [tilespmem:$0x12F80];
	v21 =	vsel vm15, $0x3F800000, v21  }
0x58: {  	v6 =	vadd.f32 v8, v6;
	v8 =	vld [tilespmem:$0x12F90];
	(erf) = vrcp.f32 v21  }
0x59: {  	v16 =	vld [tilespmem:s21+$0x27F0]  }
0x5a: {  	v25 =	vld [tilespmem:s21+$0x27E0]  }
0x5b: {  	v7 =	vadd.f32 v9, v7;
	v9 =	vadd.f32 v10, v13;
	v10 =	vld [tilespmem:$0x12FA0]  }
0x5c: {  	v13 =	vld [tilespmem:$0x12FB0];
	v11 =	vadd.f32 v14, v11;
	v12 =	vadd.f32 v15, v12  }
0x5d: {  	v14 =	vld [tilespmem:$0x12FC0];
	v4 =	vadd.f32 v18, v4;
	v5 =	vadd.f32 v19, v5;
	v8 =	vmul.f32 v8, v17  }
0x5e: {  	v6 =	vadd.f32 v20, v6;
	v3 =	vadd.f32 v16, v3;
	v16 =	vld [tilespmem:$0x12FD0];
	v15 =	vmul.f32 v63, v17  }
0x5f: {  	v7 =	vadd.f32 v22, v7;
	v9 =	vadd.f32 v23, v9;
	v18 =	vld [tilespmem:$0x12FE0]  }
0x60: {  	v11 =	vadd.f32 v24, v11;
	v10 =	vmul.f32 v10, v17;
	v4 =	vsub.f32 v4, v15;
	v15 =	vld [tilespmem:$0x12FF0]  }
0x61: {  	v12 =	vadd.f32 v25, v12;
	v13 =	vmul.f32 v13, v17;
	v5 =	vsub.f32 v5, v8;
	v8 =	vpop (erf)  }
0x62: {  	v6 =	vsub.f32 v6, v10;
	v10 =	vmul.f32 v14, v17;
	v4 =	vmul.f32 v4, v8  }
0x63: {  	v7 =	vsub.f32 v7, v13;
	v13 =	vmul.f32 v16, v17;
	v5 =	vmul.f32 v5, v8  }
0x64: {  	[tilespmem:$0x6780] =	vst v4;
	v4 =	vmul.f32 v6, v8;
	v6 =	vsub.f32 v9, v10;
	v9 =	vmul.f32 v18, v17  }
0x65: {  	[tilespmem:$0x6790] =	vst v5;
	v5 =	vmul.f32 v7, v8;
	v7 =	vsub.f32 v11, v13;
	v10 =	vmul.f32 v15, v17  }
0x66: {  	[tilespmem:$0x67A0] =	vst v4;
	v4 =	vmul.f32 v6, v8;
	v6 =	vsub.f32 v12, v9  }
0x67: {  	[tilespmem:$0x67B0] =	vst v5;
	v5 =	vmul.f32 v7, v8;
	v3 =	vsub.f32 v3, v10  }
0x68: {  	[tilespmem:$0x67C0] =	vst v4;
	v4 =	vmul.f32 v6, v8  }
0x69: {  	[tilespmem:$0x67D0] =	vst v5;
	v3 =	vmul.f32 v3, v8  }
0x6a: {  	[tilespmem:$0x67E0] =	vst v4  }
0x6b: {  	[tilespmem:$0x67F0] =	vst v3  }
0x6c: {  	s11 =	simm.s32 $0x0;
	v3 =	vld [tilespmem:s9+$0x20]  }
0x6d: {  	v4 =	vld [tilespmem:s11+$0x37F0]  }
0x6e: {  	v5 =	vld [tilespmem:s11+$0x3780]  }
0x6f: {  	v6 =	vld [tilespmem:s11+$0x3790]  }
0x70: {  	v16 =	vld [tilespmem:s9+$0x30]  }
0x71: {  	v12 =	vld [tilespmem:s11+$0x37A0]  }
0x72: {  	v8 =	vld [tilespmem:s11+$0x37B0]  }
0x73: {  	v13 =	vimm.f32 $0.0e+00;
	v9 =	vld [tilespmem:s11+$0x37C0]  }
0x74: {  	v11 =	vimm.f32 $0.0e+00;
	v7 =	vimm.f32 $0.0e+00;
	v14 =	vld [tilespmem:s11+$0x37D0];
	v4 =	vadd.f32 v4, v2  }
0x75: {  	s10 =	simm.s32 $0x400;
	s21 =	simm.s32 $0x80;
	v10 =	vimm.f32 $0.0e+00;
	v15 =	vld [tilespmem:s11+$0x37E0];
	v5 =	vadd.f32 v5, v2;
	v6 =	vadd.f32 v6, v2  }
.LBB2_5:
0x76: {  	p1 =	sne.s32 s10, $0x3E00;
	v17 =	vld [tilespmem:s21+$0x37F0];
	v2 =	vadd.f32 v12, v2  }
0x77: {  	v18 =	vld [tilespmem:s21+$0x3780];
	v7 =	vadd.f32 v8, v7  }
0x78: {  	v19 =	vld [tilespmem:s21+$0x3790];
	v13 =	vadd.f32 v9, v13  }
.Ltmp5:
0x79: {  	v12 =	vld [tilespmem:s21+$0x37A0];
	v10 =	vadd.f32 v14, v10;
	(pc) =	sbr.rel @p1 .LBB2_5-.Ltmp5, $4  }
0x7a: {  	v8 =	vld [tilespmem:s21+$0x37B0];
	v11 =	vadd.f32 v15, v11  }
0x7b: {  	v9 =	vld [tilespmem:s21+$0x37C0];
	v4 =	vadd.f32 v17, v4  }
0x7c: {  	v5 =	vadd.f32 v18, v5;
	v14 =	vld [tilespmem:s21+$0x37D0]  }
0x7d: {  	v6 =	vadd.f32 v19, v6;
	v15 =	vld [tilespmem:s21+$0x37E0];
	s21 =	sshra.s32 s10, $0x2;
	s10 =	sadd.s32 $0x200, s10  }
0x7e: {  	vm0 =	veq.s32 v3, $0x0;
	v3 =	vimm.f32 $0.0e+00;
	vm1 =	veq.s32 v16, $0x0  }
0x7f: {  	v16 =	vsel vm0, $0x3F800000, v3;
	v17 =	vsel vm1, $0x3F800000, v3  }
0x80: {  	v16 =	vadd.f32 v17, v16;
	_ =	sdelay $0x1  }
0x81: {  	(xrf2) =	vadd.scan.msk.f32 $0xffff, v16;
	_ =	sdelay $0x9  }
0x82: {  	v18 =	vld [tilespmem:s21+$0x3780];
	v17, _, _ =	vpop (xrf2)  }
0x83: {  	v19 =	vld [tilespmem:s21+$0x3790];
	v17 =	vbroadcast v17, $0xF  }
0x84: {  	v20 =	vld [tilespmem:s21+$0x37A0]  }
0x85: {  	v22 =	vld [tilespmem:s21+$0x37B0];
	v21 =	vsub.f32 $3.200000000e+01, v17  }
0x86: {  	v23 =	vld [tilespmem:s21+$0x37C0]  }
0x87: {  	v24 =	vld [tilespmem:s21+$0x37D0];
	vm15 =	veq.f32 v21, $0.0e+00  }
0x88: {  	v63 =	vld [tilespmem:$0x12F80];
	v21 =	vsel vm15, $0x3F800000, v21  }
0x89: {  	v2 =	vadd.f32 v12, v2;
	v12 =	vld [tilespmem:$0x12F90];
	(erf) = vrcp.f32 v21  }
0x8a: {  	v16 =	vld [tilespmem:s21+$0x37F0]  }
0x8b: {  	v25 =	vld [tilespmem:s21+$0x37E0]  }
0x8c: {  	v7 =	vadd.f32 v8, v7;
	v8 =	vadd.f32 v9, v13;
	v9 =	vld [tilespmem:$0x12FA0]  }
0x8d: {  	v13 =	vld [tilespmem:$0x12FB0];
	v10 =	vadd.f32 v14, v10;
	v11 =	vadd.f32 v15, v11  }
0x8e: {  	v14 =	vld [tilespmem:$0x12FC0];
	v5 =	vadd.f32 v18, v5;
	v6 =	vadd.f32 v19, v6;
	v12 =	vmul.f32 v12, v17  }
0x8f: {  	v2 =	vadd.f32 v20, v2;
	v4 =	vadd.f32 v16, v4;
	v16 =	vld [tilespmem:$0x12FD0];
	v15 =	vmul.f32 v63, v17  }
0x90: {  	v7 =	vadd.f32 v22, v7;
	v8 =	vadd.f32 v23, v8;
	v18 =	vld [tilespmem:$0x12FE0]  }
0x91: {  	v10 =	vadd.f32 v24, v10;
	v9 =	vmul.f32 v9, v17;
	v5 =	vsub.f32 v5, v15;
	v15 =	vld [tilespmem:$0x12FF0]  }
0x92: {  	v11 =	vadd.f32 v25, v11;
	v13 =	vmul.f32 v13, v17;
	v6 =	vsub.f32 v6, v12;
	v12 =	vpop (erf)  }
0x93: {  	v2 =	vsub.f32 v2, v9;
	v9 =	vmul.f32 v14, v17;
	v5 =	vmul.f32 v5, v12  }
0x94: {  	v7 =	vsub.f32 v7, v13;
	v13 =	vmul.f32 v16, v17;
	v6 =	vmul.f32 v6, v12  }
0x95: {  	v2 =	vmul.f32 v2, v12;
	[tilespmem:$0x6800] =	vst v5;
	v5 =	vsub.f32 v8, v9;
	v8 =	vmul.f32 v18, v17  }
0x96: {  	[tilespmem:$0x6810] =	vst v6;
	v6 =	vmul.f32 v7, v12;
	v7 =	vsub.f32 v10, v13;
	v9 =	vmul.f32 v15, v17  }
0x97: {  	[tilespmem:$0x6820] =	vst v2;
	v2 =	vmul.f32 v5, v12;
	v5 =	vsub.f32 v11, v8  }
0x98: {  	[tilespmem:$0x6830] =	vst v6;
	v6 =	vmul.f32 v7, v12;
	v4 =	vsub.f32 v4, v9  }
0x99: {  	[tilespmem:$0x6840] =	vst v2;
	v2 =	vmul.f32 v5, v12  }
0x9a: {  	[tilespmem:$0x6850] =	vst v6;
	v4 =	vmul.f32 v4, v12  }
0x9b: {  	[tilespmem:$0x6860] =	vst v2  }
0x9c: {  	[tilespmem:$0x6870] =	vst v4  }
0x9d: {  	s11 =	simm.s32 $0x0;
	v2 =	vld [tilespmem:s9+$0x40]  }
0x9e: {  	v4 =	vld [tilespmem:s11+$0x47F0]  }
0x9f: {  	v5 =	vld [tilespmem:s11+$0x4780]  }
0xa0: {  	v6 =	vld [tilespmem:s11+$0x4790]  }
0xa1: {  	v16 =	vld [tilespmem:s9+$0x50]  }
0xa2: {  	v12 =	vld [tilespmem:s11+$0x47A0]  }
0xa3: {  	v8 =	vld [tilespmem:s11+$0x47B0]  }
0xa4: {  	v13 =	vimm.f32 $0.0e+00;
	v9 =	vld [tilespmem:s11+$0x47C0]  }
0xa5: {  	v10 =	vimm.f32 $0.0e+00;
	v7 =	vimm.f32 $0.0e+00;
	v14 =	vld [tilespmem:s11+$0x47D0];
	v4 =	vadd.f32 v4, v3  }
0xa6: {  	s10 =	simm.s32 $0x400;
	s21 =	simm.s32 $0x80;
	v11 =	vimm.f32 $0.0e+00;
	v15 =	vld [tilespmem:s11+$0x47E0];
	v5 =	vadd.f32 v5, v3;
	v6 =	vadd.f32 v6, v3  }
.LBB2_7:
0xa7: {  	p1 =	sne.s32 s10, $0x3E00;
	v17 =	vld [tilespmem:s21+$0x47F0];
	v3 =	vadd.f32 v12, v3  }
0xa8: {  	v18 =	vld [tilespmem:s21+$0x4780];
	v7 =	vadd.f32 v8, v7  }
0xa9: {  	v19 =	vld [tilespmem:s21+$0x4790];
	v13 =	vadd.f32 v9, v13  }
.Ltmp6:
0xaa: {  	v12 =	vld [tilespmem:s21+$0x47A0];
	v10 =	vadd.f32 v14, v10;
	(pc) =	sbr.rel @p1 .LBB2_7-.Ltmp6, $4  }
0xab: {  	v8 =	vld [tilespmem:s21+$0x47B0];
	v11 =	vadd.f32 v15, v11  }
0xac: {  	v9 =	vld [tilespmem:s21+$0x47C0];
	v4 =	vadd.f32 v17, v4  }
0xad: {  	v5 =	vadd.f32 v18, v5;
	v14 =	vld [tilespmem:s21+$0x47D0]  }
0xae: {  	v6 =	vadd.f32 v19, v6;
	v15 =	vld [tilespmem:s21+$0x47E0];
	s21 =	sshra.s32 s10, $0x2;
	s10 =	sadd.s32 $0x200, s10  }
0xaf: {  	vm0 =	veq.s32 v2, $0x0;
	v2 =	vimm.f32 $0.0e+00;
	vm1 =	veq.s32 v16, $0x0  }
0xb0: {  	v16 =	vsel vm0, $0x3F800000, v2;
	v17 =	vsel vm1, $0x3F800000, v2  }
0xb1: {  	v16 =	vadd.f32 v17, v16;
	_ =	sdelay $0x1  }
0xb2: {  	(xrf2) =	vadd.scan.msk.f32 $0xffff, v16;
	_ =	sdelay $0x9  }
0xb3: {  	v18 =	vld [tilespmem:s21+$0x4780];
	v17, _, _ =	vpop (xrf2)  }
0xb4: {  	v19 =	vld [tilespmem:s21+$0x4790];
	v17 =	vbroadcast v17, $0xF  }
0xb5: {  	v20 =	vld [tilespmem:s21+$0x47A0]  }
0xb6: {  	v22 =	vld [tilespmem:s21+$0x47B0];
	v21 =	vsub.f32 $3.200000000e+01, v17  }
0xb7: {  	v23 =	vld [tilespmem:s21+$0x47C0]  }
0xb8: {  	v24 =	vld [tilespmem:s21+$0x47D0];
	vm15 =	veq.f32 v21, $0.0e+00  }
0xb9: {  	v63 =	vld [tilespmem:$0x12F80];
	v21 =	vsel vm15, $0x3F800000, v21  }
0xba: {  	v3 =	vadd.f32 v12, v3;
	v12 =	vld [tilespmem:$0x12F90];
	(erf) = vrcp.f32 v21  }
0xbb: {  	v16 =	vld [tilespmem:s21+$0x47F0]  }
0xbc: {  	v25 =	vld [tilespmem:s21+$0x47E0]  }
0xbd: {  	v7 =	vadd.f32 v8, v7;
	v8 =	vadd.f32 v9, v13;
	v9 =	vld [tilespmem:$0x12FA0]  }
0xbe: {  	v13 =	vld [tilespmem:$0x12FB0];
	v10 =	vadd.f32 v14, v10;
	v11 =	vadd.f32 v15, v11  }
0xbf: {  	v14 =	vld [tilespmem:$0x12FC0];
	v5 =	vadd.f32 v18, v5;
	v6 =	vadd.f32 v19, v6;
	v12 =	vmul.f32 v12, v17  }
0xc0: {  	v3 =	vadd.f32 v20, v3;
	v4 =	vadd.f32 v16, v4;
	v16 =	vld [tilespmem:$0x12FD0];
	v15 =	vmul.f32 v63, v17  }
0xc1: {  	v7 =	vadd.f32 v22, v7;
	v8 =	vadd.f32 v23, v8;
	v18 =	vld [tilespmem:$0x12FE0]  }
0xc2: {  	v10 =	vadd.f32 v24, v10;
	v9 =	vmul.f32 v9, v17;
	v5 =	vsub.f32 v5, v15;
	v15 =	vld [tilespmem:$0x12FF0]  }
0xc3: {  	v11 =	vadd.f32 v25, v11;
	v13 =	vmul.f32 v13, v17;
	v6 =	vsub.f32 v6, v12;
	v12 =	vpop (erf)  }
0xc4: {  	v3 =	vsub.f32 v3, v9;
	v9 =	vmul.f32 v14, v17;
	v5 =	vmul.f32 v5, v12  }
0xc5: {  	v7 =	vsub.f32 v7, v13;
	v13 =	vmul.f32 v16, v17;
	v6 =	vmul.f32 v6, v12  }
0xc6: {  	v3 =	vmul.f32 v3, v12;
	[tilespmem:$0x6880] =	vst v5;
	v5 =	vsub.f32 v8, v9;
	v8 =	vmul.f32 v18, v17  }
0xc7: {  	[tilespmem:$0x6890] =	vst v6;
	v6 =	vmul.f32 v7, v12;
	v7 =	vsub.f32 v10, v13;
	v9 =	vmul.f32 v15, v17  }
0xc8: {  	[tilespmem:$0x68A0] =	vst v3;
	v3 =	vmul.f32 v5, v12;
	v5 =	vsub.f32 v11, v8  }
0xc9: {  	[tilespmem:$0x68B0] =	vst v6;
	v6 =	vmul.f32 v7, v12;
	v4 =	vsub.f32 v4, v9  }
0xca: {  	[tilespmem:$0x68C0] =	vst v3;
	v3 =	vmul.f32 v5, v12  }
0xcb: {  	[tilespmem:$0x68D0] =	vst v6;
	v4 =	vmul.f32 v4, v12  }
0xcc: {  	[tilespmem:$0x68E0] =	vst v3  }
0xcd: {  	[tilespmem:$0x68F0] =	vst v4  }
0xce: {  	s11 =	simm.s32 $0x0;
	v15 =	vld [tilespmem:s9+$0x60]  }
0xcf: {  	v3 =	vld [tilespmem:s11+$0x57F0]  }
0xd0: {  	v4 =	vld [tilespmem:s11+$0x5780]  }
0xd1: {  	v5 =	vld [tilespmem:s11+$0x5790]  }
0xd2: {  	v16 =	vld [tilespmem:s9+$0x70]  }
0xd3: {  	v11 =	vld [tilespmem:s11+$0x57A0]  }
0xd4: {  	v7 =	vld [tilespmem:s11+$0x57B0]  }
0xd5: {  	v10 =	vimm.f32 $0.0e+00;
	v8 =	vld [tilespmem:s11+$0x57C0]  }
0xd6: {  	v9 =	vimm.f32 $0.0e+00;
	v6 =	vimm.f32 $0.0e+00;
	v13 =	vld [tilespmem:s11+$0x57D0];
	v3 =	vadd.f32 v3, v2  }
0xd7: {  	s10 =	simm.s32 $0x400;
	v12 =	vimm.f32 $0.0e+00;
	s9 =	simm.s32 $0x80;
	v14 =	vld [tilespmem:s11+$0x57E0];
	v4 =	vadd.f32 v4, v2;
	v5 =	vadd.f32 v5, v2  }
.LBB2_9:
0xd8: {  	p1 =	sne.s32 s10, $0x3E00;
	v17 =	vld [tilespmem:s9+$0x57F0];
	v2 =	vadd.f32 v11, v2  }
0xd9: {  	v18 =	vld [tilespmem:s9+$0x5780];
	v6 =	vadd.f32 v7, v6  }
0xda: {  	v19 =	vld [tilespmem:s9+$0x5790];
	v12 =	vadd.f32 v8, v12  }
.Ltmp7:
0xdb: {  	v11 =	vld [tilespmem:s9+$0x57A0];
	v9 =	vadd.f32 v13, v9;
	(pc) =	sbr.rel @p1 .LBB2_9-.Ltmp7, $4  }
0xdc: {  	v7 =	vld [tilespmem:s9+$0x57B0];
	v10 =	vadd.f32 v14, v10  }
0xdd: {  	v8 =	vld [tilespmem:s9+$0x57C0];
	v3 =	vadd.f32 v17, v3  }
0xde: {  	v4 =	vadd.f32 v18, v4;
	v13 =	vld [tilespmem:s9+$0x57D0]  }
0xdf: {  	v5 =	vadd.f32 v19, v5;
	v14 =	vld [tilespmem:s9+$0x57E0];
	s9 =	sshra.s32 s10, $0x2;
	s10 =	sadd.s32 $0x200, s10  }
0xe0: {  	vm0 =	veq.s32 v15, $0x0;
	vm1 =	veq.s32 v16, $0x0  }
0xe1: {  	v15 =	vsel vm0, $0x3F800000, v0;
	v16 =	vsel vm1, $0x3F800000, v0  }
0xe2: {  	v15 =	vadd.f32 v16, v15;
	_ =	sdelay $0x1  }
0xe3: {  	(xrf2) =	vadd.scan.msk.f32 $0xffff, v15;
	_ =	sdelay $0x9  }
0xe4: {  	v17 =	vld [tilespmem:s9+$0x5780];
	v16, _, _ =	vpop (xrf2)  }
0xe5: {  	v18 =	vld [tilespmem:s9+$0x5790];
	v16 =	vbroadcast v16, $0xF  }
0xe6: {  	v19 =	vld [tilespmem:s9+$0x57A0]  }
0xe7: {  	v21 =	vld [tilespmem:s9+$0x57B0];
	v20 =	vsub.f32 $3.200000000e+01, v16  }
0xe8: {  	v22 =	vld [tilespmem:s9+$0x57C0]  }
0xe9: {  	v23 =	vld [tilespmem:s9+$0x57D0];
	vm15 =	veq.f32 v20, $0.0e+00  }
0xea: {  	v63 =	vld [tilespmem:$0x12F80];
	v20 =	vsel vm15, $0x3F800000, v20  }
0xeb: {  	v2 =	vadd.f32 v11, v2;
	v11 =	vld [tilespmem:$0x12F90];
	(erf) = vrcp.f32 v20  }
0xec: {  	v15 =	vld [tilespmem:s9+$0x57F0]  }
0xed: {  	v24 =	vld [tilespmem:s9+$0x57E0]  }
0xee: {  	v6 =	vadd.f32 v7, v6;
	v7 =	vadd.f32 v8, v12;
	v8 =	vld [tilespmem:$0x12FA0]  }
0xef: {  	v12 =	vld [tilespmem:$0x12FB0];
	v9 =	vadd.f32 v13, v9;
	v10 =	vadd.f32 v14, v10  }
0xf0: {  	v13 =	vld [tilespmem:$0x12FC0];
	v4 =	vadd.f32 v17, v4;
	v5 =	vadd.f32 v18, v5;
	v11 =	vmul.f32 v11, v16  }
0xf1: {  	v2 =	vadd.f32 v19, v2;
	v3 =	vadd.f32 v15, v3;
	v15 =	vld [tilespmem:$0x12FD0];
	v14 =	vmul.f32 v63, v16  }
0xf2: {  	v6 =	vadd.f32 v21, v6;
	v7 =	vadd.f32 v22, v7;
	v17 =	vld [tilespmem:$0x12FE0]  }
0xf3: {  	v9 =	vadd.f32 v23, v9;
	v8 =	vmul.f32 v8, v16;
	v4 =	vsub.f32 v4, v14;
	v14 =	vld [tilespmem:$0x12FF0]  }
0xf4: {  	v10 =	vadd.f32 v24, v10;
	v12 =	vmul.f32 v12, v16;
	v5 =	vsub.f32 v5, v11;
	v11 =	vpop (erf)  }
0xf5: {  	v2 =	vsub.f32 v2, v8;
	v8 =	vmul.f32 v13, v16;
	v4 =	vmul.f32 v4, v11  }
0xf6: {  	v6 =	vsub.f32 v6, v12;
	v12 =	vmul.f32 v15, v16;
	v5 =	vmul.f32 v5, v11  }
0xf7: {  	v2 =	vmul.f32 v2, v11;
	[tilespmem:$0x6900] =	vst v4;
	v4 =	vsub.f32 v7, v8;
	v7 =	vmul.f32 v17, v16  }
0xf8: {  	[tilespmem:$0x6910] =	vst v5;
	v5 =	vmul.f32 v6, v11;
	v6 =	vsub.f32 v9, v12;
	v8 =	vmul.f32 v14, v16  }
0xf9: {  	[tilespmem:$0x6920] =	vst v2;
	v2 =	vmul.f32 v4, v11;
	v4 =	vsub.f32 v10, v7  }
0xfa: {  	[tilespmem:$0x6930] =	vst v5;
	v5 =	vmul.f32 v6, v11;
	v3 =	vsub.f32 v3, v8  }
0xfb: {  	s11 =	sadd.s32 s5, s20;
	[tilespmem:$0x6940] =	vst v2;
	v2 =	vmul.f32 v4, v11  }
0xfc: {  	s9 =	sshll.u32 s11, $0x6;
	[tilespmem:$0x6950] =	vst v5;
	v3 =	vmul.f32 v3, v11  }
0xfd: {  	s9 =	sand.u32 $0xFFFFF80, s9;
	[tilespmem:$0x6960] =	vst v2  }
0xfe: {  	s9 =	sadd.s32 s9, s13;
	[tilespmem:$0x6970] =	vst v3  }
0xff: {  	[hbm4b:s9+s4] =	stream.linear.scatter [tilespmem:s23], [sflag:$0x2], $0x200, $0x38;
	[tilespmem:$0x13000] =	vst v63  }
0x100: {  	s9 =	sadd.s32 $0x4, s20  }
0x101: {  	p1 =	sge.u32 s9, s7  }
0x102: {  	s9 =	sadd.s32 @!p1 s6, s9  }
0x103: {  	s9 =	sshll.u32 @!p1 s9, $0x9  }
0x104: {  	s10 =	simm.s32 @!p1 $0x80;
	s11 =	simm.s32 @!p1 $0x2780;
	s9 =	sshra.s32 @!p1 s9, $0x2  }
0x105: {  	[tilespmem:s11], [sflag:$0x1] =	stream.indirect.gather @!p1 [hbm4b:s2+s10], $0x80, s9, s10, $0xb8;
	[tilespmem:$0x13000] =	vst v63  }
0x106: {  	_ =	swait.ge [sflag:s24], $0x4000  }
0x107: {  	[sflag:s24] =	ssyncset.done $0x0  }
0x108: {  	s21 =	sor.u32 $0x1, s20;
	s9 =	simm.s32 @!p0 $0x4;
	[sflag:s24] =	ssyncadd.s32 $0xFFFFC000  }
0x109: {  	s12 =	sadd.s32 s6, s21;
	_ =	swait.ge @!p0 [sflag:s9], $0x200  }
0x10a: {  	s10 =	sshll.u32 s12, $0x9;
	[sflag:s9] =	ssyncset.done @!p0 $0x0  }
0x10b: {  	[sflag:s9] =	ssyncadd.s32 @!p0 $0xFFFFFE00;
	s9 =	sshra.s32 s10, $0x2  }
0x10c: {  	s12 =	simm.s32 $0x0;
	v2 =	vld [tilespmem:s9+$0x0]  }
0x10d: {  	v3 =	vld [tilespmem:s12+$0x69F0]  }
0x10e: {  	v4 =	vld [tilespmem:s12+$0x6980]  }
0x10f: {  	v5 =	vld [tilespmem:s12+$0x6990]  }
0x110: {  	v16 =	vld [tilespmem:s9+$0x10]  }
0x111: {  	v8 =	vld [tilespmem:s12+$0x69A0]  }
0x112: {  	v9 =	vld [tilespmem:s12+$0x69B0]  }
0x113: {  	v13 =	vimm.f32 $0.0e+00;
	v6 =	vimm.f32 $0.0e+00;
	v10 =	vld [tilespmem:s12+$0x69C0]  }
0x114: {  	v12 =	vimm.f32 $0.0e+00;
	v7 =	vimm.f32 $0.0e+00;
	v14 =	vld [tilespmem:s12+$0x69D0];
	v3 =	vadd.f32 v3, v6  }
0x115: {  	v11 =	vimm.f32 $0.0e+00;
	s11 =	simm.s32 $0x400;
	s10 =	simm.s32 $0x80;
	v15 =	vld [tilespmem:s12+$0x69E0];
	v4 =	vadd.f32 v4, v6;
	v5 =	vadd.f32 v5, v6  }
.LBB2_11:
0x116: {  	p1 =	sne.s32 s11, $0x3E00;
	v17 =	vld [tilespmem:s10+$0x69F0];
	v6 =	vadd.f32 v8, v6  }
0x117: {  	v18 =	vld [tilespmem:s10+$0x6980];
	v7 =	vadd.f32 v9, v7  }
0x118: {  	v19 =	vld [tilespmem:s10+$0x6990];
	v13 =	vadd.f32 v10, v13  }
.Ltmp8:
0x119: {  	v8 =	vld [tilespmem:s10+$0x69A0];
	v11 =	vadd.f32 v14, v11;
	(pc) =	sbr.rel @p1 .LBB2_11-.Ltmp8, $4  }
0x11a: {  	v9 =	vld [tilespmem:s10+$0x69B0];
	v12 =	vadd.f32 v15, v12  }
0x11b: {  	v10 =	vld [tilespmem:s10+$0x69C0];
	v3 =	vadd.f32 v17, v3  }
0x11c: {  	v4 =	vadd.f32 v18, v4;
	v14 =	vld [tilespmem:s10+$0x69D0]  }
0x11d: {  	v5 =	vadd.f32 v19, v5;
	v15 =	vld [tilespmem:s10+$0x69E0];
	s10 =	sshra.s32 s11, $0x2;
	s11 =	sadd.s32 $0x200, s11  }
0x11e: {  	vm0 =	veq.s32 v2, $0x0;
	v2 =	vimm.f32 $0.0e+00;
	vm1 =	veq.s32 v16, $0x0  }
0x11f: {  	v16 =	vsel vm0, $0x3F800000, v2;
	v17 =	vsel vm1, $0x3F800000, v2  }
0x120: {  	v16 =	vadd.f32 v17, v16;
	_ =	sdelay $0x1  }
0x121: {  	(xrf2) =	vadd.scan.msk.f32 $0xffff, v16;
	_ =	sdelay $0x9  }
0x122: {  	v18 =	vld [tilespmem:s10+$0x6980];
	v17, _, _ =	vpop (xrf2)  }
0x123: {  	v19 =	vld [tilespmem:s10+$0x6990];
	v17 =	vbroadcast v17, $0xF  }
0x124: {  	v20 =	vld [tilespmem:s10+$0x69A0]  }
0x125: {  	v22 =	vld [tilespmem:s10+$0x69B0];
	v21 =	vsub.f32 $3.200000000e+01, v17  }
0x126: {  	v23 =	vld [tilespmem:s10+$0x69C0]  }
0x127: {  	v24 =	vld [tilespmem:s10+$0x69D0];
	vm15 =	veq.f32 v21, $0.0e+00  }
0x128: {  	v63 =	vld [tilespmem:$0x12F80];
	v21 =	vsel vm15, $0x3F800000, v21  }
0x129: {  	v6 =	vadd.f32 v8, v6;
	v8 =	vld [tilespmem:$0x12F90];
	(erf) = vrcp.f32 v21  }
0x12a: {  	v16 =	vld [tilespmem:s10+$0x69F0]  }
0x12b: {  	v25 =	vld [tilespmem:s10+$0x69E0]  }
0x12c: {  	v7 =	vadd.f32 v9, v7;
	v9 =	vadd.f32 v10, v13;
	v10 =	vld [tilespmem:$0x12FA0]  }
0x12d: {  	v13 =	vld [tilespmem:$0x12FB0];
	v11 =	vadd.f32 v14, v11;
	v12 =	vadd.f32 v15, v12  }
0x12e: {  	v14 =	vld [tilespmem:$0x12FC0];
	v4 =	vadd.f32 v18, v4;
	v5 =	vadd.f32 v19, v5;
	v8 =	vmul.f32 v8, v17  }
0x12f: {  	v6 =	vadd.f32 v20, v6;
	v3 =	vadd.f32 v16, v3;
	v16 =	vld [tilespmem:$0x12FD0];
	v15 =	vmul.f32 v63, v17  }
0x130: {  	v7 =	vadd.f32 v22, v7;
	v9 =	vadd.f32 v23, v9;
	v18 =	vld [tilespmem:$0x12FE0]  }
0x131: {  	v11 =	vadd.f32 v24, v11;
	v10 =	vmul.f32 v10, v17;
	v4 =	vsub.f32 v4, v15;
	v15 =	vld [tilespmem:$0x12FF0]  }
0x132: {  	v12 =	vadd.f32 v25, v12;
	v13 =	vmul.f32 v13, v17;
	v5 =	vsub.f32 v5, v8;
	v8 =	vpop (erf)  }
0x133: {  	v6 =	vsub.f32 v6, v10;
	v10 =	vmul.f32 v14, v17;
	v4 =	vmul.f32 v4, v8  }
0x134: {  	v7 =	vsub.f32 v7, v13;
	v13 =	vmul.f32 v16, v17;
	v5 =	vmul.f32 v5, v8  }
0x135: {  	[tilespmem:$0xA980] =	vst v4;
	v4 =	vmul.f32 v6, v8;
	v6 =	vsub.f32 v9, v10;
	v9 =	vmul.f32 v18, v17  }
0x136: {  	[tilespmem:$0xA990] =	vst v5;
	v5 =	vmul.f32 v7, v8;
	v7 =	vsub.f32 v11, v13;
	v10 =	vmul.f32 v15, v17  }
0x137: {  	[tilespmem:$0xA9A0] =	vst v4;
	v4 =	vmul.f32 v6, v8;
	v6 =	vsub.f32 v12, v9  }
0x138: {  	[tilespmem:$0xA9B0] =	vst v5;
	v5 =	vmul.f32 v7, v8;
	v3 =	vsub.f32 v3, v10  }
0x139: {  	[tilespmem:$0xA9C0] =	vst v4;
	v4 =	vmul.f32 v6, v8  }
0x13a: {  	[tilespmem:$0xA9D0] =	vst v5;
	v3 =	vmul.f32 v3, v8  }
0x13b: {  	[tilespmem:$0xA9E0] =	vst v4  }
0x13c: {  	[tilespmem:$0xA9F0] =	vst v3  }
0x13d: {  	s12 =	simm.s32 $0x0;
	v3 =	vld [tilespmem:s9+$0x20]  }
0x13e: {  	v4 =	vld [tilespmem:s12+$0x79F0]  }
0x13f: {  	v5 =	vld [tilespmem:s12+$0x7980]  }
0x140: {  	v6 =	vld [tilespmem:s12+$0x7990]  }
0x141: {  	v16 =	vld [tilespmem:s9+$0x30]  }
0x142: {  	v12 =	vld [tilespmem:s12+$0x79A0]  }
0x143: {  	v8 =	vld [tilespmem:s12+$0x79B0]  }
0x144: {  	v13 =	vimm.f32 $0.0e+00;
	v9 =	vld [tilespmem:s12+$0x79C0]  }
0x145: {  	v11 =	vimm.f32 $0.0e+00;
	v7 =	vimm.f32 $0.0e+00;
	v14 =	vld [tilespmem:s12+$0x79D0];
	v4 =	vadd.f32 v4, v2  }
0x146: {  	s11 =	simm.s32 $0x400;
	s10 =	simm.s32 $0x80;
	v10 =	vimm.f32 $0.0e+00;
	v15 =	vld [tilespmem:s12+$0x79E0];
	v5 =	vadd.f32 v5, v2;
	v6 =	vadd.f32 v6, v2  }
.LBB2_13:
0x147: {  	p1 =	sne.s32 s11, $0x3E00;
	v17 =	vld [tilespmem:s10+$0x79F0];
	v2 =	vadd.f32 v12, v2  }
0x148: {  	v18 =	vld [tilespmem:s10+$0x7980];
	v7 =	vadd.f32 v8, v7  }
0x149: {  	v19 =	vld [tilespmem:s10+$0x7990];
	v13 =	vadd.f32 v9, v13  }
.Ltmp9:
0x14a: {  	v12 =	vld [tilespmem:s10+$0x79A0];
	v10 =	vadd.f32 v14, v10;
	(pc) =	sbr.rel @p1 .LBB2_13-.Ltmp9, $4  }
0x14b: {  	v8 =	vld [tilespmem:s10+$0x79B0];
	v11 =	vadd.f32 v15, v11  }
0x14c: {  	v9 =	vld [tilespmem:s10+$0x79C0];
	v4 =	vadd.f32 v17, v4  }
0x14d: {  	v5 =	vadd.f32 v18, v5;
	v14 =	vld [tilespmem:s10+$0x79D0]  }
0x14e: {  	v6 =	vadd.f32 v19, v6;
	v15 =	vld [tilespmem:s10+$0x79E0];
	s10 =	sshra.s32 s11, $0x2;
	s11 =	sadd.s32 $0x200, s11  }
0x14f: {  	vm0 =	veq.s32 v3, $0x0;
	v3 =	vimm.f32 $0.0e+00;
	vm1 =	veq.s32 v16, $0x0  }
0x150: {  	v16 =	vsel vm0, $0x3F800000, v3;
	v17 =	vsel vm1, $0x3F800000, v3  }
0x151: {  	v16 =	vadd.f32 v17, v16;
	_ =	sdelay $0x1  }
0x152: {  	(xrf2) =	vadd.scan.msk.f32 $0xffff, v16;
	_ =	sdelay $0x9  }
0x153: {  	v18 =	vld [tilespmem:s10+$0x7980];
	v17, _, _ =	vpop (xrf2)  }
0x154: {  	v19 =	vld [tilespmem:s10+$0x7990];
	v17 =	vbroadcast v17, $0xF  }
0x155: {  	v20 =	vld [tilespmem:s10+$0x79A0]  }
0x156: {  	v22 =	vld [tilespmem:s10+$0x79B0];
	v21 =	vsub.f32 $3.200000000e+01, v17  }
0x157: {  	v23 =	vld [tilespmem:s10+$0x79C0]  }
0x158: {  	v24 =	vld [tilespmem:s10+$0x79D0];
	vm15 =	veq.f32 v21, $0.0e+00  }
0x159: {  	v63 =	vld [tilespmem:$0x12F80];
	v21 =	vsel vm15, $0x3F800000, v21  }
0x15a: {  	v2 =	vadd.f32 v12, v2;
	v12 =	vld [tilespmem:$0x12F90];
	(erf) = vrcp.f32 v21  }
0x15b: {  	v16 =	vld [tilespmem:s10+$0x79F0]  }
0x15c: {  	v25 =	vld [tilespmem:s10+$0x79E0]  }
0x15d: {  	v7 =	vadd.f32 v8, v7;
	v8 =	vadd.f32 v9, v13;
	v9 =	vld [tilespmem:$0x12FA0]  }
0x15e: {  	v13 =	vld [tilespmem:$0x12FB0];
	v10 =	vadd.f32 v14, v10;
	v11 =	vadd.f32 v15, v11  }
0x15f: {  	v14 =	vld [tilespmem:$0x12FC0];
	v5 =	vadd.f32 v18, v5;
	v6 =	vadd.f32 v19, v6;
	v12 =	vmul.f32 v12, v17  }
0x160: {  	v2 =	vadd.f32 v20, v2;
	v4 =	vadd.f32 v16, v4;
	v16 =	vld [tilespmem:$0x12FD0];
	v15 =	vmul.f32 v63, v17  }
0x161: {  	v7 =	vadd.f32 v22, v7;
	v8 =	vadd.f32 v23, v8;
	v18 =	vld [tilespmem:$0x12FE0]  }
0x162: {  	v10 =	vadd.f32 v24, v10;
	v9 =	vmul.f32 v9, v17;
	v5 =	vsub.f32 v5, v15;
	v15 =	vld [tilespmem:$0x12FF0]  }
0x163: {  	v11 =	vadd.f32 v25, v11;
	v13 =	vmul.f32 v13, v17;
	v6 =	vsub.f32 v6, v12;
	v12 =	vpop (erf)  }
0x164: {  	v2 =	vsub.f32 v2, v9;
	v9 =	vmul.f32 v14, v17;
	v5 =	vmul.f32 v5, v12  }
0x165: {  	v7 =	vsub.f32 v7, v13;
	v13 =	vmul.f32 v16, v17;
	v6 =	vmul.f32 v6, v12  }
0x166: {  	v2 =	vmul.f32 v2, v12;
	[tilespmem:$0xAA00] =	vst v5;
	v5 =	vsub.f32 v8, v9;
	v8 =	vmul.f32 v18, v17  }
0x167: {  	[tilespmem:$0xAA10] =	vst v6;
	v6 =	vmul.f32 v7, v12;
	v7 =	vsub.f32 v10, v13;
	v9 =	vmul.f32 v15, v17  }
0x168: {  	[tilespmem:$0xAA20] =	vst v2;
	v2 =	vmul.f32 v5, v12;
	v5 =	vsub.f32 v11, v8  }
0x169: {  	[tilespmem:$0xAA30] =	vst v6;
	v6 =	vmul.f32 v7, v12;
	v4 =	vsub.f32 v4, v9  }
0x16a: {  	[tilespmem:$0xAA40] =	vst v2;
	v2 =	vmul.f32 v5, v12  }
0x16b: {  	[tilespmem:$0xAA50] =	vst v6;
	v4 =	vmul.f32 v4, v12  }
0x16c: {  	[tilespmem:$0xAA60] =	vst v2  }
0x16d: {  	[tilespmem:$0xAA70] =	vst v4  }
0x16e: {  	s12 =	simm.s32 $0x0;
	v2 =	vld [tilespmem:s9+$0x40]  }
0x16f: {  	v4 =	vld [tilespmem:s12+$0x89F0]  }
0x170: {  	v5 =	vld [tilespmem:s12+$0x8980]  }
0x171: {  	v6 =	vld [tilespmem:s12+$0x8990]  }
0x172: {  	v16 =	vld [tilespmem:s9+$0x50]  }
0x173: {  	v12 =	vld [tilespmem:s12+$0x89A0]  }
0x174: {  	v8 =	vld [tilespmem:s12+$0x89B0]  }
0x175: {  	v13 =	vimm.f32 $0.0e+00;
	v9 =	vld [tilespmem:s12+$0x89C0]  }
0x176: {  	v10 =	vimm.f32 $0.0e+00;
	v7 =	vimm.f32 $0.0e+00;
	v14 =	vld [tilespmem:s12+$0x89D0];
	v4 =	vadd.f32 v4, v3  }
0x177: {  	s11 =	simm.s32 $0x400;
	s10 =	simm.s32 $0x80;
	v11 =	vimm.f32 $0.0e+00;
	v15 =	vld [tilespmem:s12+$0x89E0];
	v5 =	vadd.f32 v5, v3;
	v6 =	vadd.f32 v6, v3  }
.LBB2_15:
0x178: {  	p1 =	sne.s32 s11, $0x3E00;
	v17 =	vld [tilespmem:s10+$0x89F0];
	v3 =	vadd.f32 v12, v3  }
0x179: {  	v18 =	vld [tilespmem:s10+$0x8980];
	v7 =	vadd.f32 v8, v7  }
0x17a: {  	v19 =	vld [tilespmem:s10+$0x8990];
	v13 =	vadd.f32 v9, v13  }
.Ltmp10:
0x17b: {  	v12 =	vld [tilespmem:s10+$0x89A0];
	v10 =	vadd.f32 v14, v10;
	(pc) =	sbr.rel @p1 .LBB2_15-.Ltmp10, $4  }
0x17c: {  	v8 =	vld [tilespmem:s10+$0x89B0];
	v11 =	vadd.f32 v15, v11  }
0x17d: {  	v9 =	vld [tilespmem:s10+$0x89C0];
	v4 =	vadd.f32 v17, v4  }
0x17e: {  	v5 =	vadd.f32 v18, v5;
	v14 =	vld [tilespmem:s10+$0x89D0]  }
0x17f: {  	v6 =	vadd.f32 v19, v6;
	v15 =	vld [tilespmem:s10+$0x89E0];
	s10 =	sshra.s32 s11, $0x2;
	s11 =	sadd.s32 $0x200, s11  }
0x180: {  	vm0 =	veq.s32 v2, $0x0;
	v2 =	vimm.f32 $0.0e+00;
	vm1 =	veq.s32 v16, $0x0  }
0x181: {  	v16 =	vsel vm0, $0x3F800000, v2;
	v17 =	vsel vm1, $0x3F800000, v2  }
0x182: {  	v16 =	vadd.f32 v17, v16;
	_ =	sdelay $0x1  }
0x183: {  	(xrf2) =	vadd.scan.msk.f32 $0xffff, v16;
	_ =	sdelay $0x9  }
0x184: {  	v18 =	vld [tilespmem:s10+$0x8980];
	v17, _, _ =	vpop (xrf2)  }
0x185: {  	v19 =	vld [tilespmem:s10+$0x8990];
	v17 =	vbroadcast v17, $0xF  }
0x186: {  	v20 =	vld [tilespmem:s10+$0x89A0]  }
0x187: {  	v22 =	vld [tilespmem:s10+$0x89B0];
	v21 =	vsub.f32 $3.200000000e+01, v17  }
0x188: {  	v23 =	vld [tilespmem:s10+$0x89C0]  }
0x189: {  	v24 =	vld [tilespmem:s10+$0x89D0];
	vm15 =	veq.f32 v21, $0.0e+00  }
0x18a: {  	v63 =	vld [tilespmem:$0x12F80];
	v21 =	vsel vm15, $0x3F800000, v21  }
0x18b: {  	v3 =	vadd.f32 v12, v3;
	v12 =	vld [tilespmem:$0x12F90];
	(erf) = vrcp.f32 v21  }
0x18c: {  	v16 =	vld [tilespmem:s10+$0x89F0]  }
0x18d: {  	v25 =	vld [tilespmem:s10+$0x89E0]  }
0x18e: {  	v7 =	vadd.f32 v8, v7;
	v8 =	vadd.f32 v9, v13;
	v9 =	vld [tilespmem:$0x12FA0]  }
0x18f: {  	v13 =	vld [tilespmem:$0x12FB0];
	v10 =	vadd.f32 v14, v10;
	v11 =	vadd.f32 v15, v11  }
0x190: {  	v14 =	vld [tilespmem:$0x12FC0];
	v5 =	vadd.f32 v18, v5;
	v6 =	vadd.f32 v19, v6;
	v12 =	vmul.f32 v12, v17  }
0x191: {  	v3 =	vadd.f32 v20, v3;
	v4 =	vadd.f32 v16, v4;
	v16 =	vld [tilespmem:$0x12FD0];
	v15 =	vmul.f32 v63, v17  }
0x192: {  	v7 =	vadd.f32 v22, v7;
	v8 =	vadd.f32 v23, v8;
	v18 =	vld [tilespmem:$0x12FE0]  }
0x193: {  	v10 =	vadd.f32 v24, v10;
	v9 =	vmul.f32 v9, v17;
	v5 =	vsub.f32 v5, v15;
	v15 =	vld [tilespmem:$0x12FF0]  }
0x194: {  	v11 =	vadd.f32 v25, v11;
	v13 =	vmul.f32 v13, v17;
	v6 =	vsub.f32 v6, v12;
	v12 =	vpop (erf)  }
0x195: {  	v3 =	vsub.f32 v3, v9;
	v9 =	vmul.f32 v14, v17;
	v5 =	vmul.f32 v5, v12  }
0x196: {  	v7 =	vsub.f32 v7, v13;
	v13 =	vmul.f32 v16, v17;
	v6 =	vmul.f32 v6, v12  }
0x197: {  	v3 =	vmul.f32 v3, v12;
	[tilespmem:$0xAA80] =	vst v5;
	v5 =	vsub.f32 v8, v9;
	v8 =	vmul.f32 v18, v17  }
0x198: {  	[tilespmem:$0xAA90] =	vst v6;
	v6 =	vmul.f32 v7, v12;
	v7 =	vsub.f32 v10, v13;
	v9 =	vmul.f32 v15, v17  }
0x199: {  	[tilespmem:$0xAAA0] =	vst v3;
	v3 =	vmul.f32 v5, v12;
	v5 =	vsub.f32 v11, v8  }
0x19a: {  	[tilespmem:$0xAAB0] =	vst v6;
	v6 =	vmul.f32 v7, v12;
	v4 =	vsub.f32 v4, v9  }
0x19b: {  	[tilespmem:$0xAAC0] =	vst v3;
	v3 =	vmul.f32 v5, v12  }
0x19c: {  	[tilespmem:$0xAAD0] =	vst v6;
	v4 =	vmul.f32 v4, v12  }
0x19d: {  	[tilespmem:$0xAAE0] =	vst v3  }
0x19e: {  	[tilespmem:$0xAAF0] =	vst v4  }
0x19f: {  	s11 =	simm.s32 $0x0;
	v15 =	vld [tilespmem:s9+$0x60]  }
0x1a0: {  	v3 =	vld [tilespmem:s11+$0x99F0]  }
0x1a1: {  	v4 =	vld [tilespmem:s11+$0x9980]  }
0x1a2: {  	v5 =	vld [tilespmem:s11+$0x9990]  }
0x1a3: {  	v16 =	vld [tilespmem:s9+$0x70]  }
0x1a4: {  	v11 =	vld [tilespmem:s11+$0x99A0]  }
0x1a5: {  	v7 =	vld [tilespmem:s11+$0x99B0]  }
0x1a6: {  	v10 =	vimm.f32 $0.0e+00;
	v8 =	vld [tilespmem:s11+$0x99C0]  }
0x1a7: {  	v9 =	vimm.f32 $0.0e+00;
	v6 =	vimm.f32 $0.0e+00;
	v13 =	vld [tilespmem:s11+$0x99D0];
	v3 =	vadd.f32 v3, v2  }
0x1a8: {  	s10 =	simm.s32 $0x400;
	v12 =	vimm.f32 $0.0e+00;
	s9 =	simm.s32 $0x80;
	v14 =	vld [tilespmem:s11+$0x99E0];
	v4 =	vadd.f32 v4, v2;
	v5 =	vadd.f32 v5, v2  }
.LBB2_17:
0x1a9: {  	p1 =	sne.s32 s10, $0x3E00;
	v17 =	vld [tilespmem:s9+$0x99F0];
	v2 =	vadd.f32 v11, v2  }
0x1aa: {  	v18 =	vld [tilespmem:s9+$0x9980];
	v6 =	vadd.f32 v7, v6  }
0x1ab: {  	v19 =	vld [tilespmem:s9+$0x9990];
	v12 =	vadd.f32 v8, v12  }
.Ltmp11:
0x1ac: {  	v11 =	vld [tilespmem:s9+$0x99A0];
	v9 =	vadd.f32 v13, v9;
	(pc) =	sbr.rel @p1 .LBB2_17-.Ltmp11, $4  }
0x1ad: {  	v7 =	vld [tilespmem:s9+$0x99B0];
	v10 =	vadd.f32 v14, v10  }
0x1ae: {  	v8 =	vld [tilespmem:s9+$0x99C0];
	v3 =	vadd.f32 v17, v3  }
0x1af: {  	v4 =	vadd.f32 v18, v4;
	v13 =	vld [tilespmem:s9+$0x99D0]  }
0x1b0: {  	v5 =	vadd.f32 v19, v5;
	v14 =	vld [tilespmem:s9+$0x99E0];
	s9 =	sshra.s32 s10, $0x2;
	s10 =	sadd.s32 $0x200, s10  }
0x1b1: {  	vm0 =	veq.s32 v15, $0x0;
	vm1 =	veq.s32 v16, $0x0  }
0x1b2: {  	v15 =	vsel vm0, $0x3F800000, v0;
	v16 =	vsel vm1, $0x3F800000, v0  }
0x1b3: {  	v15 =	vadd.f32 v16, v15;
	_ =	sdelay $0x1  }
0x1b4: {  	(xrf2) =	vadd.scan.msk.f32 $0xffff, v15;
	_ =	sdelay $0x9  }
0x1b5: {  	v42 =	vld [tilespmem:s9+$0x99F0];
	v43, _, _ =	vpop (xrf2)  }
0x1b6: {  	v17 =	vld [tilespmem:s9+$0x9980];
	v16 =	vbroadcast v43, $0xF  }
0x1b7: {  	v18 =	vld [tilespmem:s9+$0x9990]  }
0x1b8: {  	v19 =	vld [tilespmem:s9+$0x99A0];
	v20 =	vsub.f32 $3.200000000e+01, v16  }
0x1b9: {  	v21 =	vld [tilespmem:s9+$0x99B0]  }
0x1ba: {  	v22 =	vld [tilespmem:s9+$0x99C0];
	vm15 =	veq.f32 v20, $0.0e+00  }
0x1bb: {  	v23 =	vld [tilespmem:s9+$0x99D0];
	v20 =	vsel vm15, $0x3F800000, v20  }
0x1bc: {  	v24 =	vld [tilespmem:s9+$0x99E0];
	(erf) = vrcp.f32 v20  }
0x1bd: {  	v44 =	vld [tilespmem:$0x12F80]  }
0x1be: {  	v2 =	vadd.f32 v11, v2;
	v45 =	vld [tilespmem:$0x12F90]  }
0x1bf: {  	v47 =	vld [tilespmem:$0x12FA0];
	v6 =	vadd.f32 v7, v6;
	v46 =	vadd.f32 v8, v12  }
0x1c0: {  	v48 =	vld [tilespmem:$0x12FB0];
	v9 =	vadd.f32 v13, v9;
	v10 =	vadd.f32 v14, v10  }
0x1c1: {  	v51 =	vld [tilespmem:$0x12FD0];
	v3 =	vadd.f32 v42, v3;
	v4 =	vadd.f32 v17, v4  }
0x1c2: {  	v49 =	vld [tilespmem:$0x12FC0];
	v5 =	vadd.f32 v18, v5;
	v2 =	vadd.f32 v19, v2;
	v50 =	vmul.f32 v44, v16  }
0x1c3: {  	v53 =	vld [tilespmem:$0x12FF0];
	v6 =	vadd.f32 v21, v6;
	v7 =	vadd.f32 v22, v46;
	v11 =	vmul.f32 v45, v16  }
0x1c4: {  	v52 =	vld [tilespmem:$0x12FE0];
	v9 =	vadd.f32 v23, v9;
	v8 =	vmul.f32 v47, v16;
	v4 =	vsub.f32 v4, v50  }
0x1c5: {  	v10 =	vadd.f32 v24, v10;
	v12 =	vmul.f32 v48, v16;
	v5 =	vsub.f32 v5, v11;
	v54 =	vpop (erf)  }
0x1c6: {  	v56 =	vmul.f32 v51, v16;
	v2 =	vsub.f32 v2, v8;
	v4 =	vmul.f32 v4, v54  }
0x1c7: {  	v55 =	vmul.f32 v49, v16;
	v6 =	vsub.f32 v6, v12;
	v5 =	vmul.f32 v5, v54  }
0x1c8: {  	v61 =	vmul.f32 v53, v16;
	v60 =	vsub.f32 v9, v56;
	v2 =	vmul.f32 v2, v54;
	[tilespmem:$0xAB00] =	vst v4  }
0x1c9: {  	v58 =	vmul.f32 v52, v16;
	v57 =	vsub.f32 v7, v55;
	v59 =	vmul.f32 v6, v54;
	[tilespmem:$0xAB10] =	vst v5  }
0x1ca: {  	v3 =	vsub.f32 v3, v61;
	v63 =	vmul.f32 v60, v54;
	[tilespmem:$0xAB20] =	vst v2  }
0x1cb: {  	v62 =	vsub.f32 v10, v58;
	v2 =	vmul.f32 v57, v54;
	[tilespmem:$0xAB30] =	vst v59  }
0x1cc: {  	s21 =	sadd.s32 s5, s21;
	v3 =	vmul.f32 v3, v54;
	[tilespmem:$0xAB50] =	vst v63  }
0x1cd: {  	s9 =	sshll.u32 s21, $0x6;
	[tilespmem:$0xAB40] =	vst v2;
	v2 =	vmul.f32 v62, v54  }
0x1ce: {  	s9 =	sand.u32 $0xFFFFFC0, s9;
	[tilespmem:$0xAB70] =	vst v3  }
0x1cf: {  	s9 =	sadd.s32 s3, s9;
	[tilespmem:$0xAB60] =	vst v2  }
0x1d0: {  	[hbm4b:s9+s4] =	stream.linear.scatter [tilespmem:s25], [sflag:$0x4], $0x200, $0x38;
	[tilespmem:$0x13000] =	vst v63  }
0x1d1: {  	s9 =	sadd.s32 $0x5, s20  }
0x1d2: {  	p1 =	sge.u32 s9, s7  }
0x1d3: {  	s9 =	sadd.s32 @!p1 s6, s9  }
0x1d4: {  	s21 =	sor.u32 $0x2, s20;
	s9 =	sshll.u32 @!p1 s9, $0x9  }
0x1d5: {  	s10 =	simm.s32 @!p1 $0x80;
	s11 =	simm.s32 @!p1 $0x6980;
	s9 =	sshra.s32 @!p1 s9, $0x2  }
0x1d6: {  	[tilespmem:s11], [sflag:$0x3] =	stream.indirect.gather @!p1 [hbm4b:s2+s10], $0x80, s9, s10, $0xb8;
	[tilespmem:$0x13000] =	vst v63  }
0x1d7: {  	p1 =	sge.u32 s21, s7  }
.Ltmp12:
0x1d8: {  	_ = 	snop;
	(pc) =	sbr.rel @p1 .LBB2_28-.Ltmp12, $1  }
0x1d9: {  	_ =	sdelay $0x3  }
0x1da: {  	_ =	swait.ge [sflag:s26], $0x4000  }
0x1db: {  	[sflag:s26] =	ssyncset.done $0x0  }
0x1dc: {  	s9 =	simm.s32 @!p0 $0x6;
	[sflag:s26] =	ssyncadd.s32 $0xFFFFC000  }
0x1dd: {  	s10 =	sadd.s32 s6, s21;
	_ =	swait.ge @!p0 [sflag:s9], $0x200  }
0x1de: {  	s10 =	sshll.u32 s10, $0x9;
	[sflag:s9] =	ssyncset.done @!p0 $0x0  }
0x1df: {  	[sflag:s9] =	ssyncadd.s32 @!p0 $0xFFFFFE00;
	s9 =	sshra.s32 s10, $0x2  }
0x1e0: {  	s12 =	simm.s32 $0x0;
	v2 =	vld [tilespmem:s9+$0x0]  }
0x1e1: {  	v3 =	vld [tilespmem:s12+$0xABF0]  }
0x1e2: {  	v4 =	vld [tilespmem:s12+$0xAB80]  }
0x1e3: {  	v5 =	vld [tilespmem:s12+$0xAB90]  }
0x1e4: {  	v16 =	vld [tilespmem:s9+$0x10]  }
0x1e5: {  	v8 =	vld [tilespmem:s12+$0xABA0]  }
0x1e6: {  	v9 =	vld [tilespmem:s12+$0xABB0]  }
0x1e7: {  	v6 =	vimm.f32 $0.0e+00;
	v7 =	vimm.f32 $0.0e+00;
	v10 =	vld [tilespmem:s12+$0xABC0]  }
0x1e8: {  	v13 =	vimm.f32 $0.0e+00;
	v11 =	vimm.f32 $0.0e+00;
	v14 =	vld [tilespmem:s12+$0xABD0];
	v3 =	vadd.f32 v3, v6  }
0x1e9: {  	s11 =	simm.s32 $0x400;
	v12 =	vimm.f32 $0.0e+00;
	s10 =	simm.s32 $0x80;
	v15 =	vld [tilespmem:s12+$0xABE0];
	v4 =	vadd.f32 v4, v6;
	v5 =	vadd.f32 v5, v6  }
.LBB2_20:
0x1ea: {  	p1 =	sne.s32 s11, $0x3E00;
	v17 =	vld [tilespmem:s10+$0xABF0];
	v6 =	vadd.f32 v8, v6  }
0x1eb: {  	v18 =	vld [tilespmem:s10+$0xAB80];
	v7 =	vadd.f32 v9, v7  }
0x1ec: {  	v19 =	vld [tilespmem:s10+$0xAB90];
	v13 =	vadd.f32 v10, v13  }
.Ltmp13:
0x1ed: {  	v8 =	vld [tilespmem:s10+$0xABA0];
	v11 =	vadd.f32 v14, v11;
	(pc) =	sbr.rel @p1 .LBB2_20-.Ltmp13, $4  }
0x1ee: {  	v9 =	vld [tilespmem:s10+$0xABB0];
	v12 =	vadd.f32 v15, v12  }
0x1ef: {  	v10 =	vld [tilespmem:s10+$0xABC0];
	v3 =	vadd.f32 v17, v3  }
0x1f0: {  	v4 =	vadd.f32 v18, v4;
	v14 =	vld [tilespmem:s10+$0xABD0]  }
0x1f1: {  	v5 =	vadd.f32 v19, v5;
	v15 =	vld [tilespmem:s10+$0xABE0];
	s10 =	sshra.s32 s11, $0x2;
	s11 =	sadd.s32 $0x200, s11  }
0x1f2: {  	vm0 =	veq.s32 v2, $0x0;
	v2 =	vimm.f32 $0.0e+00;
	vm1 =	veq.s32 v16, $0x0  }
0x1f3: {  	v16 =	vsel vm0, $0x3F800000, v2;
	v17 =	vsel vm1, $0x3F800000, v2  }
0x1f4: {  	v16 =	vadd.f32 v17, v16;
	_ =	sdelay $0x1  }
0x1f5: {  	(xrf2) =	vadd.scan.msk.f32 $0xffff, v16;
	_ =	sdelay $0x9  }
0x1f6: {  	v18 =	vld [tilespmem:s10+$0xAB80];
	v17, _, _ =	vpop (xrf2)  }
0x1f7: {  	v19 =	vld [tilespmem:s10+$0xAB90];
	v17 =	vbroadcast v17, $0xF  }
0x1f8: {  	v20 =	vld [tilespmem:s10+$0xABA0]  }
0x1f9: {  	v22 =	vld [tilespmem:s10+$0xABB0];
	v21 =	vsub.f32 $3.200000000e+01, v17  }
0x1fa: {  	v23 =	vld [tilespmem:s10+$0xABC0]  }
0x1fb: {  	v24 =	vld [tilespmem:s10+$0xABD0];
	vm15 =	veq.f32 v21, $0.0e+00  }
0x1fc: {  	v63 =	vld [tilespmem:$0x12F80];
	v21 =	vsel vm15, $0x3F800000, v21  }
0x1fd: {  	v6 =	vadd.f32 v8, v6;
	v8 =	vld [tilespmem:$0x12F90];
	(erf) = vrcp.f32 v21  }
0x1fe: {  	v16 =	vld [tilespmem:s10+$0xABF0]  }
0x1ff: {  	v25 =	vld [tilespmem:s10+$0xABE0]  }
0x200: {  	v7 =	vadd.f32 v9, v7;
	v9 =	vadd.f32 v10, v13;
	v10 =	vld [tilespmem:$0x12FA0]  }
0x201: {  	v13 =	vld [tilespmem:$0x12FB0];
	v11 =	vadd.f32 v14, v11;
	v12 =	vadd.f32 v15, v12  }
0x202: {  	v14 =	vld [tilespmem:$0x12FC0];
	v4 =	vadd.f32 v18, v4;
	v5 =	vadd.f32 v19, v5;
	v8 =	vmul.f32 v8, v17  }
0x203: {  	v6 =	vadd.f32 v20, v6;
	v3 =	vadd.f32 v16, v3;
	v16 =	vld [tilespmem:$0x12FD0];
	v15 =	vmul.f32 v63, v17  }
0x204: {  	v7 =	vadd.f32 v22, v7;
	v9 =	vadd.f32 v23, v9;
	v18 =	vld [tilespmem:$0x12FE0]  }
0x205: {  	v11 =	vadd.f32 v24, v11;
	v10 =	vmul.f32 v10, v17;
	v4 =	vsub.f32 v4, v15;
	v15 =	vld [tilespmem:$0x12FF0]  }
0x206: {  	v12 =	vadd.f32 v25, v12;
	v13 =	vmul.f32 v13, v17;
	v5 =	vsub.f32 v5, v8;
	v8 =	vpop (erf)  }
0x207: {  	v6 =	vsub.f32 v6, v10;
	v10 =	vmul.f32 v14, v17;
	v4 =	vmul.f32 v4, v8  }
0x208: {  	v7 =	vsub.f32 v7, v13;
	v13 =	vmul.f32 v16, v17;
	v5 =	vmul.f32 v5, v8  }
0x209: {  	[tilespmem:$0xEB80] =	vst v4;
	v4 =	vmul.f32 v6, v8;
	v6 =	vsub.f32 v9, v10;
	v9 =	vmul.f32 v18, v17  }
0x20a: {  	[tilespmem:$0xEB90] =	vst v5;
	v5 =	vmul.f32 v7, v8;
	v7 =	vsub.f32 v11, v13;
	v10 =	vmul.f32 v15, v17  }
0x20b: {  	[tilespmem:$0xEBA0] =	vst v4;
	v4 =	vmul.f32 v6, v8;
	v6 =	vsub.f32 v12, v9  }
0x20c: {  	[tilespmem:$0xEBB0] =	vst v5;
	v5 =	vmul.f32 v7, v8;
	v3 =	vsub.f32 v3, v10  }
0x20d: {  	[tilespmem:$0xEBC0] =	vst v4;
	v4 =	vmul.f32 v6, v8  }
0x20e: {  	[tilespmem:$0xEBD0] =	vst v5;
	v3 =	vmul.f32 v3, v8  }
0x20f: {  	[tilespmem:$0xEBE0] =	vst v4  }
0x210: {  	[tilespmem:$0xEBF0] =	vst v3  }
0x211: {  	s12 =	simm.s32 $0x0;
	v3 =	vld [tilespmem:s9+$0x20]  }
0x212: {  	v4 =	vld [tilespmem:s12+$0xBBF0]  }
0x213: {  	v5 =	vld [tilespmem:s12+$0xBB80]  }
0x214: {  	v6 =	vld [tilespmem:s12+$0xBB90]  }
0x215: {  	v16 =	vld [tilespmem:s9+$0x30]  }
0x216: {  	v12 =	vld [tilespmem:s12+$0xBBA0]  }
0x217: {  	v8 =	vld [tilespmem:s12+$0xBBB0]  }
0x218: {  	v13 =	vimm.f32 $0.0e+00;
	v9 =	vld [tilespmem:s12+$0xBBC0]  }
0x219: {  	v11 =	vimm.f32 $0.0e+00;
	v7 =	vimm.f32 $0.0e+00;
	v14 =	vld [tilespmem:s12+$0xBBD0];
	v4 =	vadd.f32 v4, v2  }
0x21a: {  	s11 =	simm.s32 $0x400;
	s10 =	simm.s32 $0x80;
	v10 =	vimm.f32 $0.0e+00;
	v15 =	vld [tilespmem:s12+$0xBBE0];
	v5 =	vadd.f32 v5, v2;
	v6 =	vadd.f32 v6, v2  }
.LBB2_22:
0x21b: {  	p1 =	sne.s32 s11, $0x3E00;
	v17 =	vld [tilespmem:s10+$0xBBF0];
	v2 =	vadd.f32 v12, v2  }
0x21c: {  	v18 =	vld [tilespmem:s10+$0xBB80];
	v7 =	vadd.f32 v8, v7  }
0x21d: {  	v19 =	vld [tilespmem:s10+$0xBB90];
	v13 =	vadd.f32 v9, v13  }
.Ltmp14:
0x21e: {  	v12 =	vld [tilespmem:s10+$0xBBA0];
	v10 =	vadd.f32 v14, v10;
	(pc) =	sbr.rel @p1 .LBB2_22-.Ltmp14, $4  }
0x21f: {  	v8 =	vld [tilespmem:s10+$0xBBB0];
	v11 =	vadd.f32 v15, v11  }
0x220: {  	v9 =	vld [tilespmem:s10+$0xBBC0];
	v4 =	vadd.f32 v17, v4  }
0x221: {  	v5 =	vadd.f32 v18, v5;
	v14 =	vld [tilespmem:s10+$0xBBD0]  }
0x222: {  	v6 =	vadd.f32 v19, v6;
	v15 =	vld [tilespmem:s10+$0xBBE0];
	s10 =	sshra.s32 s11, $0x2;
	s11 =	sadd.s32 $0x200, s11  }
0x223: {  	vm0 =	veq.s32 v3, $0x0;
	v3 =	vimm.f32 $0.0e+00;
	vm1 =	veq.s32 v16, $0x0  }
0x224: {  	v16 =	vsel vm0, $0x3F800000, v3;
	v17 =	vsel vm1, $0x3F800000, v3  }
0x225: {  	v16 =	vadd.f32 v17, v16;
	_ =	sdelay $0x1  }
0x226: {  	(xrf2) =	vadd.scan.msk.f32 $0xffff, v16;
	_ =	sdelay $0x9  }
0x227: {  	v18 =	vld [tilespmem:s10+$0xBB80];
	v17, _, _ =	vpop (xrf2)  }
0x228: {  	v19 =	vld [tilespmem:s10+$0xBB90];
	v17 =	vbroadcast v17, $0xF  }
0x229: {  	v20 =	vld [tilespmem:s10+$0xBBA0]  }
0x22a: {  	v22 =	vld [tilespmem:s10+$0xBBB0];
	v21 =	vsub.f32 $3.200000000e+01, v17  }
0x22b: {  	v23 =	vld [tilespmem:s10+$0xBBC0]  }
0x22c: {  	v24 =	vld [tilespmem:s10+$0xBBD0];
	vm15 =	veq.f32 v21, $0.0e+00  }
0x22d: {  	v63 =	vld [tilespmem:$0x12F80];
	v21 =	vsel vm15, $0x3F800000, v21  }
0x22e: {  	v2 =	vadd.f32 v12, v2;
	v12 =	vld [tilespmem:$0x12F90];
	(erf) = vrcp.f32 v21  }
0x22f: {  	v16 =	vld [tilespmem:s10+$0xBBF0]  }
0x230: {  	v25 =	vld [tilespmem:s10+$0xBBE0]  }
0x231: {  	v7 =	vadd.f32 v8, v7;
	v8 =	vadd.f32 v9, v13;
	v9 =	vld [tilespmem:$0x12FA0]  }
0x232: {  	v13 =	vld [tilespmem:$0x12FB0];
	v10 =	vadd.f32 v14, v10;
	v11 =	vadd.f32 v15, v11  }
0x233: {  	v14 =	vld [tilespmem:$0x12FC0];
	v5 =	vadd.f32 v18, v5;
	v6 =	vadd.f32 v19, v6;
	v12 =	vmul.f32 v12, v17  }
0x234: {  	v2 =	vadd.f32 v20, v2;
	v4 =	vadd.f32 v16, v4;
	v16 =	vld [tilespmem:$0x12FD0];
	v15 =	vmul.f32 v63, v17  }
0x235: {  	v7 =	vadd.f32 v22, v7;
	v8 =	vadd.f32 v23, v8;
	v18 =	vld [tilespmem:$0x12FE0]  }
0x236: {  	v10 =	vadd.f32 v24, v10;
	v9 =	vmul.f32 v9, v17;
	v5 =	vsub.f32 v5, v15;
	v15 =	vld [tilespmem:$0x12FF0]  }
0x237: {  	v11 =	vadd.f32 v25, v11;
	v13 =	vmul.f32 v13, v17;
	v6 =	vsub.f32 v6, v12;
	v12 =	vpop (erf)  }
0x238: {  	v2 =	vsub.f32 v2, v9;
	v9 =	vmul.f32 v14, v17;
	v5 =	vmul.f32 v5, v12  }
0x239: {  	v7 =	vsub.f32 v7, v13;
	v13 =	vmul.f32 v16, v17;
	v6 =	vmul.f32 v6, v12  }
0x23a: {  	v2 =	vmul.f32 v2, v12;
	[tilespmem:$0xEC00] =	vst v5;
	v5 =	vsub.f32 v8, v9;
	v8 =	vmul.f32 v18, v17  }
0x23b: {  	[tilespmem:$0xEC10] =	vst v6;
	v6 =	vmul.f32 v7, v12;
	v7 =	vsub.f32 v10, v13;
	v9 =	vmul.f32 v15, v17  }
0x23c: {  	[tilespmem:$0xEC20] =	vst v2;
	v2 =	vmul.f32 v5, v12;
	v5 =	vsub.f32 v11, v8  }
0x23d: {  	[tilespmem:$0xEC30] =	vst v6;
	v6 =	vmul.f32 v7, v12;
	v4 =	vsub.f32 v4, v9  }
0x23e: {  	[tilespmem:$0xEC40] =	vst v2;
	v2 =	vmul.f32 v5, v12  }
0x23f: {  	[tilespmem:$0xEC50] =	vst v6;
	v4 =	vmul.f32 v4, v12  }
0x240: {  	[tilespmem:$0xEC60] =	vst v2  }
0x241: {  	[tilespmem:$0xEC70] =	vst v4  }
0x242: {  	s12 =	simm.s32 $0x0;
	v2 =	vld [tilespmem:s9+$0x40]  }
0x243: {  	v4 =	vld [tilespmem:s12+$0xCBF0]  }
0x244: {  	v5 =	vld [tilespmem:s12+$0xCB80]  }
0x245: {  	v6 =	vld [tilespmem:s12+$0xCB90]  }
0x246: {  	v16 =	vld [tilespmem:s9+$0x50]  }
0x247: {  	v12 =	vld [tilespmem:s12+$0xCBA0]  }
0x248: {  	v8 =	vld [tilespmem:s12+$0xCBB0]  }
0x249: {  	v13 =	vimm.f32 $0.0e+00;
	v9 =	vld [tilespmem:s12+$0xCBC0]  }
0x24a: {  	v10 =	vimm.f32 $0.0e+00;
	v7 =	vimm.f32 $0.0e+00;
	v14 =	vld [tilespmem:s12+$0xCBD0];
	v4 =	vadd.f32 v4, v3  }
0x24b: {  	s11 =	simm.s32 $0x400;
	s10 =	simm.s32 $0x80;
	v11 =	vimm.f32 $0.0e+00;
	v15 =	vld [tilespmem:s12+$0xCBE0];
	v5 =	vadd.f32 v5, v3;
	v6 =	vadd.f32 v6, v3  }
.LBB2_24:
0x24c: {  	p1 =	sne.s32 s11, $0x3E00;
	v17 =	vld [tilespmem:s10+$0xCBF0];
	v3 =	vadd.f32 v12, v3  }
0x24d: {  	v18 =	vld [tilespmem:s10+$0xCB80];
	v7 =	vadd.f32 v8, v7  }
0x24e: {  	v19 =	vld [tilespmem:s10+$0xCB90];
	v13 =	vadd.f32 v9, v13  }
.Ltmp15:
0x24f: {  	v12 =	vld [tilespmem:s10+$0xCBA0];
	v10 =	vadd.f32 v14, v10;
	(pc) =	sbr.rel @p1 .LBB2_24-.Ltmp15, $4  }
0x250: {  	v8 =	vld [tilespmem:s10+$0xCBB0];
	v11 =	vadd.f32 v15, v11  }
0x251: {  	v9 =	vld [tilespmem:s10+$0xCBC0];
	v4 =	vadd.f32 v17, v4  }
0x252: {  	v5 =	vadd.f32 v18, v5;
	v14 =	vld [tilespmem:s10+$0xCBD0]  }
0x253: {  	v6 =	vadd.f32 v19, v6;
	v15 =	vld [tilespmem:s10+$0xCBE0];
	s10 =	sshra.s32 s11, $0x2;
	s11 =	sadd.s32 $0x200, s11  }
0x254: {  	vm0 =	veq.s32 v2, $0x0;
	v2 =	vimm.f32 $0.0e+00;
	vm1 =	veq.s32 v16, $0x0  }
0x255: {  	v16 =	vsel vm0, $0x3F800000, v2;
	v17 =	vsel vm1, $0x3F800000, v2  }
0x256: {  	v16 =	vadd.f32 v17, v16;
	_ =	sdelay $0x1  }
0x257: {  	(xrf2) =	vadd.scan.msk.f32 $0xffff, v16;
	_ =	sdelay $0x9  }
0x258: {  	v18 =	vld [tilespmem:s10+$0xCB80];
	v17, _, _ =	vpop (xrf2)  }
0x259: {  	v19 =	vld [tilespmem:s10+$0xCB90];
	v17 =	vbroadcast v17, $0xF  }
0x25a: {  	v20 =	vld [tilespmem:s10+$0xCBA0]  }
0x25b: {  	v22 =	vld [tilespmem:s10+$0xCBB0];
	v21 =	vsub.f32 $3.200000000e+01, v17  }
0x25c: {  	v23 =	vld [tilespmem:s10+$0xCBC0]  }
0x25d: {  	v24 =	vld [tilespmem:s10+$0xCBD0];
	vm15 =	veq.f32 v21, $0.0e+00  }
0x25e: {  	v63 =	vld [tilespmem:$0x12F80];
	v21 =	vsel vm15, $0x3F800000, v21  }
0x25f: {  	v3 =	vadd.f32 v12, v3;
	v12 =	vld [tilespmem:$0x12F90];
	(erf) = vrcp.f32 v21  }
0x260: {  	v16 =	vld [tilespmem:s10+$0xCBF0]  }
0x261: {  	v25 =	vld [tilespmem:s10+$0xCBE0]  }
0x262: {  	v7 =	vadd.f32 v8, v7;
	v8 =	vadd.f32 v9, v13;
	v9 =	vld [tilespmem:$0x12FA0]  }
0x263: {  	v13 =	vld [tilespmem:$0x12FB0];
	v10 =	vadd.f32 v14, v10;
	v11 =	vadd.f32 v15, v11  }
0x264: {  	v14 =	vld [tilespmem:$0x12FC0];
	v5 =	vadd.f32 v18, v5;
	v6 =	vadd.f32 v19, v6;
	v12 =	vmul.f32 v12, v17  }
0x265: {  	v3 =	vadd.f32 v20, v3;
	v4 =	vadd.f32 v16, v4;
	v16 =	vld [tilespmem:$0x12FD0];
	v15 =	vmul.f32 v63, v17  }
0x266: {  	v7 =	vadd.f32 v22, v7;
	v8 =	vadd.f32 v23, v8;
	v18 =	vld [tilespmem:$0x12FE0]  }
0x267: {  	v10 =	vadd.f32 v24, v10;
	v9 =	vmul.f32 v9, v17;
	v5 =	vsub.f32 v5, v15;
	v15 =	vld [tilespmem:$0x12FF0]  }
0x268: {  	v11 =	vadd.f32 v25, v11;
	v13 =	vmul.f32 v13, v17;
	v6 =	vsub.f32 v6, v12;
	v12 =	vpop (erf)  }
0x269: {  	v3 =	vsub.f32 v3, v9;
	v9 =	vmul.f32 v14, v17;
	v5 =	vmul.f32 v5, v12  }
0x26a: {  	v7 =	vsub.f32 v7, v13;
	v13 =	vmul.f32 v16, v17;
	v6 =	vmul.f32 v6, v12  }
0x26b: {  	v3 =	vmul.f32 v3, v12;
	[tilespmem:$0xEC80] =	vst v5;
	v5 =	vsub.f32 v8, v9;
	v8 =	vmul.f32 v18, v17  }
0x26c: {  	[tilespmem:$0xEC90] =	vst v6;
	v6 =	vmul.f32 v7, v12;
	v7 =	vsub.f32 v10, v13;
	v9 =	vmul.f32 v15, v17  }
0x26d: {  	[tilespmem:$0xECA0] =	vst v3;
	v3 =	vmul.f32 v5, v12;
	v5 =	vsub.f32 v11, v8  }
0x26e: {  	[tilespmem:$0xECB0] =	vst v6;
	v6 =	vmul.f32 v7, v12;
	v4 =	vsub.f32 v4, v9  }
0x26f: {  	[tilespmem:$0xECC0] =	vst v3;
	v3 =	vmul.f32 v5, v12  }
0x270: {  	[tilespmem:$0xECD0] =	vst v6;
	v4 =	vmul.f32 v4, v12  }
0x271: {  	[tilespmem:$0xECE0] =	vst v3  }
0x272: {  	[tilespmem:$0xECF0] =	vst v4  }
0x273: {  	s11 =	simm.s32 $0x0;
	v15 =	vld [tilespmem:s9+$0x60]  }
0x274: {  	v3 =	vld [tilespmem:s11+$0xDBF0]  }
0x275: {  	v4 =	vld [tilespmem:s11+$0xDB80]  }
0x276: {  	v5 =	vld [tilespmem:s11+$0xDB90]  }
0x277: {  	v16 =	vld [tilespmem:s9+$0x70]  }
0x278: {  	v11 =	vld [tilespmem:s11+$0xDBA0]  }
0x279: {  	v7 =	vld [tilespmem:s11+$0xDBB0]  }
0x27a: {  	v10 =	vimm.f32 $0.0e+00;
	v8 =	vld [tilespmem:s11+$0xDBC0]  }
0x27b: {  	v9 =	vimm.f32 $0.0e+00;
	v6 =	vimm.f32 $0.0e+00;
	v13 =	vld [tilespmem:s11+$0xDBD0];
	v3 =	vadd.f32 v3, v2  }
0x27c: {  	s10 =	simm.s32 $0x400;
	v12 =	vimm.f32 $0.0e+00;
	s9 =	simm.s32 $0x80;
	v14 =	vld [tilespmem:s11+$0xDBE0];
	v4 =	vadd.f32 v4, v2;
	v5 =	vadd.f32 v5, v2  }
.LBB2_26:
0x27d: {  	p1 =	sne.s32 s10, $0x3E00;
	v17 =	vld [tilespmem:s9+$0xDBF0];
	v2 =	vadd.f32 v11, v2  }
0x27e: {  	v18 =	vld [tilespmem:s9+$0xDB80];
	v6 =	vadd.f32 v7, v6  }
0x27f: {  	v19 =	vld [tilespmem:s9+$0xDB90];
	v12 =	vadd.f32 v8, v12  }
.Ltmp16:
0x280: {  	v11 =	vld [tilespmem:s9+$0xDBA0];
	v9 =	vadd.f32 v13, v9;
	(pc) =	sbr.rel @p1 .LBB2_26-.Ltmp16, $4  }
0x281: {  	v7 =	vld [tilespmem:s9+$0xDBB0];
	v10 =	vadd.f32 v14, v10  }
0x282: {  	v8 =	vld [tilespmem:s9+$0xDBC0];
	v3 =	vadd.f32 v17, v3  }
0x283: {  	v4 =	vadd.f32 v18, v4;
	v13 =	vld [tilespmem:s9+$0xDBD0]  }
0x284: {  	v5 =	vadd.f32 v19, v5;
	v14 =	vld [tilespmem:s9+$0xDBE0];
	s9 =	sshra.s32 s10, $0x2;
	s10 =	sadd.s32 $0x200, s10  }
0x285: {  	vm0 =	veq.s32 v15, $0x0;
	vm1 =	veq.s32 v16, $0x0  }
0x286: {  	v15 =	vsel vm0, $0x3F800000, v0;
	v16 =	vsel vm1, $0x3F800000, v0  }
0x287: {  	v15 =	vadd.f32 v16, v15;
	_ =	sdelay $0x1  }
0x288: {  	(xrf2) =	vadd.scan.msk.f32 $0xffff, v15;
	_ =	sdelay $0x9  }
0x289: {  	v42 =	vld [tilespmem:s9+$0xDBF0];
	v43, _, _ =	vpop (xrf2)  }
0x28a: {  	v17 =	vld [tilespmem:s9+$0xDB80];
	v16 =	vbroadcast v43, $0xF  }
0x28b: {  	v18 =	vld [tilespmem:s9+$0xDB90]  }
0x28c: {  	v19 =	vld [tilespmem:s9+$0xDBA0];
	v20 =	vsub.f32 $3.200000000e+01, v16  }
0x28d: {  	v21 =	vld [tilespmem:s9+$0xDBB0]  }
0x28e: {  	v22 =	vld [tilespmem:s9+$0xDBC0];
	vm15 =	veq.f32 v20, $0.0e+00  }
0x28f: {  	v23 =	vld [tilespmem:s9+$0xDBD0];
	v20 =	vsel vm15, $0x3F800000, v20  }
0x290: {  	v24 =	vld [tilespmem:s9+$0xDBE0];
	(erf) = vrcp.f32 v20  }
0x291: {  	v44 =	vld [tilespmem:$0x12F80]  }
0x292: {  	v2 =	vadd.f32 v11, v2;
	v45 =	vld [tilespmem:$0x12F90]  }
0x293: {  	v47 =	vld [tilespmem:$0x12FA0];
	v6 =	vadd.f32 v7, v6;
	v46 =	vadd.f32 v8, v12  }
0x294: {  	v48 =	vld [tilespmem:$0x12FB0];
	v9 =	vadd.f32 v13, v9;
	v10 =	vadd.f32 v14, v10  }
0x295: {  	v51 =	vld [tilespmem:$0x12FD0];
	v3 =	vadd.f32 v42, v3;
	v4 =	vadd.f32 v17, v4  }
0x296: {  	v49 =	vld [tilespmem:$0x12FC0];
	v5 =	vadd.f32 v18, v5;
	v2 =	vadd.f32 v19, v2;
	v50 =	vmul.f32 v44, v16  }
0x297: {  	v53 =	vld [tilespmem:$0x12FF0];
	v6 =	vadd.f32 v21, v6;
	v7 =	vadd.f32 v22, v46;
	v11 =	vmul.f32 v45, v16  }
0x298: {  	v52 =	vld [tilespmem:$0x12FE0];
	v9 =	vadd.f32 v23, v9;
	v8 =	vmul.f32 v47, v16;
	v4 =	vsub.f32 v4, v50  }
0x299: {  	v10 =	vadd.f32 v24, v10;
	v12 =	vmul.f32 v48, v16;
	v5 =	vsub.f32 v5, v11;
	v54 =	vpop (erf)  }
0x29a: {  	v56 =	vmul.f32 v51, v16;
	v2 =	vsub.f32 v2, v8;
	v4 =	vmul.f32 v4, v54  }
0x29b: {  	v55 =	vmul.f32 v49, v16;
	v6 =	vsub.f32 v6, v12;
	v5 =	vmul.f32 v5, v54  }
0x29c: {  	v61 =	vmul.f32 v53, v16;
	v60 =	vsub.f32 v9, v56;
	v2 =	vmul.f32 v2, v54;
	[tilespmem:$0xED00] =	vst v4  }
0x29d: {  	v58 =	vmul.f32 v52, v16;
	v57 =	vsub.f32 v7, v55;
	v59 =	vmul.f32 v6, v54;
	[tilespmem:$0xED10] =	vst v5  }
0x29e: {  	v3 =	vsub.f32 v3, v61;
	v63 =	vmul.f32 v60, v54;
	[tilespmem:$0xED20] =	vst v2  }
0x29f: {  	v62 =	vsub.f32 v10, v58;
	v2 =	vmul.f32 v57, v54;
	[tilespmem:$0xED30] =	vst v59  }
0x2a0: {  	s21 =	sadd.s32 s5, s21;
	v3 =	vmul.f32 v3, v54;
	[tilespmem:$0xED50] =	vst v63  }
0x2a1: {  	s9 =	sshll.u32 s21, $0x6;
	[tilespmem:$0xED40] =	vst v2;
	v2 =	vmul.f32 v62, v54  }
0x2a2: {  	s9 =	sand.u32 $0xFFFFF80, s9;
	[tilespmem:$0xED70] =	vst v3  }
0x2a3: {  	s9 =	sadd.s32 s9, s13;
	[tilespmem:$0xED60] =	vst v2  }
0x2a4: {  	[hbm4b:s9+s4] =	stream.linear.scatter [tilespmem:s28], [sflag:$0x6], $0x200, $0x38;
	[tilespmem:$0x13000] =	vst v63  }
0x2a5: {  	s9 =	sadd.s32 $0x6, s20  }
0x2a6: {  	p1 =	sge.u32 s9, s7  }
0x2a7: {  	s9 =	sadd.s32 @!p1 s6, s9  }
0x2a8: {  	s9 =	sshll.u32 @!p1 s9, $0x9  }
0x2a9: {  	s10 =	simm.s32 @!p1 $0x80;
	s11 =	simm.s32 @!p1 $0xAB80;
	s9 =	sshra.s32 @!p1 s9, $0x2  }
0x2aa: {  	[tilespmem:s11], [sflag:$0x5] =	stream.indirect.gather @!p1 [hbm4b:s2+s10], $0x80, s9, s10, $0xb8;
	[tilespmem:$0x13000] =	vst v63  }
.LBB2_28:
0x2ab: {  	s21 =	sor.u32 $0x3, s20  }
0x2ac: {  	p1 =	sge.u32 s21, s7  }
.Ltmp17:
0x2ad: {  	_ = 	snop;
	(pc) =	sbr.rel @p1 .LBB2_38-.Ltmp17, $1  }
0x2ae: {  	_ =	sdelay $0x3  }
0x2af: {  	_ =	swait.ge [sflag:s29], $0x4000  }
0x2b0: {  	[sflag:s29] =	ssyncset.done $0x0  }
0x2b1: {  	s9 =	simm.s32 @!p0 $0x8;
	[sflag:s29] =	ssyncadd.s32 $0xFFFFC000  }
0x2b2: {  	s10 =	sadd.s32 s6, s21;
	_ =	swait.ge @!p0 [sflag:s9], $0x200  }
0x2b3: {  	s10 =	sshll.u32 s10, $0x9;
	[sflag:s9] =	ssyncset.done @!p0 $0x0  }
0x2b4: {  	[sflag:s9] =	ssyncadd.s32 @!p0 $0xFFFFFE00;
	s9 =	sshra.s32 s10, $0x2  }
0x2b5: {  	s12 =	simm.s32 $0x0;
	v2 =	vld [tilespmem:s9+$0x0]  }
0x2b6: {  	v3 =	vld [tilespmem:s12+$0xEDF0]  }
0x2b7: {  	v4 =	vld [tilespmem:s12+$0xED80]  }
0x2b8: {  	v5 =	vld [tilespmem:s12+$0xED90]  }
0x2b9: {  	v16 =	vld [tilespmem:s9+$0x10]  }
0x2ba: {  	v8 =	vld [tilespmem:s12+$0xEDA0]  }
0x2bb: {  	v9 =	vld [tilespmem:s12+$0xEDB0]  }
0x2bc: {  	v6 =	vimm.f32 $0.0e+00;
	v7 =	vimm.f32 $0.0e+00;
	v10 =	vld [tilespmem:s12+$0xEDC0]  }
0x2bd: {  	v13 =	vimm.f32 $0.0e+00;
	v11 =	vimm.f32 $0.0e+00;
	v14 =	vld [tilespmem:s12+$0xEDD0];
	v3 =	vadd.f32 v3, v6  }
0x2be: {  	s11 =	simm.s32 $0x400;
	v12 =	vimm.f32 $0.0e+00;
	s10 =	simm.s32 $0x80;
	v15 =	vld [tilespmem:s12+$0xEDE0];
	v4 =	vadd.f32 v4, v6;
	v5 =	vadd.f32 v5, v6  }
.LBB2_30:
0x2bf: {  	p0 =	sne.s32 s11, $0x3E00;
	v17 =	vld [tilespmem:s10+$0xEDF0];
	v6 =	vadd.f32 v8, v6  }
0x2c0: {  	v18 =	vld [tilespmem:s10+$0xED80];
	v7 =	vadd.f32 v9, v7  }
0x2c1: {  	v19 =	vld [tilespmem:s10+$0xED90];
	v13 =	vadd.f32 v10, v13  }
.Ltmp18:
0x2c2: {  	v8 =	vld [tilespmem:s10+$0xEDA0];
	v11 =	vadd.f32 v14, v11;
	(pc) =	sbr.rel @p0 .LBB2_30-.Ltmp18, $4  }
0x2c3: {  	v9 =	vld [tilespmem:s10+$0xEDB0];
	v12 =	vadd.f32 v15, v12  }
0x2c4: {  	v10 =	vld [tilespmem:s10+$0xEDC0];
	v3 =	vadd.f32 v17, v3  }
0x2c5: {  	v4 =	vadd.f32 v18, v4;
	v14 =	vld [tilespmem:s10+$0xEDD0]  }
0x2c6: {  	v5 =	vadd.f32 v19, v5;
	v15 =	vld [tilespmem:s10+$0xEDE0];
	s10 =	sshra.s32 s11, $0x2;
	s11 =	sadd.s32 $0x200, s11  }
0x2c7: {  	vm0 =	veq.s32 v2, $0x0;
	v2 =	vimm.f32 $0.0e+00;
	vm1 =	veq.s32 v16, $0x0  }
0x2c8: {  	v16 =	vsel vm0, $0x3F800000, v2;
	v17 =	vsel vm1, $0x3F800000, v2  }
0x2c9: {  	v16 =	vadd.f32 v17, v16;
	_ =	sdelay $0x1  }
0x2ca: {  	(xrf2) =	vadd.scan.msk.f32 $0xffff, v16;
	_ =	sdelay $0x9  }
0x2cb: {  	v18 =	vld [tilespmem:s10+$0xED80];
	v17, _, _ =	vpop (xrf2)  }
0x2cc: {  	v19 =	vld [tilespmem:s10+$0xED90];
	v17 =	vbroadcast v17, $0xF  }
0x2cd: {  	v20 =	vld [tilespmem:s10+$0xEDA0]  }
0x2ce: {  	v22 =	vld [tilespmem:s10+$0xEDB0];
	v21 =	vsub.f32 $3.200000000e+01, v17  }
0x2cf: {  	v23 =	vld [tilespmem:s10+$0xEDC0]  }
0x2d0: {  	v24 =	vld [tilespmem:s10+$0xEDD0];
	vm15 =	veq.f32 v21, $0.0e+00  }
0x2d1: {  	v63 =	vld [tilespmem:$0x12F80];
	v21 =	vsel vm15, $0x3F800000, v21  }
0x2d2: {  	v6 =	vadd.f32 v8, v6;
	v8 =	vld [tilespmem:$0x12F90];
	(erf) = vrcp.f32 v21  }
0x2d3: {  	v16 =	vld [tilespmem:s10+$0xEDF0]  }
0x2d4: {  	v25 =	vld [tilespmem:s10+$0xEDE0]  }
0x2d5: {  	v7 =	vadd.f32 v9, v7;
	v9 =	vadd.f32 v10, v13;
	v10 =	vld [tilespmem:$0x12FA0]  }
0x2d6: {  	v13 =	vld [tilespmem:$0x12FB0];
	v11 =	vadd.f32 v14, v11;
	v12 =	vadd.f32 v15, v12  }
0x2d7: {  	v14 =	vld [tilespmem:$0x12FC0];
	v4 =	vadd.f32 v18, v4;
	v5 =	vadd.f32 v19, v5;
	v8 =	vmul.f32 v8, v17  }
0x2d8: {  	v6 =	vadd.f32 v20, v6;
	v3 =	vadd.f32 v16, v3;
	v16 =	vld [tilespmem:$0x12FD0];
	v15 =	vmul.f32 v63, v17  }
0x2d9: {  	v7 =	vadd.f32 v22, v7;
	v9 =	vadd.f32 v23, v9;
	v18 =	vld [tilespmem:$0x12FE0]  }
0x2da: {  	v11 =	vadd.f32 v24, v11;
	v10 =	vmul.f32 v10, v17;
	v4 =	vsub.f32 v4, v15;
	v15 =	vld [tilespmem:$0x12FF0]  }
0x2db: {  	v12 =	vadd.f32 v25, v12;
	v13 =	vmul.f32 v13, v17;
	v5 =	vsub.f32 v5, v8;
	v8 =	vpop (erf)  }
0x2dc: {  	v6 =	vsub.f32 v6, v10;
	v10 =	vmul.f32 v14, v17;
	v4 =	vmul.f32 v4, v8  }
0x2dd: {  	v7 =	vsub.f32 v7, v13;
	v13 =	vmul.f32 v16, v17;
	v5 =	vmul.f32 v5, v8  }
0x2de: {  	[tilespmem:$0x12D80] =	vst v4;
	v4 =	vmul.f32 v6, v8;
	v6 =	vsub.f32 v9, v10;
	v9 =	vmul.f32 v18, v17  }
0x2df: {  	[tilespmem:$0x12D90] =	vst v5;
	v5 =	vmul.f32 v7, v8;
	v7 =	vsub.f32 v11, v13;
	v10 =	vmul.f32 v15, v17  }
0x2e0: {  	[tilespmem:$0x12DA0] =	vst v4;
	v4 =	vmul.f32 v6, v8;
	v6 =	vsub.f32 v12, v9  }
0x2e1: {  	[tilespmem:$0x12DB0] =	vst v5;
	v5 =	vmul.f32 v7, v8;
	v3 =	vsub.f32 v3, v10  }
0x2e2: {  	[tilespmem:$0x12DC0] =	vst v4;
	v4 =	vmul.f32 v6, v8  }
0x2e3: {  	[tilespmem:$0x12DD0] =	vst v5;
	v3 =	vmul.f32 v3, v8  }
0x2e4: {  	[tilespmem:$0x12DE0] =	vst v4  }
0x2e5: {  	[tilespmem:$0x12DF0] =	vst v3  }
0x2e6: {  	s12 =	simm.s32 $0x0;
	v3 =	vld [tilespmem:s9+$0x20]  }
0x2e7: {  	v4 =	vld [tilespmem:s12+$0xFDF0]  }
0x2e8: {  	v5 =	vld [tilespmem:s12+$0xFD80]  }
0x2e9: {  	v6 =	vld [tilespmem:s12+$0xFD90]  }
0x2ea: {  	v16 =	vld [tilespmem:s9+$0x30]  }
0x2eb: {  	v12 =	vld [tilespmem:s12+$0xFDA0]  }
0x2ec: {  	v8 =	vld [tilespmem:s12+$0xFDB0]  }
0x2ed: {  	v13 =	vimm.f32 $0.0e+00;
	v9 =	vld [tilespmem:s12+$0xFDC0]  }
0x2ee: {  	v11 =	vimm.f32 $0.0e+00;
	v7 =	vimm.f32 $0.0e+00;
	v14 =	vld [tilespmem:s12+$0xFDD0];
	v4 =	vadd.f32 v4, v2  }
0x2ef: {  	s11 =	simm.s32 $0x400;
	s10 =	simm.s32 $0x80;
	v10 =	vimm.f32 $0.0e+00;
	v15 =	vld [tilespmem:s12+$0xFDE0];
	v5 =	vadd.f32 v5, v2;
	v6 =	vadd.f32 v6, v2  }
.LBB2_32:
0x2f0: {  	p0 =	sne.s32 s11, $0x3E00;
	v17 =	vld [tilespmem:s10+$0xFDF0];
	v2 =	vadd.f32 v12, v2  }
0x2f1: {  	v18 =	vld [tilespmem:s10+$0xFD80];
	v7 =	vadd.f32 v8, v7  }
0x2f2: {  	v19 =	vld [tilespmem:s10+$0xFD90];
	v13 =	vadd.f32 v9, v13  }
.Ltmp19:
0x2f3: {  	v12 =	vld [tilespmem:s10+$0xFDA0];
	v10 =	vadd.f32 v14, v10;
	(pc) =	sbr.rel @p0 .LBB2_32-.Ltmp19, $4  }
0x2f4: {  	v8 =	vld [tilespmem:s10+$0xFDB0];
	v11 =	vadd.f32 v15, v11  }
0x2f5: {  	v9 =	vld [tilespmem:s10+$0xFDC0];
	v4 =	vadd.f32 v17, v4  }
0x2f6: {  	v5 =	vadd.f32 v18, v5;
	v14 =	vld [tilespmem:s10+$0xFDD0]  }
0x2f7: {  	v6 =	vadd.f32 v19, v6;
	v15 =	vld [tilespmem:s10+$0xFDE0];
	s10 =	sshra.s32 s11, $0x2;
	s11 =	sadd.s32 $0x200, s11  }
0x2f8: {  	vm0 =	veq.s32 v3, $0x0;
	v3 =	vimm.f32 $0.0e+00;
	vm1 =	veq.s32 v16, $0x0  }
0x2f9: {  	v16 =	vsel vm0, $0x3F800000, v3;
	v17 =	vsel vm1, $0x3F800000, v3  }
0x2fa: {  	v16 =	vadd.f32 v17, v16;
	_ =	sdelay $0x1  }
0x2fb: {  	(xrf2) =	vadd.scan.msk.f32 $0xffff, v16;
	_ =	sdelay $0x9  }
0x2fc: {  	v18 =	vld [tilespmem:s10+$0xFD80];
	v17, _, _ =	vpop (xrf2)  }
0x2fd: {  	v19 =	vld [tilespmem:s10+$0xFD90];
	v17 =	vbroadcast v17, $0xF  }
0x2fe: {  	v20 =	vld [tilespmem:s10+$0xFDA0]  }
0x2ff: {  	v22 =	vld [tilespmem:s10+$0xFDB0];
	v21 =	vsub.f32 $3.200000000e+01, v17  }
0x300: {  	v23 =	vld [tilespmem:s10+$0xFDC0]  }
0x301: {  	v24 =	vld [tilespmem:s10+$0xFDD0];
	vm15 =	veq.f32 v21, $0.0e+00  }
0x302: {  	v63 =	vld [tilespmem:$0x12F80];
	v21 =	vsel vm15, $0x3F800000, v21  }
0x303: {  	v2 =	vadd.f32 v12, v2;
	v12 =	vld [tilespmem:$0x12F90];
	(erf) = vrcp.f32 v21  }
0x304: {  	v16 =	vld [tilespmem:s10+$0xFDF0]  }
0x305: {  	v25 =	vld [tilespmem:s10+$0xFDE0]  }
0x306: {  	v7 =	vadd.f32 v8, v7;
	v8 =	vadd.f32 v9, v13;
	v9 =	vld [tilespmem:$0x12FA0]  }
0x307: {  	v13 =	vld [tilespmem:$0x12FB0];
	v10 =	vadd.f32 v14, v10;
	v11 =	vadd.f32 v15, v11  }
0x308: {  	v14 =	vld [tilespmem:$0x12FC0];
	v5 =	vadd.f32 v18, v5;
	v6 =	vadd.f32 v19, v6;
	v12 =	vmul.f32 v12, v17  }
0x309: {  	v2 =	vadd.f32 v20, v2;
	v4 =	vadd.f32 v16, v4;
	v16 =	vld [tilespmem:$0x12FD0];
	v15 =	vmul.f32 v63, v17  }
0x30a: {  	v7 =	vadd.f32 v22, v7;
	v8 =	vadd.f32 v23, v8;
	v18 =	vld [tilespmem:$0x12FE0]  }
0x30b: {  	v10 =	vadd.f32 v24, v10;
	v9 =	vmul.f32 v9, v17;
	v5 =	vsub.f32 v5, v15;
	v15 =	vld [tilespmem:$0x12FF0]  }
0x30c: {  	v11 =	vadd.f32 v25, v11;
	v13 =	vmul.f32 v13, v17;
	v6 =	vsub.f32 v6, v12;
	v12 =	vpop (erf)  }
0x30d: {  	v2 =	vsub.f32 v2, v9;
	v9 =	vmul.f32 v14, v17;
	v5 =	vmul.f32 v5, v12  }
0x30e: {  	v7 =	vsub.f32 v7, v13;
	v13 =	vmul.f32 v16, v17;
	v6 =	vmul.f32 v6, v12  }
0x30f: {  	v2 =	vmul.f32 v2, v12;
	[tilespmem:$0x12E00] =	vst v5;
	v5 =	vsub.f32 v8, v9;
	v8 =	vmul.f32 v18, v17  }
0x310: {  	[tilespmem:$0x12E10] =	vst v6;
	v6 =	vmul.f32 v7, v12;
	v7 =	vsub.f32 v10, v13;
	v9 =	vmul.f32 v15, v17  }
0x311: {  	[tilespmem:$0x12E20] =	vst v2;
	v2 =	vmul.f32 v5, v12;
	v5 =	vsub.f32 v11, v8  }
0x312: {  	[tilespmem:$0x12E30] =	vst v6;
	v6 =	vmul.f32 v7, v12;
	v4 =	vsub.f32 v4, v9  }
0x313: {  	[tilespmem:$0x12E40] =	vst v2;
	v2 =	vmul.f32 v5, v12  }
0x314: {  	[tilespmem:$0x12E50] =	vst v6;
	v4 =	vmul.f32 v4, v12  }
0x315: {  	[tilespmem:$0x12E60] =	vst v2  }
0x316: {  	[tilespmem:$0x12E70] =	vst v4  }
0x317: {  	s12 =	simm.s32 $0x0;
	v2 =	vld [tilespmem:s9+$0x40]  }
0x318: {  	v4 =	vld [tilespmem:s12+$0x10DF0]  }
0x319: {  	v5 =	vld [tilespmem:s12+$0x10D80]  }
0x31a: {  	v6 =	vld [tilespmem:s12+$0x10D90]  }
0x31b: {  	v16 =	vld [tilespmem:s9+$0x50]  }
0x31c: {  	v12 =	vld [tilespmem:s12+$0x10DA0]  }
0x31d: {  	v8 =	vld [tilespmem:s12+$0x10DB0]  }
0x31e: {  	v13 =	vimm.f32 $0.0e+00;
	v9 =	vld [tilespmem:s12+$0x10DC0]  }
0x31f: {  	v10 =	vimm.f32 $0.0e+00;
	v7 =	vimm.f32 $0.0e+00;
	v14 =	vld [tilespmem:s12+$0x10DD0];
	v4 =	vadd.f32 v4, v3  }
0x320: {  	s11 =	simm.s32 $0x400;
	s10 =	simm.s32 $0x80;
	v11 =	vimm.f32 $0.0e+00;
	v15 =	vld [tilespmem:s12+$0x10DE0];
	v5 =	vadd.f32 v5, v3;
	v6 =	vadd.f32 v6, v3  }
.LBB2_34:
0x321: {  	p0 =	sne.s32 s11, $0x3E00;
	v17 =	vld [tilespmem:s10+$0x10DF0];
	v3 =	vadd.f32 v12, v3  }
0x322: {  	v18 =	vld [tilespmem:s10+$0x10D80];
	v7 =	vadd.f32 v8, v7  }
0x323: {  	v19 =	vld [tilespmem:s10+$0x10D90];
	v13 =	vadd.f32 v9, v13  }
.Ltmp20:
0x324: {  	v12 =	vld [tilespmem:s10+$0x10DA0];
	v10 =	vadd.f32 v14, v10;
	(pc) =	sbr.rel @p0 .LBB2_34-.Ltmp20, $4  }
0x325: {  	v8 =	vld [tilespmem:s10+$0x10DB0];
	v11 =	vadd.f32 v15, v11  }
0x326: {  	v9 =	vld [tilespmem:s10+$0x10DC0];
	v4 =	vadd.f32 v17, v4  }
0x327: {  	v5 =	vadd.f32 v18, v5;
	v14 =	vld [tilespmem:s10+$0x10DD0]  }
0x328: {  	v6 =	vadd.f32 v19, v6;
	v15 =	vld [tilespmem:s10+$0x10DE0];
	s10 =	sshra.s32 s11, $0x2;
	s11 =	sadd.s32 $0x200, s11  }
0x329: {  	vm0 =	veq.s32 v2, $0x0;
	v2 =	vimm.f32 $0.0e+00;
	vm1 =	veq.s32 v16, $0x0  }
0x32a: {  	v16 =	vsel vm0, $0x3F800000, v2;
	v17 =	vsel vm1, $0x3F800000, v2  }
0x32b: {  	v16 =	vadd.f32 v17, v16;
	_ =	sdelay $0x1  }
0x32c: {  	(xrf2) =	vadd.scan.msk.f32 $0xffff, v16;
	_ =	sdelay $0x9  }
0x32d: {  	v18 =	vld [tilespmem:s10+$0x10D80];
	v17, _, _ =	vpop (xrf2)  }
0x32e: {  	v19 =	vld [tilespmem:s10+$0x10D90];
	v17 =	vbroadcast v17, $0xF  }
0x32f: {  	v20 =	vld [tilespmem:s10+$0x10DA0]  }
0x330: {  	v22 =	vld [tilespmem:s10+$0x10DB0];
	v21 =	vsub.f32 $3.200000000e+01, v17  }
0x331: {  	v23 =	vld [tilespmem:s10+$0x10DC0]  }
0x332: {  	v24 =	vld [tilespmem:s10+$0x10DD0];
	vm15 =	veq.f32 v21, $0.0e+00  }
0x333: {  	v63 =	vld [tilespmem:$0x12F80];
	v21 =	vsel vm15, $0x3F800000, v21  }
0x334: {  	v3 =	vadd.f32 v12, v3;
	v12 =	vld [tilespmem:$0x12F90];
	(erf) = vrcp.f32 v21  }
0x335: {  	v16 =	vld [tilespmem:s10+$0x10DF0]  }
0x336: {  	v25 =	vld [tilespmem:s10+$0x10DE0]  }
0x337: {  	v7 =	vadd.f32 v8, v7;
	v8 =	vadd.f32 v9, v13;
	v9 =	vld [tilespmem:$0x12FA0]  }
0x338: {  	v13 =	vld [tilespmem:$0x12FB0];
	v10 =	vadd.f32 v14, v10;
	v11 =	vadd.f32 v15, v11  }
0x339: {  	v14 =	vld [tilespmem:$0x12FC0];
	v5 =	vadd.f32 v18, v5;
	v6 =	vadd.f32 v19, v6;
	v12 =	vmul.f32 v12, v17  }
0x33a: {  	v3 =	vadd.f32 v20, v3;
	v4 =	vadd.f32 v16, v4;
	v16 =	vld [tilespmem:$0x12FD0];
	v15 =	vmul.f32 v63, v17  }
0x33b: {  	v7 =	vadd.f32 v22, v7;
	v8 =	vadd.f32 v23, v8;
	v18 =	vld [tilespmem:$0x12FE0]  }
0x33c: {  	v10 =	vadd.f32 v24, v10;
	v9 =	vmul.f32 v9, v17;
	v5 =	vsub.f32 v5, v15;
	v15 =	vld [tilespmem:$0x12FF0]  }
0x33d: {  	v11 =	vadd.f32 v25, v11;
	v13 =	vmul.f32 v13, v17;
	v6 =	vsub.f32 v6, v12;
	v12 =	vpop (erf)  }
0x33e: {  	v3 =	vsub.f32 v3, v9;
	v9 =	vmul.f32 v14, v17;
	v5 =	vmul.f32 v5, v12  }
0x33f: {  	v7 =	vsub.f32 v7, v13;
	v13 =	vmul.f32 v16, v17;
	v6 =	vmul.f32 v6, v12  }
0x340: {  	v3 =	vmul.f32 v3, v12;
	[tilespmem:$0x12E80] =	vst v5;
	v5 =	vsub.f32 v8, v9;
	v8 =	vmul.f32 v18, v17  }
0x341: {  	[tilespmem:$0x12E90] =	vst v6;
	v6 =	vmul.f32 v7, v12;
	v7 =	vsub.f32 v10, v13;
	v9 =	vmul.f32 v15, v17  }
0x342: {  	[tilespmem:$0x12EA0] =	vst v3;
	v3 =	vmul.f32 v5, v12;
	v5 =	vsub.f32 v11, v8  }
0x343: {  	[tilespmem:$0x12EB0] =	vst v6;
	v6 =	vmul.f32 v7, v12;
	v4 =	vsub.f32 v4, v9  }
0x344: {  	[tilespmem:$0x12EC0] =	vst v3;
	v3 =	vmul.f32 v5, v12  }
0x345: {  	[tilespmem:$0x12ED0] =	vst v6;
	v4 =	vmul.f32 v4, v12  }
0x346: {  	[tilespmem:$0x12EE0] =	vst v3  }
0x347: {  	[tilespmem:$0x12EF0] =	vst v4  }
0x348: {  	s11 =	simm.s32 $0x0;
	v15 =	vld [tilespmem:s9+$0x60]  }
0x349: {  	v3 =	vld [tilespmem:s11+$0x11DF0]  }
0x34a: {  	v4 =	vld [tilespmem:s11+$0x11D80]  }
0x34b: {  	v5 =	vld [tilespmem:s11+$0x11D90]  }
0x34c: {  	v16 =	vld [tilespmem:s9+$0x70]  }
0x34d: {  	v11 =	vld [tilespmem:s11+$0x11DA0]  }
0x34e: {  	v7 =	vld [tilespmem:s11+$0x11DB0]  }
0x34f: {  	v10 =	vimm.f32 $0.0e+00;
	v8 =	vld [tilespmem:s11+$0x11DC0]  }
0x350: {  	v9 =	vimm.f32 $0.0e+00;
	v6 =	vimm.f32 $0.0e+00;
	v13 =	vld [tilespmem:s11+$0x11DD0];
	v3 =	vadd.f32 v3, v2  }
0x351: {  	s10 =	simm.s32 $0x400;
	v12 =	vimm.f32 $0.0e+00;
	s9 =	simm.s32 $0x80;
	v14 =	vld [tilespmem:s11+$0x11DE0];
	v4 =	vadd.f32 v4, v2;
	v5 =	vadd.f32 v5, v2  }
.LBB2_36:
0x352: {  	p0 =	sne.s32 s10, $0x3E00;
	v17 =	vld [tilespmem:s9+$0x11DF0];
	v2 =	vadd.f32 v11, v2  }
0x353: {  	v18 =	vld [tilespmem:s9+$0x11D80];
	v6 =	vadd.f32 v7, v6  }
0x354: {  	v19 =	vld [tilespmem:s9+$0x11D90];
	v12 =	vadd.f32 v8, v12  }
.Ltmp21:
0x355: {  	v11 =	vld [tilespmem:s9+$0x11DA0];
	v9 =	vadd.f32 v13, v9;
	(pc) =	sbr.rel @p0 .LBB2_36-.Ltmp21, $4  }
0x356: {  	v7 =	vld [tilespmem:s9+$0x11DB0];
	v10 =	vadd.f32 v14, v10  }
0x357: {  	v8 =	vld [tilespmem:s9+$0x11DC0];
	v3 =	vadd.f32 v17, v3  }
0x358: {  	v4 =	vadd.f32 v18, v4;
	v13 =	vld [tilespmem:s9+$0x11DD0]  }
0x359: {  	v5 =	vadd.f32 v19, v5;
	v14 =	vld [tilespmem:s9+$0x11DE0];
	s9 =	sshra.s32 s10, $0x2;
	s10 =	sadd.s32 $0x200, s10  }
0x35a: {  	vm0 =	veq.s32 v15, $0x0;
	vm1 =	veq.s32 v16, $0x0  }
0x35b: {  	v15 =	vsel vm0, $0x3F800000, v0;
	v16 =	vsel vm1, $0x3F800000, v0  }
0x35c: {  	v15 =	vadd.f32 v16, v15;
	_ =	sdelay $0x1  }
0x35d: {  	(xrf2) =	vadd.scan.msk.f32 $0xffff, v15;
	_ =	sdelay $0x9  }
0x35e: {  	v42 =	vld [tilespmem:s9+$0x11DF0];
	v43, _, _ =	vpop (xrf2)  }
0x35f: {  	v17 =	vld [tilespmem:s9+$0x11D80];
	v16 =	vbroadcast v43, $0xF  }
0x360: {  	v18 =	vld [tilespmem:s9+$0x11D90]  }
0x361: {  	v19 =	vld [tilespmem:s9+$0x11DA0];
	v20 =	vsub.f32 $3.200000000e+01, v16  }
0x362: {  	v21 =	vld [tilespmem:s9+$0x11DB0]  }
0x363: {  	v22 =	vld [tilespmem:s9+$0x11DC0];
	vm15 =	veq.f32 v20, $0.0e+00  }
0x364: {  	v23 =	vld [tilespmem:s9+$0x11DD0];
	v20 =	vsel vm15, $0x3F800000, v20  }
0x365: {  	v24 =	vld [tilespmem:s9+$0x11DE0];
	(erf) = vrcp.f32 v20  }
0x366: {  	v44 =	vld [tilespmem:$0x12F80]  }
0x367: {  	v2 =	vadd.f32 v11, v2;
	v45 =	vld [tilespmem:$0x12F90]  }
0x368: {  	v47 =	vld [tilespmem:$0x12FA0];
	v6 =	vadd.f32 v7, v6;
	v46 =	vadd.f32 v8, v12  }
0x369: {  	v48 =	vld [tilespmem:$0x12FB0];
	v9 =	vadd.f32 v13, v9;
	v10 =	vadd.f32 v14, v10  }
0x36a: {  	v51 =	vld [tilespmem:$0x12FD0];
	v3 =	vadd.f32 v42, v3;
	v4 =	vadd.f32 v17, v4  }
0x36b: {  	v49 =	vld [tilespmem:$0x12FC0];
	v5 =	vadd.f32 v18, v5;
	v2 =	vadd.f32 v19, v2;
	v50 =	vmul.f32 v44, v16  }
0x36c: {  	v53 =	vld [tilespmem:$0x12FF0];
	v6 =	vadd.f32 v21, v6;
	v7 =	vadd.f32 v22, v46;
	v11 =	vmul.f32 v45, v16  }
0x36d: {  	v52 =	vld [tilespmem:$0x12FE0];
	v9 =	vadd.f32 v23, v9;
	v8 =	vmul.f32 v47, v16;
	v4 =	vsub.f32 v4, v50  }
0x36e: {  	v10 =	vadd.f32 v24, v10;
	v12 =	vmul.f32 v48, v16;
	v5 =	vsub.f32 v5, v11;
	v54 =	vpop (erf)  }
0x36f: {  	v56 =	vmul.f32 v51, v16;
	v2 =	vsub.f32 v2, v8;
	v4 =	vmul.f32 v4, v54  }
0x370: {  	v55 =	vmul.f32 v49, v16;
	v6 =	vsub.f32 v6, v12;
	v5 =	vmul.f32 v5, v54  }
0x371: {  	v61 =	vmul.f32 v53, v16;
	v60 =	vsub.f32 v9, v56;
	v2 =	vmul.f32 v2, v54;
	[tilespmem:$0x12F00] =	vst v4  }
0x372: {  	v58 =	vmul.f32 v52, v16;
	v57 =	vsub.f32 v7, v55;
	v59 =	vmul.f32 v6, v54;
	[tilespmem:$0x12F10] =	vst v5  }
0x373: {  	v3 =	vsub.f32 v3, v61;
	v63 =	vmul.f32 v60, v54;
	[tilespmem:$0x12F20] =	vst v2  }
0x374: {  	v62 =	vsub.f32 v10, v58;
	v2 =	vmul.f32 v57, v54;
	[tilespmem:$0x12F30] =	vst v59  }
0x375: {  	s21 =	sadd.s32 s5, s21;
	v3 =	vmul.f32 v3, v54;
	[tilespmem:$0x12F50] =	vst v63  }
0x376: {  	s9 =	sshll.u32 s21, $0x6;
	[tilespmem:$0x12F40] =	vst v2;
	v2 =	vmul.f32 v62, v54  }
0x377: {  	s9 =	sand.u32 $0xFFFFFC0, s9;
	[tilespmem:$0x12F70] =	vst v3  }
0x378: {  	s9 =	sadd.s32 s3, s9;
	[tilespmem:$0x12F60] =	vst v2  }
0x379: {  	[hbm4b:s9+s4] =	stream.linear.scatter [tilespmem:s30], [sflag:$0x8], $0x200, $0x38;
	[tilespmem:$0x13000] =	vst v63  }
0x37a: {  	s9 =	sadd.s32 $0x7, s20  }
.Ltmp22:
0x37b: {  	p0 =	sge.u32 s9, s7;
	(pc) =	sbr.rel .LBB2_38-.Ltmp22, $4  }
0x37c: {  	s9 =	sadd.s32 @!p0 s6, s9  }
0x37d: {  	s9 =	sshll.u32 @!p0 s9, $0x9  }
0x37e: {  	s10 =	simm.s32 @!p0 $0x80;
	s11 =	simm.s32 @!p0 $0xED80;
	s9 =	sshra.s32 @!p0 s9, $0x2  }
0x37f: {  	[tilespmem:s11], [sflag:$0x7] =	stream.indirect.gather @!p0 [hbm4b:s2+s10], $0x80, s9, s10, $0xb8;
	[tilespmem:$0x13000] =	vst v63  }
.LBB2_40:
0x380: {  	_ =	sfence.sel $0x180000  }
0x381: {  	[bflag:$0x0] =	sbarrier.arrive $0xFFFF  }
0x382: {  	_ =	strace $0x90000047  }
0x383: {  	s0 =	stileid.u32;
	[bflag:$0x2] =	sbarrier.arrive $0xFFFF  }
0x384: {  	p0 =	sne.s32 s0, $0x0;
	s0 =	rddreg [dreg:$0x3]  }
0x385: {  	s0 =	sadd.s32 @!p0 $0x100000, s0  }
0x386: {  	[sflag:s0] =	ssyncadd.tile.s32 @!p0 $0x1;
	_ =	shalt  }
.Lfunc_end2:
_tile_overlayer_lowered:
.L_overlay_start_2:
0x387: {  	(tag) =	ssettag $0x2  }
0x388: {  	s0 =	rddreg [dreg:$0x0];
	s2 =	stileid.u32  }
0x389: {  	s1 =	rddreg [dreg:$0x1];
	p0 =	sne.s32 s2, $0x0  }
0x38a: {  	s3 =	rddreg [dreg:$0x2];
	[bflag:$0x3] =	sbarrier.arrive $0xFFFF;
	s2 =	simm.s32 @!p0 $0x1C09  }
0x38b: {  	[timem:s3], [sflag:s2] =	dma.local @!p0 [hbm:s0], s1  }
0x38c: {  	s0 =	simm.s32 @!p0 $0x9  }
0x38d: {  	_ =	swait.ge @!p0 [sflag:s0], s1  }
0x38e: {  	s1 =	ssub.s32 @!p0 $0x0, s1;
	[sflag:s0] =	ssyncset.done @!p0 $0x0  }
0x38f: {  	[sflag:s0] =	ssyncadd.s32 @!p0 s1  }
0x390: {  	[bflag:$0x3] =	sbarrier.arrive $0xFFFF  }
0x391: {  	_ =	shalt  }

</sc_bundles>
